<compile_context>
chip_gen: v7x
topology: tpu7x:2x2x1
jax: 0.10.2.dev20260603
libtpu: 0.0.44.dev20260713+nightly
codegen_flags: <defaults>
</compile_context>

<pallas_src>
import jax
import jax.numpy as jnp
from jax import lax
from jax.experimental import pallas as pl
from jax.experimental.pallas import tpu as pltpu
from jax.experimental.pallas import tpu_sc as plsc

VOCAB = 1000000
D = 64
DP = 128
B = 4096
L = 200
N = B * L

NC = 2
NS = 16
NW = NC * NS
PER_W = N // NW
NBUF = 2
CHUNK = 256
GRP = CHUNK // 16
N_CHUNKS = PER_W // CHUNK
N_ITERS = N_CHUNKS // NBUF


def _emb_body(idx_hbm, lbl_hbm, emb_hbm, seg_hbm, out_hbm,
              idx_v, lbl_v, tok_v, seg_sm, sem_g, sem_w):
    wid = lax.axis_index("s") * NC + lax.axis_index("c")
    base = wid * PER_W

    pltpu.sync_copy(idx_hbm.at[pl.ds(base, PER_W)], idx_v)
    pltpu.sync_copy(lbl_hbm.at[pl.ds(base, PER_W)], lbl_v)
    pltpu.sync_copy(seg_hbm, seg_sm)

    def fire(g, b):
        @pl.when(g >= NBUF)
        def _():
            pltpu.make_async_copy(tok_v.at[b], out_hbm.at[pl.ds(0, CHUNK)],
                                  sem_w.at[b]).wait()

        off = g * CHUNK

        def fire_one(p, c):
            sl = pl.ds(off + p * 16, 16)
            dl = pl.ds(p * 16, 16)
            pltpu.async_copy(emb_hbm.at[idx_v[sl]], tok_v.at[b, dl],
                             sem_g.at[b])
            return c

        lax.fori_loop(0, GRP, fire_one, 0)

    seg_r = [[seg_sm[r, pl.ds(k * 16, 16)] for k in range(D // 16)]
             for r in range(3)]

    def finish(g, b):
        pltpu.make_async_copy(emb_hbm.at[idx_v.at[pl.ds(0, CHUNK)]],
                              tok_v.at[b], sem_g.at[b]).wait()

        off = g * CHUNK

        def add_group(grp, c):
            lbl16 = lbl_v[pl.ds(off + grp * 16, 16)]
            for j in range(16):
                p = grp * 16 + j
                lblb = lax.gather(
                    lbl16, jnp.full((16, 1), j, jnp.int32),
                    lax.GatherDimensionNumbers(
                        offset_dims=(), collapsed_slice_dims=(0,),
                        start_index_map=(0,)),
                    slice_sizes=(1,),
                    mode=lax.GatherScatterMode.PROMISE_IN_BOUNDS)
                m1 = lblb == 1
                m2 = lblb == 2
                for k in range(D // 16):
                    sl = pl.ds(k * 16, 16)
                    sval = jnp.where(m1, seg_r[1][k],
                                     jnp.where(m2, seg_r[2][k], seg_r[0][k]))
                    tok_v[b, p, sl] = tok_v[b, p, sl] + sval
            return c

        lax.fori_loop(0, GRP, add_group, 0)
        start = base + g * CHUNK
        pltpu.async_copy(tok_v.at[b], out_hbm.at[pl.ds(start, CHUNK)],
                         sem_w.at[b])

    fire(0, 0)

    def step(i, carry):
        g0 = i * NBUF
        fire(g0 + 1, 1)
        finish(g0, 0)

        @pl.when(i + 1 < N_ITERS)
        def _():
            fire(g0 + 2, 0)

        finish(g0 + 1, 1)
        return carry

    lax.fori_loop(0, N_ITERS, step, 0)

    for b in range(NBUF):
        pltpu.make_async_copy(tok_v.at[b], out_hbm.at[pl.ds(0, CHUNK)],
                              sem_w.at[b]).wait()


@jax.jit
def _emb_lookup(idx, lbl, emb_table, seg_table):
    embp = jnp.pad(emb_table, ((0, 0), (0, DP - D)))
    segp = jnp.pad(seg_table, ((0, 0), (0, DP - D)))
    mesh = plsc.VectorSubcoreMesh(core_axis_name="c", subcore_axis_name="s")
    f = pl.kernel(
        _emb_body,
        out_type=jax.ShapeDtypeStruct((N, DP), jnp.float32),
        mesh=mesh,
        scratch_types=[
            pltpu.VMEM((PER_W,), jnp.int32),
            pltpu.VMEM((PER_W,), jnp.int32),
            pltpu.VMEM((NBUF, CHUNK, DP), jnp.float32),
            pltpu.VMEM((3, DP), jnp.float32),
            pltpu.SemaphoreType.DMA((NBUF,)),
            pltpu.SemaphoreType.DMA((NBUF,)),
        ],
        compiler_params=pltpu.CompilerParams(needs_layout_passes=False),
    )
    return f(idx, lbl, embp, segp)


def kernel(x, segment_label, emb_table, seg_table):
    idx = x.reshape(-1).astype(jnp.int32)
    lbl = segment_label.reshape(-1).astype(jnp.int32)
    out = _emb_lookup(idx, lbl, emb_table, seg_table)
    return out[:, :D].reshape(B, L, D)

# --- scband reference (transcript-rebuilt; emitter-appended) ---
"""Pipeline reference for scband-embeddings-57784490000589 (READ-ONLY COPY).

The authoritative reference and input builder live on the scoring server;
editing this copy changes nothing except your own understanding.
"""

import jax, jax.numpy as jnp
import numpy as np

VOCAB = 1000000
D_MODEL = 64
B = 4096
L = 200

def setup_inputs(seed: int = 0) -> dict:
    key = jax.random.key(seed)
    k1, k2, k3, k4 = jax.random.split(key, 4)
    x = jax.random.randint(k1, (B, L), 0, VOCAB, dtype=jnp.int64)
    segment_label = jax.random.randint(k2, (B, L), 0, 3, dtype=jnp.int64)
    emb_table = jax.random.normal(k3, (VOCAB, D_MODEL), dtype=jnp.float32)
    seg_table = jax.random.normal(k4, (3, D_MODEL), dtype=jnp.float32)
    # padding_idx=0 for segment embedding: row 0 is zeros
    seg_table = seg_table.at[0].set(0.0)
    return {"x": x, "segment_label": segment_label, "emb_table": emb_table, "seg_table": seg_table}

def reference(x, segment_label, emb_table, seg_table):
    # nn.Embedding lookups: gather rows
    tok = jnp.take(emb_table, x, axis=0)              # [B, L, D]
    seg = jnp.take(seg_table, segment_label, axis=0)  # [B, L, D]
    return tok + seg

if __name__ == "__main__":
    import jax
    _d = setup_inputs()
    print(jax.jit(kernel)(*tuple(_d.values())))

</pallas_src>

<mosaic_0001>
#map = affine_map<(d0, d1) -> (0)>
#map1 = affine_map<(d0, d1) -> (0, 0)>
module attributes {stable_mosaic.version = 14 : i64} {
  func.func @_emb_body(%arg0: i32, %arg1: i32, %arg2: memref<819200xi32, #tpu.memory_space<hbm>>, %arg3: memref<819200xi32, #tpu.memory_space<hbm>>, %arg4: memref<1000000x128xf32, #tpu.memory_space<hbm>>, %arg5: memref<3x128xf32, #tpu.memory_space<hbm>>, %arg6: memref<819200x128xf32, #tpu.memory_space<hbm>>, %arg7: memref<25600xi32, #tpu.memory_space<vmem>>, %arg8: memref<25600xi32, #tpu.memory_space<vmem>>, %arg9: memref<2x256x128xf32, #tpu.memory_space<vmem>>, %arg10: memref<3x128xf32, #tpu.memory_space<vmem>>, %arg11: memref<2x!tpu.dma_semaphore, #tpu.memory_space<semaphore_mem>>, %arg12: memref<2x!tpu.dma_semaphore, #tpu.memory_space<semaphore_mem>>) attributes {dimension_semantics = [#tpu.dimension_semantics<core_parallel>, #tpu.dimension_semantics<subcore_parallel>], iteration_bounds = array<i64: 2, 16>, scalar_prefetch = 0 : i64, scratch_operands = 6 : i64, tpu.core_type = #tpu.core_type<sc_vector_subcore>, window_params = [{transform_indices = #map}, {transform_indices = #map}, {transform_indices = #map1}, {transform_indices = #map1}, {transform_indices = #map1}]} {
    %mul3A = arith.constant 2 : i32
    %mul3A_0 = arith.muli %arg1, %mul3A : i32
    %add3A = arith.addi %mul3A_0, %arg0 : i32
    %mul3A_1 = arith.constant 25600 : i32
    %mul3A_2 = arith.muli %add3A, %mul3A_1 : i32
    "tpu.region"() ({
      %run_scoped3A = tpu.sem_alloc : memref<!tpu.dma_semaphore, #tpu.memory_space<semaphore_mem>>
      %dma_start3A = tpu.memref_slice %arg2[%mul3A_2] : memref<819200xi32, #tpu.memory_space<hbm>> -> memref<25600xi32, #tpu.memory_space<hbm>>
      %dma_start3A_96 = tpu.memref_slice %arg2[%mul3A_2] : memref<819200xi32, #tpu.memory_space<hbm>> -> memref<25600xi32, #tpu.memory_space<hbm>>
      tpu.enqueue_dma source(%dma_start3A_96 : memref<25600xi32, #tpu.memory_space<hbm>>) target(%arg7 : memref<25600xi32, #tpu.memory_space<vmem>>) target_semaphore(%run_scoped3A : memref<!tpu.dma_semaphore, #tpu.memory_space<semaphore_mem>>)
      %dma_wait3A_97 = tpu.memref_slice %arg2[%mul3A_2] : memref<819200xi32, #tpu.memory_space<hbm>> -> memref<25600xi32, #tpu.memory_space<hbm>>
      %dma_wait3A_98 = tpu.memref_slice %arg2[%mul3A_2] : memref<819200xi32, #tpu.memory_space<hbm>> -> memref<25600xi32, #tpu.memory_space<hbm>>
      tpu.wait_dma2 semaphore(%run_scoped3A : memref<!tpu.dma_semaphore, #tpu.memory_space<semaphore_mem>>) src(%dma_wait3A_98 : memref<25600xi32, #tpu.memory_space<hbm>>) dst(%arg7 : memref<25600xi32, #tpu.memory_space<vmem>>)
      tpu.yield
    }) : () -> ()
    "tpu.region"() ({
      %run_scoped3A = tpu.sem_alloc : memref<!tpu.dma_semaphore, #tpu.memory_space<semaphore_mem>>
      %dma_start3A = tpu.memref_slice %arg3[%mul3A_2] : memref<819200xi32, #tpu.memory_space<hbm>> -> memref<25600xi32, #tpu.memory_space<hbm>>
      %dma_start3A_96 = tpu.memref_slice %arg3[%mul3A_2] : memref<819200xi32, #tpu.memory_space<hbm>> -> memref<25600xi32, #tpu.memory_space<hbm>>
      tpu.enqueue_dma source(%dma_start3A_96 : memref<25600xi32, #tpu.memory_space<hbm>>) target(%arg8 : memref<25600xi32, #tpu.memory_space<vmem>>) target_semaphore(%run_scoped3A : memref<!tpu.dma_semaphore, #tpu.memory_space<semaphore_mem>>)
      %dma_wait3A_97 = tpu.memref_slice %arg3[%mul3A_2] : memref<819200xi32, #tpu.memory_space<hbm>> -> memref<25600xi32, #tpu.memory_space<hbm>>
      %dma_wait3A_98 = tpu.memref_slice %arg3[%mul3A_2] : memref<819200xi32, #tpu.memory_space<hbm>> -> memref<25600xi32, #tpu.memory_space<hbm>>
      tpu.wait_dma2 semaphore(%run_scoped3A : memref<!tpu.dma_semaphore, #tpu.memory_space<semaphore_mem>>) src(%dma_wait3A_98 : memref<25600xi32, #tpu.memory_space<hbm>>) dst(%arg8 : memref<25600xi32, #tpu.memory_space<vmem>>)
      tpu.yield
    }) : () -> ()
    "tpu.region"() ({
      %run_scoped3A = tpu.sem_alloc : memref<!tpu.dma_semaphore, #tpu.memory_space<semaphore_mem>>
      tpu.enqueue_dma source(%arg5 : memref<3x128xf32, #tpu.memory_space<hbm>>) target(%arg10 : memref<3x128xf32, #tpu.memory_space<vmem>>) target_semaphore(%run_scoped3A : memref<!tpu.dma_semaphore, #tpu.memory_space<semaphore_mem>>)
      tpu.wait_dma2 semaphore(%run_scoped3A : memref<!tpu.dma_semaphore, #tpu.memory_space<semaphore_mem>>) src(%arg5 : memref<3x128xf32, #tpu.memory_space<hbm>>) dst(%arg10 : memref<3x128xf32, #tpu.memory_space<vmem>>)
      tpu.yield
    }) : () -> ()
    %get3A = arith.constant 0 : i32
    %get3A_3 = arith.index_cast %get3A : i32 to index
    %get3A_4 = arith.constant 0 : index
    %get3A_5 = tpu.vector_load %arg10[%get3A_3, %get3A_4] {strides = array<i32>} : memref<3x128xf32, #tpu.memory_space<vmem>>, vector<16xf32>,
    %get3A_6 = arith.constant 0 : i32
    %get3A_7 = arith.index_cast %get3A_6 : i32 to index
    %get3A_8 = arith.constant 16 : index
    %get3A_9 = tpu.vector_load %arg10[%get3A_7, %get3A_8] {strides = array<i32>} : memref<3x128xf32, #tpu.memory_space<vmem>>, vector<16xf32>,
    %get3A_10 = arith.constant 0 : i32
    %get3A_11 = arith.index_cast %get3A_10 : i32 to index
    %get3A_12 = arith.constant 32 : index
    %get3A_13 = tpu.vector_load %arg10[%get3A_11, %get3A_12] {strides = array<i32>} : memref<3x128xf32, #tpu.memory_space<vmem>>, vector<16xf32>,
    %get3A_14 = arith.constant 0 : i32
    %get3A_15 = arith.index_cast %get3A_14 : i32 to index
    %get3A_16 = arith.constant 48 : index
    %get3A_17 = tpu.vector_load %arg10[%get3A_15, %get3A_16] {strides = array<i32>} : memref<3x128xf32, #tpu.memory_space<vmem>>, vector<16xf32>,
    %get3A_18 = arith.constant 1 : i32
    %get3A_19 = arith.index_cast %get3A_18 : i32 to index
    %get3A_20 = arith.constant 0 : index
    %get3A_21 = tpu.vector_load %arg10[%get3A_19, %get3A_20] {strides = array<i32>} : memref<3x128xf32, #tpu.memory_space<vmem>>, vector<16xf32>,
    %get3A_22 = arith.constant 1 : i32
    %get3A_23 = arith.index_cast %get3A_22 : i32 to index
    %get3A_24 = arith.constant 16 : index
    %get3A_25 = tpu.vector_load %arg10[%get3A_23, %get3A_24] {strides = array<i32>} : memref<3x128xf32, #tpu.memory_space<vmem>>, vector<16xf32>,
    %get3A_26 = arith.constant 1 : i32
    %get3A_27 = arith.index_cast %get3A_26 : i32 to index
    %get3A_28 = arith.constant 32 : index
    %get3A_29 = tpu.vector_load %arg10[%get3A_27, %get3A_28] {strides = array<i32>} : memref<3x128xf32, #tpu.memory_space<vmem>>, vector<16xf32>,
    %get3A_30 = arith.constant 1 : i32
    %get3A_31 = arith.index_cast %get3A_30 : i32 to index
    %get3A_32 = arith.constant 48 : index
    %get3A_33 = tpu.vector_load %arg10[%get3A_31, %get3A_32] {strides = array<i32>} : memref<3x128xf32, #tpu.memory_space<vmem>>, vector<16xf32>,
    %get3A_34 = arith.constant 2 : i32
    %get3A_35 = arith.index_cast %get3A_34 : i32 to index
    %get3A_36 = arith.constant 0 : index
    %get3A_37 = tpu.vector_load %arg10[%get3A_35, %get3A_36] {strides = array<i32>} : memref<3x128xf32, #tpu.memory_space<vmem>>, vector<16xf32>,
    %get3A_38 = arith.constant 2 : i32
    %get3A_39 = arith.index_cast %get3A_38 : i32 to index
    %get3A_40 = arith.constant 16 : index
    %get3A_41 = tpu.vector_load %arg10[%get3A_39, %get3A_40] {strides = array<i32>} : memref<3x128xf32, #tpu.memory_space<vmem>>, vector<16xf32>,
    %get3A_42 = arith.constant 2 : i32
    %get3A_43 = arith.index_cast %get3A_42 : i32 to index
    %get3A_44 = arith.constant 32 : index
    %get3A_45 = tpu.vector_load %arg10[%get3A_43, %get3A_44] {strides = array<i32>} : memref<3x128xf32, #tpu.memory_space<vmem>>, vector<16xf32>,
    %get3A_46 = arith.constant 2 : i32
    %get3A_47 = arith.index_cast %get3A_46 : i32 to index
    %get3A_48 = arith.constant 48 : index
    %get3A_49 = tpu.vector_load %arg10[%get3A_47, %get3A_48] {strides = array<i32>} : memref<3x128xf32, #tpu.memory_space<vmem>>, vector<16xf32>,
    %scan3A = arith.constant 0 : i32
    %scan3A_50 = arith.constant 0 : i32
    %scan3A_51 = arith.constant 16 : i32
    %scan3A_52 = arith.addi %scan3A_50, %scan3A_51 : i32
    %scan3A_53 = arith.constant 1 : i32
    scf.for %scan3A_96 = %scan3A_50 to %scan3A_52 step %scan3A_53  : i32 {
      %mul3A_97 = arith.constant 16 : i32
      %mul3A_98 = arith.muli %scan3A_96, %mul3A_97 : i32
      %add3A_99 = arith.constant 0 : i32
      %add3A_100 = arith.addi %add3A_99, %mul3A_98 : i32
      %mul3A_101 = arith.constant 16 : i32
      %mul3A_102 = arith.muli %scan3A_96, %mul3A_101 : i32
      %get3A_103 = arith.index_cast %add3A_100 : i32 to index
      %get3A_104 = tpu.vector_load %arg7[%get3A_103] {strides = array<i32>} : memref<25600xi32, #tpu.memory_space<vmem>>, vector<16xi32>,
      %dma_start3A = arith.constant 0 : i32
      %dma_start3A_105 = arith.constant 0 : i32
      %dma_start3A_106 = arith.constant 0 : i32
      %dma_start3A_107 = tpu.memref_slice %arg9[%dma_start3A, %mul3A_102, %dma_start3A_106] : memref<2x256x128xf32, #tpu.memory_space<vmem>> -> memref<1x16x128xf32, #tpu.memory_space<vmem>>
      %dma_start3A_108 = tpu.memref_squeeze %dma_start3A_107 : memref<1x16x128xf32, #tpu.memory_space<vmem>> -> memref<16x128xf32, #tpu.memory_space<vmem>>
      %dma_start3A_109 = arith.constant 0 : i32
      %dma_start3A_110 = arith.constant 0 : i32
      %dma_start3A_111 = tpu.memref_slice %arg4[%dma_start3A_109, %dma_start3A_110] : memref<1000000x128xf32, #tpu.memory_space<hbm>> -> memref<1000000x128xf32, #tpu.memory_space<hbm>>
      %dma_start3A_112 = tpu.memref_slice %arg11[%dma_start3A_105] : memref<2x!tpu.dma_semaphore, #tpu.memory_space<semaphore_mem>> -> memref<1x!tpu.dma_semaphore, #tpu.memory_space<semaphore_mem>>
      %dma_start3A_113 = tpu.memref_squeeze %dma_start3A_112 : memref<1x!tpu.dma_semaphore, #tpu.memory_space<semaphore_mem>> -> memref<!tpu.dma_semaphore, #tpu.memory_space<semaphore_mem>>
      tpu.enqueue_indirect_dma source(%dma_start3A_111 : memref<1000000x128xf32, #tpu.memory_space<hbm>>) target(%dma_start3A_108 : memref<16x128xf32, #tpu.memory_space<vmem>>) offsets(%get3A_104 : vector<16xi32>) semaphore(%dma_start3A_113 : memref<!tpu.dma_semaphore, #tpu.memory_space<semaphore_mem>>)
    }
    %scan3A_54 = arith.constant 16 : i32
    %scan3A_55 = arith.constant 0 : i32
    %scan3A_56 = arith.constant 0 : i32
    %scan3A_57 = arith.constant 50 : i32
    %scan3A_58 = arith.addi %scan3A_56, %scan3A_57 : i32
    %scan3A_59 = arith.constant 1 : i32
    scf.for %scan3A_96 = %scan3A_56 to %scan3A_58 step %scan3A_59  : i32 {
      %mul3A_97 = arith.constant 2 : i32
      %mul3A_98 = arith.muli %scan3A_96, %mul3A_97 : i32
      %add3A_99 = arith.constant 1 : i32
      %add3A_100 = arith.addi %mul3A_98, %add3A_99 : i32
      %ge3A = arith.constant 2 : i32
      %ge3A_101 = arith.cmpi sge, %add3A_100, %ge3A : i32
      %convert_element_type3A = arith.extui %ge3A_101 : i1 to i32
      %cond3A = arith.constant 0 : i32
      %cond3A_102 = arith.cmpi ne, %convert_element_type3A, %cond3A : i32
      scf.if %cond3A_102 {
        %dma_wait3A_198 = arith.constant 1 : i32
        %dma_wait3A_199 = arith.constant 1 : i32
        %dma_wait3A_200 = arith.constant 0 : i32
        %dma_wait3A_201 = arith.constant 0 : i32
        %dma_wait3A_202 = tpu.memref_slice %arg9[%dma_wait3A_198, %dma_wait3A_200, %dma_wait3A_201] : memref<2x256x128xf32, #tpu.memory_space<vmem>> -> memref<1x256x128xf32, #tpu.memory_space<vmem>>
        %dma_wait3A_203 = tpu.memref_squeeze %dma_wait3A_202 : memref<1x256x128xf32, #tpu.memory_space<vmem>> -> memref<256x128xf32, #tpu.memory_space<vmem>>
        %dma_wait3A_204 = arith.constant 0 : i32
        %dma_wait3A_205 = arith.constant 0 : i32
        %dma_wait3A_206 = tpu.memref_slice %arg6[%dma_wait3A_204, %dma_wait3A_205] : memref<819200x128xf32, #tpu.memory_space<hbm>> -> memref<256x128xf32, #tpu.memory_space<hbm>>
        %dma_wait3A_207 = tpu.memref_slice %arg12[%dma_wait3A_199] : memref<2x!tpu.dma_semaphore, #tpu.memory_space<semaphore_mem>> -> memref<1x!tpu.dma_semaphore, #tpu.memory_space<semaphore_mem>>
        %dma_wait3A_208 = tpu.memref_squeeze %dma_wait3A_207 : memref<1x!tpu.dma_semaphore, #tpu.memory_space<semaphore_mem>> -> memref<!tpu.dma_semaphore, #tpu.memory_space<semaphore_mem>>
        %dma_wait3A_209 = arith.constant 0 : i32
        %dma_wait3A_210 = arith.constant 0 : i32
        %dma_wait3A_211 = tpu.memref_slice %arg6[%dma_wait3A_209, %dma_wait3A_210] : memref<819200x128xf32, #tpu.memory_space<hbm>> -> memref<256x128xf32, #tpu.memory_space<hbm>>
        %dma_wait3A_212 = arith.constant 0 : i32
        %dma_wait3A_213 = arith.constant 0 : i32
        %dma_wait3A_214 = tpu.memref_slice %arg9[%dma_wait3A_198, %dma_wait3A_212, %dma_wait3A_213] : memref<2x256x128xf32, #tpu.memory_space<vmem>> -> memref<1x256x128xf32, #tpu.memory_space<vmem>>
        %dma_wait3A_215 = tpu.memref_squeeze %dma_wait3A_214 : memref<1x256x128xf32, #tpu.memory_space<vmem>> -> memref<256x128xf32, #tpu.memory_space<vmem>>
        tpu.wait_dma2 semaphore(%dma_wait3A_208 : memref<!tpu.dma_semaphore, #tpu.memory_space<semaphore_mem>>) src(%dma_wait3A_215 : memref<256x128xf32, #tpu.memory_space<vmem>>) dst(%dma_wait3A_211 : memref<256x128xf32, #tpu.memory_space<hbm>>)
      } else {
      }
      %mul3A_103 = arith.constant 256 : i32
      %mul3A_104 = arith.muli %add3A_100, %mul3A_103 : i32
      %scan3A_105 = arith.constant 0 : i32
      %scan3A_106 = arith.constant 0 : i32
      %scan3A_107 = arith.constant 16 : i32
      %scan3A_108 = arith.addi %scan3A_106, %scan3A_107 : i32
      %scan3A_109 = arith.constant 1 : i32
      scf.for %scan3A_198 = %scan3A_106 to %scan3A_108 step %scan3A_109  : i32 {
        %mul3A_199 = arith.constant 16 : i32
        %mul3A_200 = arith.muli %scan3A_198, %mul3A_199 : i32
        %add3A_201 = arith.addi %mul3A_104, %mul3A_200 : i32
        %mul3A_202 = arith.constant 16 : i32
        %mul3A_203 = arith.muli %scan3A_198, %mul3A_202 : i32
        %get3A_204 = arith.index_cast %add3A_201 : i32 to index
        %get3A_205 = tpu.vector_load %arg7[%get3A_204] {strides = array<i32>} : memref<25600xi32, #tpu.memory_space<vmem>>, vector<16xi32>,
        %dma_start3A_206 = arith.constant 1 : i32
        %dma_start3A_207 = arith.constant 1 : i32
        %dma_start3A_208 = arith.constant 0 : i32
        %dma_start3A_209 = tpu.memref_slice %arg9[%dma_start3A_206, %mul3A_203, %dma_start3A_208] : memref<2x256x128xf32, #tpu.memory_space<vmem>> -> memref<1x16x128xf32, #tpu.memory_space<vmem>>
        %dma_start3A_210 = tpu.memref_squeeze %dma_start3A_209 : memref<1x16x128xf32, #tpu.memory_space<vmem>> -> memref<16x128xf32, #tpu.memory_space<vmem>>
        %dma_start3A_211 = arith.constant 0 : i32
        %dma_start3A_212 = arith.constant 0 : i32
        %dma_start3A_213 = tpu.memref_slice %arg4[%dma_start3A_211, %dma_start3A_212] : memref<1000000x128xf32, #tpu.memory_space<hbm>> -> memref<1000000x128xf32, #tpu.memory_space<hbm>>
        %dma_start3A_214 = tpu.memref_slice %arg11[%dma_start3A_207] : memref<2x!tpu.dma_semaphore, #tpu.memory_space<semaphore_mem>> -> memref<1x!tpu.dma_semaphore, #tpu.memory_space<semaphore_mem>>
        %dma_start3A_215 = tpu.memref_squeeze %dma_start3A_214 : memref<1x!tpu.dma_semaphore, #tpu.memory_space<semaphore_mem>> -> memref<!tpu.dma_semaphore, #tpu.memory_space<semaphore_mem>>
        tpu.enqueue_indirect_dma source(%dma_start3A_213 : memref<1000000x128xf32, #tpu.memory_space<hbm>>) target(%dma_start3A_210 : memref<16x128xf32, #tpu.memory_space<vmem>>) offsets(%get3A_205 : vector<16xi32>) semaphore(%dma_start3A_215 : memref<!tpu.dma_semaphore, #tpu.memory_space<semaphore_mem>>)
      }
      %scan3A_110 = arith.constant 16 : i32
      %dma_wait3A_111 = arith.constant 0 : i32
      %dma_wait3A_112 = arith.constant 0 : i32
      %dma_wait3A_113 = arith.constant 0 : i32
      %dma_wait3A_114 = arith.constant 0 : i32
      %dma_wait3A_115 = tpu.memref_slice %arg9[%dma_wait3A_111, %dma_wait3A_113, %dma_wait3A_114] : memref<2x256x128xf32, #tpu.memory_space<vmem>> -> memref<1x256x128xf32, #tpu.memory_space<vmem>>
      %dma_wait3A_116 = tpu.memref_squeeze %dma_wait3A_115 : memref<1x256x128xf32, #tpu.memory_space<vmem>> -> memref<256x128xf32, #tpu.memory_space<vmem>>
      %dma_wait3A_117 = arith.constant 0 : i32
      %dma_wait3A_118 = tpu.memref_slice %arg7[%dma_wait3A_117] : memref<25600xi32, #tpu.memory_space<vmem>> -> memref<256xi32, #tpu.memory_space<vmem>>
      %dma_wait3A_119 = arith.constant 0 : i32
      %dma_wait3A_120 = arith.constant 0 : i32
      %dma_wait3A_121 = tpu.memref_slice %arg4[%dma_wait3A_119, %dma_wait3A_120] : memref<1000000x128xf32, #tpu.memory_space<hbm>> -> memref<1000000x128xf32, #tpu.memory_space<hbm>>
      %dma_wait3A_122 = tpu.memref_slice %arg11[%dma_wait3A_112] : memref<2x!tpu.dma_semaphore, #tpu.memory_space<semaphore_mem>> -> memref<1x!tpu.dma_semaphore, #tpu.memory_space<semaphore_mem>>
      %dma_wait3A_123 = tpu.memref_squeeze %dma_wait3A_122 : memref<1x!tpu.dma_semaphore, #tpu.memory_space<semaphore_mem>> -> memref<!tpu.dma_semaphore, #tpu.memory_space<semaphore_mem>>
      tpu.wait_indirect_dma semaphore(%dma_wait3A_123 : memref<!tpu.dma_semaphore, #tpu.memory_space<semaphore_mem>>) src(%dma_wait3A_121 : memref<1000000x128xf32, #tpu.memory_space<hbm>>) dst(%dma_wait3A_116 : memref<256x128xf32, #tpu.memory_space<vmem>>)
      %mul3A_124 = arith.constant 256 : i32
      %mul3A_125 = arith.muli %mul3A_98, %mul3A_124 : i32
      %scan3A_126 = arith.constant 0 : i32
      %scan3A_127 = arith.constant 0 : i32
      %scan3A_128 = arith.constant 16 : i32
      %scan3A_129 = arith.addi %scan3A_127, %scan3A_128 : i32
      %scan3A_130 = arith.constant 1 : i32
      scf.for %scan3A_198 = %scan3A_127 to %scan3A_129 step %scan3A_130  : i32 {
        %mul3A_199 = arith.constant 16 : i32
        %mul3A_200 = arith.muli %scan3A_198, %mul3A_199 : i32
        %add3A_201 = arith.addi %mul3A_125, %mul3A_200 : i32
        %get3A_202 = arith.index_cast %add3A_201 : i32 to index
        %get3A_203 = tpu.vector_load %arg8[%get3A_202] {strides = array<i32>} : memref<25600xi32, #tpu.memory_space<vmem>>, vector<16xi32>,
        %mul3A_204 = arith.constant 16 : i32
        %mul3A_205 = arith.muli %scan3A_198, %mul3A_204 : i32
        %add3A_206 = arith.constant 0 : i32
        %add3A_207 = arith.addi %mul3A_205, %add3A_206 : i32
        %broadcast_in_dim3A = arith.constant 0 : i32
        %broadcast_in_dim3A_208 = vector.broadcast %broadcast_in_dim3A : i32 to vector<16x1xi32>
        %gather3A = vector.shape_cast %broadcast_in_dim3A_208 : vector<16x1xi32> to vector<16xi32>
        %gather3A_209 = tpu.dynamic_gather %get3A_203[%gather3A] in [0] : vector<16xi32>, vector<16xi32> -> vector<16xi32>
        %eq3A = arith.constant 1 : i32
        %eq3A_210 = vector.broadcast %eq3A : i32 to vector<16xi32>
        %eq3A_211 = arith.cmpi eq, %gather3A_209, %eq3A_210 : vector<16xi32>
        %eq3A_212 = arith.constant 2 : i32
        %eq3A_213 = vector.broadcast %eq3A_212 : i32 to vector<16xi32>
        %eq3A_214 = arith.cmpi eq, %gather3A_209, %eq3A_213 : vector<16xi32>
        %select_n3A = arith.select %eq3A_214, %get3A_37, %get3A_5 : vector<16xi1>, vector<16xf32>
        %select_n3A_215 = arith.select %eq3A_211, %get3A_21, %select_n3A : vector<16xi1>, vector<16xf32>
        %get3A_216 = arith.constant 0 : i32
        %get3A_217 = arith.index_cast %get3A_216 : i32 to index
        %get3A_218 = arith.index_cast %add3A_207 : i32 to index
        %get3A_219 = arith.constant 0 : index
        %get3A_220 = tpu.vector_load %arg9[%get3A_217, %get3A_218, %get3A_219] {strides = array<i32>} : memref<2x256x128xf32, #tpu.memory_space<vmem>>, vector<16xf32>,
        %add3A_221 = arith.addf %get3A_220, %select_n3A_215 : vector<16xf32>
        %swap3A = arith.constant 0 : i32
        %swap3A_222 = arith.index_cast %swap3A : i32 to index
        %swap3A_223 = arith.index_cast %add3A_207 : i32 to index
        %swap3A_224 = arith.constant 0 : index
        %swap3A_225 = tpu.vector_load %arg9[%swap3A_222, %swap3A_223, %swap3A_224] {strides = array<i32>} : memref<2x256x128xf32, #tpu.memory_space<vmem>>, vector<16xf32>,
        tpu.vector_store %arg9[%swap3A_222, %swap3A_223, %swap3A_224], %add3A_221 {strides = array<i32>} : memref<2x256x128xf32, #tpu.memory_space<vmem>>, vector<16xf32>,
        %select_n3A_226 = arith.select %eq3A_214, %get3A_41, %get3A_9 : vector<16xi1>, vector<16xf32>
        %select_n3A_227 = arith.select %eq3A_211, %get3A_25, %select_n3A_226 : vector<16xi1>, vector<16xf32>
        %get3A_228 = arith.constant 0 : i32
        %get3A_229 = arith.index_cast %get3A_228 : i32 to index
        %get3A_230 = arith.index_cast %add3A_207 : i32 to index
        %get3A_231 = arith.constant 16 : index
        %get3A_232 = tpu.vector_load %arg9[%get3A_229, %get3A_230, %get3A_231] {strides = array<i32>} : memref<2x256x128xf32, #tpu.memory_space<vmem>>, vector<16xf32>,
        %add3A_233 = arith.addf %get3A_232, %select_n3A_227 : vector<16xf32>
        %swap3A_234 = arith.constant 0 : i32
        %swap3A_235 = arith.index_cast %swap3A_234 : i32 to index
        %swap3A_236 = arith.index_cast %add3A_207 : i32 to index
        %swap3A_237 = arith.constant 16 : index
        %swap3A_238 = tpu.vector_load %arg9[%swap3A_235, %swap3A_236, %swap3A_237] {strides = array<i32>} : memref<2x256x128xf32, #tpu.memory_space<vmem>>, vector<16xf32>,
        tpu.vector_store %arg9[%swap3A_235, %swap3A_236, %swap3A_237], %add3A_233 {strides = array<i32>} : memref<2x256x128xf32, #tpu.memory_space<vmem>>, vector<16xf32>,
        %select_n3A_239 = arith.select %eq3A_214, %get3A_45, %get3A_13 : vector<16xi1>, vector<16xf32>
        %select_n3A_240 = arith.select %eq3A_211, %get3A_29, %select_n3A_239 : vector<16xi1>, vector<16xf32>
        %get3A_241 = arith.constant 0 : i32
        %get3A_242 = arith.index_cast %get3A_241 : i32 to index
        %get3A_243 = arith.index_cast %add3A_207 : i32 to index
        %get3A_244 = arith.constant 32 : index
        %get3A_245 = tpu.vector_load %arg9[%get3A_242, %get3A_243, %get3A_244] {strides = array<i32>} : memref<2x256x128xf32, #tpu.memory_space<vmem>>, vector<16xf32>,
        %add3A_246 = arith.addf %get3A_245, %select_n3A_240 : vector<16xf32>
        %swap3A_247 = arith.constant 0 : i32
        %swap3A_248 = arith.index_cast %swap3A_247 : i32 to index
        %swap3A_249 = arith.index_cast %add3A_207 : i32 to index
        %swap3A_250 = arith.constant 32 : index
        %swap3A_251 = tpu.vector_load %arg9[%swap3A_248, %swap3A_249, %swap3A_250] {strides = array<i32>} : memref<2x256x128xf32, #tpu.memory_space<vmem>>, vector<16xf32>,
        tpu.vector_store %arg9[%swap3A_248, %swap3A_249, %swap3A_250], %add3A_246 {strides = array<i32>} : memref<2x256x128xf32, #tpu.memory_space<vmem>>, vector<16xf32>,
        %select_n3A_252 = arith.select %eq3A_214, %get3A_49, %get3A_17 : vector<16xi1>, vector<16xf32>
        %select_n3A_253 = arith.select %eq3A_211, %get3A_33, %select_n3A_252 : vector<16xi1>, vector<16xf32>
        %get3A_254 = arith.constant 0 : i32
        %get3A_255 = arith.index_cast %get3A_254 : i32 to index
        %get3A_256 = arith.index_cast %add3A_207 : i32 to index
        %get3A_257 = arith.constant 48 : index
        %get3A_258 = tpu.vector_load %arg9[%get3A_255, %get3A_256, %get3A_257] {strides = array<i32>} : memref<2x256x128xf32, #tpu.memory_space<vmem>>, vector<16xf32>,
        %add3A_259 = arith.addf %get3A_258, %select_n3A_253 : vector<16xf32>
        %swap3A_260 = arith.constant 0 : i32
        %swap3A_261 = arith.index_cast %swap3A_260 : i32 to index
        %swap3A_262 = arith.index_cast %add3A_207 : i32 to index
        %swap3A_263 = arith.constant 48 : index
        %swap3A_264 = tpu.vector_load %arg9[%swap3A_261, %swap3A_262, %swap3A_263] {strides = array<i32>} : memref<2x256x128xf32, #tpu.memory_space<vmem>>, vector<16xf32>,
        tpu.vector_store %arg9[%swap3A_261, %swap3A_262, %swap3A_263], %add3A_259 {strides = array<i32>} : memref<2x256x128xf32, #tpu.memory_space<vmem>>, vector<16xf32>,
        %mul3A_265 = arith.constant 16 : i32
        %mul3A_266 = arith.muli %scan3A_198, %mul3A_265 : i32
        %add3A_267 = arith.constant 1 : i32
        %add3A_268 = arith.addi %mul3A_266, %add3A_267 : i32
        %broadcast_in_dim3A_269 = arith.constant 1 : i32
        %broadcast_in_dim3A_270 = vector.broadcast %broadcast_in_dim3A_269 : i32 to vector<16x1xi32>
        %gather3A_271 = vector.shape_cast %broadcast_in_dim3A_270 : vector<16x1xi32> to vector<16xi32>
        %gather3A_272 = tpu.dynamic_gather %get3A_203[%gather3A_271] in [0] : vector<16xi32>, vector<16xi32> -> vector<16xi32>
        %eq3A_273 = arith.constant 1 : i32
        %eq3A_274 = vector.broadcast %eq3A_273 : i32 to vector<16xi32>
        %eq3A_275 = arith.cmpi eq, %gather3A_272, %eq3A_274 : vector<16xi32>
        %eq3A_276 = arith.constant 2 : i32
        %eq3A_277 = vector.broadcast %eq3A_276 : i32 to vector<16xi32>
        %eq3A_278 = arith.cmpi eq, %gather3A_272, %eq3A_277 : vector<16xi32>
        %select_n3A_279 = arith.select %eq3A_278, %get3A_37, %get3A_5 : vector<16xi1>, vector<16xf32>
        %select_n3A_280 = arith.select %eq3A_275, %get3A_21, %select_n3A_279 : vector<16xi1>, vector<16xf32>
        %get3A_281 = arith.constant 0 : i32
        %get3A_282 = arith.index_cast %get3A_281 : i32 to index
        %get3A_283 = arith.index_cast %add3A_268 : i32 to index
        %get3A_284 = arith.constant 0 : index
        %get3A_285 = tpu.vector_load %arg9[%get3A_282, %get3A_283, %get3A_284] {strides = array<i32>} : memref<2x256x128xf32, #tpu.memory_space<vmem>>, vector<16xf32>,
        %add3A_286 = arith.addf %get3A_285, %select_n3A_280 : vector<16xf32>
        %swap3A_287 = arith.constant 0 : i32
        %swap3A_288 = arith.index_cast %swap3A_287 : i32 to index
        %swap3A_289 = arith.index_cast %add3A_268 : i32 to index
        %swap3A_290 = arith.constant 0 : index
        %swap3A_291 = tpu.vector_load %arg9[%swap3A_288, %swap3A_289, %swap3A_290] {strides = array<i32>} : memref<2x256x128xf32, #tpu.memory_space<vmem>>, vector<16xf32>,
        tpu.vector_store %arg9[%swap3A_288, %swap3A_289, %swap3A_290], %add3A_286 {strides = array<i32>} : memref<2x256x128xf32, #tpu.memory_space<vmem>>, vector<16xf32>,
        %select_n3A_292 = arith.select %eq3A_278, %get3A_41, %get3A_9 : vector<16xi1>, vector<16xf32>
        %select_n3A_293 = arith.select %eq3A_275, %get3A_25, %select_n3A_292 : vector<16xi1>, vector<16xf32>
        %get3A_294 = arith.constant 0 : i32
        %get3A_295 = arith.index_cast %get3A_294 : i32 to index
        %get3A_296 = arith.index_cast %add3A_268 : i32 to index
        %get3A_297 = arith.constant 16 : index
        %get3A_298 = tpu.vector_load %arg9[%get3A_295, %get3A_296, %get3A_297] {strides = array<i32>} : memref<2x256x128xf32, #tpu.memory_space<vmem>>, vector<16xf32>,
        %add3A_299 = arith.addf %get3A_298, %select_n3A_293 : vector<16xf32>
        %swap3A_300 = arith.constant 0 : i32
        %swap3A_301 = arith.index_cast %swap3A_300 : i32 to index
        %swap3A_302 = arith.index_cast %add3A_268 : i32 to index
        %swap3A_303 = arith.constant 16 : index
        %swap3A_304 = tpu.vector_load %arg9[%swap3A_301, %swap3A_302, %swap3A_303] {strides = array<i32>} : memref<2x256x128xf32, #tpu.memory_space<vmem>>, vector<16xf32>,
        tpu.vector_store %arg9[%swap3A_301, %swap3A_302, %swap3A_303], %add3A_299 {strides = array<i32>} : memref<2x256x128xf32, #tpu.memory_space<vmem>>, vector<16xf32>,
        %select_n3A_305 = arith.select %eq3A_278, %get3A_45, %get3A_13 : vector<16xi1>, vector<16xf32>
        %select_n3A_306 = arith.select %eq3A_275, %get3A_29, %select_n3A_305 : vector<16xi1>, vector<16xf32>
        %get3A_307 = arith.constant 0 : i32
        %get3A_308 = arith.index_cast %get3A_307 : i32 to index
        %get3A_309 = arith.index_cast %add3A_268 : i32 to index
        %get3A_310 = arith.constant 32 : index
        %get3A_311 = tpu.vector_load %arg9[%get3A_308, %get3A_309, %get3A_310] {strides = array<i32>} : memref<2x256x128xf32, #tpu.memory_space<vmem>>, vector<16xf32>,
        %add3A_312 = arith.addf %get3A_311, %select_n3A_306 : vector<16xf32>
        %swap3A_313 = arith.constant 0 : i32
        %swap3A_314 = arith.index_cast %swap3A_313 : i32 to index
        %swap3A_315 = arith.index_cast %add3A_268 : i32 to index
        %swap3A_316 = arith.constant 32 : index
        %swap3A_317 = tpu.vector_load %arg9[%swap3A_314, %swap3A_315, %swap3A_316] {strides = array<i32>} : memref<2x256x128xf32, #tpu.memory_space<vmem>>, vector<16xf32>,
        tpu.vector_store %arg9[%swap3A_314, %swap3A_315, %swap3A_316], %add3A_312 {strides = array<i32>} : memref<2x256x128xf32, #tpu.memory_space<vmem>>, vector<16xf32>,
        %select_n3A_318 = arith.select %eq3A_278, %get3A_49, %get3A_17 : vector<16xi1>, vector<16xf32>
        %select_n3A_319 = arith.select %eq3A_275, %get3A_33, %select_n3A_318 : vector<16xi1>, vector<16xf32>
        %get3A_320 = arith.constant 0 : i32
        %get3A_321 = arith.index_cast %get3A_320 : i32 to index
        %get3A_322 = arith.index_cast %add3A_268 : i32 to index
        %get3A_323 = arith.constant 48 : index
        %get3A_324 = tpu.vector_load %arg9[%get3A_321, %get3A_322, %get3A_323] {strides = array<i32>} : memref<2x256x128xf32, #tpu.memory_space<vmem>>, vector<16xf32>,
        %add3A_325 = arith.addf %get3A_324, %select_n3A_319 : vector<16xf32>
        %swap3A_326 = arith.constant 0 : i32
        %swap3A_327 = arith.index_cast %swap3A_326 : i32 to index
        %swap3A_328 = arith.index_cast %add3A_268 : i32 to index
        %swap3A_329 = arith.constant 48 : index
        %swap3A_330 = tpu.vector_load %arg9[%swap3A_327, %swap3A_328, %swap3A_329] {strides = array<i32>} : memref<2x256x128xf32, #tpu.memory_space<vmem>>, vector<16xf32>,
        tpu.vector_store %arg9[%swap3A_327, %swap3A_328, %swap3A_329], %add3A_325 {strides = array<i32>} : memref<2x256x128xf32, #tpu.memory_space<vmem>>, vector<16xf32>,
        %mul3A_331 = arith.constant 16 : i32
        %mul3A_332 = arith.muli %scan3A_198, %mul3A_331 : i32
        %add3A_333 = arith.constant 2 : i32
        %add3A_334 = arith.addi %mul3A_332, %add3A_333 : i32
        %broadcast_in_dim3A_335 = arith.constant 2 : i32
        %broadcast_in_dim3A_336 = vector.broadcast %broadcast_in_dim3A_335 : i32 to vector<16x1xi32>
        %gather3A_337 = vector.shape_cast %broadcast_in_dim3A_336 : vector<16x1xi32> to vector<16xi32>
        %gather3A_338 = tpu.dynamic_gather %get3A_203[%gather3A_337] in [0] : vector<16xi32>, vector<16xi32> -> vector<16xi32>
        %eq3A_339 = arith.constant 1 : i32
        %eq3A_340 = vector.broadcast %eq3A_339 : i32 to vector<16xi32>
        %eq3A_341 = arith.cmpi eq, %gather3A_338, %eq3A_340 : vector<16xi32>
        %eq3A_342 = arith.constant 2 : i32
        %eq3A_343 = vector.broadcast %eq3A_342 : i32 to vector<16xi32>
        %eq3A_344 = arith.cmpi eq, %gather3A_338, %eq3A_343 : vector<16xi32>
        %select_n3A_345 = arith.select %eq3A_344, %get3A_37, %get3A_5 : vector<16xi1>, vector<16xf32>
        %select_n3A_346 = arith.select %eq3A_341, %get3A_21, %select_n3A_345 : vector<16xi1>, vector<16xf32>
        %get3A_347 = arith.constant 0 : i32
        %get3A_348 = arith.index_cast %get3A_347 : i32 to index
        %get3A_349 = arith.index_cast %add3A_334 : i32 to index
        %get3A_350 = arith.constant 0 : index
        %get3A_351 = tpu.vector_load %arg9[%get3A_348, %get3A_349, %get3A_350] {strides = array<i32>} : memref<2x256x128xf32, #tpu.memory_space<vmem>>, vector<16xf32>,
        %add3A_352 = arith.addf %get3A_351, %select_n3A_346 : vector<16xf32>
        %swap3A_353 = arith.constant 0 : i32
        %swap3A_354 = arith.index_cast %swap3A_353 : i32 to index
        %swap3A_355 = arith.index_cast %add3A_334 : i32 to index
        %swap3A_356 = arith.constant 0 : index
        %swap3A_357 = tpu.vector_load %arg9[%swap3A_354, %swap3A_355, %swap3A_356] {strides = array<i32>} : memref<2x256x128xf32, #tpu.memory_space<vmem>>, vector<16xf32>,
        tpu.vector_store %arg9[%swap3A_354, %swap3A_355, %swap3A_356], %add3A_352 {strides = array<i32>} : memref<2x256x128xf32, #tpu.memory_space<vmem>>, vector<16xf32>,
        %select_n3A_358 = arith.select %eq3A_344, %get3A_41, %get3A_9 : vector<16xi1>, vector<16xf32>
        %select_n3A_359 = arith.select %eq3A_341, %get3A_25, %select_n3A_358 : vector<16xi1>, vector<16xf32>
        %get3A_360 = arith.constant 0 : i32
        %get3A_361 = arith.index_cast %get3A_360 : i32 to index
        %get3A_362 = arith.index_cast %add3A_334 : i32 to index
        %get3A_363 = arith.constant 16 : index
        %get3A_364 = tpu.vector_load %arg9[%get3A_361, %get3A_362, %get3A_363] {strides = array<i32>} : memref<2x256x128xf32, #tpu.memory_space<vmem>>, vector<16xf32>,
        %add3A_365 = arith.addf %get3A_364, %select_n3A_359 : vector<16xf32>
        %swap3A_366 = arith.constant 0 : i32
        %swap3A_367 = arith.index_cast %swap3A_366 : i32 to index
        %swap3A_368 = arith.index_cast %add3A_334 : i32 to index
        %swap3A_369 = arith.constant 16 : index
        %swap3A_370 = tpu.vector_load %arg9[%swap3A_367, %swap3A_368, %swap3A_369] {strides = array<i32>} : memref<2x256x128xf32, #tpu.memory_space<vmem>>, vector<16xf32>,
        tpu.vector_store %arg9[%swap3A_367, %swap3A_368, %swap3A_369], %add3A_365 {strides = array<i32>} : memref<2x256x128xf32, #tpu.memory_space<vmem>>, vector<16xf32>,
        %select_n3A_371 = arith.select %eq3A_344, %get3A_45, %get3A_13 : vector<16xi1>, vector<16xf32>
        %select_n3A_372 = arith.select %eq3A_341, %get3A_29, %select_n3A_371 : vector<16xi1>, vector<16xf32>
        %get3A_373 = arith.constant 0 : i32
        %get3A_374 = arith.index_cast %get3A_373 : i32 to index
        %get3A_375 = arith.index_cast %add3A_334 : i32 to index
        %get3A_376 = arith.constant 32 : index
        %get3A_377 = tpu.vector_load %arg9[%get3A_374, %get3A_375, %get3A_376] {strides = array<i32>} : memref<2x256x128xf32, #tpu.memory_space<vmem>>, vector<16xf32>,
        %add3A_378 = arith.addf %get3A_377, %select_n3A_372 : vector<16xf32>
        %swap3A_379 = arith.constant 0 : i32
        %swap3A_380 = arith.index_cast %swap3A_379 : i32 to index
        %swap3A_381 = arith.index_cast %add3A_334 : i32 to index
        %swap3A_382 = arith.constant 32 : index
        %swap3A_383 = tpu.vector_load %arg9[%swap3A_380, %swap3A_381, %swap3A_382] {strides = array<i32>} : memref<2x256x128xf32, #tpu.memory_space<vmem>>, vector<16xf32>,
        tpu.vector_store %arg9[%swap3A_380, %swap3A_381, %swap3A_382], %add3A_378 {strides = array<i32>} : memref<2x256x128xf32, #tpu.memory_space<vmem>>, vector<16xf32>,
        %select_n3A_384 = arith.select %eq3A_344, %get3A_49, %get3A_17 : vector<16xi1>, vector<16xf32>
        %select_n3A_385 = arith.select %eq3A_341, %get3A_33, %select_n3A_384 : vector<16xi1>, vector<16xf32>
        %get3A_386 = arith.constant 0 : i32
        %get3A_387 = arith.index_cast %get3A_386 : i32 to index
        %get3A_388 = arith.index_cast %add3A_334 : i32 to index
        %get3A_389 = arith.constant 48 : index
        %get3A_390 = tpu.vector_load %arg9[%get3A_387, %get3A_388, %get3A_389] {strides = array<i32>} : memref<2x256x128xf32, #tpu.memory_space<vmem>>, vector<16xf32>,
        %add3A_391 = arith.addf %get3A_390, %select_n3A_385 : vector<16xf32>
        %swap3A_392 = arith.constant 0 : i32
        %swap3A_393 = arith.index_cast %swap3A_392 : i32 to index
        %swap3A_394 = arith.index_cast %add3A_334 : i32 to index
        %swap3A_395 = arith.constant 48 : index
        %swap3A_396 = tpu.vector_load %arg9[%swap3A_393, %swap3A_394, %swap3A_395] {strides = array<i32>} : memref<2x256x128xf32, #tpu.memory_space<vmem>>, vector<16xf32>,
        tpu.vector_store %arg9[%swap3A_393, %swap3A_394, %swap3A_395], %add3A_391 {strides = array<i32>} : memref<2x256x128xf32, #tpu.memory_space<vmem>>, vector<16xf32>,
        %mul3A_397 = arith.constant 16 : i32
        %mul3A_398 = arith.muli %scan3A_198, %mul3A_397 : i32
        %add3A_399 = arith.constant 3 : i32
        %add3A_400 = arith.addi %mul3A_398, %add3A_399 : i32
        %broadcast_in_dim3A_401 = arith.constant 3 : i32
        %broadcast_in_dim3A_402 = vector.broadcast %broadcast_in_dim3A_401 : i32 to vector<16x1xi32>
        %gather3A_403 = vector.shape_cast %broadcast_in_dim3A_402 : vector<16x1xi32> to vector<16xi32>
        %gather3A_404 = tpu.dynamic_gather %get3A_203[%gather3A_403] in [0] : vector<16xi32>, vector<16xi32> -> vector<16xi32>
        %eq3A_405 = arith.constant 1 : i32
        %eq3A_406 = vector.broadcast %eq3A_405 : i32 to vector<16xi32>
        %eq3A_407 = arith.cmpi eq, %gather3A_404, %eq3A_406 : vector<16xi32>
        %eq3A_408 = arith.constant 2 : i32
        %eq3A_409 = vector.broadcast %eq3A_408 : i32 to vector<16xi32>
        %eq3A_410 = arith.cmpi eq, %gather3A_404, %eq3A_409 : vector<16xi32>
        %select_n3A_411 = arith.select %eq3A_410, %get3A_37, %get3A_5 : vector<16xi1>, vector<16xf32>
        %select_n3A_412 = arith.select %eq3A_407, %get3A_21, %select_n3A_411 : vector<16xi1>, vector<16xf32>
        %get3A_413 = arith.constant 0 : i32
        %get3A_414 = arith.index_cast %get3A_413 : i32 to index
        %get3A_415 = arith.index_cast %add3A_400 : i32 to index
        %get3A_416 = arith.constant 0 : index
        %get3A_417 = tpu.vector_load %arg9[%get3A_414, %get3A_415, %get3A_416] {strides = array<i32>} : memref<2x256x128xf32, #tpu.memory_space<vmem>>, vector<16xf32>,
        %add3A_418 = arith.addf %get3A_417, %select_n3A_412 : vector<16xf32>
        %swap3A_419 = arith.constant 0 : i32
        %swap3A_420 = arith.index_cast %swap3A_419 : i32 to index
        %swap3A_421 = arith.index_cast %add3A_400 : i32 to index
        %swap3A_422 = arith.constant 0 : index
        %swap3A_423 = tpu.vector_load %arg9[%swap3A_420, %swap3A_421, %swap3A_422] {strides = array<i32>} : memref<2x256x128xf32, #tpu.memory_space<vmem>>, vector<16xf32>,
        tpu.vector_store %arg9[%swap3A_420, %swap3A_421, %swap3A_422], %add3A_418 {strides = array<i32>} : memref<2x256x128xf32, #tpu.memory_space<vmem>>, vector<16xf32>,
        %select_n3A_424 = arith.select %eq3A_410, %get3A_41, %get3A_9 : vector<16xi1>, vector<16xf32>
        %select_n3A_425 = arith.select %eq3A_407, %get3A_25, %select_n3A_424 : vector<16xi1>, vector<16xf32>
        %get3A_426 = arith.constant 0 : i32
        %get3A_427 = arith.index_cast %get3A_426 : i32 to index
        %get3A_428 = arith.index_cast %add3A_400 : i32 to index
        %get3A_429 = arith.constant 16 : index
        %get3A_430 = tpu.vector_load %arg9[%get3A_427, %get3A_428, %get3A_429] {strides = array<i32>} : memref<2x256x128xf32, #tpu.memory_space<vmem>>, vector<16xf32>,
        %add3A_431 = arith.addf %get3A_430, %select_n3A_425 : vector<16xf32>
        %swap3A_432 = arith.constant 0 : i32
        %swap3A_433 = arith.index_cast %swap3A_432 : i32 to index
        %swap3A_434 = arith.index_cast %add3A_400 : i32 to index
        %swap3A_435 = arith.constant 16 : index
        %swap3A_436 = tpu.vector_load %arg9[%swap3A_433, %swap3A_434, %swap3A_435] {strides = array<i32>} : memref<2x256x128xf32, #tpu.memory_space<vmem>>, vector<16xf32>,
        tpu.vector_store %arg9[%swap3A_433, %swap3A_434, %swap3A_435], %add3A_431 {strides = array<i32>} : memref<2x256x128xf32, #tpu.memory_space<vmem>>, vector<16xf32>,
        %select_n3A_437 = arith.select %eq3A_410, %get3A_45, %get3A_13 : vector<16xi1>, vector<16xf32>
        %select_n3A_438 = arith.select %eq3A_407, %get3A_29, %select_n3A_437 : vector<16xi1>, vector<16xf32>
        %get3A_439 = arith.constant 0 : i32
        %get3A_440 = arith.index_cast %get3A_439 : i32 to index
        %get3A_441 = arith.index_cast %add3A_400 : i32 to index
        %get3A_442 = arith.constant 32 : index
        %get3A_443 = tpu.vector_load %arg9[%get3A_440, %get3A_441, %get3A_442] {strides = array<i32>} : memref<2x256x128xf32, #tpu.memory_space<vmem>>, vector<16xf32>,
        %add3A_444 = arith.addf %get3A_443, %select_n3A_438 : vector<16xf32>
        %swap3A_445 = arith.constant 0 : i32
        %swap3A_446 = arith.index_cast %swap3A_445 : i32 to index
        %swap3A_447 = arith.index_cast %add3A_400 : i32 to index
        %swap3A_448 = arith.constant 32 : index
        %swap3A_449 = tpu.vector_load %arg9[%swap3A_446, %swap3A_447, %swap3A_448] {strides = array<i32>} : memref<2x256x128xf32, #tpu.memory_space<vmem>>, vector<16xf32>,
        tpu.vector_store %arg9[%swap3A_446, %swap3A_447, %swap3A_448], %add3A_444 {strides = array<i32>} : memref<2x256x128xf32, #tpu.memory_space<vmem>>, vector<16xf32>,
        %select_n3A_450 = arith.select %eq3A_410, %get3A_49, %get3A_17 : vector<16xi1>, vector<16xf32>
        %select_n3A_451 = arith.select %eq3A_407, %get3A_33, %select_n3A_450 : vector<16xi1>, vector<16xf32>
        %get3A_452 = arith.constant 0 : i32
        %get3A_453 = arith.index_cast %get3A_452 : i32 to index
        %get3A_454 = arith.index_cast %add3A_400 : i32 to index
        %get3A_455 = arith.constant 48 : index
        %get3A_456 = tpu.vector_load %arg9[%get3A_453, %get3A_454, %get3A_455] {strides = array<i32>} : memref<2x256x128xf32, #tpu.memory_space<vmem>>, vector<16xf32>,
        %add3A_457 = arith.addf %get3A_456, %select_n3A_451 : vector<16xf32>
        %swap3A_458 = arith.constant 0 : i32
        %swap3A_459 = arith.index_cast %swap3A_458 : i32 to index
        %swap3A_460 = arith.index_cast %add3A_400 : i32 to index
        %swap3A_461 = arith.constant 48 : index
        %swap3A_462 = tpu.vector_load %arg9[%swap3A_459, %swap3A_460, %swap3A_461] {strides = array<i32>} : memref<2x256x128xf32, #tpu.memory_space<vmem>>, vector<16xf32>,
        tpu.vector_store %arg9[%swap3A_459, %swap3A_460, %swap3A_461], %add3A_457 {strides = array<i32>} : memref<2x256x128xf32, #tpu.memory_space<vmem>>, vector<16xf32>,
        %mul3A_463 = arith.constant 16 : i32
        %mul3A_464 = arith.muli %scan3A_198, %mul3A_463 : i32
        %add3A_465 = arith.constant 4 : i32
        %add3A_466 = arith.addi %mul3A_464, %add3A_465 : i32
        %broadcast_in_dim3A_467 = arith.constant 4 : i32
        %broadcast_in_dim3A_468 = vector.broadcast %broadcast_in_dim3A_467 : i32 to vector<16x1xi32>
        %gather3A_469 = vector.shape_cast %broadcast_in_dim3A_468 : vector<16x1xi32> to vector<16xi32>
        %gather3A_470 = tpu.dynamic_gather %get3A_203[%gather3A_469] in [0] : vector<16xi32>, vector<16xi32> -> vector<16xi32>
        %eq3A_471 = arith.constant 1 : i32
        %eq3A_472 = vector.broadcast %eq3A_471 : i32 to vector<16xi32>
        %eq3A_473 = arith.cmpi eq, %gather3A_470, %eq3A_472 : vector<16xi32>
        %eq3A_474 = arith.constant 2 : i32
        %eq3A_475 = vector.broadcast %eq3A_474 : i32 to vector<16xi32>
        %eq3A_476 = arith.cmpi eq, %gather3A_470, %eq3A_475 : vector<16xi32>
        %select_n3A_477 = arith.select %eq3A_476, %get3A_37, %get3A_5 : vector<16xi1>, vector<16xf32>
        %select_n3A_478 = arith.select %eq3A_473, %get3A_21, %select_n3A_477 : vector<16xi1>, vector<16xf32>
        %get3A_479 = arith.constant 0 : i32
        %get3A_480 = arith.index_cast %get3A_479 : i32 to index
        %get3A_481 = arith.index_cast %add3A_466 : i32 to index
        %get3A_482 = arith.constant 0 : index
        %get3A_483 = tpu.vector_load %arg9[%get3A_480, %get3A_481, %get3A_482] {strides = array<i32>} : memref<2x256x128xf32, #tpu.memory_space<vmem>>, vector<16xf32>,
        %add3A_484 = arith.addf %get3A_483, %select_n3A_478 : vector<16xf32>
        %swap3A_485 = arith.constant 0 : i32
        %swap3A_486 = arith.index_cast %swap3A_485 : i32 to index
        %swap3A_487 = arith.index_cast %add3A_466 : i32 to index
        %swap3A_488 = arith.constant 0 : index
        %swap3A_489 = tpu.vector_load %arg9[%swap3A_486, %swap3A_487, %swap3A_488] {strides = array<i32>} : memref<2x256x128xf32, #tpu.memory_space<vmem>>, vector<16xf32>,
        tpu.vector_store %arg9[%swap3A_486, %swap3A_487, %swap3A_488], %add3A_484 {strides = array<i32>} : memref<2x256x128xf32, #tpu.memory_space<vmem>>, vector<16xf32>,
        %select_n3A_490 = arith.select %eq3A_476, %get3A_41, %get3A_9 : vector<16xi1>, vector<16xf32>
        %select_n3A_491 = arith.select %eq3A_473, %get3A_25, %select_n3A_490 : vector<16xi1>, vector<16xf32>
        %get3A_492 = arith.constant 0 : i32
        %get3A_493 = arith.index_cast %get3A_492 : i32 to index
        %get3A_494 = arith.index_cast %add3A_466 : i32 to index
        %get3A_495 = arith.constant 16 : index
        %get3A_496 = tpu.vector_load %arg9[%get3A_493, %get3A_494, %get3A_495] {strides = array<i32>} : memref<2x256x128xf32, #tpu.memory_space<vmem>>, vector<16xf32>,
        %add3A_497 = arith.addf %get3A_496, %select_n3A_491 : vector<16xf32>
        %swap3A_498 = arith.constant 0 : i32
        %swap3A_499 = arith.index_cast %swap3A_498 : i32 to index
        %swap3A_500 = arith.index_cast %add3A_466 : i32 to index
        %swap3A_501 = arith.constant 16 : index
        %swap3A_502 = tpu.vector_load %arg9[%swap3A_499, %swap3A_500, %swap3A_501] {strides = array<i32>} : memref<2x256x128xf32, #tpu.memory_space<vmem>>, vector<16xf32>,
        tpu.vector_store %arg9[%swap3A_499, %swap3A_500, %swap3A_501], %add3A_497 {strides = array<i32>} : memref<2x256x128xf32, #tpu.memory_space<vmem>>, vector<16xf32>,
        %select_n3A_503 = arith.select %eq3A_476, %get3A_45, %get3A_13 : vector<16xi1>, vector<16xf32>
        %select_n3A_504 = arith.select %eq3A_473, %get3A_29, %select_n3A_503 : vector<16xi1>, vector<16xf32>
        %get3A_505 = arith.constant 0 : i32
        %get3A_506 = arith.index_cast %get3A_505 : i32 to index
        %get3A_507 = arith.index_cast %add3A_466 : i32 to index
        %get3A_508 = arith.constant 32 : index
        %get3A_509 = tpu.vector_load %arg9[%get3A_506, %get3A_507, %get3A_508] {strides = array<i32>} : memref<2x256x128xf32, #tpu.memory_space<vmem>>, vector<16xf32>,
        %add3A_510 = arith.addf %get3A_509, %select_n3A_504 : vector<16xf32>
        %swap3A_511 = arith.constant 0 : i32
        %swap3A_512 = arith.index_cast %swap3A_511 : i32 to index
        %swap3A_513 = arith.index_cast %add3A_466 : i32 to index
        %swap3A_514 = arith.constant 32 : index
        %swap3A_515 = tpu.vector_load %arg9[%swap3A_512, %swap3A_513, %swap3A_514] {strides = array<i32>} : memref<2x256x128xf32, #tpu.memory_space<vmem>>, vector<16xf32>,
        tpu.vector_store %arg9[%swap3A_512, %swap3A_513, %swap3A_514], %add3A_510 {strides = array<i32>} : memref<2x256x128xf32, #tpu.memory_space<vmem>>, vector<16xf32>,
        %select_n3A_516 = arith.select %eq3A_476, %get3A_49, %get3A_17 : vector<16xi1>, vector<16xf32>
        %select_n3A_517 = arith.select %eq3A_473, %get3A_33, %select_n3A_516 : vector<16xi1>, vector<16xf32>
        %get3A_518 = arith.constant 0 : i32
        %get3A_519 = arith.index_cast %get3A_518 : i32 to index
        %get3A_520 = arith.index_cast %add3A_466 : i32 to index
        %get3A_521 = arith.constant 48 : index
        %get3A_522 = tpu.vector_load %arg9[%get3A_519, %get3A_520, %get3A_521] {strides = array<i32>} : memref<2x256x128xf32, #tpu.memory_space<vmem>>, vector<16xf32>,
        %add3A_523 = arith.addf %get3A_522, %select_n3A_517 : vector<16xf32>
        %swap3A_524 = arith.constant 0 : i32
        %swap3A_525 = arith.index_cast %swap3A_524 : i32 to index
        %swap3A_526 = arith.index_cast %add3A_466 : i32 to index
        %swap3A_527 = arith.constant 48 : index
        %swap3A_528 = tpu.vector_load %arg9[%swap3A_525, %swap3A_526, %swap3A_527] {strides = array<i32>} : memref<2x256x128xf32, #tpu.memory_space<vmem>>, vector<16xf32>,
        tpu.vector_store %arg9[%swap3A_525, %swap3A_526, %swap3A_527], %add3A_523 {strides = array<i32>} : memref<2x256x128xf32, #tpu.memory_space<vmem>>, vector<16xf32>,
        %mul3A_529 = arith.constant 16 : i32
        %mul3A_530 = arith.muli %scan3A_198, %mul3A_529 : i32
        %add3A_531 = arith.constant 5 : i32
        %add3A_532 = arith.addi %mul3A_530, %add3A_531 : i32
        %broadcast_in_dim3A_533 = arith.constant 5 : i32
        %broadcast_in_dim3A_534 = vector.broadcast %broadcast_in_dim3A_533 : i32 to vector<16x1xi32>
        %gather3A_535 = vector.shape_cast %broadcast_in_dim3A_534 : vector<16x1xi32> to vector<16xi32>
        %gather3A_536 = tpu.dynamic_gather %get3A_203[%gather3A_535] in [0] : vector<16xi32>, vector<16xi32> -> vector<16xi32>
        %eq3A_537 = arith.constant 1 : i32
        %eq3A_538 = vector.broadcast %eq3A_537 : i32 to vector<16xi32>
        %eq3A_539 = arith.cmpi eq, %gather3A_536, %eq3A_538 : vector<16xi32>
        %eq3A_540 = arith.constant 2 : i32
        %eq3A_541 = vector.broadcast %eq3A_540 : i32 to vector<16xi32>
        %eq3A_542 = arith.cmpi eq, %gather3A_536, %eq3A_541 : vector<16xi32>
        %select_n3A_543 = arith.select %eq3A_542, %get3A_37, %get3A_5 : vector<16xi1>, vector<16xf32>
        %select_n3A_544 = arith.select %eq3A_539, %get3A_21, %select_n3A_543 : vector<16xi1>, vector<16xf32>
        %get3A_545 = arith.constant 0 : i32
        %get3A_546 = arith.index_cast %get3A_545 : i32 to index
        %get3A_547 = arith.index_cast %add3A_532 : i32 to index
        %get3A_548 = arith.constant 0 : index
        %get3A_549 = tpu.vector_load %arg9[%get3A_546, %get3A_547, %get3A_548] {strides = array<i32>} : memref<2x256x128xf32, #tpu.memory_space<vmem>>, vector<16xf32>,
        %add3A_550 = arith.addf %get3A_549, %select_n3A_544 : vector<16xf32>
        %swap3A_551 = arith.constant 0 : i32
        %swap3A_552 = arith.index_cast %swap3A_551 : i32 to index
        %swap3A_553 = arith.index_cast %add3A_532 : i32 to index
        %swap3A_554 = arith.constant 0 : index
        %swap3A_555 = tpu.vector_load %arg9[%swap3A_552, %swap3A_553, %swap3A_554] {strides = array<i32>} : memref<2x256x128xf32, #tpu.memory_space<vmem>>, vector<16xf32>,
        tpu.vector_store %arg9[%swap3A_552, %swap3A_553, %swap3A_554], %add3A_550 {strides = array<i32>} : memref<2x256x128xf32, #tpu.memory_space<vmem>>, vector<16xf32>,
        %select_n3A_556 = arith.select %eq3A_542, %get3A_41, %get3A_9 : vector<16xi1>, vector<16xf32>
        %select_n3A_557 = arith.select %eq3A_539, %get3A_25, %select_n3A_556 : vector<16xi1>, vector<16xf32>
        %get3A_558 = arith.constant 0 : i32
        %get3A_559 = arith.index_cast %get3A_558 : i32 to index
        %get3A_560 = arith.index_cast %add3A_532 : i32 to index
        %get3A_561 = arith.constant 16 : index
        %get3A_562 = tpu.vector_load %arg9[%get3A_559, %get3A_560, %get3A_561] {strides = array<i32>} : memref<2x256x128xf32, #tpu.memory_space<vmem>>, vector<16xf32>,
        %add3A_563 = arith.addf %get3A_562, %select_n3A_557 : vector<16xf32>
        %swap3A_564 = arith.constant 0 : i32
        %swap3A_565 = arith.index_cast %swap3A_564 : i32 to index
        %swap3A_566 = arith.index_cast %add3A_532 : i32 to index
        %swap3A_567 = arith.constant 16 : index
        %swap3A_568 = tpu.vector_load %arg9[%swap3A_565, %swap3A_566, %swap3A_567] {strides = array<i32>} : memref<2x256x128xf32, #tpu.memory_space<vmem>>, vector<16xf32>,
        tpu.vector_store %arg9[%swap3A_565, %swap3A_566, %swap3A_567], %add3A_563 {strides = array<i32>} : memref<2x256x128xf32, #tpu.memory_space<vmem>>, vector<16xf32>,
        %select_n3A_569 = arith.select %eq3A_542, %get3A_45, %get3A_13 : vector<16xi1>, vector<16xf32>
        %select_n3A_570 = arith.select %eq3A_539, %get3A_29, %select_n3A_569 : vector<16xi1>, vector<16xf32>
        %get3A_571 = arith.constant 0 : i32
        %get3A_572 = arith.index_cast %get3A_571 : i32 to index
        %get3A_573 = arith.index_cast %add3A_532 : i32 to index
        %get3A_574 = arith.constant 32 : index
        %get3A_575 = tpu.vector_load %arg9[%get3A_572, %get3A_573, %get3A_574] {strides = array<i32>} : memref<2x256x128xf32, #tpu.memory_space<vmem>>, vector<16xf32>,
        %add3A_576 = arith.addf %get3A_575, %select_n3A_570 : vector<16xf32>
        %swap3A_577 = arith.constant 0 : i32
        %swap3A_578 = arith.index_cast %swap3A_577 : i32 to index
        %swap3A_579 = arith.index_cast %add3A_532 : i32 to index
        %swap3A_580 = arith.constant 32 : index
        %swap3A_581 = tpu.vector_load %arg9[%swap3A_578, %swap3A_579, %swap3A_580] {strides = array<i32>} : memref<2x256x128xf32, #tpu.memory_space<vmem>>, vector<16xf32>,
        tpu.vector_store %arg9[%swap3A_578, %swap3A_579, %swap3A_580], %add3A_576 {strides = array<i32>} : memref<2x256x128xf32, #tpu.memory_space<vmem>>, vector<16xf32>,
        %select_n3A_582 = arith.select %eq3A_542, %get3A_49, %get3A_17 : vector<16xi1>, vector<16xf32>
        %select_n3A_583 = arith.select %eq3A_539, %get3A_33, %select_n3A_582 : vector<16xi1>, vector<16xf32>
        %get3A_584 = arith.constant 0 : i32
        %get3A_585 = arith.index_cast %get3A_584 : i32 to index
        %get3A_586 = arith.index_cast %add3A_532 : i32 to index
        %get3A_587 = arith.constant 48 : index
        %get3A_588 = tpu.vector_load %arg9[%get3A_585, %get3A_586, %get3A_587] {strides = array<i32>} : memref<2x256x128xf32, #tpu.memory_space<vmem>>, vector<16xf32>,
        %add3A_589 = arith.addf %get3A_588, %select_n3A_583 : vector<16xf32>
        %swap3A_590 = arith.constant 0 : i32
        %swap3A_591 = arith.index_cast %swap3A_590 : i32 to index
        %swap3A_592 = arith.index_cast %add3A_532 : i32 to index
        %swap3A_593 = arith.constant 48 : index
        %swap3A_594 = tpu.vector_load %arg9[%swap3A_591, %swap3A_592, %swap3A_593] {strides = array<i32>} : memref<2x256x128xf32, #tpu.memory_space<vmem>>, vector<16xf32>,
        tpu.vector_store %arg9[%swap3A_591, %swap3A_592, %swap3A_593], %add3A_589 {strides = array<i32>} : memref<2x256x128xf32, #tpu.memory_space<vmem>>, vector<16xf32>,
        %mul3A_595 = arith.constant 16 : i32
        %mul3A_596 = arith.muli %scan3A_198, %mul3A_595 : i32
        %add3A_597 = arith.constant 6 : i32
        %add3A_598 = arith.addi %mul3A_596, %add3A_597 : i32
        %broadcast_in_dim3A_599 = arith.constant 6 : i32
        %broadcast_in_dim3A_600 = vector.broadcast %broadcast_in_dim3A_599 : i32 to vector<16x1xi32>
        %gather3A_601 = vector.shape_cast %broadcast_in_dim3A_600 : vector<16x1xi32> to vector<16xi32>
        %gather3A_602 = tpu.dynamic_gather %get3A_203[%gather3A_601] in [0] : vector<16xi32>, vector<16xi32> -> vector<16xi32>
        %eq3A_603 = arith.constant 1 : i32
        %eq3A_604 = vector.broadcast %eq3A_603 : i32 to vector<16xi32>
        %eq3A_605 = arith.cmpi eq, %gather3A_602, %eq3A_604 : vector<16xi32>
        %eq3A_606 = arith.constant 2 : i32
        %eq3A_607 = vector.broadcast %eq3A_606 : i32 to vector<16xi32>
        %eq3A_608 = arith.cmpi eq, %gather3A_602, %eq3A_607 : vector<16xi32>
        %select_n3A_609 = arith.select %eq3A_608, %get3A_37, %get3A_5 : vector<16xi1>, vector<16xf32>
        %select_n3A_610 = arith.select %eq3A_605, %get3A_21, %select_n3A_609 : vector<16xi1>, vector<16xf32>
        %get3A_611 = arith.constant 0 : i32
        %get3A_612 = arith.index_cast %get3A_611 : i32 to index
        %get3A_613 = arith.index_cast %add3A_598 : i32 to index
        %get3A_614 = arith.constant 0 : index
        %get3A_615 = tpu.vector_load %arg9[%get3A_612, %get3A_613, %get3A_614] {strides = array<i32>} : memref<2x256x128xf32, #tpu.memory_space<vmem>>, vector<16xf32>,
        %add3A_616 = arith.addf %get3A_615, %select_n3A_610 : vector<16xf32>
        %swap3A_617 = arith.constant 0 : i32
        %swap3A_618 = arith.index_cast %swap3A_617 : i32 to index
        %swap3A_619 = arith.index_cast %add3A_598 : i32 to index
        %swap3A_620 = arith.constant 0 : index
        %swap3A_621 = tpu.vector_load %arg9[%swap3A_618, %swap3A_619, %swap3A_620] {strides = array<i32>} : memref<2x256x128xf32, #tpu.memory_space<vmem>>, vector<16xf32>,
        tpu.vector_store %arg9[%swap3A_618, %swap3A_619, %swap3A_620], %add3A_616 {strides = array<i32>} : memref<2x256x128xf32, #tpu.memory_space<vmem>>, vector<16xf32>,
        %select_n3A_622 = arith.select %eq3A_608, %get3A_41, %get3A_9 : vector<16xi1>, vector<16xf32>
        %select_n3A_623 = arith.select %eq3A_605, %get3A_25, %select_n3A_622 : vector<16xi1>, vector<16xf32>
        %get3A_624 = arith.constant 0 : i32
        %get3A_625 = arith.index_cast %get3A_624 : i32 to index
        %get3A_626 = arith.index_cast %add3A_598 : i32 to index
        %get3A_627 = arith.constant 16 : index
        %get3A_628 = tpu.vector_load %arg9[%get3A_625, %get3A_626, %get3A_627] {strides = array<i32>} : memref<2x256x128xf32, #tpu.memory_space<vmem>>, vector<16xf32>,
        %add3A_629 = arith.addf %get3A_628, %select_n3A_623 : vector<16xf32>
        %swap3A_630 = arith.constant 0 : i32
        %swap3A_631 = arith.index_cast %swap3A_630 : i32 to index
        %swap3A_632 = arith.index_cast %add3A_598 : i32 to index
        %swap3A_633 = arith.constant 16 : index
        %swap3A_634 = tpu.vector_load %arg9[%swap3A_631, %swap3A_632, %swap3A_633] {strides = array<i32>} : memref<2x256x128xf32, #tpu.memory_space<vmem>>, vector<16xf32>,
        tpu.vector_store %arg9[%swap3A_631, %swap3A_632, %swap3A_633], %add3A_629 {strides = array<i32>} : memref<2x256x128xf32, #tpu.memory_space<vmem>>, vector<16xf32>,
        %select_n3A_635 = arith.select %eq3A_608, %get3A_45, %get3A_13 : vector<16xi1>, vector<16xf32>
        %select_n3A_636 = arith.select %eq3A_605, %get3A_29, %select_n3A_635 : vector<16xi1>, vector<16xf32>
        %get3A_637 = arith.constant 0 : i32
        %get3A_638 = arith.index_cast %get3A_637 : i32 to index
        %get3A_639 = arith.index_cast %add3A_598 : i32 to index
        %get3A_640 = arith.constant 32 : index
        %get3A_641 = tpu.vector_load %arg9[%get3A_638, %get3A_639, %get3A_640] {strides = array<i32>} : memref<2x256x128xf32, #tpu.memory_space<vmem>>, vector<16xf32>,
        %add3A_642 = arith.addf %get3A_641, %select_n3A_636 : vector<16xf32>
        %swap3A_643 = arith.constant 0 : i32
        %swap3A_644 = arith.index_cast %swap3A_643 : i32 to index
        %swap3A_645 = arith.index_cast %add3A_598 : i32 to index
        %swap3A_646 = arith.constant 32 : index
        %swap3A_647 = tpu.vector_load %arg9[%swap3A_644, %swap3A_645, %swap3A_646] {strides = array<i32>} : memref<2x256x128xf32, #tpu.memory_space<vmem>>, vector<16xf32>,
        tpu.vector_store %arg9[%swap3A_644, %swap3A_645, %swap3A_646], %add3A_642 {strides = array<i32>} : memref<2x256x128xf32, #tpu.memory_space<vmem>>, vector<16xf32>,
        %select_n3A_648 = arith.select %eq3A_608, %get3A_49, %get3A_17 : vector<16xi1>, vector<16xf32>
        %select_n3A_649 = arith.select %eq3A_605, %get3A_33, %select_n3A_648 : vector<16xi1>, vector<16xf32>
        %get3A_650 = arith.constant 0 : i32
        %get3A_651 = arith.index_cast %get3A_650 : i32 to index
        %get3A_652 = arith.index_cast %add3A_598 : i32 to index
        %get3A_653 = arith.constant 48 : index
        %get3A_654 = tpu.vector_load %arg9[%get3A_651, %get3A_652, %get3A_653] {strides = array<i32>} : memref<2x256x128xf32, #tpu.memory_space<vmem>>, vector<16xf32>,
        %add3A_655 = arith.addf %get3A_654, %select_n3A_649 : vector<16xf32>
        %swap3A_656 = arith.constant 0 : i32
        %swap3A_657 = arith.index_cast %swap3A_656 : i32 to index
        %swap3A_658 = arith.index_cast %add3A_598 : i32 to index
        %swap3A_659 = arith.constant 48 : index
        %swap3A_660 = tpu.vector_load %arg9[%swap3A_657, %swap3A_658, %swap3A_659] {strides = array<i32>} : memref<2x256x128xf32, #tpu.memory_space<vmem>>, vector<16xf32>,
        tpu.vector_store %arg9[%swap3A_657, %swap3A_658, %swap3A_659], %add3A_655 {strides = array<i32>} : memref<2x256x128xf32, #tpu.memory_space<vmem>>, vector<16xf32>,
        %mul3A_661 = arith.constant 16 : i32
        %mul3A_662 = arith.muli %scan3A_198, %mul3A_661 : i32
        %add3A_663 = arith.constant 7 : i32
        %add3A_664 = arith.addi %mul3A_662, %add3A_663 : i32
        %broadcast_in_dim3A_665 = arith.constant 7 : i32
        %broadcast_in_dim3A_666 = vector.broadcast %broadcast_in_dim3A_665 : i32 to vector<16x1xi32>
        %gather3A_667 = vector.shape_cast %broadcast_in_dim3A_666 : vector<16x1xi32> to vector<16xi32>
        %gather3A_668 = tpu.dynamic_gather %get3A_203[%gather3A_667] in [0] : vector<16xi32>, vector<16xi32> -> vector<16xi32>
        %eq3A_669 = arith.constant 1 : i32
        %eq3A_670 = vector.broadcast %eq3A_669 : i32 to vector<16xi32>
        %eq3A_671 = arith.cmpi eq, %gather3A_668, %eq3A_670 : vector<16xi32>
        %eq3A_672 = arith.constant 2 : i32
        %eq3A_673 = vector.broadcast %eq3A_672 : i32 to vector<16xi32>
        %eq3A_674 = arith.cmpi eq, %gather3A_668, %eq3A_673 : vector<16xi32>
        %select_n3A_675 = arith.select %eq3A_674, %get3A_37, %get3A_5 : vector<16xi1>, vector<16xf32>
        %select_n3A_676 = arith.select %eq3A_671, %get3A_21, %select_n3A_675 : vector<16xi1>, vector<16xf32>
        %get3A_677 = arith.constant 0 : i32
        %get3A_678 = arith.index_cast %get3A_677 : i32 to index
        %get3A_679 = arith.index_cast %add3A_664 : i32 to index
        %get3A_680 = arith.constant 0 : index
        %get3A_681 = tpu.vector_load %arg9[%get3A_678, %get3A_679, %get3A_680] {strides = array<i32>} : memref<2x256x128xf32, #tpu.memory_space<vmem>>, vector<16xf32>,
        %add3A_682 = arith.addf %get3A_681, %select_n3A_676 : vector<16xf32>
        %swap3A_683 = arith.constant 0 : i32
        %swap3A_684 = arith.index_cast %swap3A_683 : i32 to index
        %swap3A_685 = arith.index_cast %add3A_664 : i32 to index
        %swap3A_686 = arith.constant 0 : index
        %swap3A_687 = tpu.vector_load %arg9[%swap3A_684, %swap3A_685, %swap3A_686] {strides = array<i32>} : memref<2x256x128xf32, #tpu.memory_space<vmem>>, vector<16xf32>,
        tpu.vector_store %arg9[%swap3A_684, %swap3A_685, %swap3A_686], %add3A_682 {strides = array<i32>} : memref<2x256x128xf32, #tpu.memory_space<vmem>>, vector<16xf32>,
        %select_n3A_688 = arith.select %eq3A_674, %get3A_41, %get3A_9 : vector<16xi1>, vector<16xf32>
        %select_n3A_689 = arith.select %eq3A_671, %get3A_25, %select_n3A_688 : vector<16xi1>, vector<16xf32>
        %get3A_690 = arith.constant 0 : i32
        %get3A_691 = arith.index_cast %get3A_690 : i32 to index
        %get3A_692 = arith.index_cast %add3A_664 : i32 to index
        %get3A_693 = arith.constant 16 : index
        %get3A_694 = tpu.vector_load %arg9[%get3A_691, %get3A_692, %get3A_693] {strides = array<i32>} : memref<2x256x128xf32, #tpu.memory_space<vmem>>, vector<16xf32>,
        %add3A_695 = arith.addf %get3A_694, %select_n3A_689 : vector<16xf32>
        %swap3A_696 = arith.constant 0 : i32
        %swap3A_697 = arith.index_cast %swap3A_696 : i32 to index
        %swap3A_698 = arith.index_cast %add3A_664 : i32 to index
        %swap3A_699 = arith.constant 16 : index
        %swap3A_700 = tpu.vector_load %arg9[%swap3A_697, %swap3A_698, %swap3A_699] {strides = array<i32>} : memref<2x256x128xf32, #tpu.memory_space<vmem>>, vector<16xf32>,
        tpu.vector_store %arg9[%swap3A_697, %swap3A_698, %swap3A_699], %add3A_695 {strides = array<i32>} : memref<2x256x128xf32, #tpu.memory_space<vmem>>, vector<16xf32>,
        %select_n3A_701 = arith.select %eq3A_674, %get3A_45, %get3A_13 : vector<16xi1>, vector<16xf32>
        %select_n3A_702 = arith.select %eq3A_671, %get3A_29, %select_n3A_701 : vector<16xi1>, vector<16xf32>
        %get3A_703 = arith.constant 0 : i32
        %get3A_704 = arith.index_cast %get3A_703 : i32 to index
        %get3A_705 = arith.index_cast %add3A_664 : i32 to index
        %get3A_706 = arith.constant 32 : index
        %get3A_707 = tpu.vector_load %arg9[%get3A_704, %get3A_705, %get3A_706] {strides = array<i32>} : memref<2x256x128xf32, #tpu.memory_space<vmem>>, vector<16xf32>,
        %add3A_708 = arith.addf %get3A_707, %select_n3A_702 : vector<16xf32>
        %swap3A_709 = arith.constant 0 : i32
        %swap3A_710 = arith.index_cast %swap3A_709 : i32 to index
        %swap3A_711 = arith.index_cast %add3A_664 : i32 to index
        %swap3A_712 = arith.constant 32 : index
        %swap3A_713 = tpu.vector_load %arg9[%swap3A_710, %swap3A_711, %swap3A_712] {strides = array<i32>} : memref<2x256x128xf32, #tpu.memory_space<vmem>>, vector<16xf32>,
        tpu.vector_store %arg9[%swap3A_710, %swap3A_711, %swap3A_712], %add3A_708 {strides = array<i32>} : memref<2x256x128xf32, #tpu.memory_space<vmem>>, vector<16xf32>,
        %select_n3A_714 = arith.select %eq3A_674, %get3A_49, %get3A_17 : vector<16xi1>, vector<16xf32>
        %select_n3A_715 = arith.select %eq3A_671, %get3A_33, %select_n3A_714 : vector<16xi1>, vector<16xf32>
        %get3A_716 = arith.constant 0 : i32
        %get3A_717 = arith.index_cast %get3A_716 : i32 to index
        %get3A_718 = arith.index_cast %add3A_664 : i32 to index
        %get3A_719 = arith.constant 48 : index
        %get3A_720 = tpu.vector_load %arg9[%get3A_717, %get3A_718, %get3A_719] {strides = array<i32>} : memref<2x256x128xf32, #tpu.memory_space<vmem>>, vector<16xf32>,
        %add3A_721 = arith.addf %get3A_720, %select_n3A_715 : vector<16xf32>
        %swap3A_722 = arith.constant 0 : i32
        %swap3A_723 = arith.index_cast %swap3A_722 : i32 to index
        %swap3A_724 = arith.index_cast %add3A_664 : i32 to index
        %swap3A_725 = arith.constant 48 : index
        %swap3A_726 = tpu.vector_load %arg9[%swap3A_723, %swap3A_724, %swap3A_725] {strides = array<i32>} : memref<2x256x128xf32, #tpu.memory_space<vmem>>, vector<16xf32>,
        tpu.vector_store %arg9[%swap3A_723, %swap3A_724, %swap3A_725], %add3A_721 {strides = array<i32>} : memref<2x256x128xf32, #tpu.memory_space<vmem>>, vector<16xf32>,
        %mul3A_727 = arith.constant 16 : i32
        %mul3A_728 = arith.muli %scan3A_198, %mul3A_727 : i32
        %add3A_729 = arith.constant 8 : i32
        %add3A_730 = arith.addi %mul3A_728, %add3A_729 : i32
        %broadcast_in_dim3A_731 = arith.constant 8 : i32
        %broadcast_in_dim3A_732 = vector.broadcast %broadcast_in_dim3A_731 : i32 to vector<16x1xi32>
        %gather3A_733 = vector.shape_cast %broadcast_in_dim3A_732 : vector<16x1xi32> to vector<16xi32>
        %gather3A_734 = tpu.dynamic_gather %get3A_203[%gather3A_733] in [0] : vector<16xi32>, vector<16xi32> -> vector<16xi32>
        %eq3A_735 = arith.constant 1 : i32
        %eq3A_736 = vector.broadcast %eq3A_735 : i32 to vector<16xi32>
        %eq3A_737 = arith.cmpi eq, %gather3A_734, %eq3A_736 : vector<16xi32>
        %eq3A_738 = arith.constant 2 : i32
        %eq3A_739 = vector.broadcast %eq3A_738 : i32 to vector<16xi32>
        %eq3A_740 = arith.cmpi eq, %gather3A_734, %eq3A_739 : vector<16xi32>
        %select_n3A_741 = arith.select %eq3A_740, %get3A_37, %get3A_5 : vector<16xi1>, vector<16xf32>
        %select_n3A_742 = arith.select %eq3A_737, %get3A_21, %select_n3A_741 : vector<16xi1>, vector<16xf32>
        %get3A_743 = arith.constant 0 : i32
        %get3A_744 = arith.index_cast %get3A_743 : i32 to index
        %get3A_745 = arith.index_cast %add3A_730 : i32 to index
        %get3A_746 = arith.constant 0 : index
        %get3A_747 = tpu.vector_load %arg9[%get3A_744, %get3A_745, %get3A_746] {strides = array<i32>} : memref<2x256x128xf32, #tpu.memory_space<vmem>>, vector<16xf32>,
        %add3A_748 = arith.addf %get3A_747, %select_n3A_742 : vector<16xf32>
        %swap3A_749 = arith.constant 0 : i32
        %swap3A_750 = arith.index_cast %swap3A_749 : i32 to index
        %swap3A_751 = arith.index_cast %add3A_730 : i32 to index
        %swap3A_752 = arith.constant 0 : index
        %swap3A_753 = tpu.vector_load %arg9[%swap3A_750, %swap3A_751, %swap3A_752] {strides = array<i32>} : memref<2x256x128xf32, #tpu.memory_space<vmem>>, vector<16xf32>,
        tpu.vector_store %arg9[%swap3A_750, %swap3A_751, %swap3A_752], %add3A_748 {strides = array<i32>} : memref<2x256x128xf32, #tpu.memory_space<vmem>>, vector<16xf32>,
        %select_n3A_754 = arith.select %eq3A_740, %get3A_41, %get3A_9 : vector<16xi1>, vector<16xf32>
        %select_n3A_755 = arith.select %eq3A_737, %get3A_25, %select_n3A_754 : vector<16xi1>, vector<16xf32>
        %get3A_756 = arith.constant 0 : i32
        %get3A_757 = arith.index_cast %get3A_756 : i32 to index
        %get3A_758 = arith.index_cast %add3A_730 : i32 to index
        %get3A_759 = arith.constant 16 : index
        %get3A_760 = tpu.vector_load %arg9[%get3A_757, %get3A_758, %get3A_759] {strides = array<i32>} : memref<2x256x128xf32, #tpu.memory_space<vmem>>, vector<16xf32>,
        %add3A_761 = arith.addf %get3A_760, %select_n3A_755 : vector<16xf32>
        %swap3A_762 = arith.constant 0 : i32
        %swap3A_763 = arith.index_cast %swap3A_762 : i32 to index
        %swap3A_764 = arith.index_cast %add3A_730 : i32 to index
        %swap3A_765 = arith.constant 16 : index
        %swap3A_766 = tpu.vector_load %arg9[%swap3A_763, %swap3A_764, %swap3A_765] {strides = array<i32>} : memref<2x256x128xf32, #tpu.memory_space<vmem>>, vector<16xf32>,
        tpu.vector_store %arg9[%swap3A_763, %swap3A_764, %swap3A_765], %add3A_761 {strides = array<i32>} : memref<2x256x128xf32, #tpu.memory_space<vmem>>, vector<16xf32>,
        %select_n3A_767 = arith.select %eq3A_740, %get3A_45, %get3A_13 : vector<16xi1>, vector<16xf32>
        %select_n3A_768 = arith.select %eq3A_737, %get3A_29, %select_n3A_767 : vector<16xi1>, vector<16xf32>
        %get3A_769 = arith.constant 0 : i32
        %get3A_770 = arith.index_cast %get3A_769 : i32 to index
        %get3A_771 = arith.index_cast %add3A_730 : i32 to index
        %get3A_772 = arith.constant 32 : index
        %get3A_773 = tpu.vector_load %arg9[%get3A_770, %get3A_771, %get3A_772] {strides = array<i32>} : memref<2x256x128xf32, #tpu.memory_space<vmem>>, vector<16xf32>,
        %add3A_774 = arith.addf %get3A_773, %select_n3A_768 : vector<16xf32>
        %swap3A_775 = arith.constant 0 : i32
        %swap3A_776 = arith.index_cast %swap3A_775 : i32 to index
        %swap3A_777 = arith.index_cast %add3A_730 : i32 to index
        %swap3A_778 = arith.constant 32 : index
        %swap3A_779 = tpu.vector_load %arg9[%swap3A_776, %swap3A_777, %swap3A_778] {strides = array<i32>} : memref<2x256x128xf32, #tpu.memory_space<vmem>>, vector<16xf32>,
        tpu.vector_store %arg9[%swap3A_776, %swap3A_777, %swap3A_778], %add3A_774 {strides = array<i32>} : memref<2x256x128xf32, #tpu.memory_space<vmem>>, vector<16xf32>,
        %select_n3A_780 = arith.select %eq3A_740, %get3A_49, %get3A_17 : vector<16xi1>, vector<16xf32>
        %select_n3A_781 = arith.select %eq3A_737, %get3A_33, %select_n3A_780 : vector<16xi1>, vector<16xf32>
        %get3A_782 = arith.constant 0 : i32
        %get3A_783 = arith.index_cast %get3A_782 : i32 to index
        %get3A_784 = arith.index_cast %add3A_730 : i32 to index
        %get3A_785 = arith.constant 48 : index
        %get3A_786 = tpu.vector_load %arg9[%get3A_783, %get3A_784, %get3A_785] {strides = array<i32>} : memref<2x256x128xf32, #tpu.memory_space<vmem>>, vector<16xf32>,
        %add3A_787 = arith.addf %get3A_786, %select_n3A_781 : vector<16xf32>
        %swap3A_788 = arith.constant 0 : i32
        %swap3A_789 = arith.index_cast %swap3A_788 : i32 to index
        %swap3A_790 = arith.index_cast %add3A_730 : i32 to index
        %swap3A_791 = arith.constant 48 : index
        %swap3A_792 = tpu.vector_load %arg9[%swap3A_789, %swap3A_790, %swap3A_791] {strides = array<i32>} : memref<2x256x128xf32, #tpu.memory_space<vmem>>, vector<16xf32>,
        tpu.vector_store %arg9[%swap3A_789, %swap3A_790, %swap3A_791], %add3A_787 {strides = array<i32>} : memref<2x256x128xf32, #tpu.memory_space<vmem>>, vector<16xf32>,
        %mul3A_793 = arith.constant 16 : i32
        %mul3A_794 = arith.muli %scan3A_198, %mul3A_793 : i32
        %add3A_795 = arith.constant 9 : i32
        %add3A_796 = arith.addi %mul3A_794, %add3A_795 : i32
        %broadcast_in_dim3A_797 = arith.constant 9 : i32
        %broadcast_in_dim3A_798 = vector.broadcast %broadcast_in_dim3A_797 : i32 to vector<16x1xi32>
        %gather3A_799 = vector.shape_cast %broadcast_in_dim3A_798 : vector<16x1xi32> to vector<16xi32>
        %gather3A_800 = tpu.dynamic_gather %get3A_203[%gather3A_799] in [0] : vector<16xi32>, vector<16xi32> -> vector<16xi32>
        %eq3A_801 = arith.constant 1 : i32
        %eq3A_802 = vector.broadcast %eq3A_801 : i32 to vector<16xi32>
        %eq3A_803 = arith.cmpi eq, %gather3A_800, %eq3A_802 : vector<16xi32>
        %eq3A_804 = arith.constant 2 : i32
        %eq3A_805 = vector.broadcast %eq3A_804 : i32 to vector<16xi32>
        %eq3A_806 = arith.cmpi eq, %gather3A_800, %eq3A_805 : vector<16xi32>
        %select_n3A_807 = arith.select %eq3A_806, %get3A_37, %get3A_5 : vector<16xi1>, vector<16xf32>
        %select_n3A_808 = arith.select %eq3A_803, %get3A_21, %select_n3A_807 : vector<16xi1>, vector<16xf32>
        %get3A_809 = arith.constant 0 : i32
        %get3A_810 = arith.index_cast %get3A_809 : i32 to index
        %get3A_811 = arith.index_cast %add3A_796 : i32 to index
        %get3A_812 = arith.constant 0 : index
        %get3A_813 = tpu.vector_load %arg9[%get3A_810, %get3A_811, %get3A_812] {strides = array<i32>} : memref<2x256x128xf32, #tpu.memory_space<vmem>>, vector<16xf32>,
        %add3A_814 = arith.addf %get3A_813, %select_n3A_808 : vector<16xf32>
        %swap3A_815 = arith.constant 0 : i32
        %swap3A_816 = arith.index_cast %swap3A_815 : i32 to index
        %swap3A_817 = arith.index_cast %add3A_796 : i32 to index
        %swap3A_818 = arith.constant 0 : index
        %swap3A_819 = tpu.vector_load %arg9[%swap3A_816, %swap3A_817, %swap3A_818] {strides = array<i32>} : memref<2x256x128xf32, #tpu.memory_space<vmem>>, vector<16xf32>,
        tpu.vector_store %arg9[%swap3A_816, %swap3A_817, %swap3A_818], %add3A_814 {strides = array<i32>} : memref<2x256x128xf32, #tpu.memory_space<vmem>>, vector<16xf32>,
        %select_n3A_820 = arith.select %eq3A_806, %get3A_41, %get3A_9 : vector<16xi1>, vector<16xf32>
        %select_n3A_821 = arith.select %eq3A_803, %get3A_25, %select_n3A_820 : vector<16xi1>, vector<16xf32>
        %get3A_822 = arith.constant 0 : i32
        %get3A_823 = arith.index_cast %get3A_822 : i32 to index
        %get3A_824 = arith.index_cast %add3A_796 : i32 to index
        %get3A_825 = arith.constant 16 : index
        %get3A_826 = tpu.vector_load %arg9[%get3A_823, %get3A_824, %get3A_825] {strides = array<i32>} : memref<2x256x128xf32, #tpu.memory_space<vmem>>, vector<16xf32>,
        %add3A_827 = arith.addf %get3A_826, %select_n3A_821 : vector<16xf32>
        %swap3A_828 = arith.constant 0 : i32
        %swap3A_829 = arith.index_cast %swap3A_828 : i32 to index
        %swap3A_830 = arith.index_cast %add3A_796 : i32 to index
        %swap3A_831 = arith.constant 16 : index
        %swap3A_832 = tpu.vector_load %arg9[%swap3A_829, %swap3A_830, %swap3A_831] {strides = array<i32>} : memref<2x256x128xf32, #tpu.memory_space<vmem>>, vector<16xf32>,
        tpu.vector_store %arg9[%swap3A_829, %swap3A_830, %swap3A_831], %add3A_827 {strides = array<i32>} : memref<2x256x128xf32, #tpu.memory_space<vmem>>, vector<16xf32>,
        %select_n3A_833 = arith.select %eq3A_806, %get3A_45, %get3A_13 : vector<16xi1>, vector<16xf32>
        %select_n3A_834 = arith.select %eq3A_803, %get3A_29, %select_n3A_833 : vector<16xi1>, vector<16xf32>
        %get3A_835 = arith.constant 0 : i32
        %get3A_836 = arith.index_cast %get3A_835 : i32 to index
        %get3A_837 = arith.index_cast %add3A_796 : i32 to index
        %get3A_838 = arith.constant 32 : index
        %get3A_839 = tpu.vector_load %arg9[%get3A_836, %get3A_837, %get3A_838] {strides = array<i32>} : memref<2x256x128xf32, #tpu.memory_space<vmem>>, vector<16xf32>,
        %add3A_840 = arith.addf %get3A_839, %select_n3A_834 : vector<16xf32>
        %swap3A_841 = arith.constant 0 : i32
        %swap3A_842 = arith.index_cast %swap3A_841 : i32 to index
        %swap3A_843 = arith.index_cast %add3A_796 : i32 to index
        %swap3A_844 = arith.constant 32 : index
        %swap3A_845 = tpu.vector_load %arg9[%swap3A_842, %swap3A_843, %swap3A_844] {strides = array<i32>} : memref<2x256x128xf32, #tpu.memory_space<vmem>>, vector<16xf32>,
        tpu.vector_store %arg9[%swap3A_842, %swap3A_843, %swap3A_844], %add3A_840 {strides = array<i32>} : memref<2x256x128xf32, #tpu.memory_space<vmem>>, vector<16xf32>,
        %select_n3A_846 = arith.select %eq3A_806, %get3A_49, %get3A_17 : vector<16xi1>, vector<16xf32>
        %select_n3A_847 = arith.select %eq3A_803, %get3A_33, %select_n3A_846 : vector<16xi1>, vector<16xf32>
        %get3A_848 = arith.constant 0 : i32
        %get3A_849 = arith.index_cast %get3A_848 : i32 to index
        %get3A_850 = arith.index_cast %add3A_796 : i32 to index
        %get3A_851 = arith.constant 48 : index
        %get3A_852 = tpu.vector_load %arg9[%get3A_849, %get3A_850, %get3A_851] {strides = array<i32>} : memref<2x256x128xf32, #tpu.memory_space<vmem>>, vector<16xf32>,
        %add3A_853 = arith.addf %get3A_852, %select_n3A_847 : vector<16xf32>
        %swap3A_854 = arith.constant 0 : i32
        %swap3A_855 = arith.index_cast %swap3A_854 : i32 to index
        %swap3A_856 = arith.index_cast %add3A_796 : i32 to index
        %swap3A_857 = arith.constant 48 : index
        %swap3A_858 = tpu.vector_load %arg9[%swap3A_855, %swap3A_856, %swap3A_857] {strides = array<i32>} : memref<2x256x128xf32, #tpu.memory_space<vmem>>, vector<16xf32>,
        tpu.vector_store %arg9[%swap3A_855, %swap3A_856, %swap3A_857], %add3A_853 {strides = array<i32>} : memref<2x256x128xf32, #tpu.memory_space<vmem>>, vector<16xf32>,
        %mul3A_859 = arith.constant 16 : i32
        %mul3A_860 = arith.muli %scan3A_198, %mul3A_859 : i32
        %add3A_861 = arith.constant 10 : i32
        %add3A_862 = arith.addi %mul3A_860, %add3A_861 : i32
        %broadcast_in_dim3A_863 = arith.constant 10 : i32
        %broadcast_in_dim3A_864 = vector.broadcast %broadcast_in_dim3A_863 : i32 to vector<16x1xi32>
        %gather3A_865 = vector.shape_cast %broadcast_in_dim3A_864 : vector<16x1xi32> to vector<16xi32>
        %gather3A_866 = tpu.dynamic_gather %get3A_203[%gather3A_865] in [0] : vector<16xi32>, vector<16xi32> -> vector<16xi32>
        %eq3A_867 = arith.constant 1 : i32
        %eq3A_868 = vector.broadcast %eq3A_867 : i32 to vector<16xi32>
        %eq3A_869 = arith.cmpi eq, %gather3A_866, %eq3A_868 : vector<16xi32>
        %eq3A_870 = arith.constant 2 : i32
        %eq3A_871 = vector.broadcast %eq3A_870 : i32 to vector<16xi32>
        %eq3A_872 = arith.cmpi eq, %gather3A_866, %eq3A_871 : vector<16xi32>
        %select_n3A_873 = arith.select %eq3A_872, %get3A_37, %get3A_5 : vector<16xi1>, vector<16xf32>
        %select_n3A_874 = arith.select %eq3A_869, %get3A_21, %select_n3A_873 : vector<16xi1>, vector<16xf32>
        %get3A_875 = arith.constant 0 : i32
        %get3A_876 = arith.index_cast %get3A_875 : i32 to index
        %get3A_877 = arith.index_cast %add3A_862 : i32 to index
        %get3A_878 = arith.constant 0 : index
        %get3A_879 = tpu.vector_load %arg9[%get3A_876, %get3A_877, %get3A_878] {strides = array<i32>} : memref<2x256x128xf32, #tpu.memory_space<vmem>>, vector<16xf32>,
        %add3A_880 = arith.addf %get3A_879, %select_n3A_874 : vector<16xf32>
        %swap3A_881 = arith.constant 0 : i32
        %swap3A_882 = arith.index_cast %swap3A_881 : i32 to index
        %swap3A_883 = arith.index_cast %add3A_862 : i32 to index
        %swap3A_884 = arith.constant 0 : index
        %swap3A_885 = tpu.vector_load %arg9[%swap3A_882, %swap3A_883, %swap3A_884] {strides = array<i32>} : memref<2x256x128xf32, #tpu.memory_space<vmem>>, vector<16xf32>,
        tpu.vector_store %arg9[%swap3A_882, %swap3A_883, %swap3A_884], %add3A_880 {strides = array<i32>} : memref<2x256x128xf32, #tpu.memory_space<vmem>>, vector<16xf32>,
        %select_n3A_886 = arith.select %eq3A_872, %get3A_41, %get3A_9 : vector<16xi1>, vector<16xf32>
        %select_n3A_887 = arith.select %eq3A_869, %get3A_25, %select_n3A_886 : vector<16xi1>, vector<16xf32>
        %get3A_888 = arith.constant 0 : i32
        %get3A_889 = arith.index_cast %get3A_888 : i32 to index
        %get3A_890 = arith.index_cast %add3A_862 : i32 to index
        %get3A_891 = arith.constant 16 : index
        %get3A_892 = tpu.vector_load %arg9[%get3A_889, %get3A_890, %get3A_891] {strides = array<i32>} : memref<2x256x128xf32, #tpu.memory_space<vmem>>, vector<16xf32>,
        %add3A_893 = arith.addf %get3A_892, %select_n3A_887 : vector<16xf32>
        %swap3A_894 = arith.constant 0 : i32
        %swap3A_895 = arith.index_cast %swap3A_894 : i32 to index
        %swap3A_896 = arith.index_cast %add3A_862 : i32 to index
        %swap3A_897 = arith.constant 16 : index
        %swap3A_898 = tpu.vector_load %arg9[%swap3A_895, %swap3A_896, %swap3A_897] {strides = array<i32>} : memref<2x256x128xf32, #tpu.memory_space<vmem>>, vector<16xf32>,
        tpu.vector_store %arg9[%swap3A_895, %swap3A_896, %swap3A_897], %add3A_893 {strides = array<i32>} : memref<2x256x128xf32, #tpu.memory_space<vmem>>, vector<16xf32>,
        %select_n3A_899 = arith.select %eq3A_872, %get3A_45, %get3A_13 : vector<16xi1>, vector<16xf32>
        %select_n3A_900 = arith.select %eq3A_869, %get3A_29, %select_n3A_899 : vector<16xi1>, vector<16xf32>
        %get3A_901 = arith.constant 0 : i32
        %get3A_902 = arith.index_cast %get3A_901 : i32 to index
        %get3A_903 = arith.index_cast %add3A_862 : i32 to index
        %get3A_904 = arith.constant 32 : index
        %get3A_905 = tpu.vector_load %arg9[%get3A_902, %get3A_903, %get3A_904] {strides = array<i32>} : memref<2x256x128xf32, #tpu.memory_space<vmem>>, vector<16xf32>,
        %add3A_906 = arith.addf %get3A_905, %select_n3A_900 : vector<16xf32>
        %swap3A_907 = arith.constant 0 : i32
        %swap3A_908 = arith.index_cast %swap3A_907 : i32 to index
        %swap3A_909 = arith.index_cast %add3A_862 : i32 to index
        %swap3A_910 = arith.constant 32 : index
        %swap3A_911 = tpu.vector_load %arg9[%swap3A_908, %swap3A_909, %swap3A_910] {strides = array<i32>} : memref<2x256x128xf32, #tpu.memory_space<vmem>>, vector<16xf32>,
        tpu.vector_store %arg9[%swap3A_908, %swap3A_909, %swap3A_910], %add3A_906 {strides = array<i32>} : memref<2x256x128xf32, #tpu.memory_space<vmem>>, vector<16xf32>,
        %select_n3A_912 = arith.select %eq3A_872, %get3A_49, %get3A_17 : vector<16xi1>, vector<16xf32>
        %select_n3A_913 = arith.select %eq3A_869, %get3A_33, %select_n3A_912 : vector<16xi1>, vector<16xf32>
        %get3A_914 = arith.constant 0 : i32
        %get3A_915 = arith.index_cast %get3A_914 : i32 to index
        %get3A_916 = arith.index_cast %add3A_862 : i32 to index
        %get3A_917 = arith.constant 48 : index
        %get3A_918 = tpu.vector_load %arg9[%get3A_915, %get3A_916, %get3A_917] {strides = array<i32>} : memref<2x256x128xf32, #tpu.memory_space<vmem>>, vector<16xf32>,
        %add3A_919 = arith.addf %get3A_918, %select_n3A_913 : vector<16xf32>
        %swap3A_920 = arith.constant 0 : i32
        %swap3A_921 = arith.index_cast %swap3A_920 : i32 to index
        %swap3A_922 = arith.index_cast %add3A_862 : i32 to index
        %swap3A_923 = arith.constant 48 : index
        %swap3A_924 = tpu.vector_load %arg9[%swap3A_921, %swap3A_922, %swap3A_923] {strides = array<i32>} : memref<2x256x128xf32, #tpu.memory_space<vmem>>, vector<16xf32>,
        tpu.vector_store %arg9[%swap3A_921, %swap3A_922, %swap3A_923], %add3A_919 {strides = array<i32>} : memref<2x256x128xf32, #tpu.memory_space<vmem>>, vector<16xf32>,
        %mul3A_925 = arith.constant 16 : i32
        %mul3A_926 = arith.muli %scan3A_198, %mul3A_925 : i32
        %add3A_927 = arith.constant 11 : i32
        %add3A_928 = arith.addi %mul3A_926, %add3A_927 : i32
        %broadcast_in_dim3A_929 = arith.constant 11 : i32
        %broadcast_in_dim3A_930 = vector.broadcast %broadcast_in_dim3A_929 : i32 to vector<16x1xi32>
        %gather3A_931 = vector.shape_cast %broadcast_in_dim3A_930 : vector<16x1xi32> to vector<16xi32>
        %gather3A_932 = tpu.dynamic_gather %get3A_203[%gather3A_931] in [0] : vector<16xi32>, vector<16xi32> -> vector<16xi32>
        %eq3A_933 = arith.constant 1 : i32
        %eq3A_934 = vector.broadcast %eq3A_933 : i32 to vector<16xi32>
        %eq3A_935 = arith.cmpi eq, %gather3A_932, %eq3A_934 : vector<16xi32>
        %eq3A_936 = arith.constant 2 : i32
        %eq3A_937 = vector.broadcast %eq3A_936 : i32 to vector<16xi32>
        %eq3A_938 = arith.cmpi eq, %gather3A_932, %eq3A_937 : vector<16xi32>
        %select_n3A_939 = arith.select %eq3A_938, %get3A_37, %get3A_5 : vector<16xi1>, vector<16xf32>
        %select_n3A_940 = arith.select %eq3A_935, %get3A_21, %select_n3A_939 : vector<16xi1>, vector<16xf32>
        %get3A_941 = arith.constant 0 : i32
        %get3A_942 = arith.index_cast %get3A_941 : i32 to index
        %get3A_943 = arith.index_cast %add3A_928 : i32 to index
        %get3A_944 = arith.constant 0 : index
        %get3A_945 = tpu.vector_load %arg9[%get3A_942, %get3A_943, %get3A_944] {strides = array<i32>} : memref<2x256x128xf32, #tpu.memory_space<vmem>>, vector<16xf32>,
        %add3A_946 = arith.addf %get3A_945, %select_n3A_940 : vector<16xf32>
        %swap3A_947 = arith.constant 0 : i32
        %swap3A_948 = arith.index_cast %swap3A_947 : i32 to index
        %swap3A_949 = arith.index_cast %add3A_928 : i32 to index
        %swap3A_950 = arith.constant 0 : index
        %swap3A_951 = tpu.vector_load %arg9[%swap3A_948, %swap3A_949, %swap3A_950] {strides = array<i32>} : memref<2x256x128xf32, #tpu.memory_space<vmem>>, vector<16xf32>,
        tpu.vector_store %arg9[%swap3A_948, %swap3A_949, %swap3A_950], %add3A_946 {strides = array<i32>} : memref<2x256x128xf32, #tpu.memory_space<vmem>>, vector<16xf32>,
        %select_n3A_952 = arith.select %eq3A_938, %get3A_41, %get3A_9 : vector<16xi1>, vector<16xf32>
        %select_n3A_953 = arith.select %eq3A_935, %get3A_25, %select_n3A_952 : vector<16xi1>, vector<16xf32>
        %get3A_954 = arith.constant 0 : i32
        %get3A_955 = arith.index_cast %get3A_954 : i32 to index
        %get3A_956 = arith.index_cast %add3A_928 : i32 to index
        %get3A_957 = arith.constant 16 : index
        %get3A_958 = tpu.vector_load %arg9[%get3A_955, %get3A_956, %get3A_957] {strides = array<i32>} : memref<2x256x128xf32, #tpu.memory_space<vmem>>, vector<16xf32>,
        %add3A_959 = arith.addf %get3A_958, %select_n3A_953 : vector<16xf32>
        %swap3A_960 = arith.constant 0 : i32
        %swap3A_961 = arith.index_cast %swap3A_960 : i32 to index
        %swap3A_962 = arith.index_cast %add3A_928 : i32 to index
        %swap3A_963 = arith.constant 16 : index
        %swap3A_964 = tpu.vector_load %arg9[%swap3A_961, %swap3A_962, %swap3A_963] {strides = array<i32>} : memref<2x256x128xf32, #tpu.memory_space<vmem>>, vector<16xf32>,
        tpu.vector_store %arg9[%swap3A_961, %swap3A_962, %swap3A_963], %add3A_959 {strides = array<i32>} : memref<2x256x128xf32, #tpu.memory_space<vmem>>, vector<16xf32>,
        %select_n3A_965 = arith.select %eq3A_938, %get3A_45, %get3A_13 : vector<16xi1>, vector<16xf32>
        %select_n3A_966 = arith.select %eq3A_935, %get3A_29, %select_n3A_965 : vector<16xi1>, vector<16xf32>
        %get3A_967 = arith.constant 0 : i32
        %get3A_968 = arith.index_cast %get3A_967 : i32 to index
        %get3A_969 = arith.index_cast %add3A_928 : i32 to index
        %get3A_970 = arith.constant 32 : index
        %get3A_971 = tpu.vector_load %arg9[%get3A_968, %get3A_969, %get3A_970] {strides = array<i32>} : memref<2x256x128xf32, #tpu.memory_space<vmem>>, vector<16xf32>,
        %add3A_972 = arith.addf %get3A_971, %select_n3A_966 : vector<16xf32>
        %swap3A_973 = arith.constant 0 : i32
        %swap3A_974 = arith.index_cast %swap3A_973 : i32 to index
        %swap3A_975 = arith.index_cast %add3A_928 : i32 to index
        %swap3A_976 = arith.constant 32 : index
        %swap3A_977 = tpu.vector_load %arg9[%swap3A_974, %swap3A_975, %swap3A_976] {strides = array<i32>} : memref<2x256x128xf32, #tpu.memory_space<vmem>>, vector<16xf32>,
        tpu.vector_store %arg9[%swap3A_974, %swap3A_975, %swap3A_976], %add3A_972 {strides = array<i32>} : memref<2x256x128xf32, #tpu.memory_space<vmem>>, vector<16xf32>,
        %select_n3A_978 = arith.select %eq3A_938, %get3A_49, %get3A_17 : vector<16xi1>, vector<16xf32>
        %select_n3A_979 = arith.select %eq3A_935, %get3A_33, %select_n3A_978 : vector<16xi1>, vector<16xf32>
        %get3A_980 = arith.constant 0 : i32
        %get3A_981 = arith.index_cast %get3A_980 : i32 to index
        %get3A_982 = arith.index_cast %add3A_928 : i32 to index
        %get3A_983 = arith.constant 48 : index
        %get3A_984 = tpu.vector_load %arg9[%get3A_981, %get3A_982, %get3A_983] {strides = array<i32>} : memref<2x256x128xf32, #tpu.memory_space<vmem>>, vector<16xf32>,
        %add3A_985 = arith.addf %get3A_984, %select_n3A_979 : vector<16xf32>
        %swap3A_986 = arith.constant 0 : i32
        %swap3A_987 = arith.index_cast %swap3A_986 : i32 to index
        %swap3A_988 = arith.index_cast %add3A_928 : i32 to index
        %swap3A_989 = arith.constant 48 : index
        %swap3A_990 = tpu.vector_load %arg9[%swap3A_987, %swap3A_988, %swap3A_989] {strides = array<i32>} : memref<2x256x128xf32, #tpu.memory_space<vmem>>, vector<16xf32>,
        tpu.vector_store %arg9[%swap3A_987, %swap3A_988, %swap3A_989], %add3A_985 {strides = array<i32>} : memref<2x256x128xf32, #tpu.memory_space<vmem>>, vector<16xf32>,
        %mul3A_991 = arith.constant 16 : i32
        %mul3A_992 = arith.muli %scan3A_198, %mul3A_991 : i32
        %add3A_993 = arith.constant 12 : i32
        %add3A_994 = arith.addi %mul3A_992, %add3A_993 : i32
        %broadcast_in_dim3A_995 = arith.constant 12 : i32
        %broadcast_in_dim3A_996 = vector.broadcast %broadcast_in_dim3A_995 : i32 to vector<16x1xi32>
        %gather3A_997 = vector.shape_cast %broadcast_in_dim3A_996 : vector<16x1xi32> to vector<16xi32>
        %gather3A_998 = tpu.dynamic_gather %get3A_203[%gather3A_997] in [0] : vector<16xi32>, vector<16xi32> -> vector<16xi32>
        %eq3A_999 = arith.constant 1 : i32
        %eq3A_1000 = vector.broadcast %eq3A_999 : i32 to vector<16xi32>
        %eq3A_1001 = arith.cmpi eq, %gather3A_998, %eq3A_1000 : vector<16xi32>
        %eq3A_1002 = arith.constant 2 : i32
        %eq3A_1003 = vector.broadcast %eq3A_1002 : i32 to vector<16xi32>
        %eq3A_1004 = arith.cmpi eq, %gather3A_998, %eq3A_1003 : vector<16xi32>
        %select_n3A_1005 = arith.select %eq3A_1004, %get3A_37, %get3A_5 : vector<16xi1>, vector<16xf32>
        %select_n3A_1006 = arith.select %eq3A_1001, %get3A_21, %select_n3A_1005 : vector<16xi1>, vector<16xf32>
        %get3A_1007 = arith.constant 0 : i32
        %get3A_1008 = arith.index_cast %get3A_1007 : i32 to index
        %get3A_1009 = arith.index_cast %add3A_994 : i32 to index
        %get3A_1010 = arith.constant 0 : index
        %get3A_1011 = tpu.vector_load %arg9[%get3A_1008, %get3A_1009, %get3A_1010] {strides = array<i32>} : memref<2x256x128xf32, #tpu.memory_space<vmem>>, vector<16xf32>,
        %add3A_1012 = arith.addf %get3A_1011, %select_n3A_1006 : vector<16xf32>
        %swap3A_1013 = arith.constant 0 : i32
        %swap3A_1014 = arith.index_cast %swap3A_1013 : i32 to index
        %swap3A_1015 = arith.index_cast %add3A_994 : i32 to index
        %swap3A_1016 = arith.constant 0 : index
        %swap3A_1017 = tpu.vector_load %arg9[%swap3A_1014, %swap3A_1015, %swap3A_1016] {strides = array<i32>} : memref<2x256x128xf32, #tpu.memory_space<vmem>>, vector<16xf32>,
        tpu.vector_store %arg9[%swap3A_1014, %swap3A_1015, %swap3A_1016], %add3A_1012 {strides = array<i32>} : memref<2x256x128xf32, #tpu.memory_space<vmem>>, vector<16xf32>,
        %select_n3A_1018 = arith.select %eq3A_1004, %get3A_41, %get3A_9 : vector<16xi1>, vector<16xf32>
        %select_n3A_1019 = arith.select %eq3A_1001, %get3A_25, %select_n3A_1018 : vector<16xi1>, vector<16xf32>
        %get3A_1020 = arith.constant 0 : i32
        %get3A_1021 = arith.index_cast %get3A_1020 : i32 to index
        %get3A_1022 = arith.index_cast %add3A_994 : i32 to index
        %get3A_1023 = arith.constant 16 : index
        %get3A_1024 = tpu.vector_load %arg9[%get3A_1021, %get3A_1022, %get3A_1023] {strides = array<i32>} : memref<2x256x128xf32, #tpu.memory_space<vmem>>, vector<16xf32>,
        %add3A_1025 = arith.addf %get3A_1024, %select_n3A_1019 : vector<16xf32>
        %swap3A_1026 = arith.constant 0 : i32
        %swap3A_1027 = arith.index_cast %swap3A_1026 : i32 to index
        %swap3A_1028 = arith.index_cast %add3A_994 : i32 to index
        %swap3A_1029 = arith.constant 16 : index
        %swap3A_1030 = tpu.vector_load %arg9[%swap3A_1027, %swap3A_1028, %swap3A_1029] {strides = array<i32>} : memref<2x256x128xf32, #tpu.memory_space<vmem>>, vector<16xf32>,
        tpu.vector_store %arg9[%swap3A_1027, %swap3A_1028, %swap3A_1029], %add3A_1025 {strides = array<i32>} : memref<2x256x128xf32, #tpu.memory_space<vmem>>, vector<16xf32>,
        %select_n3A_1031 = arith.select %eq3A_1004, %get3A_45, %get3A_13 : vector<16xi1>, vector<16xf32>
        %select_n3A_1032 = arith.select %eq3A_1001, %get3A_29, %select_n3A_1031 : vector<16xi1>, vector<16xf32>
        %get3A_1033 = arith.constant 0 : i32
        %get3A_1034 = arith.index_cast %get3A_1033 : i32 to index
        %get3A_1035 = arith.index_cast %add3A_994 : i32 to index
        %get3A_1036 = arith.constant 32 : index
        %get3A_1037 = tpu.vector_load %arg9[%get3A_1034, %get3A_1035, %get3A_1036] {strides = array<i32>} : memref<2x256x128xf32, #tpu.memory_space<vmem>>, vector<16xf32>,
        %add3A_1038 = arith.addf %get3A_1037, %select_n3A_1032 : vector<16xf32>
        %swap3A_1039 = arith.constant 0 : i32
        %swap3A_1040 = arith.index_cast %swap3A_1039 : i32 to index
        %swap3A_1041 = arith.index_cast %add3A_994 : i32 to index
        %swap3A_1042 = arith.constant 32 : index
        %swap3A_1043 = tpu.vector_load %arg9[%swap3A_1040, %swap3A_1041, %swap3A_1042] {strides = array<i32>} : memref<2x256x128xf32, #tpu.memory_space<vmem>>, vector<16xf32>,
        tpu.vector_store %arg9[%swap3A_1040, %swap3A_1041, %swap3A_1042], %add3A_1038 {strides = array<i32>} : memref<2x256x128xf32, #tpu.memory_space<vmem>>, vector<16xf32>,
        %select_n3A_1044 = arith.select %eq3A_1004, %get3A_49, %get3A_17 : vector<16xi1>, vector<16xf32>
        %select_n3A_1045 = arith.select %eq3A_1001, %get3A_33, %select_n3A_1044 : vector<16xi1>, vector<16xf32>
        %get3A_1046 = arith.constant 0 : i32
        %get3A_1047 = arith.index_cast %get3A_1046 : i32 to index
        %get3A_1048 = arith.index_cast %add3A_994 : i32 to index
        %get3A_1049 = arith.constant 48 : index
        %get3A_1050 = tpu.vector_load %arg9[%get3A_1047, %get3A_1048, %get3A_1049] {strides = array<i32>} : memref<2x256x128xf32, #tpu.memory_space<vmem>>, vector<16xf32>,
        %add3A_1051 = arith.addf %get3A_1050, %select_n3A_1045 : vector<16xf32>
        %swap3A_1052 = arith.constant 0 : i32
        %swap3A_1053 = arith.index_cast %swap3A_1052 : i32 to index
        %swap3A_1054 = arith.index_cast %add3A_994 : i32 to index
        %swap3A_1055 = arith.constant 48 : index
        %swap3A_1056 = tpu.vector_load %arg9[%swap3A_1053, %swap3A_1054, %swap3A_1055] {strides = array<i32>} : memref<2x256x128xf32, #tpu.memory_space<vmem>>, vector<16xf32>,
        tpu.vector_store %arg9[%swap3A_1053, %swap3A_1054, %swap3A_1055], %add3A_1051 {strides = array<i32>} : memref<2x256x128xf32, #tpu.memory_space<vmem>>, vector<16xf32>,
        %mul3A_1057 = arith.constant 16 : i32
        %mul3A_1058 = arith.muli %scan3A_198, %mul3A_1057 : i32
        %add3A_1059 = arith.constant 13 : i32
        %add3A_1060 = arith.addi %mul3A_1058, %add3A_1059 : i32
        %broadcast_in_dim3A_1061 = arith.constant 13 : i32
        %broadcast_in_dim3A_1062 = vector.broadcast %broadcast_in_dim3A_1061 : i32 to vector<16x1xi32>
        %gather3A_1063 = vector.shape_cast %broadcast_in_dim3A_1062 : vector<16x1xi32> to vector<16xi32>
        %gather3A_1064 = tpu.dynamic_gather %get3A_203[%gather3A_1063] in [0] : vector<16xi32>, vector<16xi32> -> vector<16xi32>
        %eq3A_1065 = arith.constant 1 : i32
        %eq3A_1066 = vector.broadcast %eq3A_1065 : i32 to vector<16xi32>
        %eq3A_1067 = arith.cmpi eq, %gather3A_1064, %eq3A_1066 : vector<16xi32>
        %eq3A_1068 = arith.constant 2 : i32
        %eq3A_1069 = vector.broadcast %eq3A_1068 : i32 to vector<16xi32>
        %eq3A_1070 = arith.cmpi eq, %gather3A_1064, %eq3A_1069 : vector<16xi32>
        %select_n3A_1071 = arith.select %eq3A_1070, %get3A_37, %get3A_5 : vector<16xi1>, vector<16xf32>
        %select_n3A_1072 = arith.select %eq3A_1067, %get3A_21, %select_n3A_1071 : vector<16xi1>, vector<16xf32>
        %get3A_1073 = arith.constant 0 : i32
        %get3A_1074 = arith.index_cast %get3A_1073 : i32 to index
        %get3A_1075 = arith.index_cast %add3A_1060 : i32 to index
        %get3A_1076 = arith.constant 0 : index
        %get3A_1077 = tpu.vector_load %arg9[%get3A_1074, %get3A_1075, %get3A_1076] {strides = array<i32>} : memref<2x256x128xf32, #tpu.memory_space<vmem>>, vector<16xf32>,
        %add3A_1078 = arith.addf %get3A_1077, %select_n3A_1072 : vector<16xf32>
        %swap3A_1079 = arith.constant 0 : i32
        %swap3A_1080 = arith.index_cast %swap3A_1079 : i32 to index
        %swap3A_1081 = arith.index_cast %add3A_1060 : i32 to index
        %swap3A_1082 = arith.constant 0 : index
        %swap3A_1083 = tpu.vector_load %arg9[%swap3A_1080, %swap3A_1081, %swap3A_1082] {strides = array<i32>} : memref<2x256x128xf32, #tpu.memory_space<vmem>>, vector<16xf32>,
        tpu.vector_store %arg9[%swap3A_1080, %swap3A_1081, %swap3A_1082], %add3A_1078 {strides = array<i32>} : memref<2x256x128xf32, #tpu.memory_space<vmem>>, vector<16xf32>,
        %select_n3A_1084 = arith.select %eq3A_1070, %get3A_41, %get3A_9 : vector<16xi1>, vector<16xf32>
        %select_n3A_1085 = arith.select %eq3A_1067, %get3A_25, %select_n3A_1084 : vector<16xi1>, vector<16xf32>
        %get3A_1086 = arith.constant 0 : i32
        %get3A_1087 = arith.index_cast %get3A_1086 : i32 to index
        %get3A_1088 = arith.index_cast %add3A_1060 : i32 to index
        %get3A_1089 = arith.constant 16 : index
        %get3A_1090 = tpu.vector_load %arg9[%get3A_1087, %get3A_1088, %get3A_1089] {strides = array<i32>} : memref<2x256x128xf32, #tpu.memory_space<vmem>>, vector<16xf32>,
        %add3A_1091 = arith.addf %get3A_1090, %select_n3A_1085 : vector<16xf32>
        %swap3A_1092 = arith.constant 0 : i32
        %swap3A_1093 = arith.index_cast %swap3A_1092 : i32 to index
        %swap3A_1094 = arith.index_cast %add3A_1060 : i32 to index
        %swap3A_1095 = arith.constant 16 : index
        %swap3A_1096 = tpu.vector_load %arg9[%swap3A_1093, %swap3A_1094, %swap3A_1095] {strides = array<i32>} : memref<2x256x128xf32, #tpu.memory_space<vmem>>, vector<16xf32>,
        tpu.vector_store %arg9[%swap3A_1093, %swap3A_1094, %swap3A_1095], %add3A_1091 {strides = array<i32>} : memref<2x256x128xf32, #tpu.memory_space<vmem>>, vector<16xf32>,
        %select_n3A_1097 = arith.select %eq3A_1070, %get3A_45, %get3A_13 : vector<16xi1>, vector<16xf32>
        %select_n3A_1098 = arith.select %eq3A_1067, %get3A_29, %select_n3A_1097 : vector<16xi1>, vector<16xf32>
        %get3A_1099 = arith.constant 0 : i32
        %get3A_1100 = arith.index_cast %get3A_1099 : i32 to index
        %get3A_1101 = arith.index_cast %add3A_1060 : i32 to index
        %get3A_1102 = arith.constant 32 : index
        %get3A_1103 = tpu.vector_load %arg9[%get3A_1100, %get3A_1101, %get3A_1102] {strides = array<i32>} : memref<2x256x128xf32, #tpu.memory_space<vmem>>, vector<16xf32>,
        %add3A_1104 = arith.addf %get3A_1103, %select_n3A_1098 : vector<16xf32>
        %swap3A_1105 = arith.constant 0 : i32
        %swap3A_1106 = arith.index_cast %swap3A_1105 : i32 to index
        %swap3A_1107 = arith.index_cast %add3A_1060 : i32 to index
        %swap3A_1108 = arith.constant 32 : index
        %swap3A_1109 = tpu.vector_load %arg9[%swap3A_1106, %swap3A_1107, %swap3A_1108] {strides = array<i32>} : memref<2x256x128xf32, #tpu.memory_space<vmem>>, vector<16xf32>,
        tpu.vector_store %arg9[%swap3A_1106, %swap3A_1107, %swap3A_1108], %add3A_1104 {strides = array<i32>} : memref<2x256x128xf32, #tpu.memory_space<vmem>>, vector<16xf32>,
        %select_n3A_1110 = arith.select %eq3A_1070, %get3A_49, %get3A_17 : vector<16xi1>, vector<16xf32>
        %select_n3A_1111 = arith.select %eq3A_1067, %get3A_33, %select_n3A_1110 : vector<16xi1>, vector<16xf32>
        %get3A_1112 = arith.constant 0 : i32
        %get3A_1113 = arith.index_cast %get3A_1112 : i32 to index
        %get3A_1114 = arith.index_cast %add3A_1060 : i32 to index
        %get3A_1115 = arith.constant 48 : index
        %get3A_1116 = tpu.vector_load %arg9[%get3A_1113, %get3A_1114, %get3A_1115] {strides = array<i32>} : memref<2x256x128xf32, #tpu.memory_space<vmem>>, vector<16xf32>,
        %add3A_1117 = arith.addf %get3A_1116, %select_n3A_1111 : vector<16xf32>
        %swap3A_1118 = arith.constant 0 : i32
        %swap3A_1119 = arith.index_cast %swap3A_1118 : i32 to index
        %swap3A_1120 = arith.index_cast %add3A_1060 : i32 to index
        %swap3A_1121 = arith.constant 48 : index
        %swap3A_1122 = tpu.vector_load %arg9[%swap3A_1119, %swap3A_1120, %swap3A_1121] {strides = array<i32>} : memref<2x256x128xf32, #tpu.memory_space<vmem>>, vector<16xf32>,
        tpu.vector_store %arg9[%swap3A_1119, %swap3A_1120, %swap3A_1121], %add3A_1117 {strides = array<i32>} : memref<2x256x128xf32, #tpu.memory_space<vmem>>, vector<16xf32>,
        %mul3A_1123 = arith.constant 16 : i32
        %mul3A_1124 = arith.muli %scan3A_198, %mul3A_1123 : i32
        %add3A_1125 = arith.constant 14 : i32
        %add3A_1126 = arith.addi %mul3A_1124, %add3A_1125 : i32
        %broadcast_in_dim3A_1127 = arith.constant 14 : i32
        %broadcast_in_dim3A_1128 = vector.broadcast %broadcast_in_dim3A_1127 : i32 to vector<16x1xi32>
        %gather3A_1129 = vector.shape_cast %broadcast_in_dim3A_1128 : vector<16x1xi32> to vector<16xi32>
        %gather3A_1130 = tpu.dynamic_gather %get3A_203[%gather3A_1129] in [0] : vector<16xi32>, vector<16xi32> -> vector<16xi32>
        %eq3A_1131 = arith.constant 1 : i32
        %eq3A_1132 = vector.broadcast %eq3A_1131 : i32 to vector<16xi32>
        %eq3A_1133 = arith.cmpi eq, %gather3A_1130, %eq3A_1132 : vector<16xi32>
        %eq3A_1134 = arith.constant 2 : i32
        %eq3A_1135 = vector.broadcast %eq3A_1134 : i32 to vector<16xi32>
        %eq3A_1136 = arith.cmpi eq, %gather3A_1130, %eq3A_1135 : vector<16xi32>
        %select_n3A_1137 = arith.select %eq3A_1136, %get3A_37, %get3A_5 : vector<16xi1>, vector<16xf32>
        %select_n3A_1138 = arith.select %eq3A_1133, %get3A_21, %select_n3A_1137 : vector<16xi1>, vector<16xf32>
        %get3A_1139 = arith.constant 0 : i32
        %get3A_1140 = arith.index_cast %get3A_1139 : i32 to index
        %get3A_1141 = arith.index_cast %add3A_1126 : i32 to index
        %get3A_1142 = arith.constant 0 : index
        %get3A_1143 = tpu.vector_load %arg9[%get3A_1140, %get3A_1141, %get3A_1142] {strides = array<i32>} : memref<2x256x128xf32, #tpu.memory_space<vmem>>, vector<16xf32>,
        %add3A_1144 = arith.addf %get3A_1143, %select_n3A_1138 : vector<16xf32>
        %swap3A_1145 = arith.constant 0 : i32
        %swap3A_1146 = arith.index_cast %swap3A_1145 : i32 to index
        %swap3A_1147 = arith.index_cast %add3A_1126 : i32 to index
        %swap3A_1148 = arith.constant 0 : index
        %swap3A_1149 = tpu.vector_load %arg9[%swap3A_1146, %swap3A_1147, %swap3A_1148] {strides = array<i32>} : memref<2x256x128xf32, #tpu.memory_space<vmem>>, vector<16xf32>,
        tpu.vector_store %arg9[%swap3A_1146, %swap3A_1147, %swap3A_1148], %add3A_1144 {strides = array<i32>} : memref<2x256x128xf32, #tpu.memory_space<vmem>>, vector<16xf32>,
        %select_n3A_1150 = arith.select %eq3A_1136, %get3A_41, %get3A_9 : vector<16xi1>, vector<16xf32>
        %select_n3A_1151 = arith.select %eq3A_1133, %get3A_25, %select_n3A_1150 : vector<16xi1>, vector<16xf32>
        %get3A_1152 = arith.constant 0 : i32
        %get3A_1153 = arith.index_cast %get3A_1152 : i32 to index
        %get3A_1154 = arith.index_cast %add3A_1126 : i32 to index
        %get3A_1155 = arith.constant 16 : index
        %get3A_1156 = tpu.vector_load %arg9[%get3A_1153, %get3A_1154, %get3A_1155] {strides = array<i32>} : memref<2x256x128xf32, #tpu.memory_space<vmem>>, vector<16xf32>,
        %add3A_1157 = arith.addf %get3A_1156, %select_n3A_1151 : vector<16xf32>
        %swap3A_1158 = arith.constant 0 : i32
        %swap3A_1159 = arith.index_cast %swap3A_1158 : i32 to index
        %swap3A_1160 = arith.index_cast %add3A_1126 : i32 to index
        %swap3A_1161 = arith.constant 16 : index
        %swap3A_1162 = tpu.vector_load %arg9[%swap3A_1159, %swap3A_1160, %swap3A_1161] {strides = array<i32>} : memref<2x256x128xf32, #tpu.memory_space<vmem>>, vector<16xf32>,
        tpu.vector_store %arg9[%swap3A_1159, %swap3A_1160, %swap3A_1161], %add3A_1157 {strides = array<i32>} : memref<2x256x128xf32, #tpu.memory_space<vmem>>, vector<16xf32>,
        %select_n3A_1163 = arith.select %eq3A_1136, %get3A_45, %get3A_13 : vector<16xi1>, vector<16xf32>
        %select_n3A_1164 = arith.select %eq3A_1133, %get3A_29, %select_n3A_1163 : vector<16xi1>, vector<16xf32>
        %get3A_1165 = arith.constant 0 : i32
        %get3A_1166 = arith.index_cast %get3A_1165 : i32 to index
        %get3A_1167 = arith.index_cast %add3A_1126 : i32 to index
        %get3A_1168 = arith.constant 32 : index
        %get3A_1169 = tpu.vector_load %arg9[%get3A_1166, %get3A_1167, %get3A_1168] {strides = array<i32>} : memref<2x256x128xf32, #tpu.memory_space<vmem>>, vector<16xf32>,
        %add3A_1170 = arith.addf %get3A_1169, %select_n3A_1164 : vector<16xf32>
        %swap3A_1171 = arith.constant 0 : i32
        %swap3A_1172 = arith.index_cast %swap3A_1171 : i32 to index
        %swap3A_1173 = arith.index_cast %add3A_1126 : i32 to index
        %swap3A_1174 = arith.constant 32 : index
        %swap3A_1175 = tpu.vector_load %arg9[%swap3A_1172, %swap3A_1173, %swap3A_1174] {strides = array<i32>} : memref<2x256x128xf32, #tpu.memory_space<vmem>>, vector<16xf32>,
        tpu.vector_store %arg9[%swap3A_1172, %swap3A_1173, %swap3A_1174], %add3A_1170 {strides = array<i32>} : memref<2x256x128xf32, #tpu.memory_space<vmem>>, vector<16xf32>,
        %select_n3A_1176 = arith.select %eq3A_1136, %get3A_49, %get3A_17 : vector<16xi1>, vector<16xf32>
        %select_n3A_1177 = arith.select %eq3A_1133, %get3A_33, %select_n3A_1176 : vector<16xi1>, vector<16xf32>
        %get3A_1178 = arith.constant 0 : i32
        %get3A_1179 = arith.index_cast %get3A_1178 : i32 to index
        %get3A_1180 = arith.index_cast %add3A_1126 : i32 to index
        %get3A_1181 = arith.constant 48 : index
        %get3A_1182 = tpu.vector_load %arg9[%get3A_1179, %get3A_1180, %get3A_1181] {strides = array<i32>} : memref<2x256x128xf32, #tpu.memory_space<vmem>>, vector<16xf32>,
        %add3A_1183 = arith.addf %get3A_1182, %select_n3A_1177 : vector<16xf32>
        %swap3A_1184 = arith.constant 0 : i32
        %swap3A_1185 = arith.index_cast %swap3A_1184 : i32 to index
        %swap3A_1186 = arith.index_cast %add3A_1126 : i32 to index
        %swap3A_1187 = arith.constant 48 : index
        %swap3A_1188 = tpu.vector_load %arg9[%swap3A_1185, %swap3A_1186, %swap3A_1187] {strides = array<i32>} : memref<2x256x128xf32, #tpu.memory_space<vmem>>, vector<16xf32>,
        tpu.vector_store %arg9[%swap3A_1185, %swap3A_1186, %swap3A_1187], %add3A_1183 {strides = array<i32>} : memref<2x256x128xf32, #tpu.memory_space<vmem>>, vector<16xf32>,
        %mul3A_1189 = arith.constant 16 : i32
        %mul3A_1190 = arith.muli %scan3A_198, %mul3A_1189 : i32
        %add3A_1191 = arith.constant 15 : i32
        %add3A_1192 = arith.addi %mul3A_1190, %add3A_1191 : i32
        %broadcast_in_dim3A_1193 = arith.constant 15 : i32
        %broadcast_in_dim3A_1194 = vector.broadcast %broadcast_in_dim3A_1193 : i32 to vector<16x1xi32>
        %gather3A_1195 = vector.shape_cast %broadcast_in_dim3A_1194 : vector<16x1xi32> to vector<16xi32>
        %gather3A_1196 = tpu.dynamic_gather %get3A_203[%gather3A_1195] in [0] : vector<16xi32>, vector<16xi32> -> vector<16xi32>
        %eq3A_1197 = arith.constant 1 : i32
        %eq3A_1198 = vector.broadcast %eq3A_1197 : i32 to vector<16xi32>
        %eq3A_1199 = arith.cmpi eq, %gather3A_1196, %eq3A_1198 : vector<16xi32>
        %eq3A_1200 = arith.constant 2 : i32
        %eq3A_1201 = vector.broadcast %eq3A_1200 : i32 to vector<16xi32>
        %eq3A_1202 = arith.cmpi eq, %gather3A_1196, %eq3A_1201 : vector<16xi32>
        %select_n3A_1203 = arith.select %eq3A_1202, %get3A_37, %get3A_5 : vector<16xi1>, vector<16xf32>
        %select_n3A_1204 = arith.select %eq3A_1199, %get3A_21, %select_n3A_1203 : vector<16xi1>, vector<16xf32>
        %get3A_1205 = arith.constant 0 : i32
        %get3A_1206 = arith.index_cast %get3A_1205 : i32 to index
        %get3A_1207 = arith.index_cast %add3A_1192 : i32 to index
        %get3A_1208 = arith.constant 0 : index
        %get3A_1209 = tpu.vector_load %arg9[%get3A_1206, %get3A_1207, %get3A_1208] {strides = array<i32>} : memref<2x256x128xf32, #tpu.memory_space<vmem>>, vector<16xf32>,
        %add3A_1210 = arith.addf %get3A_1209, %select_n3A_1204 : vector<16xf32>
        %swap3A_1211 = arith.constant 0 : i32
        %swap3A_1212 = arith.index_cast %swap3A_1211 : i32 to index
        %swap3A_1213 = arith.index_cast %add3A_1192 : i32 to index
        %swap3A_1214 = arith.constant 0 : index
        %swap3A_1215 = tpu.vector_load %arg9[%swap3A_1212, %swap3A_1213, %swap3A_1214] {strides = array<i32>} : memref<2x256x128xf32, #tpu.memory_space<vmem>>, vector<16xf32>,
        tpu.vector_store %arg9[%swap3A_1212, %swap3A_1213, %swap3A_1214], %add3A_1210 {strides = array<i32>} : memref<2x256x128xf32, #tpu.memory_space<vmem>>, vector<16xf32>,
        %select_n3A_1216 = arith.select %eq3A_1202, %get3A_41, %get3A_9 : vector<16xi1>, vector<16xf32>
        %select_n3A_1217 = arith.select %eq3A_1199, %get3A_25, %select_n3A_1216 : vector<16xi1>, vector<16xf32>
        %get3A_1218 = arith.constant 0 : i32
        %get3A_1219 = arith.index_cast %get3A_1218 : i32 to index
        %get3A_1220 = arith.index_cast %add3A_1192 : i32 to index
        %get3A_1221 = arith.constant 16 : index
        %get3A_1222 = tpu.vector_load %arg9[%get3A_1219, %get3A_1220, %get3A_1221] {strides = array<i32>} : memref<2x256x128xf32, #tpu.memory_space<vmem>>, vector<16xf32>,
        %add3A_1223 = arith.addf %get3A_1222, %select_n3A_1217 : vector<16xf32>
        %swap3A_1224 = arith.constant 0 : i32
        %swap3A_1225 = arith.index_cast %swap3A_1224 : i32 to index
        %swap3A_1226 = arith.index_cast %add3A_1192 : i32 to index
        %swap3A_1227 = arith.constant 16 : index
        %swap3A_1228 = tpu.vector_load %arg9[%swap3A_1225, %swap3A_1226, %swap3A_1227] {strides = array<i32>} : memref<2x256x128xf32, #tpu.memory_space<vmem>>, vector<16xf32>,
        tpu.vector_store %arg9[%swap3A_1225, %swap3A_1226, %swap3A_1227], %add3A_1223 {strides = array<i32>} : memref<2x256x128xf32, #tpu.memory_space<vmem>>, vector<16xf32>,
        %select_n3A_1229 = arith.select %eq3A_1202, %get3A_45, %get3A_13 : vector<16xi1>, vector<16xf32>
        %select_n3A_1230 = arith.select %eq3A_1199, %get3A_29, %select_n3A_1229 : vector<16xi1>, vector<16xf32>
        %get3A_1231 = arith.constant 0 : i32
        %get3A_1232 = arith.index_cast %get3A_1231 : i32 to index
        %get3A_1233 = arith.index_cast %add3A_1192 : i32 to index
        %get3A_1234 = arith.constant 32 : index
        %get3A_1235 = tpu.vector_load %arg9[%get3A_1232, %get3A_1233, %get3A_1234] {strides = array<i32>} : memref<2x256x128xf32, #tpu.memory_space<vmem>>, vector<16xf32>,
        %add3A_1236 = arith.addf %get3A_1235, %select_n3A_1230 : vector<16xf32>
        %swap3A_1237 = arith.constant 0 : i32
        %swap3A_1238 = arith.index_cast %swap3A_1237 : i32 to index
        %swap3A_1239 = arith.index_cast %add3A_1192 : i32 to index
        %swap3A_1240 = arith.constant 32 : index
        %swap3A_1241 = tpu.vector_load %arg9[%swap3A_1238, %swap3A_1239, %swap3A_1240] {strides = array<i32>} : memref<2x256x128xf32, #tpu.memory_space<vmem>>, vector<16xf32>,
        tpu.vector_store %arg9[%swap3A_1238, %swap3A_1239, %swap3A_1240], %add3A_1236 {strides = array<i32>} : memref<2x256x128xf32, #tpu.memory_space<vmem>>, vector<16xf32>,
        %select_n3A_1242 = arith.select %eq3A_1202, %get3A_49, %get3A_17 : vector<16xi1>, vector<16xf32>
        %select_n3A_1243 = arith.select %eq3A_1199, %get3A_33, %select_n3A_1242 : vector<16xi1>, vector<16xf32>
        %get3A_1244 = arith.constant 0 : i32
        %get3A_1245 = arith.index_cast %get3A_1244 : i32 to index
        %get3A_1246 = arith.index_cast %add3A_1192 : i32 to index
        %get3A_1247 = arith.constant 48 : index
        %get3A_1248 = tpu.vector_load %arg9[%get3A_1245, %get3A_1246, %get3A_1247] {strides = array<i32>} : memref<2x256x128xf32, #tpu.memory_space<vmem>>, vector<16xf32>,
        %add3A_1249 = arith.addf %get3A_1248, %select_n3A_1243 : vector<16xf32>
        %swap3A_1250 = arith.constant 0 : i32
        %swap3A_1251 = arith.index_cast %swap3A_1250 : i32 to index
        %swap3A_1252 = arith.index_cast %add3A_1192 : i32 to index
        %swap3A_1253 = arith.constant 48 : index
        %swap3A_1254 = tpu.vector_load %arg9[%swap3A_1251, %swap3A_1252, %swap3A_1253] {strides = array<i32>} : memref<2x256x128xf32, #tpu.memory_space<vmem>>, vector<16xf32>,
        tpu.vector_store %arg9[%swap3A_1251, %swap3A_1252, %swap3A_1253], %add3A_1249 {strides = array<i32>} : memref<2x256x128xf32, #tpu.memory_space<vmem>>, vector<16xf32>,
      }
      %scan3A_131 = arith.constant 16 : i32
      %mul3A_132 = arith.constant 256 : i32
      %mul3A_133 = arith.muli %mul3A_98, %mul3A_132 : i32
      %add3A_134 = arith.addi %mul3A_2, %mul3A_133 : i32
      %dma_start3A = arith.constant 0 : i32
      %dma_start3A_135 = arith.constant 0 : i32
      %dma_start3A_136 = arith.constant 0 : i32
      %dma_start3A_137 = arith.constant 0 : i32
      %dma_start3A_138 = tpu.memref_slice %arg9[%dma_start3A, %dma_start3A_136, %dma_start3A_137] : memref<2x256x128xf32, #tpu.memory_space<vmem>> -> memref<1x256x128xf32, #tpu.memory_space<vmem>>
      %dma_start3A_139 = tpu.memref_squeeze %dma_start3A_138 : memref<1x256x128xf32, #tpu.memory_space<vmem>> -> memref<256x128xf32, #tpu.memory_space<vmem>>
      %dma_start3A_140 = arith.constant 0 : i32
      %dma_start3A_141 = tpu.memref_slice %arg6[%add3A_134, %dma_start3A_140] : memref<819200x128xf32, #tpu.memory_space<hbm>> -> memref<256x128xf32, #tpu.memory_space<hbm>>
      %dma_start3A_142 = tpu.memref_slice %arg12[%dma_start3A_135] : memref<2x!tpu.dma_semaphore, #tpu.memory_space<semaphore_mem>> -> memref<1x!tpu.dma_semaphore, #tpu.memory_space<semaphore_mem>>
      %dma_start3A_143 = tpu.memref_squeeze %dma_start3A_142 : memref<1x!tpu.dma_semaphore, #tpu.memory_space<semaphore_mem>> -> memref<!tpu.dma_semaphore, #tpu.memory_space<semaphore_mem>>
      %dma_start3A_144 = arith.constant 0 : i32
      %dma_start3A_145 = tpu.memref_slice %arg6[%add3A_134, %dma_start3A_144] : memref<819200x128xf32, #tpu.memory_space<hbm>> -> memref<256x128xf32, #tpu.memory_space<hbm>>
      %dma_start3A_146 = arith.constant 0 : i32
      %dma_start3A_147 = arith.constant 0 : i32
      %dma_start3A_148 = tpu.memref_slice %arg9[%dma_start3A, %dma_start3A_146, %dma_start3A_147] : memref<2x256x128xf32, #tpu.memory_space<vmem>> -> memref<1x256x128xf32, #tpu.memory_space<vmem>>
      %dma_start3A_149 = tpu.memref_squeeze %dma_start3A_148 : memref<1x256x128xf32, #tpu.memory_space<vmem>> -> memref<256x128xf32, #tpu.memory_space<vmem>>
      tpu.enqueue_dma source(%dma_start3A_149 : memref<256x128xf32, #tpu.memory_space<vmem>>) target(%dma_start3A_145 : memref<256x128xf32, #tpu.memory_space<hbm>>) target_semaphore(%dma_start3A_143 : memref<!tpu.dma_semaphore, #tpu.memory_space<semaphore_mem>>)
      %add3A_150 = arith.constant 1 : i32
      %add3A_151 = arith.addi %scan3A_96, %add3A_150 : i32
      %lt3A = arith.constant 50 : i32
      %lt3A_152 = arith.cmpi slt, %add3A_151, %lt3A : i32
      %convert_element_type3A_153 = arith.extui %lt3A_152 : i1 to i32
      %cond3A_154 = arith.constant 0 : i32
      %cond3A_155 = arith.cmpi ne, %convert_element_type3A_153, %cond3A_154 : i32
      scf.if %cond3A_155 {
        %add3A_198 = arith.constant 2 : i32
        %add3A_199 = arith.addi %mul3A_98, %add3A_198 : i32
        %ge3A_200 = arith.constant 2 : i32
        %ge3A_201 = arith.cmpi sge, %add3A_199, %ge3A_200 : i32
        %convert_element_type3A_202 = arith.extui %ge3A_201 : i1 to i32
        %cond3A_203 = arith.constant 0 : i32
        %cond3A_204 = arith.cmpi ne, %convert_element_type3A_202, %cond3A_203 : i32
        scf.if %cond3A_204 {
          %dma_wait3A_213 = arith.constant 0 : i32
          %dma_wait3A_214 = arith.constant 0 : i32
          %dma_wait3A_215 = arith.constant 0 : i32
          %dma_wait3A_216 = arith.constant 0 : i32
          %dma_wait3A_217 = tpu.memref_slice %arg9[%dma_wait3A_213, %dma_wait3A_215, %dma_wait3A_216] : memref<2x256x128xf32, #tpu.memory_space<vmem>> -> memref<1x256x128xf32, #tpu.memory_space<vmem>>
          %dma_wait3A_218 = tpu.memref_squeeze %dma_wait3A_217 : memref<1x256x128xf32, #tpu.memory_space<vmem>> -> memref<256x128xf32, #tpu.memory_space<vmem>>
          %dma_wait3A_219 = arith.constant 0 : i32
          %dma_wait3A_220 = arith.constant 0 : i32
          %dma_wait3A_221 = tpu.memref_slice %arg6[%dma_wait3A_219, %dma_wait3A_220] : memref<819200x128xf32, #tpu.memory_space<hbm>> -> memref<256x128xf32, #tpu.memory_space<hbm>>
          %dma_wait3A_222 = tpu.memref_slice %arg12[%dma_wait3A_214] : memref<2x!tpu.dma_semaphore, #tpu.memory_space<semaphore_mem>> -> memref<1x!tpu.dma_semaphore, #tpu.memory_space<semaphore_mem>>
          %dma_wait3A_223 = tpu.memref_squeeze %dma_wait3A_222 : memref<1x!tpu.dma_semaphore, #tpu.memory_space<semaphore_mem>> -> memref<!tpu.dma_semaphore, #tpu.memory_space<semaphore_mem>>
          %dma_wait3A_224 = arith.constant 0 : i32
          %dma_wait3A_225 = arith.constant 0 : i32
          %dma_wait3A_226 = tpu.memref_slice %arg6[%dma_wait3A_224, %dma_wait3A_225] : memref<819200x128xf32, #tpu.memory_space<hbm>> -> memref<256x128xf32, #tpu.memory_space<hbm>>
          %dma_wait3A_227 = arith.constant 0 : i32
          %dma_wait3A_228 = arith.constant 0 : i32
          %dma_wait3A_229 = tpu.memref_slice %arg9[%dma_wait3A_213, %dma_wait3A_227, %dma_wait3A_228] : memref<2x256x128xf32, #tpu.memory_space<vmem>> -> memref<1x256x128xf32, #tpu.memory_space<vmem>>
          %dma_wait3A_230 = tpu.memref_squeeze %dma_wait3A_229 : memref<1x256x128xf32, #tpu.memory_space<vmem>> -> memref<256x128xf32, #tpu.memory_space<vmem>>
          tpu.wait_dma2 semaphore(%dma_wait3A_223 : memref<!tpu.dma_semaphore, #tpu.memory_space<semaphore_mem>>) src(%dma_wait3A_230 : memref<256x128xf32, #tpu.memory_space<vmem>>) dst(%dma_wait3A_226 : memref<256x128xf32, #tpu.memory_space<hbm>>)
        } else {
        }
        %mul3A_205 = arith.constant 256 : i32
        %mul3A_206 = arith.muli %add3A_199, %mul3A_205 : i32
        %scan3A_207 = arith.constant 0 : i32
        %scan3A_208 = arith.constant 0 : i32
        %scan3A_209 = arith.constant 16 : i32
        %scan3A_210 = arith.addi %scan3A_208, %scan3A_209 : i32
        %scan3A_211 = arith.constant 1 : i32
        scf.for %scan3A_213 = %scan3A_208 to %scan3A_210 step %scan3A_211  : i32 {
          %mul3A_214 = arith.constant 16 : i32
          %mul3A_215 = arith.muli %scan3A_213, %mul3A_214 : i32
          %add3A_216 = arith.addi %mul3A_206, %mul3A_215 : i32
          %mul3A_217 = arith.constant 16 : i32
          %mul3A_218 = arith.muli %scan3A_213, %mul3A_217 : i32
          %get3A_219 = arith.index_cast %add3A_216 : i32 to index
          %get3A_220 = tpu.vector_load %arg7[%get3A_219] {strides = array<i32>} : memref<25600xi32, #tpu.memory_space<vmem>>, vector<16xi32>,
          %dma_start3A_221 = arith.constant 0 : i32
          %dma_start3A_222 = arith.constant 0 : i32
          %dma_start3A_223 = arith.constant 0 : i32
          %dma_start3A_224 = tpu.memref_slice %arg9[%dma_start3A_221, %mul3A_218, %dma_start3A_223] : memref<2x256x128xf32, #tpu.memory_space<vmem>> -> memref<1x16x128xf32, #tpu.memory_space<vmem>>
          %dma_start3A_225 = tpu.memref_squeeze %dma_start3A_224 : memref<1x16x128xf32, #tpu.memory_space<vmem>> -> memref<16x128xf32, #tpu.memory_space<vmem>>
          %dma_start3A_226 = arith.constant 0 : i32
          %dma_start3A_227 = arith.constant 0 : i32
          %dma_start3A_228 = tpu.memref_slice %arg4[%dma_start3A_226, %dma_start3A_227] : memref<1000000x128xf32, #tpu.memory_space<hbm>> -> memref<1000000x128xf32, #tpu.memory_space<hbm>>
          %dma_start3A_229 = tpu.memref_slice %arg11[%dma_start3A_222] : memref<2x!tpu.dma_semaphore, #tpu.memory_space<semaphore_mem>> -> memref<1x!tpu.dma_semaphore, #tpu.memory_space<semaphore_mem>>
          %dma_start3A_230 = tpu.memref_squeeze %dma_start3A_229 : memref<1x!tpu.dma_semaphore, #tpu.memory_space<semaphore_mem>> -> memref<!tpu.dma_semaphore, #tpu.memory_space<semaphore_mem>>
          tpu.enqueue_indirect_dma source(%dma_start3A_228 : memref<1000000x128xf32, #tpu.memory_space<hbm>>) target(%dma_start3A_225 : memref<16x128xf32, #tpu.memory_space<vmem>>) offsets(%get3A_220 : vector<16xi32>) semaphore(%dma_start3A_230 : memref<!tpu.dma_semaphore, #tpu.memory_space<semaphore_mem>>)
        }
        %scan3A_212 = arith.constant 16 : i32
      } else {
      }
      %add3A_156 = arith.constant 1 : i32
      %add3A_157 = arith.addi %mul3A_98, %add3A_156 : i32
      %dma_wait3A_158 = arith.constant 1 : i32
      %dma_wait3A_159 = arith.constant 1 : i32
      %dma_wait3A_160 = arith.constant 0 : i32
      %dma_wait3A_161 = arith.constant 0 : i32
      %dma_wait3A_162 = tpu.memref_slice %arg9[%dma_wait3A_158, %dma_wait3A_160, %dma_wait3A_161] : memref<2x256x128xf32, #tpu.memory_space<vmem>> -> memref<1x256x128xf32, #tpu.memory_space<vmem>>
      %dma_wait3A_163 = tpu.memref_squeeze %dma_wait3A_162 : memref<1x256x128xf32, #tpu.memory_space<vmem>> -> memref<256x128xf32, #tpu.memory_space<vmem>>
      %dma_wait3A_164 = arith.constant 0 : i32
      %dma_wait3A_165 = tpu.memref_slice %arg7[%dma_wait3A_164] : memref<25600xi32, #tpu.memory_space<vmem>> -> memref<256xi32, #tpu.memory_space<vmem>>
      %dma_wait3A_166 = arith.constant 0 : i32
      %dma_wait3A_167 = arith.constant 0 : i32
      %dma_wait3A_168 = tpu.memref_slice %arg4[%dma_wait3A_166, %dma_wait3A_167] : memref<1000000x128xf32, #tpu.memory_space<hbm>> -> memref<1000000x128xf32, #tpu.memory_space<hbm>>
      %dma_wait3A_169 = tpu.memref_slice %arg11[%dma_wait3A_159] : memref<2x!tpu.dma_semaphore, #tpu.memory_space<semaphore_mem>> -> memref<1x!tpu.dma_semaphore, #tpu.memory_space<semaphore_mem>>
      %dma_wait3A_170 = tpu.memref_squeeze %dma_wait3A_169 : memref<1x!tpu.dma_semaphore, #tpu.memory_space<semaphore_mem>> -> memref<!tpu.dma_semaphore, #tpu.memory_space<semaphore_mem>>
      tpu.wait_indirect_dma semaphore(%dma_wait3A_170 : memref<!tpu.dma_semaphore, #tpu.memory_space<semaphore_mem>>) src(%dma_wait3A_168 : memref<1000000x128xf32, #tpu.memory_space<hbm>>) dst(%dma_wait3A_163 : memref<256x128xf32, #tpu.memory_space<vmem>>)
      %mul3A_171 = arith.constant 256 : i32
      %mul3A_172 = arith.muli %add3A_157, %mul3A_171 : i32
      %scan3A_173 = arith.constant 0 : i32
      %scan3A_174 = arith.constant 0 : i32
      %scan3A_175 = arith.constant 16 : i32
      %scan3A_176 = arith.addi %scan3A_174, %scan3A_175 : i32
      %scan3A_177 = arith.constant 1 : i32
      scf.for %scan3A_198 = %scan3A_174 to %scan3A_176 step %scan3A_177  : i32 {
        %mul3A_199 = arith.constant 16 : i32
        %mul3A_200 = arith.muli %scan3A_198, %mul3A_199 : i32
        %add3A_201 = arith.addi %mul3A_172, %mul3A_200 : i32
        %get3A_202 = arith.index_cast %add3A_201 : i32 to index
        %get3A_203 = tpu.vector_load %arg8[%get3A_202] {strides = array<i32>} : memref<25600xi32, #tpu.memory_space<vmem>>, vector<16xi32>,
        %mul3A_204 = arith.constant 16 : i32
        %mul3A_205 = arith.muli %scan3A_198, %mul3A_204 : i32
        %add3A_206 = arith.constant 0 : i32
        %add3A_207 = arith.addi %mul3A_205, %add3A_206 : i32
        %broadcast_in_dim3A = arith.constant 0 : i32
        %broadcast_in_dim3A_208 = vector.broadcast %broadcast_in_dim3A : i32 to vector<16x1xi32>
        %gather3A = vector.shape_cast %broadcast_in_dim3A_208 : vector<16x1xi32> to vector<16xi32>
        %gather3A_209 = tpu.dynamic_gather %get3A_203[%gather3A] in [0] : vector<16xi32>, vector<16xi32> -> vector<16xi32>
        %eq3A = arith.constant 1 : i32
        %eq3A_210 = vector.broadcast %eq3A : i32 to vector<16xi32>
        %eq3A_211 = arith.cmpi eq, %gather3A_209, %eq3A_210 : vector<16xi32>
        %eq3A_212 = arith.constant 2 : i32
        %eq3A_213 = vector.broadcast %eq3A_212 : i32 to vector<16xi32>
        %eq3A_214 = arith.cmpi eq, %gather3A_209, %eq3A_213 : vector<16xi32>
        %select_n3A = arith.select %eq3A_214, %get3A_37, %get3A_5 : vector<16xi1>, vector<16xf32>
        %select_n3A_215 = arith.select %eq3A_211, %get3A_21, %select_n3A : vector<16xi1>, vector<16xf32>
        %get3A_216 = arith.constant 1 : i32
        %get3A_217 = arith.index_cast %get3A_216 : i32 to index
        %get3A_218 = arith.index_cast %add3A_207 : i32 to index
        %get3A_219 = arith.constant 0 : index
        %get3A_220 = tpu.vector_load %arg9[%get3A_217, %get3A_218, %get3A_219] {strides = array<i32>} : memref<2x256x128xf32, #tpu.memory_space<vmem>>, vector<16xf32>,
        %add3A_221 = arith.addf %get3A_220, %select_n3A_215 : vector<16xf32>
        %swap3A = arith.constant 1 : i32
        %swap3A_222 = arith.index_cast %swap3A : i32 to index
        %swap3A_223 = arith.index_cast %add3A_207 : i32 to index
        %swap3A_224 = arith.constant 0 : index
        %swap3A_225 = tpu.vector_load %arg9[%swap3A_222, %swap3A_223, %swap3A_224] {strides = array<i32>} : memref<2x256x128xf32, #tpu.memory_space<vmem>>, vector<16xf32>,
        tpu.vector_store %arg9[%swap3A_222, %swap3A_223, %swap3A_224], %add3A_221 {strides = array<i32>} : memref<2x256x128xf32, #tpu.memory_space<vmem>>, vector<16xf32>,
        %select_n3A_226 = arith.select %eq3A_214, %get3A_41, %get3A_9 : vector<16xi1>, vector<16xf32>
        %select_n3A_227 = arith.select %eq3A_211, %get3A_25, %select_n3A_226 : vector<16xi1>, vector<16xf32>
        %get3A_228 = arith.constant 1 : i32
        %get3A_229 = arith.index_cast %get3A_228 : i32 to index
        %get3A_230 = arith.index_cast %add3A_207 : i32 to index
        %get3A_231 = arith.constant 16 : index
        %get3A_232 = tpu.vector_load %arg9[%get3A_229, %get3A_230, %get3A_231] {strides = array<i32>} : memref<2x256x128xf32, #tpu.memory_space<vmem>>, vector<16xf32>,
        %add3A_233 = arith.addf %get3A_232, %select_n3A_227 : vector<16xf32>
        %swap3A_234 = arith.constant 1 : i32
        %swap3A_235 = arith.index_cast %swap3A_234 : i32 to index
        %swap3A_236 = arith.index_cast %add3A_207 : i32 to index
        %swap3A_237 = arith.constant 16 : index
        %swap3A_238 = tpu.vector_load %arg9[%swap3A_235, %swap3A_236, %swap3A_237] {strides = array<i32>} : memref<2x256x128xf32, #tpu.memory_space<vmem>>, vector<16xf32>,
        tpu.vector_store %arg9[%swap3A_235, %swap3A_236, %swap3A_237], %add3A_233 {strides = array<i32>} : memref<2x256x128xf32, #tpu.memory_space<vmem>>, vector<16xf32>,
        %select_n3A_239 = arith.select %eq3A_214, %get3A_45, %get3A_13 : vector<16xi1>, vector<16xf32>
        %select_n3A_240 = arith.select %eq3A_211, %get3A_29, %select_n3A_239 : vector<16xi1>, vector<16xf32>
        %get3A_241 = arith.constant 1 : i32
        %get3A_242 = arith.index_cast %get3A_241 : i32 to index
        %get3A_243 = arith.index_cast %add3A_207 : i32 to index
        %get3A_244 = arith.constant 32 : index
        %get3A_245 = tpu.vector_load %arg9[%get3A_242, %get3A_243, %get3A_244] {strides = array<i32>} : memref<2x256x128xf32, #tpu.memory_space<vmem>>, vector<16xf32>,
        %add3A_246 = arith.addf %get3A_245, %select_n3A_240 : vector<16xf32>
        %swap3A_247 = arith.constant 1 : i32
        %swap3A_248 = arith.index_cast %swap3A_247 : i32 to index
        %swap3A_249 = arith.index_cast %add3A_207 : i32 to index
        %swap3A_250 = arith.constant 32 : index
        %swap3A_251 = tpu.vector_load %arg9[%swap3A_248, %swap3A_249, %swap3A_250] {strides = array<i32>} : memref<2x256x128xf32, #tpu.memory_space<vmem>>, vector<16xf32>,
        tpu.vector_store %arg9[%swap3A_248, %swap3A_249, %swap3A_250], %add3A_246 {strides = array<i32>} : memref<2x256x128xf32, #tpu.memory_space<vmem>>, vector<16xf32>,
        %select_n3A_252 = arith.select %eq3A_214, %get3A_49, %get3A_17 : vector<16xi1>, vector<16xf32>
        %select_n3A_253 = arith.select %eq3A_211, %get3A_33, %select_n3A_252 : vector<16xi1>, vector<16xf32>
        %get3A_254 = arith.constant 1 : i32
        %get3A_255 = arith.index_cast %get3A_254 : i32 to index
        %get3A_256 = arith.index_cast %add3A_207 : i32 to index
        %get3A_257 = arith.constant 48 : index
        %get3A_258 = tpu.vector_load %arg9[%get3A_255, %get3A_256, %get3A_257] {strides = array<i32>} : memref<2x256x128xf32, #tpu.memory_space<vmem>>, vector<16xf32>,
        %add3A_259 = arith.addf %get3A_258, %select_n3A_253 : vector<16xf32>
        %swap3A_260 = arith.constant 1 : i32
        %swap3A_261 = arith.index_cast %swap3A_260 : i32 to index
        %swap3A_262 = arith.index_cast %add3A_207 : i32 to index
        %swap3A_263 = arith.constant 48 : index
        %swap3A_264 = tpu.vector_load %arg9[%swap3A_261, %swap3A_262, %swap3A_263] {strides = array<i32>} : memref<2x256x128xf32, #tpu.memory_space<vmem>>, vector<16xf32>,
        tpu.vector_store %arg9[%swap3A_261, %swap3A_262, %swap3A_263], %add3A_259 {strides = array<i32>} : memref<2x256x128xf32, #tpu.memory_space<vmem>>, vector<16xf32>,
        %mul3A_265 = arith.constant 16 : i32
        %mul3A_266 = arith.muli %scan3A_198, %mul3A_265 : i32
        %add3A_267 = arith.constant 1 : i32
        %add3A_268 = arith.addi %mul3A_266, %add3A_267 : i32
        %broadcast_in_dim3A_269 = arith.constant 1 : i32
        %broadcast_in_dim3A_270 = vector.broadcast %broadcast_in_dim3A_269 : i32 to vector<16x1xi32>
        %gather3A_271 = vector.shape_cast %broadcast_in_dim3A_270 : vector<16x1xi32> to vector<16xi32>
        %gather3A_272 = tpu.dynamic_gather %get3A_203[%gather3A_271] in [0] : vector<16xi32>, vector<16xi32> -> vector<16xi32>
        %eq3A_273 = arith.constant 1 : i32
        %eq3A_274 = vector.broadcast %eq3A_273 : i32 to vector<16xi32>
        %eq3A_275 = arith.cmpi eq, %gather3A_272, %eq3A_274 : vector<16xi32>
        %eq3A_276 = arith.constant 2 : i32
        %eq3A_277 = vector.broadcast %eq3A_276 : i32 to vector<16xi32>
        %eq3A_278 = arith.cmpi eq, %gather3A_272, %eq3A_277 : vector<16xi32>
        %select_n3A_279 = arith.select %eq3A_278, %get3A_37, %get3A_5 : vector<16xi1>, vector<16xf32>
        %select_n3A_280 = arith.select %eq3A_275, %get3A_21, %select_n3A_279 : vector<16xi1>, vector<16xf32>
        %get3A_281 = arith.constant 1 : i32
        %get3A_282 = arith.index_cast %get3A_281 : i32 to index
        %get3A_283 = arith.index_cast %add3A_268 : i32 to index
        %get3A_284 = arith.constant 0 : index
        %get3A_285 = tpu.vector_load %arg9[%get3A_282, %get3A_283, %get3A_284] {strides = array<i32>} : memref<2x256x128xf32, #tpu.memory_space<vmem>>, vector<16xf32>,
        %add3A_286 = arith.addf %get3A_285, %select_n3A_280 : vector<16xf32>
        %swap3A_287 = arith.constant 1 : i32
        %swap3A_288 = arith.index_cast %swap3A_287 : i32 to index
        %swap3A_289 = arith.index_cast %add3A_268 : i32 to index
        %swap3A_290 = arith.constant 0 : index
        %swap3A_291 = tpu.vector_load %arg9[%swap3A_288, %swap3A_289, %swap3A_290] {strides = array<i32>} : memref<2x256x128xf32, #tpu.memory_space<vmem>>, vector<16xf32>,
        tpu.vector_store %arg9[%swap3A_288, %swap3A_289, %swap3A_290], %add3A_286 {strides = array<i32>} : memref<2x256x128xf32, #tpu.memory_space<vmem>>, vector<16xf32>,
        %select_n3A_292 = arith.select %eq3A_278, %get3A_41, %get3A_9 : vector<16xi1>, vector<16xf32>
        %select_n3A_293 = arith.select %eq3A_275, %get3A_25, %select_n3A_292 : vector<16xi1>, vector<16xf32>
        %get3A_294 = arith.constant 1 : i32
        %get3A_295 = arith.index_cast %get3A_294 : i32 to index
        %get3A_296 = arith.index_cast %add3A_268 : i32 to index
        %get3A_297 = arith.constant 16 : index
        %get3A_298 = tpu.vector_load %arg9[%get3A_295, %get3A_296, %get3A_297] {strides = array<i32>} : memref<2x256x128xf32, #tpu.memory_space<vmem>>, vector<16xf32>,
        %add3A_299 = arith.addf %get3A_298, %select_n3A_293 : vector<16xf32>
        %swap3A_300 = arith.constant 1 : i32
        %swap3A_301 = arith.index_cast %swap3A_300 : i32 to index
        %swap3A_302 = arith.index_cast %add3A_268 : i32 to index
        %swap3A_303 = arith.constant 16 : index
        %swap3A_304 = tpu.vector_load %arg9[%swap3A_301, %swap3A_302, %swap3A_303] {strides = array<i32>} : memref<2x256x128xf32, #tpu.memory_space<vmem>>, vector<16xf32>,
        tpu.vector_store %arg9[%swap3A_301, %swap3A_302, %swap3A_303], %add3A_299 {strides = array<i32>} : memref<2x256x128xf32, #tpu.memory_space<vmem>>, vector<16xf32>,
        %select_n3A_305 = arith.select %eq3A_278, %get3A_45, %get3A_13 : vector<16xi1>, vector<16xf32>
        %select_n3A_306 = arith.select %eq3A_275, %get3A_29, %select_n3A_305 : vector<16xi1>, vector<16xf32>
        %get3A_307 = arith.constant 1 : i32
        %get3A_308 = arith.index_cast %get3A_307 : i32 to index
        %get3A_309 = arith.index_cast %add3A_268 : i32 to index
        %get3A_310 = arith.constant 32 : index
        %get3A_311 = tpu.vector_load %arg9[%get3A_308, %get3A_309, %get3A_310] {strides = array<i32>} : memref<2x256x128xf32, #tpu.memory_space<vmem>>, vector<16xf32>,
        %add3A_312 = arith.addf %get3A_311, %select_n3A_306 : vector<16xf32>
        %swap3A_313 = arith.constant 1 : i32
        %swap3A_314 = arith.index_cast %swap3A_313 : i32 to index
        %swap3A_315 = arith.index_cast %add3A_268 : i32 to index
        %swap3A_316 = arith.constant 32 : index
        %swap3A_317 = tpu.vector_load %arg9[%swap3A_314, %swap3A_315, %swap3A_316] {strides = array<i32>} : memref<2x256x128xf32, #tpu.memory_space<vmem>>, vector<16xf32>,
        tpu.vector_store %arg9[%swap3A_314, %swap3A_315, %swap3A_316], %add3A_312 {strides = array<i32>} : memref<2x256x128xf32, #tpu.memory_space<vmem>>, vector<16xf32>,
        %select_n3A_318 = arith.select %eq3A_278, %get3A_49, %get3A_17 : vector<16xi1>, vector<16xf32>
        %select_n3A_319 = arith.select %eq3A_275, %get3A_33, %select_n3A_318 : vector<16xi1>, vector<16xf32>
        %get3A_320 = arith.constant 1 : i32
        %get3A_321 = arith.index_cast %get3A_320 : i32 to index
        %get3A_322 = arith.index_cast %add3A_268 : i32 to index
        %get3A_323 = arith.constant 48 : index
        %get3A_324 = tpu.vector_load %arg9[%get3A_321, %get3A_322, %get3A_323] {strides = array<i32>} : memref<2x256x128xf32, #tpu.memory_space<vmem>>, vector<16xf32>,
        %add3A_325 = arith.addf %get3A_324, %select_n3A_319 : vector<16xf32>
        %swap3A_326 = arith.constant 1 : i32
        %swap3A_327 = arith.index_cast %swap3A_326 : i32 to index
        %swap3A_328 = arith.index_cast %add3A_268 : i32 to index
        %swap3A_329 = arith.constant 48 : index
        %swap3A_330 = tpu.vector_load %arg9[%swap3A_327, %swap3A_328, %swap3A_329] {strides = array<i32>} : memref<2x256x128xf32, #tpu.memory_space<vmem>>, vector<16xf32>,
        tpu.vector_store %arg9[%swap3A_327, %swap3A_328, %swap3A_329], %add3A_325 {strides = array<i32>} : memref<2x256x128xf32, #tpu.memory_space<vmem>>, vector<16xf32>,
        %mul3A_331 = arith.constant 16 : i32
        %mul3A_332 = arith.muli %scan3A_198, %mul3A_331 : i32
        %add3A_333 = arith.constant 2 : i32
        %add3A_334 = arith.addi %mul3A_332, %add3A_333 : i32
        %broadcast_in_dim3A_335 = arith.constant 2 : i32
        %broadcast_in_dim3A_336 = vector.broadcast %broadcast_in_dim3A_335 : i32 to vector<16x1xi32>
        %gather3A_337 = vector.shape_cast %broadcast_in_dim3A_336 : vector<16x1xi32> to vector<16xi32>
        %gather3A_338 = tpu.dynamic_gather %get3A_203[%gather3A_337] in [0] : vector<16xi32>, vector<16xi32> -> vector<16xi32>
        %eq3A_339 = arith.constant 1 : i32
        %eq3A_340 = vector.broadcast %eq3A_339 : i32 to vector<16xi32>
        %eq3A_341 = arith.cmpi eq, %gather3A_338, %eq3A_340 : vector<16xi32>
        %eq3A_342 = arith.constant 2 : i32
        %eq3A_343 = vector.broadcast %eq3A_342 : i32 to vector<16xi32>
        %eq3A_344 = arith.cmpi eq, %gather3A_338, %eq3A_343 : vector<16xi32>
        %select_n3A_345 = arith.select %eq3A_344, %get3A_37, %get3A_5 : vector<16xi1>, vector<16xf32>
        %select_n3A_346 = arith.select %eq3A_341, %get3A_21, %select_n3A_345 : vector<16xi1>, vector<16xf32>
        %get3A_347 = arith.constant 1 : i32
        %get3A_348 = arith.index_cast %get3A_347 : i32 to index
        %get3A_349 = arith.index_cast %add3A_334 : i32 to index
        %get3A_350 = arith.constant 0 : index
        %get3A_351 = tpu.vector_load %arg9[%get3A_348, %get3A_349, %get3A_350] {strides = array<i32>} : memref<2x256x128xf32, #tpu.memory_space<vmem>>, vector<16xf32>,
        %add3A_352 = arith.addf %get3A_351, %select_n3A_346 : vector<16xf32>
        %swap3A_353 = arith.constant 1 : i32
        %swap3A_354 = arith.index_cast %swap3A_353 : i32 to index
        %swap3A_355 = arith.index_cast %add3A_334 : i32 to index
        %swap3A_356 = arith.constant 0 : index
        %swap3A_357 = tpu.vector_load %arg9[%swap3A_354, %swap3A_355, %swap3A_356] {strides = array<i32>} : memref<2x256x128xf32, #tpu.memory_space<vmem>>, vector<16xf32>,
        tpu.vector_store %arg9[%swap3A_354, %swap3A_355, %swap3A_356], %add3A_352 {strides = array<i32>} : memref<2x256x128xf32, #tpu.memory_space<vmem>>, vector<16xf32>,
        %select_n3A_358 = arith.select %eq3A_344, %get3A_41, %get3A_9 : vector<16xi1>, vector<16xf32>
        %select_n3A_359 = arith.select %eq3A_341, %get3A_25, %select_n3A_358 : vector<16xi1>, vector<16xf32>
        %get3A_360 = arith.constant 1 : i32
        %get3A_361 = arith.index_cast %get3A_360 : i32 to index
        %get3A_362 = arith.index_cast %add3A_334 : i32 to index
        %get3A_363 = arith.constant 16 : index
        %get3A_364 = tpu.vector_load %arg9[%get3A_361, %get3A_362, %get3A_363] {strides = array<i32>} : memref<2x256x128xf32, #tpu.memory_space<vmem>>, vector<16xf32>,
        %add3A_365 = arith.addf %get3A_364, %select_n3A_359 : vector<16xf32>
        %swap3A_366 = arith.constant 1 : i32
        %swap3A_367 = arith.index_cast %swap3A_366 : i32 to index
        %swap3A_368 = arith.index_cast %add3A_334 : i32 to index
        %swap3A_369 = arith.constant 16 : index
        %swap3A_370 = tpu.vector_load %arg9[%swap3A_367, %swap3A_368, %swap3A_369] {strides = array<i32>} : memref<2x256x128xf32, #tpu.memory_space<vmem>>, vector<16xf32>,
        tpu.vector_store %arg9[%swap3A_367, %swap3A_368, %swap3A_369], %add3A_365 {strides = array<i32>} : memref<2x256x128xf32, #tpu.memory_space<vmem>>, vector<16xf32>,
        %select_n3A_371 = arith.select %eq3A_344, %get3A_45, %get3A_13 : vector<16xi1>, vector<16xf32>
        %select_n3A_372 = arith.select %eq3A_341, %get3A_29, %select_n3A_371 : vector<16xi1>, vector<16xf32>
        %get3A_373 = arith.constant 1 : i32
        %get3A_374 = arith.index_cast %get3A_373 : i32 to index
        %get3A_375 = arith.index_cast %add3A_334 : i32 to index
        %get3A_376 = arith.constant 32 : index
        %get3A_377 = tpu.vector_load %arg9[%get3A_374, %get3A_375, %get3A_376] {strides = array<i32>} : memref<2x256x128xf32, #tpu.memory_space<vmem>>, vector<16xf32>,
        %add3A_378 = arith.addf %get3A_377, %select_n3A_372 : vector<16xf32>
        %swap3A_379 = arith.constant 1 : i32
        %swap3A_380 = arith.index_cast %swap3A_379 : i32 to index
        %swap3A_381 = arith.index_cast %add3A_334 : i32 to index
        %swap3A_382 = arith.constant 32 : index
        %swap3A_383 = tpu.vector_load %arg9[%swap3A_380, %swap3A_381, %swap3A_382] {strides = array<i32>} : memref<2x256x128xf32, #tpu.memory_space<vmem>>, vector<16xf32>,
        tpu.vector_store %arg9[%swap3A_380, %swap3A_381, %swap3A_382], %add3A_378 {strides = array<i32>} : memref<2x256x128xf32, #tpu.memory_space<vmem>>, vector<16xf32>,
        %select_n3A_384 = arith.select %eq3A_344, %get3A_49, %get3A_17 : vector<16xi1>, vector<16xf32>
        %select_n3A_385 = arith.select %eq3A_341, %get3A_33, %select_n3A_384 : vector<16xi1>, vector<16xf32>
        %get3A_386 = arith.constant 1 : i32
        %get3A_387 = arith.index_cast %get3A_386 : i32 to index
        %get3A_388 = arith.index_cast %add3A_334 : i32 to index
        %get3A_389 = arith.constant 48 : index
        %get3A_390 = tpu.vector_load %arg9[%get3A_387, %get3A_388, %get3A_389] {strides = array<i32>} : memref<2x256x128xf32, #tpu.memory_space<vmem>>, vector<16xf32>,
        %add3A_391 = arith.addf %get3A_390, %select_n3A_385 : vector<16xf32>
        %swap3A_392 = arith.constant 1 : i32
        %swap3A_393 = arith.index_cast %swap3A_392 : i32 to index
        %swap3A_394 = arith.index_cast %add3A_334 : i32 to index
        %swap3A_395 = arith.constant 48 : index
        %swap3A_396 = tpu.vector_load %arg9[%swap3A_393, %swap3A_394, %swap3A_395] {strides = array<i32>} : memref<2x256x128xf32, #tpu.memory_space<vmem>>, vector<16xf32>,
        tpu.vector_store %arg9[%swap3A_393, %swap3A_394, %swap3A_395], %add3A_391 {strides = array<i32>} : memref<2x256x128xf32, #tpu.memory_space<vmem>>, vector<16xf32>,
        %mul3A_397 = arith.constant 16 : i32
        %mul3A_398 = arith.muli %scan3A_198, %mul3A_397 : i32
        %add3A_399 = arith.constant 3 : i32
        %add3A_400 = arith.addi %mul3A_398, %add3A_399 : i32
        %broadcast_in_dim3A_401 = arith.constant 3 : i32
        %broadcast_in_dim3A_402 = vector.broadcast %broadcast_in_dim3A_401 : i32 to vector<16x1xi32>
        %gather3A_403 = vector.shape_cast %broadcast_in_dim3A_402 : vector<16x1xi32> to vector<16xi32>
        %gather3A_404 = tpu.dynamic_gather %get3A_203[%gather3A_403] in [0] : vector<16xi32>, vector<16xi32> -> vector<16xi32>
        %eq3A_405 = arith.constant 1 : i32
        %eq3A_406 = vector.broadcast %eq3A_405 : i32 to vector<16xi32>
        %eq3A_407 = arith.cmpi eq, %gather3A_404, %eq3A_406 : vector<16xi32>
        %eq3A_408 = arith.constant 2 : i32
        %eq3A_409 = vector.broadcast %eq3A_408 : i32 to vector<16xi32>
        %eq3A_410 = arith.cmpi eq, %gather3A_404, %eq3A_409 : vector<16xi32>
        %select_n3A_411 = arith.select %eq3A_410, %get3A_37, %get3A_5 : vector<16xi1>, vector<16xf32>
        %select_n3A_412 = arith.select %eq3A_407, %get3A_21, %select_n3A_411 : vector<16xi1>, vector<16xf32>
        %get3A_413 = arith.constant 1 : i32
        %get3A_414 = arith.index_cast %get3A_413 : i32 to index
        %get3A_415 = arith.index_cast %add3A_400 : i32 to index
        %get3A_416 = arith.constant 0 : index
        %get3A_417 = tpu.vector_load %arg9[%get3A_414, %get3A_415, %get3A_416] {strides = array<i32>} : memref<2x256x128xf32, #tpu.memory_space<vmem>>, vector<16xf32>,
        %add3A_418 = arith.addf %get3A_417, %select_n3A_412 : vector<16xf32>
        %swap3A_419 = arith.constant 1 : i32
        %swap3A_420 = arith.index_cast %swap3A_419 : i32 to index
        %swap3A_421 = arith.index_cast %add3A_400 : i32 to index
        %swap3A_422 = arith.constant 0 : index
        %swap3A_423 = tpu.vector_load %arg9[%swap3A_420, %swap3A_421, %swap3A_422] {strides = array<i32>} : memref<2x256x128xf32, #tpu.memory_space<vmem>>, vector<16xf32>,
        tpu.vector_store %arg9[%swap3A_420, %swap3A_421, %swap3A_422], %add3A_418 {strides = array<i32>} : memref<2x256x128xf32, #tpu.memory_space<vmem>>, vector<16xf32>,
        %select_n3A_424 = arith.select %eq3A_410, %get3A_41, %get3A_9 : vector<16xi1>, vector<16xf32>
        %select_n3A_425 = arith.select %eq3A_407, %get3A_25, %select_n3A_424 : vector<16xi1>, vector<16xf32>
        %get3A_426 = arith.constant 1 : i32
        %get3A_427 = arith.index_cast %get3A_426 : i32 to index
        %get3A_428 = arith.index_cast %add3A_400 : i32 to index
        %get3A_429 = arith.constant 16 : index
        %get3A_430 = tpu.vector_load %arg9[%get3A_427, %get3A_428, %get3A_429] {strides = array<i32>} : memref<2x256x128xf32, #tpu.memory_space<vmem>>, vector<16xf32>,
        %add3A_431 = arith.addf %get3A_430, %select_n3A_425 : vector<16xf32>
        %swap3A_432 = arith.constant 1 : i32
        %swap3A_433 = arith.index_cast %swap3A_432 : i32 to index
        %swap3A_434 = arith.index_cast %add3A_400 : i32 to index
        %swap3A_435 = arith.constant 16 : index
        %swap3A_436 = tpu.vector_load %arg9[%swap3A_433, %swap3A_434, %swap3A_435] {strides = array<i32>} : memref<2x256x128xf32, #tpu.memory_space<vmem>>, vector<16xf32>,
        tpu.vector_store %arg9[%swap3A_433, %swap3A_434, %swap3A_435], %add3A_431 {strides = array<i32>} : memref<2x256x128xf32, #tpu.memory_space<vmem>>, vector<16xf32>,
        %select_n3A_437 = arith.select %eq3A_410, %get3A_45, %get3A_13 : vector<16xi1>, vector<16xf32>
        %select_n3A_438 = arith.select %eq3A_407, %get3A_29, %select_n3A_437 : vector<16xi1>, vector<16xf32>
        %get3A_439 = arith.constant 1 : i32
        %get3A_440 = arith.index_cast %get3A_439 : i32 to index
        %get3A_441 = arith.index_cast %add3A_400 : i32 to index
        %get3A_442 = arith.constant 32 : index
        %get3A_443 = tpu.vector_load %arg9[%get3A_440, %get3A_441, %get3A_442] {strides = array<i32>} : memref<2x256x128xf32, #tpu.memory_space<vmem>>, vector<16xf32>,
        %add3A_444 = arith.addf %get3A_443, %select_n3A_438 : vector<16xf32>
        %swap3A_445 = arith.constant 1 : i32
        %swap3A_446 = arith.index_cast %swap3A_445 : i32 to index
        %swap3A_447 = arith.index_cast %add3A_400 : i32 to index
        %swap3A_448 = arith.constant 32 : index
        %swap3A_449 = tpu.vector_load %arg9[%swap3A_446, %swap3A_447, %swap3A_448] {strides = array<i32>} : memref<2x256x128xf32, #tpu.memory_space<vmem>>, vector<16xf32>,
        tpu.vector_store %arg9[%swap3A_446, %swap3A_447, %swap3A_448], %add3A_444 {strides = array<i32>} : memref<2x256x128xf32, #tpu.memory_space<vmem>>, vector<16xf32>,
        %select_n3A_450 = arith.select %eq3A_410, %get3A_49, %get3A_17 : vector<16xi1>, vector<16xf32>
        %select_n3A_451 = arith.select %eq3A_407, %get3A_33, %select_n3A_450 : vector<16xi1>, vector<16xf32>
        %get3A_452 = arith.constant 1 : i32
        %get3A_453 = arith.index_cast %get3A_452 : i32 to index
        %get3A_454 = arith.index_cast %add3A_400 : i32 to index
        %get3A_455 = arith.constant 48 : index
        %get3A_456 = tpu.vector_load %arg9[%get3A_453, %get3A_454, %get3A_455] {strides = array<i32>} : memref<2x256x128xf32, #tpu.memory_space<vmem>>, vector<16xf32>,
        %add3A_457 = arith.addf %get3A_456, %select_n3A_451 : vector<16xf32>
        %swap3A_458 = arith.constant 1 : i32
        %swap3A_459 = arith.index_cast %swap3A_458 : i32 to index
        %swap3A_460 = arith.index_cast %add3A_400 : i32 to index
        %swap3A_461 = arith.constant 48 : index
        %swap3A_462 = tpu.vector_load %arg9[%swap3A_459, %swap3A_460, %swap3A_461] {strides = array<i32>} : memref<2x256x128xf32, #tpu.memory_space<vmem>>, vector<16xf32>,
        tpu.vector_store %arg9[%swap3A_459, %swap3A_460, %swap3A_461], %add3A_457 {strides = array<i32>} : memref<2x256x128xf32, #tpu.memory_space<vmem>>, vector<16xf32>,
        %mul3A_463 = arith.constant 16 : i32
        %mul3A_464 = arith.muli %scan3A_198, %mul3A_463 : i32
        %add3A_465 = arith.constant 4 : i32
        %add3A_466 = arith.addi %mul3A_464, %add3A_465 : i32
        %broadcast_in_dim3A_467 = arith.constant 4 : i32
        %broadcast_in_dim3A_468 = vector.broadcast %broadcast_in_dim3A_467 : i32 to vector<16x1xi32>
        %gather3A_469 = vector.shape_cast %broadcast_in_dim3A_468 : vector<16x1xi32> to vector<16xi32>
        %gather3A_470 = tpu.dynamic_gather %get3A_203[%gather3A_469] in [0] : vector<16xi32>, vector<16xi32> -> vector<16xi32>
        %eq3A_471 = arith.constant 1 : i32
        %eq3A_472 = vector.broadcast %eq3A_471 : i32 to vector<16xi32>
        %eq3A_473 = arith.cmpi eq, %gather3A_470, %eq3A_472 : vector<16xi32>
        %eq3A_474 = arith.constant 2 : i32
        %eq3A_475 = vector.broadcast %eq3A_474 : i32 to vector<16xi32>
        %eq3A_476 = arith.cmpi eq, %gather3A_470, %eq3A_475 : vector<16xi32>
        %select_n3A_477 = arith.select %eq3A_476, %get3A_37, %get3A_5 : vector<16xi1>, vector<16xf32>
        %select_n3A_478 = arith.select %eq3A_473, %get3A_21, %select_n3A_477 : vector<16xi1>, vector<16xf32>
        %get3A_479 = arith.constant 1 : i32
        %get3A_480 = arith.index_cast %get3A_479 : i32 to index
        %get3A_481 = arith.index_cast %add3A_466 : i32 to index
        %get3A_482 = arith.constant 0 : index
        %get3A_483 = tpu.vector_load %arg9[%get3A_480, %get3A_481, %get3A_482] {strides = array<i32>} : memref<2x256x128xf32, #tpu.memory_space<vmem>>, vector<16xf32>,
        %add3A_484 = arith.addf %get3A_483, %select_n3A_478 : vector<16xf32>
        %swap3A_485 = arith.constant 1 : i32
        %swap3A_486 = arith.index_cast %swap3A_485 : i32 to index
        %swap3A_487 = arith.index_cast %add3A_466 : i32 to index
        %swap3A_488 = arith.constant 0 : index
        %swap3A_489 = tpu.vector_load %arg9[%swap3A_486, %swap3A_487, %swap3A_488] {strides = array<i32>} : memref<2x256x128xf32, #tpu.memory_space<vmem>>, vector<16xf32>,
        tpu.vector_store %arg9[%swap3A_486, %swap3A_487, %swap3A_488], %add3A_484 {strides = array<i32>} : memref<2x256x128xf32, #tpu.memory_space<vmem>>, vector<16xf32>,
        %select_n3A_490 = arith.select %eq3A_476, %get3A_41, %get3A_9 : vector<16xi1>, vector<16xf32>
        %select_n3A_491 = arith.select %eq3A_473, %get3A_25, %select_n3A_490 : vector<16xi1>, vector<16xf32>
        %get3A_492 = arith.constant 1 : i32
        %get3A_493 = arith.index_cast %get3A_492 : i32 to index
        %get3A_494 = arith.index_cast %add3A_466 : i32 to index
        %get3A_495 = arith.constant 16 : index
        %get3A_496 = tpu.vector_load %arg9[%get3A_493, %get3A_494, %get3A_495] {strides = array<i32>} : memref<2x256x128xf32, #tpu.memory_space<vmem>>, vector<16xf32>,
        %add3A_497 = arith.addf %get3A_496, %select_n3A_491 : vector<16xf32>
        %swap3A_498 = arith.constant 1 : i32
        %swap3A_499 = arith.index_cast %swap3A_498 : i32 to index
        %swap3A_500 = arith.index_cast %add3A_466 : i32 to index
        %swap3A_501 = arith.constant 16 : index
        %swap3A_502 = tpu.vector_load %arg9[%swap3A_499, %swap3A_500, %swap3A_501] {strides = array<i32>} : memref<2x256x128xf32, #tpu.memory_space<vmem>>, vector<16xf32>,
        tpu.vector_store %arg9[%swap3A_499, %swap3A_500, %swap3A_501], %add3A_497 {strides = array<i32>} : memref<2x256x128xf32, #tpu.memory_space<vmem>>, vector<16xf32>,
        %select_n3A_503 = arith.select %eq3A_476, %get3A_45, %get3A_13 : vector<16xi1>, vector<16xf32>
        %select_n3A_504 = arith.select %eq3A_473, %get3A_29, %select_n3A_503 : vector<16xi1>, vector<16xf32>
        %get3A_505 = arith.constant 1 : i32
        %get3A_506 = arith.index_cast %get3A_505 : i32 to index
        %get3A_507 = arith.index_cast %add3A_466 : i32 to index
        %get3A_508 = arith.constant 32 : index
        %get3A_509 = tpu.vector_load %arg9[%get3A_506, %get3A_507, %get3A_508] {strides = array<i32>} : memref<2x256x128xf32, #tpu.memory_space<vmem>>, vector<16xf32>,
        %add3A_510 = arith.addf %get3A_509, %select_n3A_504 : vector<16xf32>
        %swap3A_511 = arith.constant 1 : i32
        %swap3A_512 = arith.index_cast %swap3A_511 : i32 to index
        %swap3A_513 = arith.index_cast %add3A_466 : i32 to index
        %swap3A_514 = arith.constant 32 : index
        %swap3A_515 = tpu.vector_load %arg9[%swap3A_512, %swap3A_513, %swap3A_514] {strides = array<i32>} : memref<2x256x128xf32, #tpu.memory_space<vmem>>, vector<16xf32>,
        tpu.vector_store %arg9[%swap3A_512, %swap3A_513, %swap3A_514], %add3A_510 {strides = array<i32>} : memref<2x256x128xf32, #tpu.memory_space<vmem>>, vector<16xf32>,
        %select_n3A_516 = arith.select %eq3A_476, %get3A_49, %get3A_17 : vector<16xi1>, vector<16xf32>
        %select_n3A_517 = arith.select %eq3A_473, %get3A_33, %select_n3A_516 : vector<16xi1>, vector<16xf32>
        %get3A_518 = arith.constant 1 : i32
        %get3A_519 = arith.index_cast %get3A_518 : i32 to index
        %get3A_520 = arith.index_cast %add3A_466 : i32 to index
        %get3A_521 = arith.constant 48 : index
        %get3A_522 = tpu.vector_load %arg9[%get3A_519, %get3A_520, %get3A_521] {strides = array<i32>} : memref<2x256x128xf32, #tpu.memory_space<vmem>>, vector<16xf32>,
        %add3A_523 = arith.addf %get3A_522, %select_n3A_517 : vector<16xf32>
        %swap3A_524 = arith.constant 1 : i32
        %swap3A_525 = arith.index_cast %swap3A_524 : i32 to index
        %swap3A_526 = arith.index_cast %add3A_466 : i32 to index
        %swap3A_527 = arith.constant 48 : index
        %swap3A_528 = tpu.vector_load %arg9[%swap3A_525, %swap3A_526, %swap3A_527] {strides = array<i32>} : memref<2x256x128xf32, #tpu.memory_space<vmem>>, vector<16xf32>,
        tpu.vector_store %arg9[%swap3A_525, %swap3A_526, %swap3A_527], %add3A_523 {strides = array<i32>} : memref<2x256x128xf32, #tpu.memory_space<vmem>>, vector<16xf32>,
        %mul3A_529 = arith.constant 16 : i32
        %mul3A_530 = arith.muli %scan3A_198, %mul3A_529 : i32
        %add3A_531 = arith.constant 5 : i32
        %add3A_532 = arith.addi %mul3A_530, %add3A_531 : i32
        %broadcast_in_dim3A_533 = arith.constant 5 : i32
        %broadcast_in_dim3A_534 = vector.broadcast %broadcast_in_dim3A_533 : i32 to vector<16x1xi32>
        %gather3A_535 = vector.shape_cast %broadcast_in_dim3A_534 : vector<16x1xi32> to vector<16xi32>
        %gather3A_536 = tpu.dynamic_gather %get3A_203[%gather3A_535] in [0] : vector<16xi32>, vector<16xi32> -> vector<16xi32>
        %eq3A_537 = arith.constant 1 : i32
        %eq3A_538 = vector.broadcast %eq3A_537 : i32 to vector<16xi32>
        %eq3A_539 = arith.cmpi eq, %gather3A_536, %eq3A_538 : vector<16xi32>
        %eq3A_540 = arith.constant 2 : i32
        %eq3A_541 = vector.broadcast %eq3A_540 : i32 to vector<16xi32>
        %eq3A_542 = arith.cmpi eq, %gather3A_536, %eq3A_541 : vector<16xi32>
        %select_n3A_543 = arith.select %eq3A_542, %get3A_37, %get3A_5 : vector<16xi1>, vector<16xf32>
        %select_n3A_544 = arith.select %eq3A_539, %get3A_21, %select_n3A_543 : vector<16xi1>, vector<16xf32>
        %get3A_545 = arith.constant 1 : i32
        %get3A_546 = arith.index_cast %get3A_545 : i32 to index
        %get3A_547 = arith.index_cast %add3A_532 : i32 to index
        %get3A_548 = arith.constant 0 : index
        %get3A_549 = tpu.vector_load %arg9[%get3A_546, %get3A_547, %get3A_548] {strides = array<i32>} : memref<2x256x128xf32, #tpu.memory_space<vmem>>, vector<16xf32>,
        %add3A_550 = arith.addf %get3A_549, %select_n3A_544 : vector<16xf32>
        %swap3A_551 = arith.constant 1 : i32
        %swap3A_552 = arith.index_cast %swap3A_551 : i32 to index
        %swap3A_553 = arith.index_cast %add3A_532 : i32 to index
        %swap3A_554 = arith.constant 0 : index
        %swap3A_555 = tpu.vector_load %arg9[%swap3A_552, %swap3A_553, %swap3A_554] {strides = array<i32>} : memref<2x256x128xf32, #tpu.memory_space<vmem>>, vector<16xf32>,
        tpu.vector_store %arg9[%swap3A_552, %swap3A_553, %swap3A_554], %add3A_550 {strides = array<i32>} : memref<2x256x128xf32, #tpu.memory_space<vmem>>, vector<16xf32>,
        %select_n3A_556 = arith.select %eq3A_542, %get3A_41, %get3A_9 : vector<16xi1>, vector<16xf32>
        %select_n3A_557 = arith.select %eq3A_539, %get3A_25, %select_n3A_556 : vector<16xi1>, vector<16xf32>
        %get3A_558 = arith.constant 1 : i32
        %get3A_559 = arith.index_cast %get3A_558 : i32 to index
        %get3A_560 = arith.index_cast %add3A_532 : i32 to index
        %get3A_561 = arith.constant 16 : index
        %get3A_562 = tpu.vector_load %arg9[%get3A_559, %get3A_560, %get3A_561] {strides = array<i32>} : memref<2x256x128xf32, #tpu.memory_space<vmem>>, vector<16xf32>,
        %add3A_563 = arith.addf %get3A_562, %select_n3A_557 : vector<16xf32>
        %swap3A_564 = arith.constant 1 : i32
        %swap3A_565 = arith.index_cast %swap3A_564 : i32 to index
        %swap3A_566 = arith.index_cast %add3A_532 : i32 to index
        %swap3A_567 = arith.constant 16 : index
        %swap3A_568 = tpu.vector_load %arg9[%swap3A_565, %swap3A_566, %swap3A_567] {strides = array<i32>} : memref<2x256x128xf32, #tpu.memory_space<vmem>>, vector<16xf32>,
        tpu.vector_store %arg9[%swap3A_565, %swap3A_566, %swap3A_567], %add3A_563 {strides = array<i32>} : memref<2x256x128xf32, #tpu.memory_space<vmem>>, vector<16xf32>,
        %select_n3A_569 = arith.select %eq3A_542, %get3A_45, %get3A_13 : vector<16xi1>, vector<16xf32>
        %select_n3A_570 = arith.select %eq3A_539, %get3A_29, %select_n3A_569 : vector<16xi1>, vector<16xf32>
        %get3A_571 = arith.constant 1 : i32
        %get3A_572 = arith.index_cast %get3A_571 : i32 to index
        %get3A_573 = arith.index_cast %add3A_532 : i32 to index
        %get3A_574 = arith.constant 32 : index
        %get3A_575 = tpu.vector_load %arg9[%get3A_572, %get3A_573, %get3A_574] {strides = array<i32>} : memref<2x256x128xf32, #tpu.memory_space<vmem>>, vector<16xf32>,
        %add3A_576 = arith.addf %get3A_575, %select_n3A_570 : vector<16xf32>
        %swap3A_577 = arith.constant 1 : i32
        %swap3A_578 = arith.index_cast %swap3A_577 : i32 to index
        %swap3A_579 = arith.index_cast %add3A_532 : i32 to index
        %swap3A_580 = arith.constant 32 : index
        %swap3A_581 = tpu.vector_load %arg9[%swap3A_578, %swap3A_579, %swap3A_580] {strides = array<i32>} : memref<2x256x128xf32, #tpu.memory_space<vmem>>, vector<16xf32>,
        tpu.vector_store %arg9[%swap3A_578, %swap3A_579, %swap3A_580], %add3A_576 {strides = array<i32>} : memref<2x256x128xf32, #tpu.memory_space<vmem>>, vector<16xf32>,
        %select_n3A_582 = arith.select %eq3A_542, %get3A_49, %get3A_17 : vector<16xi1>, vector<16xf32>
        %select_n3A_583 = arith.select %eq3A_539, %get3A_33, %select_n3A_582 : vector<16xi1>, vector<16xf32>
        %get3A_584 = arith.constant 1 : i32
        %get3A_585 = arith.index_cast %get3A_584 : i32 to index
        %get3A_586 = arith.index_cast %add3A_532 : i32 to index
        %get3A_587 = arith.constant 48 : index
        %get3A_588 = tpu.vector_load %arg9[%get3A_585, %get3A_586, %get3A_587] {strides = array<i32>} : memref<2x256x128xf32, #tpu.memory_space<vmem>>, vector<16xf32>,
        %add3A_589 = arith.addf %get3A_588, %select_n3A_583 : vector<16xf32>
        %swap3A_590 = arith.constant 1 : i32
        %swap3A_591 = arith.index_cast %swap3A_590 : i32 to index
        %swap3A_592 = arith.index_cast %add3A_532 : i32 to index
        %swap3A_593 = arith.constant 48 : index
        %swap3A_594 = tpu.vector_load %arg9[%swap3A_591, %swap3A_592, %swap3A_593] {strides = array<i32>} : memref<2x256x128xf32, #tpu.memory_space<vmem>>, vector<16xf32>,
        tpu.vector_store %arg9[%swap3A_591, %swap3A_592, %swap3A_593], %add3A_589 {strides = array<i32>} : memref<2x256x128xf32, #tpu.memory_space<vmem>>, vector<16xf32>,
        %mul3A_595 = arith.constant 16 : i32
        %mul3A_596 = arith.muli %scan3A_198, %mul3A_595 : i32
        %add3A_597 = arith.constant 6 : i32
        %add3A_598 = arith.addi %mul3A_596, %add3A_597 : i32
        %broadcast_in_dim3A_599 = arith.constant 6 : i32
        %broadcast_in_dim3A_600 = vector.broadcast %broadcast_in_dim3A_599 : i32 to vector<16x1xi32>
        %gather3A_601 = vector.shape_cast %broadcast_in_dim3A_600 : vector<16x1xi32> to vector<16xi32>
        %gather3A_602 = tpu.dynamic_gather %get3A_203[%gather3A_601] in [0] : vector<16xi32>, vector<16xi32> -> vector<16xi32>
        %eq3A_603 = arith.constant 1 : i32
        %eq3A_604 = vector.broadcast %eq3A_603 : i32 to vector<16xi32>
        %eq3A_605 = arith.cmpi eq, %gather3A_602, %eq3A_604 : vector<16xi32>
        %eq3A_606 = arith.constant 2 : i32
        %eq3A_607 = vector.broadcast %eq3A_606 : i32 to vector<16xi32>
        %eq3A_608 = arith.cmpi eq, %gather3A_602, %eq3A_607 : vector<16xi32>
        %select_n3A_609 = arith.select %eq3A_608, %get3A_37, %get3A_5 : vector<16xi1>, vector<16xf32>
        %select_n3A_610 = arith.select %eq3A_605, %get3A_21, %select_n3A_609 : vector<16xi1>, vector<16xf32>
        %get3A_611 = arith.constant 1 : i32
        %get3A_612 = arith.index_cast %get3A_611 : i32 to index
        %get3A_613 = arith.index_cast %add3A_598 : i32 to index
        %get3A_614 = arith.constant 0 : index
        %get3A_615 = tpu.vector_load %arg9[%get3A_612, %get3A_613, %get3A_614] {strides = array<i32>} : memref<2x256x128xf32, #tpu.memory_space<vmem>>, vector<16xf32>,
        %add3A_616 = arith.addf %get3A_615, %select_n3A_610 : vector<16xf32>
        %swap3A_617 = arith.constant 1 : i32
        %swap3A_618 = arith.index_cast %swap3A_617 : i32 to index
        %swap3A_619 = arith.index_cast %add3A_598 : i32 to index
        %swap3A_620 = arith.constant 0 : index
        %swap3A_621 = tpu.vector_load %arg9[%swap3A_618, %swap3A_619, %swap3A_620] {strides = array<i32>} : memref<2x256x128xf32, #tpu.memory_space<vmem>>, vector<16xf32>,
        tpu.vector_store %arg9[%swap3A_618, %swap3A_619, %swap3A_620], %add3A_616 {strides = array<i32>} : memref<2x256x128xf32, #tpu.memory_space<vmem>>, vector<16xf32>,
        %select_n3A_622 = arith.select %eq3A_608, %get3A_41, %get3A_9 : vector<16xi1>, vector<16xf32>
        %select_n3A_623 = arith.select %eq3A_605, %get3A_25, %select_n3A_622 : vector<16xi1>, vector<16xf32>
        %get3A_624 = arith.constant 1 : i32
        %get3A_625 = arith.index_cast %get3A_624 : i32 to index
        %get3A_626 = arith.index_cast %add3A_598 : i32 to index
        %get3A_627 = arith.constant 16 : index
        %get3A_628 = tpu.vector_load %arg9[%get3A_625, %get3A_626, %get3A_627] {strides = array<i32>} : memref<2x256x128xf32, #tpu.memory_space<vmem>>, vector<16xf32>,
        %add3A_629 = arith.addf %get3A_628, %select_n3A_623 : vector<16xf32>
        %swap3A_630 = arith.constant 1 : i32
        %swap3A_631 = arith.index_cast %swap3A_630 : i32 to index
        %swap3A_632 = arith.index_cast %add3A_598 : i32 to index
        %swap3A_633 = arith.constant 16 : index
        %swap3A_634 = tpu.vector_load %arg9[%swap3A_631, %swap3A_632, %swap3A_633] {strides = array<i32>} : memref<2x256x128xf32, #tpu.memory_space<vmem>>, vector<16xf32>,
        tpu.vector_store %arg9[%swap3A_631, %swap3A_632, %swap3A_633], %add3A_629 {strides = array<i32>} : memref<2x256x128xf32, #tpu.memory_space<vmem>>, vector<16xf32>,
        %select_n3A_635 = arith.select %eq3A_608, %get3A_45, %get3A_13 : vector<16xi1>, vector<16xf32>
        %select_n3A_636 = arith.select %eq3A_605, %get3A_29, %select_n3A_635 : vector<16xi1>, vector<16xf32>
        %get3A_637 = arith.constant 1 : i32
        %get3A_638 = arith.index_cast %get3A_637 : i32 to index
        %get3A_639 = arith.index_cast %add3A_598 : i32 to index
        %get3A_640 = arith.constant 32 : index
        %get3A_641 = tpu.vector_load %arg9[%get3A_638, %get3A_639, %get3A_640] {strides = array<i32>} : memref<2x256x128xf32, #tpu.memory_space<vmem>>, vector<16xf32>,
        %add3A_642 = arith.addf %get3A_641, %select_n3A_636 : vector<16xf32>
        %swap3A_643 = arith.constant 1 : i32
        %swap3A_644 = arith.index_cast %swap3A_643 : i32 to index
        %swap3A_645 = arith.index_cast %add3A_598 : i32 to index
        %swap3A_646 = arith.constant 32 : index
        %swap3A_647 = tpu.vector_load %arg9[%swap3A_644, %swap3A_645, %swap3A_646] {strides = array<i32>} : memref<2x256x128xf32, #tpu.memory_space<vmem>>, vector<16xf32>,
        tpu.vector_store %arg9[%swap3A_644, %swap3A_645, %swap3A_646], %add3A_642 {strides = array<i32>} : memref<2x256x128xf32, #tpu.memory_space<vmem>>, vector<16xf32>,
        %select_n3A_648 = arith.select %eq3A_608, %get3A_49, %get3A_17 : vector<16xi1>, vector<16xf32>
        %select_n3A_649 = arith.select %eq3A_605, %get3A_33, %select_n3A_648 : vector<16xi1>, vector<16xf32>
        %get3A_650 = arith.constant 1 : i32
        %get3A_651 = arith.index_cast %get3A_650 : i32 to index
        %get3A_652 = arith.index_cast %add3A_598 : i32 to index
        %get3A_653 = arith.constant 48 : index
        %get3A_654 = tpu.vector_load %arg9[%get3A_651, %get3A_652, %get3A_653] {strides = array<i32>} : memref<2x256x128xf32, #tpu.memory_space<vmem>>, vector<16xf32>,
        %add3A_655 = arith.addf %get3A_654, %select_n3A_649 : vector<16xf32>
        %swap3A_656 = arith.constant 1 : i32
        %swap3A_657 = arith.index_cast %swap3A_656 : i32 to index
        %swap3A_658 = arith.index_cast %add3A_598 : i32 to index
        %swap3A_659 = arith.constant 48 : index
        %swap3A_660 = tpu.vector_load %arg9[%swap3A_657, %swap3A_658, %swap3A_659] {strides = array<i32>} : memref<2x256x128xf32, #tpu.memory_space<vmem>>, vector<16xf32>,
        tpu.vector_store %arg9[%swap3A_657, %swap3A_658, %swap3A_659], %add3A_655 {strides = array<i32>} : memref<2x256x128xf32, #tpu.memory_space<vmem>>, vector<16xf32>,
        %mul3A_661 = arith.constant 16 : i32
        %mul3A_662 = arith.muli %scan3A_198, %mul3A_661 : i32
        %add3A_663 = arith.constant 7 : i32
        %add3A_664 = arith.addi %mul3A_662, %add3A_663 : i32
        %broadcast_in_dim3A_665 = arith.constant 7 : i32
        %broadcast_in_dim3A_666 = vector.broadcast %broadcast_in_dim3A_665 : i32 to vector<16x1xi32>
        %gather3A_667 = vector.shape_cast %broadcast_in_dim3A_666 : vector<16x1xi32> to vector<16xi32>
        %gather3A_668 = tpu.dynamic_gather %get3A_203[%gather3A_667] in [0] : vector<16xi32>, vector<16xi32> -> vector<16xi32>
        %eq3A_669 = arith.constant 1 : i32
        %eq3A_670 = vector.broadcast %eq3A_669 : i32 to vector<16xi32>
        %eq3A_671 = arith.cmpi eq, %gather3A_668, %eq3A_670 : vector<16xi32>
        %eq3A_672 = arith.constant 2 : i32
        %eq3A_673 = vector.broadcast %eq3A_672 : i32 to vector<16xi32>
        %eq3A_674 = arith.cmpi eq, %gather3A_668, %eq3A_673 : vector<16xi32>
        %select_n3A_675 = arith.select %eq3A_674, %get3A_37, %get3A_5 : vector<16xi1>, vector<16xf32>
        %select_n3A_676 = arith.select %eq3A_671, %get3A_21, %select_n3A_675 : vector<16xi1>, vector<16xf32>
        %get3A_677 = arith.constant 1 : i32
        %get3A_678 = arith.index_cast %get3A_677 : i32 to index
        %get3A_679 = arith.index_cast %add3A_664 : i32 to index
        %get3A_680 = arith.constant 0 : index
        %get3A_681 = tpu.vector_load %arg9[%get3A_678, %get3A_679, %get3A_680] {strides = array<i32>} : memref<2x256x128xf32, #tpu.memory_space<vmem>>, vector<16xf32>,
        %add3A_682 = arith.addf %get3A_681, %select_n3A_676 : vector<16xf32>
        %swap3A_683 = arith.constant 1 : i32
        %swap3A_684 = arith.index_cast %swap3A_683 : i32 to index
        %swap3A_685 = arith.index_cast %add3A_664 : i32 to index
        %swap3A_686 = arith.constant 0 : index
        %swap3A_687 = tpu.vector_load %arg9[%swap3A_684, %swap3A_685, %swap3A_686] {strides = array<i32>} : memref<2x256x128xf32, #tpu.memory_space<vmem>>, vector<16xf32>,
        tpu.vector_store %arg9[%swap3A_684, %swap3A_685, %swap3A_686], %add3A_682 {strides = array<i32>} : memref<2x256x128xf32, #tpu.memory_space<vmem>>, vector<16xf32>,
        %select_n3A_688 = arith.select %eq3A_674, %get3A_41, %get3A_9 : vector<16xi1>, vector<16xf32>
        %select_n3A_689 = arith.select %eq3A_671, %get3A_25, %select_n3A_688 : vector<16xi1>, vector<16xf32>
        %get3A_690 = arith.constant 1 : i32
        %get3A_691 = arith.index_cast %get3A_690 : i32 to index
        %get3A_692 = arith.index_cast %add3A_664 : i32 to index
        %get3A_693 = arith.constant 16 : index
        %get3A_694 = tpu.vector_load %arg9[%get3A_691, %get3A_692, %get3A_693] {strides = array<i32>} : memref<2x256x128xf32, #tpu.memory_space<vmem>>, vector<16xf32>,
        %add3A_695 = arith.addf %get3A_694, %select_n3A_689 : vector<16xf32>
        %swap3A_696 = arith.constant 1 : i32
        %swap3A_697 = arith.index_cast %swap3A_696 : i32 to index
        %swap3A_698 = arith.index_cast %add3A_664 : i32 to index
        %swap3A_699 = arith.constant 16 : index
        %swap3A_700 = tpu.vector_load %arg9[%swap3A_697, %swap3A_698, %swap3A_699] {strides = array<i32>} : memref<2x256x128xf32, #tpu.memory_space<vmem>>, vector<16xf32>,
        tpu.vector_store %arg9[%swap3A_697, %swap3A_698, %swap3A_699], %add3A_695 {strides = array<i32>} : memref<2x256x128xf32, #tpu.memory_space<vmem>>, vector<16xf32>,
        %select_n3A_701 = arith.select %eq3A_674, %get3A_45, %get3A_13 : vector<16xi1>, vector<16xf32>
        %select_n3A_702 = arith.select %eq3A_671, %get3A_29, %select_n3A_701 : vector<16xi1>, vector<16xf32>
        %get3A_703 = arith.constant 1 : i32
        %get3A_704 = arith.index_cast %get3A_703 : i32 to index
        %get3A_705 = arith.index_cast %add3A_664 : i32 to index
        %get3A_706 = arith.constant 32 : index
        %get3A_707 = tpu.vector_load %arg9[%get3A_704, %get3A_705, %get3A_706] {strides = array<i32>} : memref<2x256x128xf32, #tpu.memory_space<vmem>>, vector<16xf32>,
        %add3A_708 = arith.addf %get3A_707, %select_n3A_702 : vector<16xf32>
        %swap3A_709 = arith.constant 1 : i32
        %swap3A_710 = arith.index_cast %swap3A_709 : i32 to index
        %swap3A_711 = arith.index_cast %add3A_664 : i32 to index
        %swap3A_712 = arith.constant 32 : index
        %swap3A_713 = tpu.vector_load %arg9[%swap3A_710, %swap3A_711, %swap3A_712] {strides = array<i32>} : memref<2x256x128xf32, #tpu.memory_space<vmem>>, vector<16xf32>,
        tpu.vector_store %arg9[%swap3A_710, %swap3A_711, %swap3A_712], %add3A_708 {strides = array<i32>} : memref<2x256x128xf32, #tpu.memory_space<vmem>>, vector<16xf32>,
        %select_n3A_714 = arith.select %eq3A_674, %get3A_49, %get3A_17 : vector<16xi1>, vector<16xf32>
        %select_n3A_715 = arith.select %eq3A_671, %get3A_33, %select_n3A_714 : vector<16xi1>, vector<16xf32>
        %get3A_716 = arith.constant 1 : i32
        %get3A_717 = arith.index_cast %get3A_716 : i32 to index
        %get3A_718 = arith.index_cast %add3A_664 : i32 to index
        %get3A_719 = arith.constant 48 : index
        %get3A_720 = tpu.vector_load %arg9[%get3A_717, %get3A_718, %get3A_719] {strides = array<i32>} : memref<2x256x128xf32, #tpu.memory_space<vmem>>, vector<16xf32>,
        %add3A_721 = arith.addf %get3A_720, %select_n3A_715 : vector<16xf32>
        %swap3A_722 = arith.constant 1 : i32
        %swap3A_723 = arith.index_cast %swap3A_722 : i32 to index
        %swap3A_724 = arith.index_cast %add3A_664 : i32 to index
        %swap3A_725 = arith.constant 48 : index
        %swap3A_726 = tpu.vector_load %arg9[%swap3A_723, %swap3A_724, %swap3A_725] {strides = array<i32>} : memref<2x256x128xf32, #tpu.memory_space<vmem>>, vector<16xf32>,
        tpu.vector_store %arg9[%swap3A_723, %swap3A_724, %swap3A_725], %add3A_721 {strides = array<i32>} : memref<2x256x128xf32, #tpu.memory_space<vmem>>, vector<16xf32>,
        %mul3A_727 = arith.constant 16 : i32
        %mul3A_728 = arith.muli %scan3A_198, %mul3A_727 : i32
        %add3A_729 = arith.constant 8 : i32
        %add3A_730 = arith.addi %mul3A_728, %add3A_729 : i32
        %broadcast_in_dim3A_731 = arith.constant 8 : i32
        %broadcast_in_dim3A_732 = vector.broadcast %broadcast_in_dim3A_731 : i32 to vector<16x1xi32>
        %gather3A_733 = vector.shape_cast %broadcast_in_dim3A_732 : vector<16x1xi32> to vector<16xi32>
        %gather3A_734 = tpu.dynamic_gather %get3A_203[%gather3A_733] in [0] : vector<16xi32>, vector<16xi32> -> vector<16xi32>
        %eq3A_735 = arith.constant 1 : i32
        %eq3A_736 = vector.broadcast %eq3A_735 : i32 to vector<16xi32>
        %eq3A_737 = arith.cmpi eq, %gather3A_734, %eq3A_736 : vector<16xi32>
        %eq3A_738 = arith.constant 2 : i32
        %eq3A_739 = vector.broadcast %eq3A_738 : i32 to vector<16xi32>
        %eq3A_740 = arith.cmpi eq, %gather3A_734, %eq3A_739 : vector<16xi32>
        %select_n3A_741 = arith.select %eq3A_740, %get3A_37, %get3A_5 : vector<16xi1>, vector<16xf32>
        %select_n3A_742 = arith.select %eq3A_737, %get3A_21, %select_n3A_741 : vector<16xi1>, vector<16xf32>
        %get3A_743 = arith.constant 1 : i32
        %get3A_744 = arith.index_cast %get3A_743 : i32 to index
        %get3A_745 = arith.index_cast %add3A_730 : i32 to index
        %get3A_746 = arith.constant 0 : index
        %get3A_747 = tpu.vector_load %arg9[%get3A_744, %get3A_745, %get3A_746] {strides = array<i32>} : memref<2x256x128xf32, #tpu.memory_space<vmem>>, vector<16xf32>,
        %add3A_748 = arith.addf %get3A_747, %select_n3A_742 : vector<16xf32>
        %swap3A_749 = arith.constant 1 : i32
        %swap3A_750 = arith.index_cast %swap3A_749 : i32 to index
        %swap3A_751 = arith.index_cast %add3A_730 : i32 to index
        %swap3A_752 = arith.constant 0 : index
        %swap3A_753 = tpu.vector_load %arg9[%swap3A_750, %swap3A_751, %swap3A_752] {strides = array<i32>} : memref<2x256x128xf32, #tpu.memory_space<vmem>>, vector<16xf32>,
        tpu.vector_store %arg9[%swap3A_750, %swap3A_751, %swap3A_752], %add3A_748 {strides = array<i32>} : memref<2x256x128xf32, #tpu.memory_space<vmem>>, vector<16xf32>,
        %select_n3A_754 = arith.select %eq3A_740, %get3A_41, %get3A_9 : vector<16xi1>, vector<16xf32>
        %select_n3A_755 = arith.select %eq3A_737, %get3A_25, %select_n3A_754 : vector<16xi1>, vector<16xf32>
        %get3A_756 = arith.constant 1 : i32
        %get3A_757 = arith.index_cast %get3A_756 : i32 to index
        %get3A_758 = arith.index_cast %add3A_730 : i32 to index
        %get3A_759 = arith.constant 16 : index
        %get3A_760 = tpu.vector_load %arg9[%get3A_757, %get3A_758, %get3A_759] {strides = array<i32>} : memref<2x256x128xf32, #tpu.memory_space<vmem>>, vector<16xf32>,
        %add3A_761 = arith.addf %get3A_760, %select_n3A_755 : vector<16xf32>
        %swap3A_762 = arith.constant 1 : i32
        %swap3A_763 = arith.index_cast %swap3A_762 : i32 to index
        %swap3A_764 = arith.index_cast %add3A_730 : i32 to index
        %swap3A_765 = arith.constant 16 : index
        %swap3A_766 = tpu.vector_load %arg9[%swap3A_763, %swap3A_764, %swap3A_765] {strides = array<i32>} : memref<2x256x128xf32, #tpu.memory_space<vmem>>, vector<16xf32>,
        tpu.vector_store %arg9[%swap3A_763, %swap3A_764, %swap3A_765], %add3A_761 {strides = array<i32>} : memref<2x256x128xf32, #tpu.memory_space<vmem>>, vector<16xf32>,
        %select_n3A_767 = arith.select %eq3A_740, %get3A_45, %get3A_13 : vector<16xi1>, vector<16xf32>
        %select_n3A_768 = arith.select %eq3A_737, %get3A_29, %select_n3A_767 : vector<16xi1>, vector<16xf32>
        %get3A_769 = arith.constant 1 : i32
        %get3A_770 = arith.index_cast %get3A_769 : i32 to index
        %get3A_771 = arith.index_cast %add3A_730 : i32 to index
        %get3A_772 = arith.constant 32 : index
        %get3A_773 = tpu.vector_load %arg9[%get3A_770, %get3A_771, %get3A_772] {strides = array<i32>} : memref<2x256x128xf32, #tpu.memory_space<vmem>>, vector<16xf32>,
        %add3A_774 = arith.addf %get3A_773, %select_n3A_768 : vector<16xf32>
        %swap3A_775 = arith.constant 1 : i32
        %swap3A_776 = arith.index_cast %swap3A_775 : i32 to index
        %swap3A_777 = arith.index_cast %add3A_730 : i32 to index
        %swap3A_778 = arith.constant 32 : index
        %swap3A_779 = tpu.vector_load %arg9[%swap3A_776, %swap3A_777, %swap3A_778] {strides = array<i32>} : memref<2x256x128xf32, #tpu.memory_space<vmem>>, vector<16xf32>,
        tpu.vector_store %arg9[%swap3A_776, %swap3A_777, %swap3A_778], %add3A_774 {strides = array<i32>} : memref<2x256x128xf32, #tpu.memory_space<vmem>>, vector<16xf32>,
        %select_n3A_780 = arith.select %eq3A_740, %get3A_49, %get3A_17 : vector<16xi1>, vector<16xf32>
        %select_n3A_781 = arith.select %eq3A_737, %get3A_33, %select_n3A_780 : vector<16xi1>, vector<16xf32>
        %get3A_782 = arith.constant 1 : i32
        %get3A_783 = arith.index_cast %get3A_782 : i32 to index
        %get3A_784 = arith.index_cast %add3A_730 : i32 to index
        %get3A_785 = arith.constant 48 : index
        %get3A_786 = tpu.vector_load %arg9[%get3A_783, %get3A_784, %get3A_785] {strides = array<i32>} : memref<2x256x128xf32, #tpu.memory_space<vmem>>, vector<16xf32>,
        %add3A_787 = arith.addf %get3A_786, %select_n3A_781 : vector<16xf32>
        %swap3A_788 = arith.constant 1 : i32
        %swap3A_789 = arith.index_cast %swap3A_788 : i32 to index
        %swap3A_790 = arith.index_cast %add3A_730 : i32 to index
        %swap3A_791 = arith.constant 48 : index
        %swap3A_792 = tpu.vector_load %arg9[%swap3A_789, %swap3A_790, %swap3A_791] {strides = array<i32>} : memref<2x256x128xf32, #tpu.memory_space<vmem>>, vector<16xf32>,
        tpu.vector_store %arg9[%swap3A_789, %swap3A_790, %swap3A_791], %add3A_787 {strides = array<i32>} : memref<2x256x128xf32, #tpu.memory_space<vmem>>, vector<16xf32>,
        %mul3A_793 = arith.constant 16 : i32
        %mul3A_794 = arith.muli %scan3A_198, %mul3A_793 : i32
        %add3A_795 = arith.constant 9 : i32
        %add3A_796 = arith.addi %mul3A_794, %add3A_795 : i32
        %broadcast_in_dim3A_797 = arith.constant 9 : i32
        %broadcast_in_dim3A_798 = vector.broadcast %broadcast_in_dim3A_797 : i32 to vector<16x1xi32>
        %gather3A_799 = vector.shape_cast %broadcast_in_dim3A_798 : vector<16x1xi32> to vector<16xi32>
        %gather3A_800 = tpu.dynamic_gather %get3A_203[%gather3A_799] in [0] : vector<16xi32>, vector<16xi32> -> vector<16xi32>
        %eq3A_801 = arith.constant 1 : i32
        %eq3A_802 = vector.broadcast %eq3A_801 : i32 to vector<16xi32>
        %eq3A_803 = arith.cmpi eq, %gather3A_800, %eq3A_802 : vector<16xi32>
        %eq3A_804 = arith.constant 2 : i32
        %eq3A_805 = vector.broadcast %eq3A_804 : i32 to vector<16xi32>
        %eq3A_806 = arith.cmpi eq, %gather3A_800, %eq3A_805 : vector<16xi32>
        %select_n3A_807 = arith.select %eq3A_806, %get3A_37, %get3A_5 : vector<16xi1>, vector<16xf32>
        %select_n3A_808 = arith.select %eq3A_803, %get3A_21, %select_n3A_807 : vector<16xi1>, vector<16xf32>
        %get3A_809 = arith.constant 1 : i32
        %get3A_810 = arith.index_cast %get3A_809 : i32 to index
        %get3A_811 = arith.index_cast %add3A_796 : i32 to index
        %get3A_812 = arith.constant 0 : index
        %get3A_813 = tpu.vector_load %arg9[%get3A_810, %get3A_811, %get3A_812] {strides = array<i32>} : memref<2x256x128xf32, #tpu.memory_space<vmem>>, vector<16xf32>,
        %add3A_814 = arith.addf %get3A_813, %select_n3A_808 : vector<16xf32>
        %swap3A_815 = arith.constant 1 : i32
        %swap3A_816 = arith.index_cast %swap3A_815 : i32 to index
        %swap3A_817 = arith.index_cast %add3A_796 : i32 to index
        %swap3A_818 = arith.constant 0 : index
        %swap3A_819 = tpu.vector_load %arg9[%swap3A_816, %swap3A_817, %swap3A_818] {strides = array<i32>} : memref<2x256x128xf32, #tpu.memory_space<vmem>>, vector<16xf32>,
        tpu.vector_store %arg9[%swap3A_816, %swap3A_817, %swap3A_818], %add3A_814 {strides = array<i32>} : memref<2x256x128xf32, #tpu.memory_space<vmem>>, vector<16xf32>,
        %select_n3A_820 = arith.select %eq3A_806, %get3A_41, %get3A_9 : vector<16xi1>, vector<16xf32>
        %select_n3A_821 = arith.select %eq3A_803, %get3A_25, %select_n3A_820 : vector<16xi1>, vector<16xf32>
        %get3A_822 = arith.constant 1 : i32
        %get3A_823 = arith.index_cast %get3A_822 : i32 to index
        %get3A_824 = arith.index_cast %add3A_796 : i32 to index
        %get3A_825 = arith.constant 16 : index
        %get3A_826 = tpu.vector_load %arg9[%get3A_823, %get3A_824, %get3A_825] {strides = array<i32>} : memref<2x256x128xf32, #tpu.memory_space<vmem>>, vector<16xf32>,
        %add3A_827 = arith.addf %get3A_826, %select_n3A_821 : vector<16xf32>
        %swap3A_828 = arith.constant 1 : i32
        %swap3A_829 = arith.index_cast %swap3A_828 : i32 to index
        %swap3A_830 = arith.index_cast %add3A_796 : i32 to index
        %swap3A_831 = arith.constant 16 : index
        %swap3A_832 = tpu.vector_load %arg9[%swap3A_829, %swap3A_830, %swap3A_831] {strides = array<i32>} : memref<2x256x128xf32, #tpu.memory_space<vmem>>, vector<16xf32>,
        tpu.vector_store %arg9[%swap3A_829, %swap3A_830, %swap3A_831], %add3A_827 {strides = array<i32>} : memref<2x256x128xf32, #tpu.memory_space<vmem>>, vector<16xf32>,
        %select_n3A_833 = arith.select %eq3A_806, %get3A_45, %get3A_13 : vector<16xi1>, vector<16xf32>
        %select_n3A_834 = arith.select %eq3A_803, %get3A_29, %select_n3A_833 : vector<16xi1>, vector<16xf32>
        %get3A_835 = arith.constant 1 : i32
        %get3A_836 = arith.index_cast %get3A_835 : i32 to index
        %get3A_837 = arith.index_cast %add3A_796 : i32 to index
        %get3A_838 = arith.constant 32 : index
        %get3A_839 = tpu.vector_load %arg9[%get3A_836, %get3A_837, %get3A_838] {strides = array<i32>} : memref<2x256x128xf32, #tpu.memory_space<vmem>>, vector<16xf32>,
        %add3A_840 = arith.addf %get3A_839, %select_n3A_834 : vector<16xf32>
        %swap3A_841 = arith.constant 1 : i32
        %swap3A_842 = arith.index_cast %swap3A_841 : i32 to index
        %swap3A_843 = arith.index_cast %add3A_796 : i32 to index
        %swap3A_844 = arith.constant 32 : index
        %swap3A_845 = tpu.vector_load %arg9[%swap3A_842, %swap3A_843, %swap3A_844] {strides = array<i32>} : memref<2x256x128xf32, #tpu.memory_space<vmem>>, vector<16xf32>,
        tpu.vector_store %arg9[%swap3A_842, %swap3A_843, %swap3A_844], %add3A_840 {strides = array<i32>} : memref<2x256x128xf32, #tpu.memory_space<vmem>>, vector<16xf32>,
        %select_n3A_846 = arith.select %eq3A_806, %get3A_49, %get3A_17 : vector<16xi1>, vector<16xf32>
        %select_n3A_847 = arith.select %eq3A_803, %get3A_33, %select_n3A_846 : vector<16xi1>, vector<16xf32>
        %get3A_848 = arith.constant 1 : i32
        %get3A_849 = arith.index_cast %get3A_848 : i32 to index
        %get3A_850 = arith.index_cast %add3A_796 : i32 to index
        %get3A_851 = arith.constant 48 : index
        %get3A_852 = tpu.vector_load %arg9[%get3A_849, %get3A_850, %get3A_851] {strides = array<i32>} : memref<2x256x128xf32, #tpu.memory_space<vmem>>, vector<16xf32>,
        %add3A_853 = arith.addf %get3A_852, %select_n3A_847 : vector<16xf32>
        %swap3A_854 = arith.constant 1 : i32
        %swap3A_855 = arith.index_cast %swap3A_854 : i32 to index
        %swap3A_856 = arith.index_cast %add3A_796 : i32 to index
        %swap3A_857 = arith.constant 48 : index
        %swap3A_858 = tpu.vector_load %arg9[%swap3A_855, %swap3A_856, %swap3A_857] {strides = array<i32>} : memref<2x256x128xf32, #tpu.memory_space<vmem>>, vector<16xf32>,
        tpu.vector_store %arg9[%swap3A_855, %swap3A_856, %swap3A_857], %add3A_853 {strides = array<i32>} : memref<2x256x128xf32, #tpu.memory_space<vmem>>, vector<16xf32>,
        %mul3A_859 = arith.constant 16 : i32
        %mul3A_860 = arith.muli %scan3A_198, %mul3A_859 : i32
        %add3A_861 = arith.constant 10 : i32
        %add3A_862 = arith.addi %mul3A_860, %add3A_861 : i32
        %broadcast_in_dim3A_863 = arith.constant 10 : i32
        %broadcast_in_dim3A_864 = vector.broadcast %broadcast_in_dim3A_863 : i32 to vector<16x1xi32>
        %gather3A_865 = vector.shape_cast %broadcast_in_dim3A_864 : vector<16x1xi32> to vector<16xi32>
        %gather3A_866 = tpu.dynamic_gather %get3A_203[%gather3A_865] in [0] : vector<16xi32>, vector<16xi32> -> vector<16xi32>
        %eq3A_867 = arith.constant 1 : i32
        %eq3A_868 = vector.broadcast %eq3A_867 : i32 to vector<16xi32>
        %eq3A_869 = arith.cmpi eq, %gather3A_866, %eq3A_868 : vector<16xi32>
        %eq3A_870 = arith.constant 2 : i32
        %eq3A_871 = vector.broadcast %eq3A_870 : i32 to vector<16xi32>
        %eq3A_872 = arith.cmpi eq, %gather3A_866, %eq3A_871 : vector<16xi32>
        %select_n3A_873 = arith.select %eq3A_872, %get3A_37, %get3A_5 : vector<16xi1>, vector<16xf32>
        %select_n3A_874 = arith.select %eq3A_869, %get3A_21, %select_n3A_873 : vector<16xi1>, vector<16xf32>
        %get3A_875 = arith.constant 1 : i32
        %get3A_876 = arith.index_cast %get3A_875 : i32 to index
        %get3A_877 = arith.index_cast %add3A_862 : i32 to index
        %get3A_878 = arith.constant 0 : index
        %get3A_879 = tpu.vector_load %arg9[%get3A_876, %get3A_877, %get3A_878] {strides = array<i32>} : memref<2x256x128xf32, #tpu.memory_space<vmem>>, vector<16xf32>,
        %add3A_880 = arith.addf %get3A_879, %select_n3A_874 : vector<16xf32>
        %swap3A_881 = arith.constant 1 : i32
        %swap3A_882 = arith.index_cast %swap3A_881 : i32 to index
        %swap3A_883 = arith.index_cast %add3A_862 : i32 to index
        %swap3A_884 = arith.constant 0 : index
        %swap3A_885 = tpu.vector_load %arg9[%swap3A_882, %swap3A_883, %swap3A_884] {strides = array<i32>} : memref<2x256x128xf32, #tpu.memory_space<vmem>>, vector<16xf32>,
        tpu.vector_store %arg9[%swap3A_882, %swap3A_883, %swap3A_884], %add3A_880 {strides = array<i32>} : memref<2x256x128xf32, #tpu.memory_space<vmem>>, vector<16xf32>,
        %select_n3A_886 = arith.select %eq3A_872, %get3A_41, %get3A_9 : vector<16xi1>, vector<16xf32>
        %select_n3A_887 = arith.select %eq3A_869, %get3A_25, %select_n3A_886 : vector<16xi1>, vector<16xf32>
        %get3A_888 = arith.constant 1 : i32
        %get3A_889 = arith.index_cast %get3A_888 : i32 to index
        %get3A_890 = arith.index_cast %add3A_862 : i32 to index
        %get3A_891 = arith.constant 16 : index
        %get3A_892 = tpu.vector_load %arg9[%get3A_889, %get3A_890, %get3A_891] {strides = array<i32>} : memref<2x256x128xf32, #tpu.memory_space<vmem>>, vector<16xf32>,
        %add3A_893 = arith.addf %get3A_892, %select_n3A_887 : vector<16xf32>
        %swap3A_894 = arith.constant 1 : i32
        %swap3A_895 = arith.index_cast %swap3A_894 : i32 to index
        %swap3A_896 = arith.index_cast %add3A_862 : i32 to index
        %swap3A_897 = arith.constant 16 : index
        %swap3A_898 = tpu.vector_load %arg9[%swap3A_895, %swap3A_896, %swap3A_897] {strides = array<i32>} : memref<2x256x128xf32, #tpu.memory_space<vmem>>, vector<16xf32>,
        tpu.vector_store %arg9[%swap3A_895, %swap3A_896, %swap3A_897], %add3A_893 {strides = array<i32>} : memref<2x256x128xf32, #tpu.memory_space<vmem>>, vector<16xf32>,
        %select_n3A_899 = arith.select %eq3A_872, %get3A_45, %get3A_13 : vector<16xi1>, vector<16xf32>
        %select_n3A_900 = arith.select %eq3A_869, %get3A_29, %select_n3A_899 : vector<16xi1>, vector<16xf32>
        %get3A_901 = arith.constant 1 : i32
        %get3A_902 = arith.index_cast %get3A_901 : i32 to index
        %get3A_903 = arith.index_cast %add3A_862 : i32 to index
        %get3A_904 = arith.constant 32 : index
        %get3A_905 = tpu.vector_load %arg9[%get3A_902, %get3A_903, %get3A_904] {strides = array<i32>} : memref<2x256x128xf32, #tpu.memory_space<vmem>>, vector<16xf32>,
        %add3A_906 = arith.addf %get3A_905, %select_n3A_900 : vector<16xf32>
        %swap3A_907 = arith.constant 1 : i32
        %swap3A_908 = arith.index_cast %swap3A_907 : i32 to index
        %swap3A_909 = arith.index_cast %add3A_862 : i32 to index
        %swap3A_910 = arith.constant 32 : index
        %swap3A_911 = tpu.vector_load %arg9[%swap3A_908, %swap3A_909, %swap3A_910] {strides = array<i32>} : memref<2x256x128xf32, #tpu.memory_space<vmem>>, vector<16xf32>,
        tpu.vector_store %arg9[%swap3A_908, %swap3A_909, %swap3A_910], %add3A_906 {strides = array<i32>} : memref<2x256x128xf32, #tpu.memory_space<vmem>>, vector<16xf32>,
        %select_n3A_912 = arith.select %eq3A_872, %get3A_49, %get3A_17 : vector<16xi1>, vector<16xf32>
        %select_n3A_913 = arith.select %eq3A_869, %get3A_33, %select_n3A_912 : vector<16xi1>, vector<16xf32>
        %get3A_914 = arith.constant 1 : i32
        %get3A_915 = arith.index_cast %get3A_914 : i32 to index
        %get3A_916 = arith.index_cast %add3A_862 : i32 to index
        %get3A_917 = arith.constant 48 : index
        %get3A_918 = tpu.vector_load %arg9[%get3A_915, %get3A_916, %get3A_917] {strides = array<i32>} : memref<2x256x128xf32, #tpu.memory_space<vmem>>, vector<16xf32>,
        %add3A_919 = arith.addf %get3A_918, %select_n3A_913 : vector<16xf32>
        %swap3A_920 = arith.constant 1 : i32
        %swap3A_921 = arith.index_cast %swap3A_920 : i32 to index
        %swap3A_922 = arith.index_cast %add3A_862 : i32 to index
        %swap3A_923 = arith.constant 48 : index
        %swap3A_924 = tpu.vector_load %arg9[%swap3A_921, %swap3A_922, %swap3A_923] {strides = array<i32>} : memref<2x256x128xf32, #tpu.memory_space<vmem>>, vector<16xf32>,
        tpu.vector_store %arg9[%swap3A_921, %swap3A_922, %swap3A_923], %add3A_919 {strides = array<i32>} : memref<2x256x128xf32, #tpu.memory_space<vmem>>, vector<16xf32>,
        %mul3A_925 = arith.constant 16 : i32
        %mul3A_926 = arith.muli %scan3A_198, %mul3A_925 : i32
        %add3A_927 = arith.constant 11 : i32
        %add3A_928 = arith.addi %mul3A_926, %add3A_927 : i32
        %broadcast_in_dim3A_929 = arith.constant 11 : i32
        %broadcast_in_dim3A_930 = vector.broadcast %broadcast_in_dim3A_929 : i32 to vector<16x1xi32>
        %gather3A_931 = vector.shape_cast %broadcast_in_dim3A_930 : vector<16x1xi32> to vector<16xi32>
        %gather3A_932 = tpu.dynamic_gather %get3A_203[%gather3A_931] in [0] : vector<16xi32>, vector<16xi32> -> vector<16xi32>
        %eq3A_933 = arith.constant 1 : i32
        %eq3A_934 = vector.broadcast %eq3A_933 : i32 to vector<16xi32>
        %eq3A_935 = arith.cmpi eq, %gather3A_932, %eq3A_934 : vector<16xi32>
        %eq3A_936 = arith.constant 2 : i32
        %eq3A_937 = vector.broadcast %eq3A_936 : i32 to vector<16xi32>
        %eq3A_938 = arith.cmpi eq, %gather3A_932, %eq3A_937 : vector<16xi32>
        %select_n3A_939 = arith.select %eq3A_938, %get3A_37, %get3A_5 : vector<16xi1>, vector<16xf32>
        %select_n3A_940 = arith.select %eq3A_935, %get3A_21, %select_n3A_939 : vector<16xi1>, vector<16xf32>
        %get3A_941 = arith.constant 1 : i32
        %get3A_942 = arith.index_cast %get3A_941 : i32 to index
        %get3A_943 = arith.index_cast %add3A_928 : i32 to index
        %get3A_944 = arith.constant 0 : index
        %get3A_945 = tpu.vector_load %arg9[%get3A_942, %get3A_943, %get3A_944] {strides = array<i32>} : memref<2x256x128xf32, #tpu.memory_space<vmem>>, vector<16xf32>,
        %add3A_946 = arith.addf %get3A_945, %select_n3A_940 : vector<16xf32>
        %swap3A_947 = arith.constant 1 : i32
        %swap3A_948 = arith.index_cast %swap3A_947 : i32 to index
        %swap3A_949 = arith.index_cast %add3A_928 : i32 to index
        %swap3A_950 = arith.constant 0 : index
        %swap3A_951 = tpu.vector_load %arg9[%swap3A_948, %swap3A_949, %swap3A_950] {strides = array<i32>} : memref<2x256x128xf32, #tpu.memory_space<vmem>>, vector<16xf32>,
        tpu.vector_store %arg9[%swap3A_948, %swap3A_949, %swap3A_950], %add3A_946 {strides = array<i32>} : memref<2x256x128xf32, #tpu.memory_space<vmem>>, vector<16xf32>,
        %select_n3A_952 = arith.select %eq3A_938, %get3A_41, %get3A_9 : vector<16xi1>, vector<16xf32>
        %select_n3A_953 = arith.select %eq3A_935, %get3A_25, %select_n3A_952 : vector<16xi1>, vector<16xf32>
        %get3A_954 = arith.constant 1 : i32
        %get3A_955 = arith.index_cast %get3A_954 : i32 to index
        %get3A_956 = arith.index_cast %add3A_928 : i32 to index
        %get3A_957 = arith.constant 16 : index
        %get3A_958 = tpu.vector_load %arg9[%get3A_955, %get3A_956, %get3A_957] {strides = array<i32>} : memref<2x256x128xf32, #tpu.memory_space<vmem>>, vector<16xf32>,
        %add3A_959 = arith.addf %get3A_958, %select_n3A_953 : vector<16xf32>
        %swap3A_960 = arith.constant 1 : i32
        %swap3A_961 = arith.index_cast %swap3A_960 : i32 to index
        %swap3A_962 = arith.index_cast %add3A_928 : i32 to index
        %swap3A_963 = arith.constant 16 : index
        %swap3A_964 = tpu.vector_load %arg9[%swap3A_961, %swap3A_962, %swap3A_963] {strides = array<i32>} : memref<2x256x128xf32, #tpu.memory_space<vmem>>, vector<16xf32>,
        tpu.vector_store %arg9[%swap3A_961, %swap3A_962, %swap3A_963], %add3A_959 {strides = array<i32>} : memref<2x256x128xf32, #tpu.memory_space<vmem>>, vector<16xf32>,
        %select_n3A_965 = arith.select %eq3A_938, %get3A_45, %get3A_13 : vector<16xi1>, vector<16xf32>
        %select_n3A_966 = arith.select %eq3A_935, %get3A_29, %select_n3A_965 : vector<16xi1>, vector<16xf32>
        %get3A_967 = arith.constant 1 : i32
        %get3A_968 = arith.index_cast %get3A_967 : i32 to index
        %get3A_969 = arith.index_cast %add3A_928 : i32 to index
        %get3A_970 = arith.constant 32 : index
        %get3A_971 = tpu.vector_load %arg9[%get3A_968, %get3A_969, %get3A_970] {strides = array<i32>} : memref<2x256x128xf32, #tpu.memory_space<vmem>>, vector<16xf32>,
        %add3A_972 = arith.addf %get3A_971, %select_n3A_966 : vector<16xf32>
        %swap3A_973 = arith.constant 1 : i32
        %swap3A_974 = arith.index_cast %swap3A_973 : i32 to index
        %swap3A_975 = arith.index_cast %add3A_928 : i32 to index
        %swap3A_976 = arith.constant 32 : index
        %swap3A_977 = tpu.vector_load %arg9[%swap3A_974, %swap3A_975, %swap3A_976] {strides = array<i32>} : memref<2x256x128xf32, #tpu.memory_space<vmem>>, vector<16xf32>,
        tpu.vector_store %arg9[%swap3A_974, %swap3A_975, %swap3A_976], %add3A_972 {strides = array<i32>} : memref<2x256x128xf32, #tpu.memory_space<vmem>>, vector<16xf32>,
        %select_n3A_978 = arith.select %eq3A_938, %get3A_49, %get3A_17 : vector<16xi1>, vector<16xf32>
        %select_n3A_979 = arith.select %eq3A_935, %get3A_33, %select_n3A_978 : vector<16xi1>, vector<16xf32>
        %get3A_980 = arith.constant 1 : i32
        %get3A_981 = arith.index_cast %get3A_980 : i32 to index
        %get3A_982 = arith.index_cast %add3A_928 : i32 to index
        %get3A_983 = arith.constant 48 : index
        %get3A_984 = tpu.vector_load %arg9[%get3A_981, %get3A_982, %get3A_983] {strides = array<i32>} : memref<2x256x128xf32, #tpu.memory_space<vmem>>, vector<16xf32>,
        %add3A_985 = arith.addf %get3A_984, %select_n3A_979 : vector<16xf32>
        %swap3A_986 = arith.constant 1 : i32
        %swap3A_987 = arith.index_cast %swap3A_986 : i32 to index
        %swap3A_988 = arith.index_cast %add3A_928 : i32 to index
        %swap3A_989 = arith.constant 48 : index
        %swap3A_990 = tpu.vector_load %arg9[%swap3A_987, %swap3A_988, %swap3A_989] {strides = array<i32>} : memref<2x256x128xf32, #tpu.memory_space<vmem>>, vector<16xf32>,
        tpu.vector_store %arg9[%swap3A_987, %swap3A_988, %swap3A_989], %add3A_985 {strides = array<i32>} : memref<2x256x128xf32, #tpu.memory_space<vmem>>, vector<16xf32>,
        %mul3A_991 = arith.constant 16 : i32
        %mul3A_992 = arith.muli %scan3A_198, %mul3A_991 : i32
        %add3A_993 = arith.constant 12 : i32
        %add3A_994 = arith.addi %mul3A_992, %add3A_993 : i32
        %broadcast_in_dim3A_995 = arith.constant 12 : i32
        %broadcast_in_dim3A_996 = vector.broadcast %broadcast_in_dim3A_995 : i32 to vector<16x1xi32>
        %gather3A_997 = vector.shape_cast %broadcast_in_dim3A_996 : vector<16x1xi32> to vector<16xi32>
        %gather3A_998 = tpu.dynamic_gather %get3A_203[%gather3A_997] in [0] : vector<16xi32>, vector<16xi32> -> vector<16xi32>
        %eq3A_999 = arith.constant 1 : i32
        %eq3A_1000 = vector.broadcast %eq3A_999 : i32 to vector<16xi32>
        %eq3A_1001 = arith.cmpi eq, %gather3A_998, %eq3A_1000 : vector<16xi32>
        %eq3A_1002 = arith.constant 2 : i32
        %eq3A_1003 = vector.broadcast %eq3A_1002 : i32 to vector<16xi32>
        %eq3A_1004 = arith.cmpi eq, %gather3A_998, %eq3A_1003 : vector<16xi32>
        %select_n3A_1005 = arith.select %eq3A_1004, %get3A_37, %get3A_5 : vector<16xi1>, vector<16xf32>
        %select_n3A_1006 = arith.select %eq3A_1001, %get3A_21, %select_n3A_1005 : vector<16xi1>, vector<16xf32>
        %get3A_1007 = arith.constant 1 : i32
        %get3A_1008 = arith.index_cast %get3A_1007 : i32 to index
        %get3A_1009 = arith.index_cast %add3A_994 : i32 to index
        %get3A_1010 = arith.constant 0 : index
        %get3A_1011 = tpu.vector_load %arg9[%get3A_1008, %get3A_1009, %get3A_1010] {strides = array<i32>} : memref<2x256x128xf32, #tpu.memory_space<vmem>>, vector<16xf32>,
        %add3A_1012 = arith.addf %get3A_1011, %select_n3A_1006 : vector<16xf32>
        %swap3A_1013 = arith.constant 1 : i32
        %swap3A_1014 = arith.index_cast %swap3A_1013 : i32 to index
        %swap3A_1015 = arith.index_cast %add3A_994 : i32 to index
        %swap3A_1016 = arith.constant 0 : index
        %swap3A_1017 = tpu.vector_load %arg9[%swap3A_1014, %swap3A_1015, %swap3A_1016] {strides = array<i32>} : memref<2x256x128xf32, #tpu.memory_space<vmem>>, vector<16xf32>,
        tpu.vector_store %arg9[%swap3A_1014, %swap3A_1015, %swap3A_1016], %add3A_1012 {strides = array<i32>} : memref<2x256x128xf32, #tpu.memory_space<vmem>>, vector<16xf32>,
        %select_n3A_1018 = arith.select %eq3A_1004, %get3A_41, %get3A_9 : vector<16xi1>, vector<16xf32>
        %select_n3A_1019 = arith.select %eq3A_1001, %get3A_25, %select_n3A_1018 : vector<16xi1>, vector<16xf32>
        %get3A_1020 = arith.constant 1 : i32
        %get3A_1021 = arith.index_cast %get3A_1020 : i32 to index
        %get3A_1022 = arith.index_cast %add3A_994 : i32 to index
        %get3A_1023 = arith.constant 16 : index
        %get3A_1024 = tpu.vector_load %arg9[%get3A_1021, %get3A_1022, %get3A_1023] {strides = array<i32>} : memref<2x256x128xf32, #tpu.memory_space<vmem>>, vector<16xf32>,
        %add3A_1025 = arith.addf %get3A_1024, %select_n3A_1019 : vector<16xf32>
        %swap3A_1026 = arith.constant 1 : i32
        %swap3A_1027 = arith.index_cast %swap3A_1026 : i32 to index
        %swap3A_1028 = arith.index_cast %add3A_994 : i32 to index
        %swap3A_1029 = arith.constant 16 : index
        %swap3A_1030 = tpu.vector_load %arg9[%swap3A_1027, %swap3A_1028, %swap3A_1029] {strides = array<i32>} : memref<2x256x128xf32, #tpu.memory_space<vmem>>, vector<16xf32>,
        tpu.vector_store %arg9[%swap3A_1027, %swap3A_1028, %swap3A_1029], %add3A_1025 {strides = array<i32>} : memref<2x256x128xf32, #tpu.memory_space<vmem>>, vector<16xf32>,
        %select_n3A_1031 = arith.select %eq3A_1004, %get3A_45, %get3A_13 : vector<16xi1>, vector<16xf32>
        %select_n3A_1032 = arith.select %eq3A_1001, %get3A_29, %select_n3A_1031 : vector<16xi1>, vector<16xf32>
        %get3A_1033 = arith.constant 1 : i32
        %get3A_1034 = arith.index_cast %get3A_1033 : i32 to index
        %get3A_1035 = arith.index_cast %add3A_994 : i32 to index
        %get3A_1036 = arith.constant 32 : index
        %get3A_1037 = tpu.vector_load %arg9[%get3A_1034, %get3A_1035, %get3A_1036] {strides = array<i32>} : memref<2x256x128xf32, #tpu.memory_space<vmem>>, vector<16xf32>,
        %add3A_1038 = arith.addf %get3A_1037, %select_n3A_1032 : vector<16xf32>
        %swap3A_1039 = arith.constant 1 : i32
        %swap3A_1040 = arith.index_cast %swap3A_1039 : i32 to index
        %swap3A_1041 = arith.index_cast %add3A_994 : i32 to index
        %swap3A_1042 = arith.constant 32 : index
        %swap3A_1043 = tpu.vector_load %arg9[%swap3A_1040, %swap3A_1041, %swap3A_1042] {strides = array<i32>} : memref<2x256x128xf32, #tpu.memory_space<vmem>>, vector<16xf32>,
        tpu.vector_store %arg9[%swap3A_1040, %swap3A_1041, %swap3A_1042], %add3A_1038 {strides = array<i32>} : memref<2x256x128xf32, #tpu.memory_space<vmem>>, vector<16xf32>,
        %select_n3A_1044 = arith.select %eq3A_1004, %get3A_49, %get3A_17 : vector<16xi1>, vector<16xf32>
        %select_n3A_1045 = arith.select %eq3A_1001, %get3A_33, %select_n3A_1044 : vector<16xi1>, vector<16xf32>
        %get3A_1046 = arith.constant 1 : i32
        %get3A_1047 = arith.index_cast %get3A_1046 : i32 to index
        %get3A_1048 = arith.index_cast %add3A_994 : i32 to index
        %get3A_1049 = arith.constant 48 : index
        %get3A_1050 = tpu.vector_load %arg9[%get3A_1047, %get3A_1048, %get3A_1049] {strides = array<i32>} : memref<2x256x128xf32, #tpu.memory_space<vmem>>, vector<16xf32>,
        %add3A_1051 = arith.addf %get3A_1050, %select_n3A_1045 : vector<16xf32>
        %swap3A_1052 = arith.constant 1 : i32
        %swap3A_1053 = arith.index_cast %swap3A_1052 : i32 to index
        %swap3A_1054 = arith.index_cast %add3A_994 : i32 to index
        %swap3A_1055 = arith.constant 48 : index
        %swap3A_1056 = tpu.vector_load %arg9[%swap3A_1053, %swap3A_1054, %swap3A_1055] {strides = array<i32>} : memref<2x256x128xf32, #tpu.memory_space<vmem>>, vector<16xf32>,
        tpu.vector_store %arg9[%swap3A_1053, %swap3A_1054, %swap3A_1055], %add3A_1051 {strides = array<i32>} : memref<2x256x128xf32, #tpu.memory_space<vmem>>, vector<16xf32>,
        %mul3A_1057 = arith.constant 16 : i32
        %mul3A_1058 = arith.muli %scan3A_198, %mul3A_1057 : i32
        %add3A_1059 = arith.constant 13 : i32
        %add3A_1060 = arith.addi %mul3A_1058, %add3A_1059 : i32
        %broadcast_in_dim3A_1061 = arith.constant 13 : i32
        %broadcast_in_dim3A_1062 = vector.broadcast %broadcast_in_dim3A_1061 : i32 to vector<16x1xi32>
        %gather3A_1063 = vector.shape_cast %broadcast_in_dim3A_1062 : vector<16x1xi32> to vector<16xi32>
        %gather3A_1064 = tpu.dynamic_gather %get3A_203[%gather3A_1063] in [0] : vector<16xi32>, vector<16xi32> -> vector<16xi32>
        %eq3A_1065 = arith.constant 1 : i32
        %eq3A_1066 = vector.broadcast %eq3A_1065 : i32 to vector<16xi32>
        %eq3A_1067 = arith.cmpi eq, %gather3A_1064, %eq3A_1066 : vector<16xi32>
        %eq3A_1068 = arith.constant 2 : i32
        %eq3A_1069 = vector.broadcast %eq3A_1068 : i32 to vector<16xi32>
        %eq3A_1070 = arith.cmpi eq, %gather3A_1064, %eq3A_1069 : vector<16xi32>
        %select_n3A_1071 = arith.select %eq3A_1070, %get3A_37, %get3A_5 : vector<16xi1>, vector<16xf32>
        %select_n3A_1072 = arith.select %eq3A_1067, %get3A_21, %select_n3A_1071 : vector<16xi1>, vector<16xf32>
        %get3A_1073 = arith.constant 1 : i32
        %get3A_1074 = arith.index_cast %get3A_1073 : i32 to index
        %get3A_1075 = arith.index_cast %add3A_1060 : i32 to index
        %get3A_1076 = arith.constant 0 : index
        %get3A_1077 = tpu.vector_load %arg9[%get3A_1074, %get3A_1075, %get3A_1076] {strides = array<i32>} : memref<2x256x128xf32, #tpu.memory_space<vmem>>, vector<16xf32>,
        %add3A_1078 = arith.addf %get3A_1077, %select_n3A_1072 : vector<16xf32>
        %swap3A_1079 = arith.constant 1 : i32
        %swap3A_1080 = arith.index_cast %swap3A_1079 : i32 to index
        %swap3A_1081 = arith.index_cast %add3A_1060 : i32 to index
        %swap3A_1082 = arith.constant 0 : index
        %swap3A_1083 = tpu.vector_load %arg9[%swap3A_1080, %swap3A_1081, %swap3A_1082] {strides = array<i32>} : memref<2x256x128xf32, #tpu.memory_space<vmem>>, vector<16xf32>,
        tpu.vector_store %arg9[%swap3A_1080, %swap3A_1081, %swap3A_1082], %add3A_1078 {strides = array<i32>} : memref<2x256x128xf32, #tpu.memory_space<vmem>>, vector<16xf32>,
        %select_n3A_1084 = arith.select %eq3A_1070, %get3A_41, %get3A_9 : vector<16xi1>, vector<16xf32>
        %select_n3A_1085 = arith.select %eq3A_1067, %get3A_25, %select_n3A_1084 : vector<16xi1>, vector<16xf32>
        %get3A_1086 = arith.constant 1 : i32
        %get3A_1087 = arith.index_cast %get3A_1086 : i32 to index
        %get3A_1088 = arith.index_cast %add3A_1060 : i32 to index
        %get3A_1089 = arith.constant 16 : index
        %get3A_1090 = tpu.vector_load %arg9[%get3A_1087, %get3A_1088, %get3A_1089] {strides = array<i32>} : memref<2x256x128xf32, #tpu.memory_space<vmem>>, vector<16xf32>,
        %add3A_1091 = arith.addf %get3A_1090, %select_n3A_1085 : vector<16xf32>
        %swap3A_1092 = arith.constant 1 : i32
        %swap3A_1093 = arith.index_cast %swap3A_1092 : i32 to index
        %swap3A_1094 = arith.index_cast %add3A_1060 : i32 to index
        %swap3A_1095 = arith.constant 16 : index
        %swap3A_1096 = tpu.vector_load %arg9[%swap3A_1093, %swap3A_1094, %swap3A_1095] {strides = array<i32>} : memref<2x256x128xf32, #tpu.memory_space<vmem>>, vector<16xf32>,
        tpu.vector_store %arg9[%swap3A_1093, %swap3A_1094, %swap3A_1095], %add3A_1091 {strides = array<i32>} : memref<2x256x128xf32, #tpu.memory_space<vmem>>, vector<16xf32>,
        %select_n3A_1097 = arith.select %eq3A_1070, %get3A_45, %get3A_13 : vector<16xi1>, vector<16xf32>
        %select_n3A_1098 = arith.select %eq3A_1067, %get3A_29, %select_n3A_1097 : vector<16xi1>, vector<16xf32>
        %get3A_1099 = arith.constant 1 : i32
        %get3A_1100 = arith.index_cast %get3A_1099 : i32 to index
        %get3A_1101 = arith.index_cast %add3A_1060 : i32 to index
        %get3A_1102 = arith.constant 32 : index
        %get3A_1103 = tpu.vector_load %arg9[%get3A_1100, %get3A_1101, %get3A_1102] {strides = array<i32>} : memref<2x256x128xf32, #tpu.memory_space<vmem>>, vector<16xf32>,
        %add3A_1104 = arith.addf %get3A_1103, %select_n3A_1098 : vector<16xf32>
        %swap3A_1105 = arith.constant 1 : i32
        %swap3A_1106 = arith.index_cast %swap3A_1105 : i32 to index
        %swap3A_1107 = arith.index_cast %add3A_1060 : i32 to index
        %swap3A_1108 = arith.constant 32 : index
        %swap3A_1109 = tpu.vector_load %arg9[%swap3A_1106, %swap3A_1107, %swap3A_1108] {strides = array<i32>} : memref<2x256x128xf32, #tpu.memory_space<vmem>>, vector<16xf32>,
        tpu.vector_store %arg9[%swap3A_1106, %swap3A_1107, %swap3A_1108], %add3A_1104 {strides = array<i32>} : memref<2x256x128xf32, #tpu.memory_space<vmem>>, vector<16xf32>,
        %select_n3A_1110 = arith.select %eq3A_1070, %get3A_49, %get3A_17 : vector<16xi1>, vector<16xf32>
        %select_n3A_1111 = arith.select %eq3A_1067, %get3A_33, %select_n3A_1110 : vector<16xi1>, vector<16xf32>
        %get3A_1112 = arith.constant 1 : i32
        %get3A_1113 = arith.index_cast %get3A_1112 : i32 to index
        %get3A_1114 = arith.index_cast %add3A_1060 : i32 to index
        %get3A_1115 = arith.constant 48 : index
        %get3A_1116 = tpu.vector_load %arg9[%get3A_1113, %get3A_1114, %get3A_1115] {strides = array<i32>} : memref<2x256x128xf32, #tpu.memory_space<vmem>>, vector<16xf32>,
        %add3A_1117 = arith.addf %get3A_1116, %select_n3A_1111 : vector<16xf32>
        %swap3A_1118 = arith.constant 1 : i32
        %swap3A_1119 = arith.index_cast %swap3A_1118 : i32 to index
        %swap3A_1120 = arith.index_cast %add3A_1060 : i32 to index
        %swap3A_1121 = arith.constant 48 : index
        %swap3A_1122 = tpu.vector_load %arg9[%swap3A_1119, %swap3A_1120, %swap3A_1121] {strides = array<i32>} : memref<2x256x128xf32, #tpu.memory_space<vmem>>, vector<16xf32>,
        tpu.vector_store %arg9[%swap3A_1119, %swap3A_1120, %swap3A_1121], %add3A_1117 {strides = array<i32>} : memref<2x256x128xf32, #tpu.memory_space<vmem>>, vector<16xf32>,
        %mul3A_1123 = arith.constant 16 : i32
        %mul3A_1124 = arith.muli %scan3A_198, %mul3A_1123 : i32
        %add3A_1125 = arith.constant 14 : i32
        %add3A_1126 = arith.addi %mul3A_1124, %add3A_1125 : i32
        %broadcast_in_dim3A_1127 = arith.constant 14 : i32
        %broadcast_in_dim3A_1128 = vector.broadcast %broadcast_in_dim3A_1127 : i32 to vector<16x1xi32>
        %gather3A_1129 = vector.shape_cast %broadcast_in_dim3A_1128 : vector<16x1xi32> to vector<16xi32>
        %gather3A_1130 = tpu.dynamic_gather %get3A_203[%gather3A_1129] in [0] : vector<16xi32>, vector<16xi32> -> vector<16xi32>
        %eq3A_1131 = arith.constant 1 : i32
        %eq3A_1132 = vector.broadcast %eq3A_1131 : i32 to vector<16xi32>
        %eq3A_1133 = arith.cmpi eq, %gather3A_1130, %eq3A_1132 : vector<16xi32>
        %eq3A_1134 = arith.constant 2 : i32
        %eq3A_1135 = vector.broadcast %eq3A_1134 : i32 to vector<16xi32>
        %eq3A_1136 = arith.cmpi eq, %gather3A_1130, %eq3A_1135 : vector<16xi32>
        %select_n3A_1137 = arith.select %eq3A_1136, %get3A_37, %get3A_5 : vector<16xi1>, vector<16xf32>
        %select_n3A_1138 = arith.select %eq3A_1133, %get3A_21, %select_n3A_1137 : vector<16xi1>, vector<16xf32>
        %get3A_1139 = arith.constant 1 : i32
        %get3A_1140 = arith.index_cast %get3A_1139 : i32 to index
        %get3A_1141 = arith.index_cast %add3A_1126 : i32 to index
        %get3A_1142 = arith.constant 0 : index
        %get3A_1143 = tpu.vector_load %arg9[%get3A_1140, %get3A_1141, %get3A_1142] {strides = array<i32>} : memref<2x256x128xf32, #tpu.memory_space<vmem>>, vector<16xf32>,
        %add3A_1144 = arith.addf %get3A_1143, %select_n3A_1138 : vector<16xf32>
        %swap3A_1145 = arith.constant 1 : i32
        %swap3A_1146 = arith.index_cast %swap3A_1145 : i32 to index
        %swap3A_1147 = arith.index_cast %add3A_1126 : i32 to index
        %swap3A_1148 = arith.constant 0 : index
        %swap3A_1149 = tpu.vector_load %arg9[%swap3A_1146, %swap3A_1147, %swap3A_1148] {strides = array<i32>} : memref<2x256x128xf32, #tpu.memory_space<vmem>>, vector<16xf32>,
        tpu.vector_store %arg9[%swap3A_1146, %swap3A_1147, %swap3A_1148], %add3A_1144 {strides = array<i32>} : memref<2x256x128xf32, #tpu.memory_space<vmem>>, vector<16xf32>,
        %select_n3A_1150 = arith.select %eq3A_1136, %get3A_41, %get3A_9 : vector<16xi1>, vector<16xf32>
        %select_n3A_1151 = arith.select %eq3A_1133, %get3A_25, %select_n3A_1150 : vector<16xi1>, vector<16xf32>
        %get3A_1152 = arith.constant 1 : i32
        %get3A_1153 = arith.index_cast %get3A_1152 : i32 to index
        %get3A_1154 = arith.index_cast %add3A_1126 : i32 to index
        %get3A_1155 = arith.constant 16 : index
        %get3A_1156 = tpu.vector_load %arg9[%get3A_1153, %get3A_1154, %get3A_1155] {strides = array<i32>} : memref<2x256x128xf32, #tpu.memory_space<vmem>>, vector<16xf32>,
        %add3A_1157 = arith.addf %get3A_1156, %select_n3A_1151 : vector<16xf32>
        %swap3A_1158 = arith.constant 1 : i32
        %swap3A_1159 = arith.index_cast %swap3A_1158 : i32 to index
        %swap3A_1160 = arith.index_cast %add3A_1126 : i32 to index
        %swap3A_1161 = arith.constant 16 : index
        %swap3A_1162 = tpu.vector_load %arg9[%swap3A_1159, %swap3A_1160, %swap3A_1161] {strides = array<i32>} : memref<2x256x128xf32, #tpu.memory_space<vmem>>, vector<16xf32>,
        tpu.vector_store %arg9[%swap3A_1159, %swap3A_1160, %swap3A_1161], %add3A_1157 {strides = array<i32>} : memref<2x256x128xf32, #tpu.memory_space<vmem>>, vector<16xf32>,
        %select_n3A_1163 = arith.select %eq3A_1136, %get3A_45, %get3A_13 : vector<16xi1>, vector<16xf32>
        %select_n3A_1164 = arith.select %eq3A_1133, %get3A_29, %select_n3A_1163 : vector<16xi1>, vector<16xf32>
        %get3A_1165 = arith.constant 1 : i32
        %get3A_1166 = arith.index_cast %get3A_1165 : i32 to index
        %get3A_1167 = arith.index_cast %add3A_1126 : i32 to index
        %get3A_1168 = arith.constant 32 : index
        %get3A_1169 = tpu.vector_load %arg9[%get3A_1166, %get3A_1167, %get3A_1168] {strides = array<i32>} : memref<2x256x128xf32, #tpu.memory_space<vmem>>, vector<16xf32>,
        %add3A_1170 = arith.addf %get3A_1169, %select_n3A_1164 : vector<16xf32>
        %swap3A_1171 = arith.constant 1 : i32
        %swap3A_1172 = arith.index_cast %swap3A_1171 : i32 to index
        %swap3A_1173 = arith.index_cast %add3A_1126 : i32 to index
        %swap3A_1174 = arith.constant 32 : index
        %swap3A_1175 = tpu.vector_load %arg9[%swap3A_1172, %swap3A_1173, %swap3A_1174] {strides = array<i32>} : memref<2x256x128xf32, #tpu.memory_space<vmem>>, vector<16xf32>,
        tpu.vector_store %arg9[%swap3A_1172, %swap3A_1173, %swap3A_1174], %add3A_1170 {strides = array<i32>} : memref<2x256x128xf32, #tpu.memory_space<vmem>>, vector<16xf32>,
        %select_n3A_1176 = arith.select %eq3A_1136, %get3A_49, %get3A_17 : vector<16xi1>, vector<16xf32>
        %select_n3A_1177 = arith.select %eq3A_1133, %get3A_33, %select_n3A_1176 : vector<16xi1>, vector<16xf32>
        %get3A_1178 = arith.constant 1 : i32
        %get3A_1179 = arith.index_cast %get3A_1178 : i32 to index
        %get3A_1180 = arith.index_cast %add3A_1126 : i32 to index
        %get3A_1181 = arith.constant 48 : index
        %get3A_1182 = tpu.vector_load %arg9[%get3A_1179, %get3A_1180, %get3A_1181] {strides = array<i32>} : memref<2x256x128xf32, #tpu.memory_space<vmem>>, vector<16xf32>,
        %add3A_1183 = arith.addf %get3A_1182, %select_n3A_1177 : vector<16xf32>
        %swap3A_1184 = arith.constant 1 : i32
        %swap3A_1185 = arith.index_cast %swap3A_1184 : i32 to index
        %swap3A_1186 = arith.index_cast %add3A_1126 : i32 to index
        %swap3A_1187 = arith.constant 48 : index
        %swap3A_1188 = tpu.vector_load %arg9[%swap3A_1185, %swap3A_1186, %swap3A_1187] {strides = array<i32>} : memref<2x256x128xf32, #tpu.memory_space<vmem>>, vector<16xf32>,
        tpu.vector_store %arg9[%swap3A_1185, %swap3A_1186, %swap3A_1187], %add3A_1183 {strides = array<i32>} : memref<2x256x128xf32, #tpu.memory_space<vmem>>, vector<16xf32>,
        %mul3A_1189 = arith.constant 16 : i32
        %mul3A_1190 = arith.muli %scan3A_198, %mul3A_1189 : i32
        %add3A_1191 = arith.constant 15 : i32
        %add3A_1192 = arith.addi %mul3A_1190, %add3A_1191 : i32
        %broadcast_in_dim3A_1193 = arith.constant 15 : i32
        %broadcast_in_dim3A_1194 = vector.broadcast %broadcast_in_dim3A_1193 : i32 to vector<16x1xi32>
        %gather3A_1195 = vector.shape_cast %broadcast_in_dim3A_1194 : vector<16x1xi32> to vector<16xi32>
        %gather3A_1196 = tpu.dynamic_gather %get3A_203[%gather3A_1195] in [0] : vector<16xi32>, vector<16xi32> -> vector<16xi32>
        %eq3A_1197 = arith.constant 1 : i32
        %eq3A_1198 = vector.broadcast %eq3A_1197 : i32 to vector<16xi32>
        %eq3A_1199 = arith.cmpi eq, %gather3A_1196, %eq3A_1198 : vector<16xi32>
        %eq3A_1200 = arith.constant 2 : i32
        %eq3A_1201 = vector.broadcast %eq3A_1200 : i32 to vector<16xi32>
        %eq3A_1202 = arith.cmpi eq, %gather3A_1196, %eq3A_1201 : vector<16xi32>
        %select_n3A_1203 = arith.select %eq3A_1202, %get3A_37, %get3A_5 : vector<16xi1>, vector<16xf32>
        %select_n3A_1204 = arith.select %eq3A_1199, %get3A_21, %select_n3A_1203 : vector<16xi1>, vector<16xf32>
        %get3A_1205 = arith.constant 1 : i32
        %get3A_1206 = arith.index_cast %get3A_1205 : i32 to index
        %get3A_1207 = arith.index_cast %add3A_1192 : i32 to index
        %get3A_1208 = arith.constant 0 : index
        %get3A_1209 = tpu.vector_load %arg9[%get3A_1206, %get3A_1207, %get3A_1208] {strides = array<i32>} : memref<2x256x128xf32, #tpu.memory_space<vmem>>, vector<16xf32>,
        %add3A_1210 = arith.addf %get3A_1209, %select_n3A_1204 : vector<16xf32>
        %swap3A_1211 = arith.constant 1 : i32
        %swap3A_1212 = arith.index_cast %swap3A_1211 : i32 to index
        %swap3A_1213 = arith.index_cast %add3A_1192 : i32 to index
        %swap3A_1214 = arith.constant 0 : index
        %swap3A_1215 = tpu.vector_load %arg9[%swap3A_1212, %swap3A_1213, %swap3A_1214] {strides = array<i32>} : memref<2x256x128xf32, #tpu.memory_space<vmem>>, vector<16xf32>,
        tpu.vector_store %arg9[%swap3A_1212, %swap3A_1213, %swap3A_1214], %add3A_1210 {strides = array<i32>} : memref<2x256x128xf32, #tpu.memory_space<vmem>>, vector<16xf32>,
        %select_n3A_1216 = arith.select %eq3A_1202, %get3A_41, %get3A_9 : vector<16xi1>, vector<16xf32>
        %select_n3A_1217 = arith.select %eq3A_1199, %get3A_25, %select_n3A_1216 : vector<16xi1>, vector<16xf32>
        %get3A_1218 = arith.constant 1 : i32
        %get3A_1219 = arith.index_cast %get3A_1218 : i32 to index
        %get3A_1220 = arith.index_cast %add3A_1192 : i32 to index
        %get3A_1221 = arith.constant 16 : index
        %get3A_1222 = tpu.vector_load %arg9[%get3A_1219, %get3A_1220, %get3A_1221] {strides = array<i32>} : memref<2x256x128xf32, #tpu.memory_space<vmem>>, vector<16xf32>,
        %add3A_1223 = arith.addf %get3A_1222, %select_n3A_1217 : vector<16xf32>
        %swap3A_1224 = arith.constant 1 : i32
        %swap3A_1225 = arith.index_cast %swap3A_1224 : i32 to index
        %swap3A_1226 = arith.index_cast %add3A_1192 : i32 to index
        %swap3A_1227 = arith.constant 16 : index
        %swap3A_1228 = tpu.vector_load %arg9[%swap3A_1225, %swap3A_1226, %swap3A_1227] {strides = array<i32>} : memref<2x256x128xf32, #tpu.memory_space<vmem>>, vector<16xf32>,
        tpu.vector_store %arg9[%swap3A_1225, %swap3A_1226, %swap3A_1227], %add3A_1223 {strides = array<i32>} : memref<2x256x128xf32, #tpu.memory_space<vmem>>, vector<16xf32>,
        %select_n3A_1229 = arith.select %eq3A_1202, %get3A_45, %get3A_13 : vector<16xi1>, vector<16xf32>
        %select_n3A_1230 = arith.select %eq3A_1199, %get3A_29, %select_n3A_1229 : vector<16xi1>, vector<16xf32>
        %get3A_1231 = arith.constant 1 : i32
        %get3A_1232 = arith.index_cast %get3A_1231 : i32 to index
        %get3A_1233 = arith.index_cast %add3A_1192 : i32 to index
        %get3A_1234 = arith.constant 32 : index
        %get3A_1235 = tpu.vector_load %arg9[%get3A_1232, %get3A_1233, %get3A_1234] {strides = array<i32>} : memref<2x256x128xf32, #tpu.memory_space<vmem>>, vector<16xf32>,
        %add3A_1236 = arith.addf %get3A_1235, %select_n3A_1230 : vector<16xf32>
        %swap3A_1237 = arith.constant 1 : i32
        %swap3A_1238 = arith.index_cast %swap3A_1237 : i32 to index
        %swap3A_1239 = arith.index_cast %add3A_1192 : i32 to index
        %swap3A_1240 = arith.constant 32 : index
        %swap3A_1241 = tpu.vector_load %arg9[%swap3A_1238, %swap3A_1239, %swap3A_1240] {strides = array<i32>} : memref<2x256x128xf32, #tpu.memory_space<vmem>>, vector<16xf32>,
        tpu.vector_store %arg9[%swap3A_1238, %swap3A_1239, %swap3A_1240], %add3A_1236 {strides = array<i32>} : memref<2x256x128xf32, #tpu.memory_space<vmem>>, vector<16xf32>,
        %select_n3A_1242 = arith.select %eq3A_1202, %get3A_49, %get3A_17 : vector<16xi1>, vector<16xf32>
        %select_n3A_1243 = arith.select %eq3A_1199, %get3A_33, %select_n3A_1242 : vector<16xi1>, vector<16xf32>
        %get3A_1244 = arith.constant 1 : i32
        %get3A_1245 = arith.index_cast %get3A_1244 : i32 to index
        %get3A_1246 = arith.index_cast %add3A_1192 : i32 to index
        %get3A_1247 = arith.constant 48 : index
        %get3A_1248 = tpu.vector_load %arg9[%get3A_1245, %get3A_1246, %get3A_1247] {strides = array<i32>} : memref<2x256x128xf32, #tpu.memory_space<vmem>>, vector<16xf32>,
        %add3A_1249 = arith.addf %get3A_1248, %select_n3A_1243 : vector<16xf32>
        %swap3A_1250 = arith.constant 1 : i32
        %swap3A_1251 = arith.index_cast %swap3A_1250 : i32 to index
        %swap3A_1252 = arith.index_cast %add3A_1192 : i32 to index
        %swap3A_1253 = arith.constant 48 : index
        %swap3A_1254 = tpu.vector_load %arg9[%swap3A_1251, %swap3A_1252, %swap3A_1253] {strides = array<i32>} : memref<2x256x128xf32, #tpu.memory_space<vmem>>, vector<16xf32>,
        tpu.vector_store %arg9[%swap3A_1251, %swap3A_1252, %swap3A_1253], %add3A_1249 {strides = array<i32>} : memref<2x256x128xf32, #tpu.memory_space<vmem>>, vector<16xf32>,
      }
      %scan3A_178 = arith.constant 16 : i32
      %mul3A_179 = arith.constant 256 : i32
      %mul3A_180 = arith.muli %add3A_157, %mul3A_179 : i32
      %add3A_181 = arith.addi %mul3A_2, %mul3A_180 : i32
      %dma_start3A_182 = arith.constant 1 : i32
      %dma_start3A_183 = arith.constant 1 : i32
      %dma_start3A_184 = arith.constant 0 : i32
      %dma_start3A_185 = arith.constant 0 : i32
      %dma_start3A_186 = tpu.memref_slice %arg9[%dma_start3A_182, %dma_start3A_184, %dma_start3A_185] : memref<2x256x128xf32, #tpu.memory_space<vmem>> -> memref<1x256x128xf32, #tpu.memory_space<vmem>>
      %dma_start3A_187 = tpu.memref_squeeze %dma_start3A_186 : memref<1x256x128xf32, #tpu.memory_space<vmem>> -> memref<256x128xf32, #tpu.memory_space<vmem>>
      %dma_start3A_188 = arith.constant 0 : i32
      %dma_start3A_189 = tpu.memref_slice %arg6[%add3A_181, %dma_start3A_188] : memref<819200x128xf32, #tpu.memory_space<hbm>> -> memref<256x128xf32, #tpu.memory_space<hbm>>
      %dma_start3A_190 = tpu.memref_slice %arg12[%dma_start3A_183] : memref<2x!tpu.dma_semaphore, #tpu.memory_space<semaphore_mem>> -> memref<1x!tpu.dma_semaphore, #tpu.memory_space<semaphore_mem>>
      %dma_start3A_191 = tpu.memref_squeeze %dma_start3A_190 : memref<1x!tpu.dma_semaphore, #tpu.memory_space<semaphore_mem>> -> memref<!tpu.dma_semaphore, #tpu.memory_space<semaphore_mem>>
      %dma_start3A_192 = arith.constant 0 : i32
      %dma_start3A_193 = tpu.memref_slice %arg6[%add3A_181, %dma_start3A_192] : memref<819200x128xf32, #tpu.memory_space<hbm>> -> memref<256x128xf32, #tpu.memory_space<hbm>>
      %dma_start3A_194 = arith.constant 0 : i32
      %dma_start3A_195 = arith.constant 0 : i32
      %dma_start3A_196 = tpu.memref_slice %arg9[%dma_start3A_182, %dma_start3A_194, %dma_start3A_195] : memref<2x256x128xf32, #tpu.memory_space<vmem>> -> memref<1x256x128xf32, #tpu.memory_space<vmem>>
      %dma_start3A_197 = tpu.memref_squeeze %dma_start3A_196 : memref<1x256x128xf32, #tpu.memory_space<vmem>> -> memref<256x128xf32, #tpu.memory_space<vmem>>
      tpu.enqueue_dma source(%dma_start3A_197 : memref<256x128xf32, #tpu.memory_space<vmem>>) target(%dma_start3A_193 : memref<256x128xf32, #tpu.memory_space<hbm>>) target_semaphore(%dma_start3A_191 : memref<!tpu.dma_semaphore, #tpu.memory_space<semaphore_mem>>)
    }
    %scan3A_60 = arith.constant 50 : i32
    %dma_wait3A = arith.constant 0 : i32
    %dma_wait3A_61 = arith.constant 0 : i32
    %dma_wait3A_62 = arith.constant 0 : i32
    %dma_wait3A_63 = arith.constant 0 : i32
    %dma_wait3A_64 = tpu.memref_slice %arg9[%dma_wait3A, %dma_wait3A_62, %dma_wait3A_63] : memref<2x256x128xf32, #tpu.memory_space<vmem>> -> memref<1x256x128xf32, #tpu.memory_space<vmem>>
    %dma_wait3A_65 = tpu.memref_squeeze %dma_wait3A_64 : memref<1x256x128xf32, #tpu.memory_space<vmem>> -> memref<256x128xf32, #tpu.memory_space<vmem>>
    %dma_wait3A_66 = arith.constant 0 : i32
    %dma_wait3A_67 = arith.constant 0 : i32
    %dma_wait3A_68 = tpu.memref_slice %arg6[%dma_wait3A_66, %dma_wait3A_67] : memref<819200x128xf32, #tpu.memory_space<hbm>> -> memref<256x128xf32, #tpu.memory_space<hbm>>
    %dma_wait3A_69 = tpu.memref_slice %arg12[%dma_wait3A_61] : memref<2x!tpu.dma_semaphore, #tpu.memory_space<semaphore_mem>> -> memref<1x!tpu.dma_semaphore, #tpu.memory_space<semaphore_mem>>
    %dma_wait3A_70 = tpu.memref_squeeze %dma_wait3A_69 : memref<1x!tpu.dma_semaphore, #tpu.memory_space<semaphore_mem>> -> memref<!tpu.dma_semaphore, #tpu.memory_space<semaphore_mem>>
    %dma_wait3A_71 = arith.constant 0 : i32
    %dma_wait3A_72 = arith.constant 0 : i32
    %dma_wait3A_73 = tpu.memref_slice %arg6[%dma_wait3A_71, %dma_wait3A_72] : memref<819200x128xf32, #tpu.memory_space<hbm>> -> memref<256x128xf32, #tpu.memory_space<hbm>>
    %dma_wait3A_74 = arith.constant 0 : i32
    %dma_wait3A_75 = arith.constant 0 : i32
    %dma_wait3A_76 = tpu.memref_slice %arg9[%dma_wait3A, %dma_wait3A_74, %dma_wait3A_75] : memref<2x256x128xf32, #tpu.memory_space<vmem>> -> memref<1x256x128xf32, #tpu.memory_space<vmem>>
    %dma_wait3A_77 = tpu.memref_squeeze %dma_wait3A_76 : memref<1x256x128xf32, #tpu.memory_space<vmem>> -> memref<256x128xf32, #tpu.memory_space<vmem>>
    tpu.wait_dma2 semaphore(%dma_wait3A_70 : memref<!tpu.dma_semaphore, #tpu.memory_space<semaphore_mem>>) src(%dma_wait3A_77 : memref<256x128xf32, #tpu.memory_space<vmem>>) dst(%dma_wait3A_73 : memref<256x128xf32, #tpu.memory_space<hbm>>)
    %dma_wait3A_78 = arith.constant 1 : i32
    %dma_wait3A_79 = arith.constant 1 : i32
    %dma_wait3A_80 = arith.constant 0 : i32
    %dma_wait3A_81 = arith.constant 0 : i32
    %dma_wait3A_82 = tpu.memref_slice %arg9[%dma_wait3A_78, %dma_wait3A_80, %dma_wait3A_81] : memref<2x256x128xf32, #tpu.memory_space<vmem>> -> memref<1x256x128xf32, #tpu.memory_space<vmem>>
    %dma_wait3A_83 = tpu.memref_squeeze %dma_wait3A_82 : memref<1x256x128xf32, #tpu.memory_space<vmem>> -> memref<256x128xf32, #tpu.memory_space<vmem>>
    %dma_wait3A_84 = arith.constant 0 : i32
    %dma_wait3A_85 = arith.constant 0 : i32
    %dma_wait3A_86 = tpu.memref_slice %arg6[%dma_wait3A_84, %dma_wait3A_85] : memref<819200x128xf32, #tpu.memory_space<hbm>> -> memref<256x128xf32, #tpu.memory_space<hbm>>
    %dma_wait3A_87 = tpu.memref_slice %arg12[%dma_wait3A_79] : memref<2x!tpu.dma_semaphore, #tpu.memory_space<semaphore_mem>> -> memref<1x!tpu.dma_semaphore, #tpu.memory_space<semaphore_mem>>
    %dma_wait3A_88 = tpu.memref_squeeze %dma_wait3A_87 : memref<1x!tpu.dma_semaphore, #tpu.memory_space<semaphore_mem>> -> memref<!tpu.dma_semaphore, #tpu.memory_space<semaphore_mem>>
    %dma_wait3A_89 = arith.constant 0 : i32
    %dma_wait3A_90 = arith.constant 0 : i32
    %dma_wait3A_91 = tpu.memref_slice %arg6[%dma_wait3A_89, %dma_wait3A_90] : memref<819200x128xf32, #tpu.memory_space<hbm>> -> memref<256x128xf32, #tpu.memory_space<hbm>>
    %dma_wait3A_92 = arith.constant 0 : i32
    %dma_wait3A_93 = arith.constant 0 : i32
    %dma_wait3A_94 = tpu.memref_slice %arg9[%dma_wait3A_78, %dma_wait3A_92, %dma_wait3A_93] : memref<2x256x128xf32, #tpu.memory_space<vmem>> -> memref<1x256x128xf32, #tpu.memory_space<vmem>>
    %dma_wait3A_95 = tpu.memref_squeeze %dma_wait3A_94 : memref<1x256x128xf32, #tpu.memory_space<vmem>> -> memref<256x128xf32, #tpu.memory_space<vmem>>
    tpu.wait_dma2 semaphore(%dma_wait3A_88 : memref<!tpu.dma_semaphore, #tpu.memory_space<semaphore_mem>>) src(%dma_wait3A_95 : memref<256x128xf32, #tpu.memory_space<vmem>>) dst(%dma_wait3A_91 : memref<256x128xf32, #tpu.memory_space<hbm>>)
    return
  }
}

</mosaic_0001>

<sc_bundles>
// kernel: _emb_lookup.3.cloned.1.call-start
scs
__scs_entry_jumppad:
0x0: {  	(pc) =	sbr.rel $0x88, $3  }
0x1: {  	(tag) =	ssettag $0x0;
	lr =	simm.s32 $0x1  }
0x2: {  	[smem:$0x3F9D] =	sst lr;
	_ =	strace $0xD0000000  }
0x3: {  	_ = 	snop  }
0x4: {  	_ = 	snop  }
0x5: {  	_ = 	snop  }
0x6: {  	_ = 	snop  }
0x7: {  	_ = 	snop  }
__scs_overlays_trampoline_lowered:
0x8: {  	[smem:$0x3FAC] =	sst s0  }
0x9: {  	[smem:$0x3FAD] =	sst s1  }
0xa: {  	[smem:$0x3FAE] =	sst s2  }
0xb: {  	[smem:$0x3FAF] =	sst s3  }
0xc: {  	[smem:$0x3FB0] =	sst s4  }
0xd: {  	[smem:$0x3FB1] =	sst s5  }
0xe: {  	[smem:$0x3FB2] =	sst s6  }
0xf: {  	[smem:$0x3FB3] =	sst s7  }
0x10: {  	[smem:$0x3FB4] =	sst s8  }
0x11: {  	[smem:$0x3FB5] =	sst s9;
	s0 =	simm.s32 @!p0 $0x0  }
0x12: {  	s1 =	sld [smem:$0x3F9B];
	s0 =	simm.s32 @p0 $0x1  }
0x13: {  	[smem:$0x3FB6] =	sst s0;
	s0 =	simm.s32 @!p1 $0x0  }
0x14: {  	s2 =	sld [smem:$0x3F9A];
	s0 =	simm.s32 @p1 $0x1  }
0x15: {  	[smem:$0x3FB7] =	sst s0;
	s0 =	simm.s32 @!p2 $0x0  }
0x16: {  	s3 =	sld [smem:$0x3FDB];
	s0 =	simm.s32 @p2 $0x1  }
0x17: {  	s4 =	simm.s32 $0x1BF5;
	[smem:$0x3FB9] =	sst s0  }
0x18: {  	s0 =	sld [smem:$0x3F9C];
	_ =	swait.ge [sflag:s4], $0x0  }
0x19: {  	s7 =	sld [smem:$0x3F9D]  }
0x1a: {  	s8 =	sadd.s32 $0xFFFFE003, lr  }
0x1b: {  	s9 =	sadd.s32 $0xFFFFFEF7, lr;
	s5 =	simm.s32 $0xFFFFFFFF;
	p2 =	slt.u32 s8, $0xFFFFF086  }
0x1c: {  	p1 =	slt.u32 s9, $0xF7A;
	s5 =	simm.s32 @!p2 $0x0  }
0x1d: {  	s5 =	simm.s32 @p1 $0x1;
	p0 =	seq.s32 s7, s2  }
0x1e: {  	s7 =	smul.u32 @!p0 $0xF7A, s2;
	p2 =	seq.s32 @!p0 s5, $0x0  }
0x1f: {  	s9 =	smul.u32 $0xF7A, s1;
	s8 =	simm.s32 @!p0 $0x1BF5;
	p2 =	por !p2, p0  }
0x20: {  	[sflag:s8] =	ssyncset.s32 @!p0 $0xFFFFF086;
	s6 =	sadd.s32 @!p0 s3, s7;
	s7 =	simm.s32 @!p0 $0x108  }
0x21: {  	s3 =	sadd.s32 s3, s9;
	s6 =	sadd.s32 @!p0 $0x88, s6;
	s7 =	simm.s32 @p2 $0x1082  }
0x22: {  	[simem:s7], [sflag:s8] =	dma.local @!p0 [hbm:s6], $0xF7A  }
0x23: {  	s9 =	sor.u32 $0xD0000000, s2;
	s6 =	simm.s32 $0x108;
	_ =	swait.ge @!p0 [sflag:s8], $0x0  }
0x24: {  	s3 =	sadd.s32 $0x88, s3;
	s6 =	simm.s32 @!p1 $0x1082;
	[sflag:s4] =	ssyncset.s32 $0xFFFFF086  }
0x25: {  	[simem:s6], [sflag:s4] =	dma.local [hbm:s3], $0xF7A  }
0x26: {  	[smem:$0x3F9D] =	sst s1;
	(tag) =	ssettag s2;
	_ =	strace s9  }
0x27: {  	s1 =	sld [smem:$0x3FAD]  }
0x28: {  	s2 =	sld [smem:$0x3FAE]  }
0x29: {  	s4 =	sld [smem:$0x3FB0]  }
0x2a: {  	p0 =	seq.s32 s5, $0x0;
	s5 =	sld [smem:$0x3FB1]  }
0x2b: {  	s6 =	sld [smem:$0x3FB2]  }
0x2c: {  	s7 =	sld [smem:$0x3FB3]  }
0x2d: {  	s3 =	simm.s32 $0x108;
	s8 =	sld [smem:$0x3FB4]  }
0x2e: {  	s3 =	simm.s32 @!p0 $0x1082;
	s9 =	sld [smem:$0x3FB5]  }
0x2f: {  	lr =	sadd.s32 s0, s3;
	s0 =	sld [smem:$0x3FAC]  }
0x30: {  	s3 =	sld [smem:$0x3FAF]  }
0x31: {  	[smem:$0x3FB8] =	sst s10  }
0x32: {  	s10 =	sld [smem:$0x3FB6];
	_ =	sdelay $0x3  }
0x33: {  	p0 =	seq.s32 s10, $0x1;
	s10 =	sld [smem:$0x3FB8];
	_ =	sdelay $0x3  }
0x34: {  	[smem:$0x3FB8] =	sst s10  }
0x35: {  	s10 =	sld [smem:$0x3FB7];
	_ =	sdelay $0x3  }
0x36: {  	p1 =	seq.s32 s10, $0x1;
	s10 =	sld [smem:$0x3FB8];
	_ =	sdelay $0x3  }
0x37: {  	[smem:$0x3FB8] =	sst s10  }
0x38: {  	s10 =	sld [smem:$0x3FB9]  }
0x39: {  	_ = 	snop;
	(pc) =	sbr.ind lr, $3  }
0x3a: {  	_ = 	snop  }
0x3b: {  	_ = 	snop  }
0x3c: {  	p2 =	seq.s32 s10, $0x1;
	s10 =	sld [smem:$0x3FB8]  }
0x3d: {  	_ =	shalt  }
0x3e: {  	_ =	shalt  }
0x3f: {  	_ =	shalt  }
0x40: {  	_ =	shalt  }
0x41: {  	_ =	shalt  }
0x42: {  	_ =	shalt  }
0x43: {  	_ =	shalt  }
0x44: {  	_ =	shalt  }
0x45: {  	_ =	shalt  }
0x46: {  	_ =	shalt  }
0x47: {  	_ =	shalt  }
0x48: {  	_ =	shalt  }
0x49: {  	_ =	shalt  }
0x4a: {  	_ =	shalt  }
0x4b: {  	_ =	shalt  }
0x4c: {  	_ =	shalt  }
0x4d: {  	_ =	shalt  }
0x4e: {  	_ =	shalt  }
0x4f: {  	_ =	shalt  }
0x50: {  	_ =	shalt  }
0x51: {  	_ =	shalt  }
0x52: {  	_ =	shalt  }
0x53: {  	_ =	shalt  }
0x54: {  	_ =	shalt  }
0x55: {  	_ =	shalt  }
0x56: {  	_ =	shalt  }
0x57: {  	_ =	shalt  }
0x58: {  	_ =	shalt  }
0x59: {  	_ =	shalt  }
0x5a: {  	_ =	shalt  }
0x5b: {  	_ =	shalt  }
0x5c: {  	_ =	shalt  }
0x5d: {  	_ =	shalt  }
0x5e: {  	_ =	shalt  }
0x5f: {  	_ =	shalt  }
0x60: {  	_ =	shalt  }
0x61: {  	_ =	shalt  }
0x62: {  	_ =	shalt  }
0x63: {  	_ =	shalt  }
0x64: {  	_ =	shalt  }
0x65: {  	_ =	shalt  }
0x66: {  	_ =	shalt  }
0x67: {  	_ =	shalt  }
0x68: {  	_ =	shalt  }
0x69: {  	_ =	shalt  }
0x6a: {  	_ =	shalt  }
0x6b: {  	_ =	shalt  }
0x6c: {  	_ =	shalt  }
0x6d: {  	_ =	shalt  }
0x6e: {  	_ =	shalt  }
0x6f: {  	_ =	shalt  }
0x70: {  	_ =	shalt  }
0x71: {  	_ =	shalt  }
0x72: {  	_ =	shalt  }
0x73: {  	_ =	shalt  }
0x74: {  	_ =	shalt  }
0x75: {  	_ =	shalt  }
0x76: {  	_ =	shalt  }
0x77: {  	_ =	shalt  }
0x78: {  	_ =	shalt  }
0x79: {  	_ =	shalt  }
0x7a: {  	_ =	shalt  }
0x7b: {  	_ =	shalt  }
0x7c: {  	_ =	shalt  }
0x7d: {  	_ =	shalt  }
0x7e: {  	_ =	shalt  }
0x7f: {  	_ =	shalt  }
0x80: {  	_ =	shalt  }
0x81: {  	_ =	shalt  }
0x82: {  	_ =	shalt  }
0x83: {  	_ =	shalt  }
0x84: {  	_ =	shalt  }
0x85: {  	_ =	shalt  }
0x86: {  	_ =	shalt  }
0x87: {  	_ =	shalt  }
.Lfunc_end0:
.L_simem_size_0:
called_computation_lowered:
.L_overlay_start_0:
0x88: {  	s2 =	sld [smem:$0x3FD9]  }
0x89: {  	s3 =	sld [smem:$0x3FFE];
	_ =	sdelay $0x1  }
0x8a: {  	s1 =	srdreg.scid  }
0x8b: {  	s0 =	sand.u32 $0x1, s1  }
0x8c: {  	s17 =	sshll.u32 s0, $0xA;
	s2 =	sadd.s32 s3, s2  }
0x8d: {  	s2 =	sadd.s32 s2, s17  }
0x8e: {  	[smem:$0x3FC4] =	sst s2  }
0x8f: {  	_ = 	snop  }
0x90: {  	s2 =	sld [smem:$0x3FC9]  }
0x91: {  	s18 =	sld [smem:$0x3FC8]  }
0x92: {  	s4 =	sld [smem:$0x3FD0];
	(tm) =	ssettm $0x1  }
0x93: {  	s5 =	sld [smem:$0x3FFB];
	_ =	sdelay $0x3  }
0x94: {  	_ =	strace s5  }
0x95: {  	s5 =	sld [smem:$0x3FFC];
	_ =	sdelay $0x3  }
0x96: {  	_ =	strace s5  }
0x97: {  	s5 =	sld [smem:$0x3FFD];
	_ =	sdelay $0x3  }
0x98: {  	_ =	strace s5  }
0x99: {  	_ =	strace $0x8FFFFFFF  }
0x9a: {  	s19 =	sld [smem:$0x3FDB];
	_ =	sdelay $0x1  }
0x9b: {  	s6 =	simm.s32 $_scs_section_size  }
0x9c: {  	s7 =	simm.s32 $_size__tile_overlayer_lowered;
	s8 =	simm.s32 $_tile_overlayer_lowered  }
0x9d: {  	s22 =	simm.s32 $0x1BFF;
	s21 =	sshll.u32 s8, $0x1;
	s5 =	sadd.s32 s6, s19  }
0x9e: {  	s9 =	simm.s32 $0x0;
	s20 =	sshll.u32 s7, $0x1;
	s7 =	sadd.s32 s21, s5  }
0x9f: {  	[timem:s9], [sflag:s22] =	dma.local [hbm:s7], s20  }
0xa0: {  	_ =	swait.ge [sflag:s22], s20  }
0xa1: {  	s6 =	ssub.s32 $0x0, s20;
	[sflag:s22] =	ssyncset.done $0x0  }
0xa2: {  	[sflag:s22] =	ssyncadd.s32 s6;
	_ =	sdelay $0x1  }
0xa3: {  	s23 =	simm.s32 $0x1B8B  }
0xa4: {  	_ =	swait.ge [sflag:s23], $0x1  }
0xa5: {  	[sflag:s23] =	ssyncset.done $0x0  }
0xa6: {  	s25 =	simm.s32 $0x1B8E;
	s24 =	sld [smem:$0x3FFE];
	[sflag:s23] =	ssyncadd.s32 $0xFFFFFFFF  }
0xa7: {  	s26 =	simm.s32 $execute0_lowered;
	[smem:$0x3FD2] =	sst s25  }
0xa8: {  	s7 =	sshll.u32 s26, $0x1;
	_ =	strace $0x80000046;
	[dreg:$0x1] =	wrdreg $0xFFFFFFFF  }
0xa9: {  	s28 =	simm.s32 $_size_execute0_lowered;
	s5 =	sadd.s32 s5, s7;
	[dreg:$0x0] =	wrdreg $0x0  }
0xaa: {  	s7 =	sshll.u32 s28, $0x1;
	[dreg:$0x2] =	wrdreg s5  }
0xab: {  	[dreg:$0x3] =	wrdreg s7  }
0xac: {  	[dreg:$0x4] =	wrdreg $0xC0  }
0xad: {  	_ =	task [dreg:s9], $0x5FFFF  }
0xae: {  	[dreg:$0x1] =	wrdreg $0xFFFFFFFF  }
0xaf: {  	[dreg:$0x0] =	wrdreg $0x60  }
0xb0: {  	[dreg:$0x2] =	wrdreg s2  }
0xb1: {  	[dreg:$0x3] =	wrdreg s18  }
0xb2: {  	[dreg:$0x4] =	wrdreg s24  }
0xb3: {  	[dreg:$0x5] =	wrdreg s4  }
0xb4: {  	[dreg:$0x6] =	wrdreg $0x9  }
0xb5: {  	_ =	task.clear_ibuf [dreg:s9], $0x7FFFF;
	_ =	strace $0x90000046  }
0xb6: {  	s29 =	simm.s32 $0x9;
	_ =	strace $0x80000048  }
0xb7: {  	_ =	swait.ge [sflag:s29], $0x1  }
0xb8: {  	[sflag:s29] =	ssyncadd.s32 $0xFFFFFFFF  }
0xb9: {  	_ =	strace $0x90000048  }
0xba: {  	_ =	sfence  }
0xbb: {  	s30 =	sld [smem:$0x0];
	_ =	sdelay $0x2  }
0xbc: {  	s31 =	sshll.u32 s1, $0xD;
	s1 =	sshrl.u32 s1, $0x2  }
0xbd: {  	s3 =	sand.u32 $0x4000, s31;
	s1 =	sadd.s32 s1, s30  }
0xbe: {  	s0 =	sor.u32 s3, s0;
	s1 =	sshll.u32 s1, $0x11  }
0xbf: {  	s0 =	sor.u32 s1, s0  }
0xc0: {  	s0 =	sadd.s32 $0x8F2B, s0  }
0xc1: {  	[sflag:s0] =	ssyncadd.remote.s32 $0x1  }
0xc2: {  	_ =	sfence.sel $0xFFFF  }
0xc3: {  	[dreg:$0x0] =	wrdreg $0xFFFFFFFF;
	(pc) =	sbr.abs _section_cstart, $3  }
0xc4: {  	[dreg:$0x1] =	wrdreg $0xFFFFFFFF  }
0xc5: {  	_ =	task.clear_ibuf [dreg:s9], $0x2FFFF;
	_ =	strace $0x9FFFFFFF  }
0xc6: {  	(tm) =	ssettm $0x7FFFFFFF  }
0xc7: {  	_ =	shalt  }
tec
execute0_lowered:
.L_overlay_start_1:
0x0: {  	(tag) =	ssettag $0x1  }
0x1: {  	s0 =	rddreg [dreg:$0x0]  }
0x2: {  	s1 =	rddreg [dreg:$0x1]  }
0x3: {  	s6 =	rddreg [dreg:$0x2];
	s3 =	srdreg.scid  }
0x4: {  	s4 =	stileid.u32;
	s2 =	rddreg [dreg:$0x3]  }
0x5: {  	s13 =	simm.s32 $0xC800;
	s23 =	simm.s32 $0x11800;
	s24 =	simm.s32 $0x12000  }
0x6: {  	s25 =	simm.s32 $0x12800;
	s26 =	simm.s32 $0x13000;
	s28 =	simm.s32 $0x13800  }
0x7: {  	s29 =	simm.s32 $0x14000;
	s30 =	simm.s32 $0x1;
	s31 =	simm.s32 $0x2  }
0x8: {  	s11 =	simm.s32 $0x4;
	s5 =	sand.u32 $0x1, s3;
	s4 =	sshll.u32 s4, $0x1  }
0x9: {  	vm0 =	vmmov $0xffff;
	v0 =	vimm.s32 $0x0;
	s12 =	simm.s32 $0x0;
	s3 =	simm.s32 $0x0;
	s4 =	sor.u32 s5, s4  }
0xa: {  	v1 =	vimm.s32 $0x1;
	v2 =	vimm.s32 $0x2;
	v3 =	vimm.s32 $0x3;
	[smem:$0x7FF] =	sst s3;
	s7 =	ssub.s32 $0x2, s5;
	s4 =	smul.u32 $0x6400, s4  }
0xb: {  	v4 =	vimm.s32 $0x4;
	v5 =	vimm.s32 $0x5;
	v6 =	vimm.s32 $0x6;
	s5 =	sadd.s32 $0xF42A00, s6;
	s6 =	sadd.s32 $0x600, s6;
	s8 =	sshrl.u32 s7, $0x1  }
0xc: {  	v7 =	vimm.s32 $0x7;
	v8 =	vimm.s32 $0x8;
	v9 =	vimm.s32 $0x9;
	_ =	strace $0x80000047;
	s10 =	ssub.s32 s7, s8;
	s9 =	sshrl.u32 s4, $0x3  }
0xd: {  	v10 =	vimm.s32 $0xA;
	v11 =	vimm.s32 $0xB;
	v12 =	vimm.s32 $0xC;
	s7 =	sadd.s32 s0, s9;
	s8 =	sadd.s32 s1, s9;
	s9 =	smax.u32 s10, $0x1  }
0xe: {  	v13 =	vimm.s32 $0xD;
	v14 =	vimm.s32 $0xE;
	v15 =	vimm.s32 $0xF;
	s10 =	simm.s32 $0x5;
	s1 =	simm.s32 $0x14800;
	s0 =	simm.s32 $0x3  }
.LBB2_1:
0xf: {  	[tilespmem:s3], [sflag:$0x5] =	stream.linear.gather [hbm4b:s7+s3], $0x6400, $0x38;
	[tilespmem:$0x1CA00] =	vst v63  }
0x10: {  	_ =	swait.ge [sflag:s10], $0x6400  }
0x11: {  	[sflag:s10] =	ssyncset.done $0x0  }
0x12: {  	s14 =	simm.s32 $0x6400;
	[sflag:s10] =	ssyncadd.s32 $0xFFFF9C00  }
0x13: {  	[tilespmem:s14], [sflag:$0x5] =	stream.linear.gather [hbm4b:s8+s3], $0x6400, $0x38;
	[tilespmem:$0x1CA00] =	vst v63  }
0x14: {  	_ =	swait.ge [sflag:s10], $0x6400  }
0x15: {  	[sflag:s10] =	ssyncset.done $0x0  }
0x16: {  	s21 =	simm.s32 $0x1C800;
	[sflag:s10] =	ssyncadd.s32 $0xFFFF9C00  }
0x17: {  	[tilespmem:s21], [sflag:$0x5] =	stream.linear.gather [hbm4b:s6+s3], $0x180, $0x38;
	[tilespmem:$0x1CA00] =	vst v63  }
0x18: {  	_ =	swait.ge [sflag:s10], $0x180  }
0x19: {  	[sflag:s10] =	ssyncset.done $0x0  }
0x1a: {  	[sflag:s10] =	ssyncadd.s32 $0xFFFFFE80  }
0x1b: {  	v16 =	vld [tilespmem:$0x1C800]  }
0x1c: {  	v17 =	vld [tilespmem:$0x1C810]  }
0x1d: {  	v18 =	vld [tilespmem:$0x1C820]  }
0x1e: {  	v19 =	vld [tilespmem:$0x1C830]  }
0x1f: {  	v28 =	vld [tilespmem:$0x0]  }
0x20: {  	v20 =	vld [tilespmem:$0x1C880]  }
0x21: {  	v21 =	vld [tilespmem:$0x1C890]  }
0x22: {  	v22 =	vld [tilespmem:$0x1C8A0]  }
0x23: {  	v23 =	vld [tilespmem:$0x1C8B0]  }
0x24: {  	v24 =	vld [tilespmem:$0x1C900]  }
0x25: {  	v25 =	vld [tilespmem:$0x1C910]  }
0x26: {  	v26 =	vld [tilespmem:$0x1C920]  }
0x27: {  	v27 =	vld [tilespmem:$0x1C930];
	[tilespmem:s13], [sflag:$0x1] =	stream.indirect_vreg.gather [hbm4b:s5+s3], $0x80, v28, vm0, $0xb8  }
0x28: {  	v28 =	vld [tilespmem:$0x10];
	_ =	sdelay $0x6  }
0x29: {  	s22 =	simm.s32 $0xD000  }
0x2a: {  	[tilespmem:s22], [sflag:$0x1] =	stream.indirect_vreg.gather [hbm4b:s5+s3], $0x80, v28, vm0, $0xb8;
	[tilespmem:$0x1CA00] =	vst v63  }
0x2b: {  	v28 =	vld [tilespmem:$0x20];
	_ =	sdelay $0x6  }
0x2c: {  	s15 =	simm.s32 $0xD800  }
0x2d: {  	[tilespmem:s15], [sflag:$0x1] =	stream.indirect_vreg.gather [hbm4b:s5+s3], $0x80, v28, vm0, $0xb8;
	[tilespmem:$0x1CA00] =	vst v63  }
0x2e: {  	v28 =	vld [tilespmem:$0x30];
	_ =	sdelay $0x6  }
0x2f: {  	s16 =	simm.s32 $0xE000  }
0x30: {  	[tilespmem:s16], [sflag:$0x1] =	stream.indirect_vreg.gather [hbm4b:s5+s3], $0x80, v28, vm0, $0xb8;
	[tilespmem:$0x1CA00] =	vst v63  }
0x31: {  	v28 =	vld [tilespmem:$0x40];
	_ =	sdelay $0x6  }
0x32: {  	s17 =	simm.s32 $0xE800  }
0x33: {  	[tilespmem:s17], [sflag:$0x1] =	stream.indirect_vreg.gather [hbm4b:s5+s3], $0x80, v28, vm0, $0xb8;
	[tilespmem:$0x1CA00] =	vst v63  }
0x34: {  	v28 =	vld [tilespmem:$0x50];
	_ =	sdelay $0x6  }
0x35: {  	s18 =	simm.s32 $0xF000  }
0x36: {  	[tilespmem:s18], [sflag:$0x1] =	stream.indirect_vreg.gather [hbm4b:s5+s3], $0x80, v28, vm0, $0xb8;
	[tilespmem:$0x1CA00] =	vst v63  }
0x37: {  	v28 =	vld [tilespmem:$0x60];
	_ =	sdelay $0x6  }
0x38: {  	s19 =	simm.s32 $0xF800  }
0x39: {  	[tilespmem:s19], [sflag:$0x1] =	stream.indirect_vreg.gather [hbm4b:s5+s3], $0x80, v28, vm0, $0xb8;
	[tilespmem:$0x1CA00] =	vst v63  }
0x3a: {  	v28 =	vld [tilespmem:$0x70];
	_ =	sdelay $0x6  }
0x3b: {  	s20 =	simm.s32 $0x10000  }
0x3c: {  	[tilespmem:s20], [sflag:$0x1] =	stream.indirect_vreg.gather [hbm4b:s5+s3], $0x80, v28, vm0, $0xb8;
	[tilespmem:$0x1CA00] =	vst v63  }
0x3d: {  	v28 =	vld [tilespmem:$0x80];
	_ =	sdelay $0x6  }
0x3e: {  	s21 =	simm.s32 $0x10800  }
0x3f: {  	[tilespmem:s21], [sflag:$0x1] =	stream.indirect_vreg.gather [hbm4b:s5+s3], $0x80, v28, vm0, $0xb8;
	[tilespmem:$0x1CA00] =	vst v63  }
0x40: {  	v28 =	vld [tilespmem:$0x90];
	_ =	sdelay $0x6  }
0x41: {  	s22 =	simm.s32 $0x11000  }
0x42: {  	[tilespmem:s22], [sflag:$0x1] =	stream.indirect_vreg.gather [hbm4b:s5+s3], $0x80, v28, vm0, $0xb8;
	[tilespmem:$0x1CA00] =	vst v63  }
0x43: {  	v28 =	vld [tilespmem:$0xA0];
	_ =	sdelay $0x7  }
0x44: {  	[tilespmem:s23], [sflag:$0x1] =	stream.indirect_vreg.gather [hbm4b:s5+s3], $0x80, v28, vm0, $0xb8;
	[tilespmem:$0x1CA00] =	vst v63  }
0x45: {  	v28 =	vld [tilespmem:$0xB0];
	_ =	sdelay $0x7  }
0x46: {  	[tilespmem:s24], [sflag:$0x1] =	stream.indirect_vreg.gather [hbm4b:s5+s3], $0x80, v28, vm0, $0xb8;
	[tilespmem:$0x1CA00] =	vst v63  }
0x47: {  	v28 =	vld [tilespmem:$0xC0];
	_ =	sdelay $0x7  }
0x48: {  	[tilespmem:s25], [sflag:$0x1] =	stream.indirect_vreg.gather [hbm4b:s5+s3], $0x80, v28, vm0, $0xb8;
	[tilespmem:$0x1CA00] =	vst v63  }
0x49: {  	v28 =	vld [tilespmem:$0xD0];
	_ =	sdelay $0x7  }
0x4a: {  	[tilespmem:s26], [sflag:$0x1] =	stream.indirect_vreg.gather [hbm4b:s5+s3], $0x80, v28, vm0, $0xb8;
	[tilespmem:$0x1CA00] =	vst v63  }
0x4b: {  	v28 =	vld [tilespmem:$0xE0];
	_ =	sdelay $0x7  }
0x4c: {  	[tilespmem:s28], [sflag:$0x1] =	stream.indirect_vreg.gather [hbm4b:s5+s3], $0x80, v28, vm0, $0xb8;
	[tilespmem:$0x1CA00] =	vst v63  }
0x4d: {  	v28 =	vld [tilespmem:$0xF0];
	_ =	sdelay $0x6  }
0x4e: {  	s15 =	simm.s32 $0x0  }
0x4f: {  	[tilespmem:s29], [sflag:$0x1] =	stream.indirect_vreg.gather [hbm4b:s5+s3], $0x80, v28, vm0, $0xb8;
	[tilespmem:$0x1CA00] =	vst v63  }
.LBB2_2:
0x50: {  	p0 =	seq.s32 s15, $0x0  }
0x51: {  	s16 =	sshll.u32 s15, $0x9;
	s18 =	simm.s32 $0x0;
	s17 =	simm.s32 @!p0 $0x4  }
0x52: {  	s14 =	sor.u32 $0x100, s16;
	s19 =	sand.u32 $0x80, s18;
	_ =	swait.ge @!p0 [sflag:s17], $0x8000  }
0x53: {  	s18 =	sand.u32 $0x70, s18;
	s19 =	sadd.s32 s19, s14;
	[sflag:s17] =	ssyncset.done @!p0 $0x0  }
0x54: {  	s20 =	sadd.s32 s18, s19;
	[sflag:s17] =	ssyncadd.s32 @!p0 $0xFFFF8000  }
0x55: {  	v28 =	vld [tilespmem:s20+$0x0];
	_ =	sdelay $0x3  }
0x56: {  	s21 =	simm.s32 $0x10  }
0x57: {  	s22 =	sand.u32 $0x80, s21  }
0x58: {  	s18 =	sand.u32 $0x70, s21;
	s19 =	sadd.s32 s22, s14  }
0x59: {  	s17 =	simm.s32 $0x14800;
	s18 =	sadd.s32 s18, s19  }
0x5a: {  	[tilespmem:s17], [sflag:$0x2] =	stream.indirect_vreg.gather [hbm4b:s5+s3], $0x80, v28, vm0, $0xb8;
	[tilespmem:$0x1CA00] =	vst v63  }
0x5b: {  	v28 =	vld [tilespmem:s18+$0x0];
	_ =	sdelay $0x3  }
0x5c: {  	s20 =	simm.s32 $0x20  }
0x5d: {  	s21 =	sand.u32 $0x80, s20  }
0x5e: {  	s19 =	sand.u32 $0x70, s20;
	s20 =	sadd.s32 s21, s14;
	s18 =	simm.s32 $0x30  }
.LBB2_3:
0x5f: {  	p0 =	sne.s32 s18, $0xF0;
	s19 =	sadd.s32 s19, s20;
	s17 =	sadd.s32 $0x800, s17  }
0x60: {  	[tilespmem:s17], [sflag:$0x2] =	stream.indirect_vreg.gather [hbm4b:s5+s3], $0x80, v28, vm0, $0xb8;
	[tilespmem:$0x1CA00] =	vst v63  }
0x61: {  	v28 =	vld [tilespmem:s19+$0x0];
	_ =	sdelay $0x1  }
.Ltmp0:
0x62: {  	(pc) =	sbr.rel @p0 .LBB2_3-.Ltmp0, $3  }
0x63: {  	_ =	sdelay $0x1  }
0x64: {  	s20 =	sand.u32 $0x80, s18  }
0x65: {  	s20 =	sadd.s32 s20, s14;
	s19 =	sand.u32 $0x70, s18;
	s18 =	sadd.s32 $0x10, s18  }
0x66: {  	_ =	sdelay $0x2  }
0x67: {  	s18 =	sadd.s32 s19, s20;
	s17 =	sadd.s32 $0x800, s17  }
0x68: {  	[tilespmem:s17], [sflag:$0x2] =	stream.indirect_vreg.gather [hbm4b:s5+s3], $0x80, v28, vm0, $0xb8;
	[tilespmem:$0x1CA00] =	vst v63  }
0x69: {  	v28 =	vld [tilespmem:s18+$0x0];
	_ =	sdelay $0x6  }
0x6a: {  	s21 =	simm.s32 $0x0;
	s17 =	sadd.s32 $0x800, s17  }
0x6b: {  	[tilespmem:s17], [sflag:$0x2] =	stream.indirect_vreg.gather [hbm4b:s5+s3], $0x80, v28, vm0, $0xb8;
	[tilespmem:$0x1CA00] =	vst v63  }
0x6c: {  	s22 =	sand.u32 $0x80, s21;
	s17 =	sadd.s32 $0x6400, s16;
	_ =	swait.ge [sflag:s30], $0x8000  }
0x6d: {  	s18 =	sand.u32 $0x70, s21;
	s19 =	sadd.s32 s22, s17;
	[sflag:s30] =	ssyncset.done $0x0  }
0x6e: {  	s18 =	sadd.s32 s18, s19;
	[sflag:s30] =	ssyncadd.s32 $0xFFFF8000  }
0x6f: {  	v28 =	vld [tilespmem:s18+$0x0];
	_ =	sdelay $0x4  }
0x70: {  	v30 =	vperm.xlane v28, v0;
	v32 =	vperm.xlane v28, v1  }
0x71: {  	s18 =	simm.s32 $0xCC00;
	v34 =	vperm.xlane v28, v2  }
0x72: {  	v29 =	vld [tilespmem:s18+$0xFFFFFC10];
	v35 =	vperm.xlane v28, v3;
	vm1 =	veq.s32 v30, $0x2;
	vm2 =	veq.s32 v32, $0x1  }
0x73: {  	v31 =	vld [tilespmem:s18+$0xFFFFFC00];
	vm3 =	veq.s32 v30, $0x1;
	vm4 =	veq.s32 v32, $0x2;
	v30 =	vsel vm1, v24, v16  }
0x74: {  	v33 =	vld [tilespmem:s18+$0xFFFFFC20];
	v37 =	vsel vm1, v25, v17;
	v39 =	vsel vm1, v26, v18;
	v59 =	vsel vm1, v27, v19  }
0x75: {  	v36 =	vld [tilespmem:s18+$0xFFFFFC80];
	v40 =	vsel vm4, v24, v16;
	v62 =	vsel vm4, v25, v17;
	v47 =	vsel vm4, v26, v18  }
0x76: {  	v38 =	vld [tilespmem:s18+$0xFFFFFC30];
	v42 =	vsel vm4, v27, v19;
	vm1 =	veq.s32 v34, $0x2;
	v30 =	vsel vm3, v20, v30  }
0x77: {  	v57 =	vld [tilespmem:s18+$0xFFFFFC90];
	v56 =	vsel vm3, v21, v37;
	v58 =	vsel vm3, v22, v39;
	v60 =	vsel vm3, v23, v59  }
0x78: {  	v41 =	vld [tilespmem:s18+$0xFFFFFCA0];
	v61 =	vsel vm2, v20, v40;
	v46 =	vsel vm2, v21, v62;
	v48 =	vsel vm2, v22, v47  }
0x79: {  	v49 =	vsel vm2, v23, v42;
	v51 =	vsel vm1, v24, v16;
	vm2 =	veq.s32 v34, $0x1  }
0x7a: {  	v63 =	vld [tilespmem:s18+$0xFFFFFD10];
	v53 =	vsel vm1, v25, v17;
	v44 =	vsel vm1, v26, v18;
	v30 =	vadd.f32 v30, v31  }
0x7b: {  	v43 =	vld [tilespmem:s18+$0xFFFFFD00];
	v54 =	vsel vm1, v27, v19;
	v29 =	vadd.f32 v56, v29;
	v32 =	vadd.f32 v33, v58  }
0x7c: {  	v50 =	vld [tilespmem:s18+$0xFFFFFD20];
	vm1 =	veq.s32 v35, $0x2;
	v33 =	vadd.f32 v38, v60;
	v36 =	vadd.f32 v61, v36  }
0x7d: {  	v52 =	vld [tilespmem:s18+$0xFFFFFD30];
	v37 =	vadd.f32 v46, v57;
	v39 =	vadd.f32 v41, v48;
	v40 =	vsel vm2, v20, v51  }
0x7e: {  	v45 =	vld [tilespmem:s18+$0xFFFFFD80];
	v34 =	vsel vm2, v21, v53;
	v44 =	vsel vm2, v22, v44;
	v38 =	vsel vm2, v23, v54  }
0x7f: {  	v55 =	vld [tilespmem:s18+$0xFFFFFD90];
	vm2 =	veq.s32 v35, $0x1;
	v56 =	vsel vm1, v24, v16;
	v58 =	vsel vm1, v25, v17  }
0x80: {  	v47 =	vsel vm1, v26, v18;
	v60 =	vsel vm1, v27, v19;
	v40 =	vadd.f32 v40, v43  }
0x81: {  	v31 =	vld [tilespmem:s18+$0xFFFFFCB0];
	v48 =	vperm.xlane v28, v4;
	v34 =	vadd.f32 v34, v63;
	v42 =	vadd.f32 v50, v44  }
0x82: {  	v46 =	vld [tilespmem:s18+$0xFFFFFDA0];
	v38 =	vadd.f32 v52, v38;
	v35 =	vsel vm2, v20, v56;
	v41 =	vsel vm2, v21, v58;
	[tilespmem:s18+$0xFFFFFC00] =	vst v30  }
0x83: {  	v57 =	vld [tilespmem:s18+$0xFFFFFDB0];
	v59 =	vsel vm2, v22, v47;
	v62 =	vsel vm2, v23, v60;
	v35 =	vadd.f32 v35, v45;
	[tilespmem:s18+$0xFFFFFC10] =	vst v29  }
0x84: {  	v61 =	vld [tilespmem:s18+$0xFFFFFE10];
	v30 =	vadd.f32 v41, v55;
	v29 =	vperm.xlane v28, v5;
	vm1 =	veq.s32 v48, $0x2;
	[tilespmem:s18+$0xFFFFFC20] =	vst v32  }
0x85: {  	v63 =	vld [tilespmem:s18+$0xFFFFFE20];
	v32 =	vperm.xlane v28, v6;
	vm2 =	veq.s32 v48, $0x1;
	[tilespmem:s18+$0xFFFFFC30] =	vst v33;
	v33 =	vperm.xlane v28, v7  }
0x86: {  	v52 =	vld [tilespmem:s18+$0xFFFFFE30];
	v53 =	vsel vm1, v24, v16;
	v54 =	vsel vm1, v25, v17;
	v55 =	vsel vm1, v26, v18  }
0x87: {  	v50 =	vld [tilespmem:s18+$0xFFFFFE90];
	v47 =	vsel vm2, v20, v53;
	v48 =	vsel vm2, v21, v54;
	v31 =	vadd.f32 v31, v49  }
0x88: {  	v58 =	vld [tilespmem:s18+$0xFFFFFEA0];
	[tilespmem:s18+$0xFFFFFC80] =	vst v36;
	v36 =	vsel vm2, v22, v55;
	v41 =	vadd.f32 v46, v59;
	v44 =	vadd.f32 v57, v62  }
0x89: {  	v56 =	vld [tilespmem:s18+$0xFFFFFE80];
	[tilespmem:s18+$0xFFFFFC90] =	vst v37;
	v37 =	vadd.f32 v48, v61;
	v57 =	vsel vm1, v27, v19;
	vm1 =	veq.s32 v29, $0x2  }
0x8a: {  	[tilespmem:s18+$0xFFFFFCA0] =	vst v39;
	v36 =	vadd.f32 v63, v36;
	v59 =	vsel vm2, v23, v57;
	vm2 =	veq.s32 v29, $0x1  }
0x8b: {  	v60 =	vsel vm1, v25, v17;
	v61 =	vsel vm1, v26, v18;
	[tilespmem:s18+$0xFFFFFCB0] =	vst v31;
	v31 =	vsel vm1, v24, v16  }
0x8c: {  	[tilespmem:s18+$0xFFFFFD00] =	vst v40;
	v49 =	vld [tilespmem:s18+$0xFFFFFE00];
	v39 =	vadd.f32 v52, v59;
	v63 =	vsel vm2, v21, v60;
	v46 =	vsel vm2, v22, v61  }
0x8d: {  	v51 =	vld [tilespmem:s18+$0xFFFFFF20];
	[tilespmem:s18+$0xFFFFFD10] =	vst v34;
	v31 =	vsel vm2, v20, v31;
	v34 =	vadd.f32 v63, v50;
	v40 =	vadd.f32 v58, v46  }
0x8e: {  	[tilespmem:s18+$0xFFFFFD20] =	vst v42;
	v62 =	vld [tilespmem:s18+$0xFFFFFF00];
	v50 =	vsel vm1, v27, v19;
	vm1 =	veq.s32 v32, $0x2;
	v31 =	vadd.f32 v31, v56  }
0x8f: {  	[tilespmem:s18+$0xFFFFFD30] =	vst v38;
	v29 =	vld [tilespmem:s18+$0xFFFFFEB0];
	v52 =	vsel vm2, v23, v50;
	vm2 =	veq.s32 v32, $0x1;
	v53 =	vsel vm1, v24, v16  }
0x90: {  	[tilespmem:s18+$0xFFFFFD80] =	vst v35;
	v54 =	vld [tilespmem:s18+$0xFFFFFF30];
	v55 =	vsel vm1, v25, v17;
	v57 =	vsel vm1, v26, v18;
	v60 =	vsel vm1, v27, v19  }
0x91: {  	[tilespmem:s18+$0xFFFFFD90] =	vst v30;
	v61 =	vld [tilespmem:s18+$0xFFFFFF90];
	vm1 =	veq.s32 v33, $0x2;
	v47 =	vadd.f32 v47, v49;
	v30 =	vsel vm2, v20, v53  }
0x92: {  	[tilespmem:s18+$0xFFFFFDA0] =	vst v41;
	v58 =	vld [tilespmem:s18+$0xFFFFFF80];
	v56 =	vsel vm2, v21, v55;
	v38 =	vsel vm2, v22, v57;
	v43 =	vsel vm2, v23, v60  }
0x93: {  	[tilespmem:s18+$0xFFFFFE10] =	vst v37;
	v49 =	vld [tilespmem:s18+$0xFFFFFF10];
	vm2 =	veq.s32 v33, $0x1;
	v46 =	vsel vm1, v25, v17;
	v48 =	vsel vm1, v27, v19  }
0x94: {  	v63 =	vld [tilespmem:s18+$0xFFFFFFB0];
	[tilespmem:s18+$0xFFFFFEA0] =	vst v40;
	v40 =	vperm.xlane v28, v10;
	v29 =	vadd.f32 v29, v52;
	v30 =	vadd.f32 v30, v62  }
0x95: {  	v59 =	vld [tilespmem:s18+$0xFFFFFFA0];
	[tilespmem:s18+$0xFFFFFE30] =	vst v39;
	v38 =	vadd.f32 v51, v38;
	v62 =	vsel vm1, v24, v16;
	v35 =	vadd.f32 v54, v43  }
0x96: {  	v37 =	vsel vm2, v21, v46;
	[tilespmem:s18+$0xFFFFFE80] =	vst v31;
	v39 =	vsel vm2, v23, v48;
	v52 =	vperm.xlane v28, v9  }
0x97: {  	[tilespmem:s18+$0xFFFFFE00] =	vst v47;
	v33 =	vsel vm2, v20, v62;
	v47 =	vsel vm1, v26, v18;
	v31 =	vadd.f32 v37, v61  }
0x98: {  	[tilespmem:s18+$0xFFFFFE20] =	vst v36;
	v50 =	vld [tilespmem:s18+$0x0];
	v33 =	vadd.f32 v33, v58;
	v32 =	vadd.f32 v56, v49;
	v49 =	vperm.xlane v28, v8  }
0x99: {  	v53 =	vld [tilespmem:s18+$0x20];
	v36 =	vsel vm2, v22, v47;
	v39 =	vadd.f32 v63, v39;
	[tilespmem:s18+$0xFFFFFEB0] =	vst v29;
	v29 =	vperm.xlane v28, v11  }
0x9a: {  	[tilespmem:s18+$0xFFFFFDB0] =	vst v44;
	v51 =	vld [tilespmem:s18+$0x10];
	v36 =	vadd.f32 v59, v36;
	vm1 =	veq.s32 v49, $0x2;
	vm2 =	veq.s32 v49, $0x1  }
0x9b: {  	v54 =	vld [tilespmem:s18+$0x30];
	[tilespmem:s18+$0xFFFFFF00] =	vst v30;
	v55 =	vsel vm1, v24, v16;
	v56 =	vsel vm1, v25, v17;
	v30 =	vsel vm1, v26, v18  }
0x9c: {  	[tilespmem:s18+$0xFFFFFE90] =	vst v34;
	v57 =	vld [tilespmem:s18+$0x90];
	v60 =	vsel vm1, v27, v19;
	vm1 =	veq.s32 v52, $0x2;
	v44 =	vsel vm2, v20, v55  }
0x9d: {  	v58 =	vld [tilespmem:s18+$0x80];
	[tilespmem:s18+$0xFFFFFF20] =	vst v38;
	v45 =	vsel vm2, v21, v56;
	v30 =	vsel vm2, v22, v30;
	v37 =	vsel vm2, v23, v60  }
0x9e: {  	v61 =	vld [tilespmem:s18+$0xA0];
	[tilespmem:s18+$0xFFFFFF30] =	vst v35;
	v62 =	vsel vm1, v24, v16;
	vm2 =	veq.s32 v52, $0x1;
	v47 =	vsel vm1, v25, v17  }
0x9f: {  	[tilespmem:s18+$0xFFFFFF90] =	vst v31;
	v48 =	vsel vm1, v26, v18;
	v43 =	vadd.f32 v44, v50;
	v59 =	vadd.f32 v45, v51  }
0xa0: {  	v63 =	vld [tilespmem:s18+$0xB0];
	[tilespmem:s18+$0xFFFFFF80] =	vst v33;
	v30 =	vadd.f32 v53, v30;
	v37 =	vadd.f32 v54, v37;
	v35 =	vsel vm2, v20, v62  }
0xa1: {  	[tilespmem:s18+$0xFFFFFFB0] =	vst v39;
	v31 =	vsel vm2, v21, v47;
	v51 =	vsel vm2, v22, v48;
	v53 =	vsel vm1, v27, v19  }
0xa2: {  	[tilespmem:s18+$0xFFFFFFA0] =	vst v36;
	v49 =	vld [tilespmem:s18+$0x100];
	vm1 =	veq.s32 v40, $0x2;
	v50 =	vadd.f32 v35, v58;
	v31 =	vadd.f32 v31, v57  }
0xa3: {  	[tilespmem:s18+$0xFFFFFF10] =	vst v32;
	v52 =	vld [tilespmem:s18+$0x110];
	v35 =	vadd.f32 v61, v51;
	v36 =	vsel vm2, v23, v53;
	vm2 =	veq.s32 v40, $0x1  }
0xa4: {  	v56 =	vld [tilespmem:s18+$0x130];
	v55 =	vsel vm1, v24, v16;
	v57 =	vsel vm1, v25, v17;
	v45 =	vsel vm1, v27, v19;
	[tilespmem:s18+$0x0] =	vst v43  }
0xa5: {  	v60 =	vld [tilespmem:s18+$0x180];
	v34 =	vadd.f32 v63, v36;
	[tilespmem:s18+$0x10] =	vst v59;
	v58 =	vsel vm2, v20, v55;
	v36 =	vsel vm2, v21, v57  }
0xa6: {  	v54 =	vld [tilespmem:s18+$0x120];
	v59 =	vsel vm1, v26, v18;
	[tilespmem:s18+$0x20] =	vst v30;
	vm1 =	veq.s32 v29, $0x2;
	v46 =	vsel vm2, v23, v45  }
0xa7: {  	v44 =	vld [tilespmem:s18+$0x1A0];
	[tilespmem:s18+$0x30] =	vst v37;
	v30 =	vadd.f32 v58, v49;
	v62 =	vsel vm2, v22, v59;
	vm2 =	veq.s32 v29, $0x1  }
0xa8: {  	v47 =	vld [tilespmem:s18+$0x1B0];
	[tilespmem:s18+$0x80] =	vst v50;
	v29 =	vsel vm1, v24, v16;
	v48 =	vsel vm1, v25, v17;
	v49 =	vsel vm1, v26, v18  }
0xa9: {  	v63 =	vld [tilespmem:s18+$0x190];
	[tilespmem:s18+$0x90] =	vst v31;
	v51 =	vsel vm1, v27, v19;
	v58 =	vperm.xlane v28, v14;
	v61 =	vadd.f32 v36, v52  }
0xaa: {  	[tilespmem:s18+$0xA0] =	vst v35;
	v31 =	vadd.f32 v56, v46;
	v29 =	vsel vm2, v20, v29;
	v33 =	vsel vm2, v21, v48  }
0xab: {  	v55 =	vld [tilespmem:s18+$0x200];
	[tilespmem:s18+$0xB0] =	vst v34;
	v50 =	vsel vm2, v22, v49;
	v53 =	vsel vm2, v23, v51;
	v56 =	vperm.xlane v28, v13  }
0xac: {  	v57 =	vld [tilespmem:s18+$0x220];
	v36 =	vadd.f32 v54, v62;
	v29 =	vadd.f32 v29, v60;
	[tilespmem:s18+$0x100] =	vst v30;
	v54 =	vperm.xlane v28, v12  }
0xad: {  	v59 =	vld [tilespmem:s18+$0x230];
	v30 =	vadd.f32 v44, v50;
	v34 =	vadd.f32 v47, v53;
	v28 =	vperm.xlane v28, v15;
	[tilespmem:s18+$0x110] =	vst v61  }
0xae: {  	v52 =	vld [tilespmem:s18+$0x210];
	[tilespmem:s18+$0x130] =	vst v31;
	v33 =	vadd.f32 v33, v63;
	vm1 =	veq.s32 v54, $0x1;
	vm2 =	veq.s32 v54, $0x2  }
0xaf: {  	v46 =	vld [tilespmem:s18+$0x2A0];
	[tilespmem:s18+$0x120] =	vst v36;
	v31 =	vsel vm2, v24, v16;
	v60 =	vsel vm2, v25, v17;
	v61 =	vsel vm2, v26, v18  }
0xb0: {  	v48 =	vld [tilespmem:s18+$0x2B0];
	[tilespmem:s18+$0x180] =	vst v29;
	v45 =	vsel vm2, v27, v19;
	vm2 =	veq.s32 v56, $0x2;
	v29 =	vsel vm1, v20, v31  }
0xb1: {  	v44 =	vld [tilespmem:s18+$0x280];
	v31 =	vsel vm1, v21, v60;
	v63 =	vsel vm1, v22, v61;
	[tilespmem:s18+$0x190] =	vst v33;
	v33 =	vsel vm1, v23, v45  }
0xb2: {  	v62 =	vld [tilespmem:s18+$0x290];
	[tilespmem:s18+$0x1A0] =	vst v30;
	v47 =	vsel vm2, v24, v16;
	vm1 =	veq.s32 v56, $0x1;
	v29 =	vadd.f32 v29, v55  }
0xb3: {  	[tilespmem:s18+$0x1B0] =	vst v34;
	v49 =	vsel vm2, v26, v18;
	v53 =	vsel vm2, v27, v19;
	v31 =	vadd.f32 v31, v52  }
0xb4: {  	v50 =	vld [tilespmem:s18+$0x300];
	v30 =	vadd.f32 v57, v63;
	v33 =	vadd.f32 v59, v33;
	v34 =	vsel vm1, v20, v47;
	[tilespmem:s18+$0x200] =	vst v29  }
0xb5: {  	v51 =	vsel vm1, v22, v49;
	v52 =	vld [tilespmem:s18+$0x310];
	v55 =	vsel vm1, v23, v53;
	v29 =	vsel vm2, v25, v17;
	[tilespmem:s18+$0x210] =	vst v31  }
0xb6: {  	v54 =	vld [tilespmem:s18+$0x320];
	v32 =	vadd.f32 v48, v55;
	v31 =	vadd.f32 v34, v44;
	[tilespmem:s18+$0x220] =	vst v30;
	v29 =	vsel vm1, v21, v29  }
0xb7: {  	v30 =	vadd.f32 v46, v51;
	[tilespmem:s18+$0x230] =	vst v33;
	vm2 =	veq.s32 v58, $0x2;
	v29 =	vadd.f32 v29, v62  }
0xb8: {  	v56 =	vld [tilespmem:s18+$0x330];
	vm1 =	veq.s32 v58, $0x1;
	v57 =	vsel vm2, v25, v17;
	[tilespmem:s18+$0x280] =	vst v31;
	v31 =	vsel vm2, v24, v16  }
0xb9: {  	v59 =	vld [tilespmem:s18+$0x380];
	v58 =	vsel vm2, v26, v18;
	[tilespmem:s18+$0x290] =	vst v29;
	v29 =	vsel vm1, v20, v31;
	v31 =	vsel vm1, v21, v57  }
0xba: {  	v60 =	vld [tilespmem:s18+$0x390];
	[tilespmem:s18+$0x2A0] =	vst v30;
	v29 =	vadd.f32 v29, v50;
	v30 =	vadd.f32 v31, v52;
	v31 =	vsel vm1, v22, v58  }
0xbb: {  	v61 =	vld [tilespmem:s18+$0x3A0];
	[tilespmem:s18+$0x2B0] =	vst v32;
	v62 =	vsel vm2, v27, v19;
	vm2 =	veq.s32 v28, $0x2;
	v31 =	vadd.f32 v54, v31  }
0xbc: {  	v63 =	vld [tilespmem:s18+$0x3B0];
	[tilespmem:s18+$0x300] =	vst v29;
	v29 =	vsel vm1, v23, v62;
	vm1 =	veq.s32 v28, $0x1;
	v28 =	vsel vm2, v24, v16  }
0xbd: {  	[tilespmem:s18+$0x310] =	vst v30;
	v30 =	vsel vm2, v25, v17;
	v29 =	vadd.f32 v56, v29;
	v28 =	vsel vm1, v20, v28  }
0xbe: {  	[tilespmem:s18+$0x320] =	vst v31;
	v30 =	vsel vm1, v21, v30;
	v31 =	vsel vm2, v26, v18;
	v28 =	vadd.f32 v28, v59  }
0xbf: {  	v31 =	vsel vm1, v22, v31;
	[tilespmem:s18+$0x330] =	vst v29;
	v29 =	vadd.f32 v30, v60;
	v30 =	vsel vm2, v27, v19  }
0xc0: {  	s19 =	simm.s32 $0x10;
	[tilespmem:s18+$0x380] =	vst v28;
	v30 =	vsel vm1, v23, v30;
	v28 =	vadd.f32 v61, v31  }
0xc1: {  	s20 =	simm.s32 $0x20;
	s21 =	sand.u32 $0x80, s19;
	[tilespmem:s18+$0x390] =	vst v29;
	v29 =	vadd.f32 v63, v30  }
.LBB2_5:
0xc2: {  	p0 =	sne.s32 s20, $0xF0;
	s19 =	sand.u32 $0x70, s19;
	s21 =	sadd.s32 s21, s17;
	[tilespmem:s18+$0x3A0] =	vst v28  }
0xc3: {  	s21 =	sadd.s32 s19, s21;
	[tilespmem:s18+$0x3B0] =	vst v29;
	s19 =	smov.u32 s20  }
0xc4: {  	v28 =	vld [tilespmem:s21+$0x0];
	_ =	sdelay $0x2  }
0xc5: {  	s18 =	sadd.s32 $0x800, s18  }
0xc6: {  	v29 =	vld [tilespmem:s18+$0xFFFFFC10]  }
0xc7: {  	v30 =	vperm.xlane v28, v0;
	v31 =	vld [tilespmem:s18+$0xFFFFFC00];
	v32 =	vperm.xlane v28, v1  }
0xc8: {  	v34 =	vperm.xlane v28, v2;
	v35 =	vperm.xlane v28, v3;
	v33 =	vld [tilespmem:s18+$0xFFFFFC20]  }
0xc9: {  	vm3 =	veq.s32 v30, $0x2;
	vm1 =	veq.s32 v32, $0x1;
	vm2 =	veq.s32 v32, $0x2;
	v32 =	vld [tilespmem:s18+$0xFFFFFC80]  }
0xca: {  	vm4 =	veq.s32 v30, $0x1;
	v30 =	vsel vm3, v24, v16;
	v36 =	vsel vm3, v25, v17;
	v37 =	vld [tilespmem:s18+$0xFFFFFC30]  }
0xcb: {  	v38 =	vsel vm3, v26, v18;
	v30 =	vsel vm4, v20, v30;
	v36 =	vsel vm4, v21, v36;
	v39 =	vld [tilespmem:s18+$0xFFFFFC90]  }
0xcc: {  	v30 =	vadd.f32 v30, v31;
	v29 =	vadd.f32 v36, v29;
	v31 =	vsel vm4, v22, v38;
	v36 =	vld [tilespmem:s18+$0xFFFFFCB0]  }
0xcd: {  	v38 =	vsel vm2, v24, v16;
	v31 =	vadd.f32 v33, v31;
	v33 =	vsel vm3, v27, v19;
	v40 =	vld [tilespmem:s18+$0xFFFFFCA0]  }
0xce: {  	[tilespmem:s18+$0xFFFFFC00] =	vst v30;
	v30 =	vsel vm4, v23, v33;
	v33 =	vsel vm1, v20, v38;
	v38 =	vsel vm2, v25, v17  }
0xcf: {  	[tilespmem:s18+$0xFFFFFC10] =	vst v29;
	v29 =	vadd.f32 v37, v30;
	v30 =	vadd.f32 v33, v32;
	v32 =	vsel vm1, v21, v38;
	v33 =	vld [tilespmem:s18+$0xFFFFFD10]  }
0xd0: {  	v37 =	vsel vm2, v27, v19;
	[tilespmem:s18+$0xFFFFFC20] =	vst v31;
	v31 =	vadd.f32 v32, v39;
	v32 =	vsel vm2, v26, v18;
	v38 =	vld [tilespmem:s18+$0xFFFFFD00]  }
0xd1: {  	[tilespmem:s18+$0xFFFFFC30] =	vst v29;
	v29 =	vsel vm1, v22, v32;
	v32 =	vsel vm1, v23, v37;
	vm1 =	veq.s32 v34, $0x2;
	v37 =	vld [tilespmem:s18+$0xFFFFFD20]  }
0xd2: {  	[tilespmem:s18+$0xFFFFFC80] =	vst v30;
	v29 =	vadd.f32 v40, v29;
	v30 =	vadd.f32 v36, v32;
	v32 =	vsel vm1, v24, v16;
	v36 =	vld [tilespmem:s18+$0xFFFFFD30]  }
0xd3: {  	vm2 =	veq.s32 v34, $0x1;
	v34 =	vsel vm1, v26, v18;
	[tilespmem:s18+$0xFFFFFC90] =	vst v31;
	v31 =	vsel vm1, v25, v17;
	v39 =	vld [tilespmem:s18+$0xFFFFFDA0]  }
0xd4: {  	[tilespmem:s18+$0xFFFFFCA0] =	vst v29;
	v29 =	vsel vm2, v20, v32;
	v31 =	vsel vm2, v21, v31;
	v32 =	vsel vm2, v22, v34;
	v34 =	vld [tilespmem:s18+$0xFFFFFD80]  }
0xd5: {  	[tilespmem:s18+$0xFFFFFCB0] =	vst v30;
	v29 =	vadd.f32 v29, v38;
	v30 =	vadd.f32 v31, v33;
	v31 =	vsel vm1, v27, v19;
	v33 =	vld [tilespmem:s18+$0xFFFFFD90]  }
0xd6: {  	vm1 =	veq.s32 v35, $0x2;
	v32 =	vadd.f32 v37, v32;
	v31 =	vsel vm2, v23, v31  }
0xd7: {  	vm2 =	veq.s32 v35, $0x1;
	[tilespmem:s18+$0xFFFFFD00] =	vst v29;
	v29 =	vadd.f32 v36, v31;
	v31 =	vsel vm1, v24, v16;
	v35 =	vld [tilespmem:s18+$0xFFFFFDB0]  }
0xd8: {  	v36 =	vsel vm1, v26, v18;
	[tilespmem:s18+$0xFFFFFD10] =	vst v30;
	v30 =	vsel vm2, v20, v31;
	v31 =	vsel vm1, v25, v17  }
0xd9: {  	[tilespmem:s18+$0xFFFFFD20] =	vst v32;
	v30 =	vadd.f32 v30, v34;
	v31 =	vsel vm2, v21, v31;
	v32 =	vsel vm2, v22, v36  }
0xda: {  	[tilespmem:s18+$0xFFFFFD30] =	vst v29;
	v29 =	vadd.f32 v31, v33;
	v31 =	vadd.f32 v39, v32;
	v32 =	vsel vm1, v27, v19;
	v33 =	vld [tilespmem:s18+$0xFFFFFE10]  }
0xdb: {  	v36 =	vperm.xlane v28, v5;
	[tilespmem:s18+$0xFFFFFD80] =	vst v30;
	v30 =	vsel vm2, v23, v32;
	v32 =	vperm.xlane v28, v4;
	v34 =	vld [tilespmem:s18+$0xFFFFFE00]  }
0xdc: {  	v37 =	vperm.xlane v28, v7;
	[tilespmem:s18+$0xFFFFFD90] =	vst v29;
	v29 =	vadd.f32 v35, v30;
	v30 =	vld [tilespmem:s18+$0xFFFFFE20];
	v35 =	vperm.xlane v28, v6  }
0xdd: {  	vm1 =	veq.s32 v36, $0x2;
	[tilespmem:s18+$0xFFFFFDA0] =	vst v31;
	vm2 =	veq.s32 v32, $0x1;
	vm3 =	veq.s32 v32, $0x2;
	v31 =	vld [tilespmem:s18+$0xFFFFFE30]  }
0xde: {  	[tilespmem:s18+$0xFFFFFDB0] =	vst v29;
	v29 =	vsel vm3, v24, v16;
	v32 =	vsel vm3, v25, v17;
	v38 =	vsel vm3, v26, v18;
	v39 =	vld [tilespmem:s18+$0xFFFFFE90]  }
0xdf: {  	v29 =	vsel vm2, v20, v29;
	v32 =	vsel vm2, v21, v32;
	v38 =	vsel vm2, v22, v38;
	v40 =	vld [tilespmem:s18+$0xFFFFFE80]  }
0xe0: {  	v29 =	vadd.f32 v29, v34;
	v32 =	vadd.f32 v32, v33;
	v33 =	vsel vm3, v27, v19;
	v34 =	vld [tilespmem:s18+$0xFFFFFEA0]  }
0xe1: {  	v30 =	vadd.f32 v30, v38;
	v33 =	vsel vm2, v23, v33;
	v38 =	vsel vm1, v24, v16  }
0xe2: {  	vm2 =	veq.s32 v36, $0x1;
	[tilespmem:s18+$0xFFFFFE00] =	vst v29;
	v29 =	vadd.f32 v31, v33;
	v31 =	vsel vm1, v25, v17;
	v33 =	vld [tilespmem:s18+$0xFFFFFEB0]  }
0xe3: {  	v36 =	vsel vm1, v26, v18;
	[tilespmem:s18+$0xFFFFFE10] =	vst v32;
	v32 =	vsel vm2, v20, v38;
	v31 =	vsel vm2, v21, v31;
	v38 =	vld [tilespmem:s18+$0xFFFFFF00]  }
0xe4: {  	[tilespmem:s18+$0xFFFFFE20] =	vst v30;
	v30 =	vadd.f32 v32, v40;
	v31 =	vadd.f32 v31, v39;
	v32 =	vsel vm2, v22, v36;
	v36 =	vld [tilespmem:s18+$0xFFFFFF10]  }
0xe5: {  	[tilespmem:s18+$0xFFFFFE30] =	vst v29;
	v29 =	vadd.f32 v34, v32;
	v32 =	vsel vm1, v27, v19;
	vm1 =	veq.s32 v35, $0x2;
	v34 =	vld [tilespmem:s18+$0xFFFFFF20]  }
0xe6: {  	[tilespmem:s18+$0xFFFFFE80] =	vst v30;
	v30 =	vsel vm2, v23, v32;
	vm2 =	veq.s32 v35, $0x1;
	v32 =	vsel vm1, v24, v16;
	v35 =	vld [tilespmem:s18+$0xFFFFFF30]  }
0xe7: {  	[tilespmem:s18+$0xFFFFFE90] =	vst v31;
	v30 =	vadd.f32 v33, v30;
	v31 =	vsel vm2, v20, v32;
	v32 =	vsel vm1, v25, v17;
	v33 =	vld [tilespmem:s18+$0xFFFFFFA0]  }
0xe8: {  	[tilespmem:s18+$0xFFFFFEA0] =	vst v29;
	v29 =	vadd.f32 v31, v38;
	v31 =	vsel vm2, v21, v32;
	v32 =	vsel vm1, v26, v18;
	v38 =	vld [tilespmem:s18+$0xFFFFFF80]  }
0xe9: {  	[tilespmem:s18+$0xFFFFFEB0] =	vst v30;
	v30 =	vadd.f32 v31, v36;
	v31 =	vsel vm2, v22, v32;
	v32 =	vsel vm1, v27, v19;
	v36 =	vld [tilespmem:s18+$0xFFFFFF90]  }
0xea: {  	vm1 =	veq.s32 v37, $0x2;
	[tilespmem:s18+$0xFFFFFF00] =	vst v29;
	v29 =	vadd.f32 v34, v31;
	v31 =	vsel vm2, v23, v32  }
0xeb: {  	vm2 =	veq.s32 v37, $0x1;
	[tilespmem:s18+$0xFFFFFF10] =	vst v30;
	v30 =	vadd.f32 v35, v31;
	v31 =	vsel vm1, v24, v16;
	v32 =	vld [tilespmem:s18+$0xFFFFFFB0]  }
0xec: {  	v34 =	vsel vm1, v26, v18;
	[tilespmem:s18+$0xFFFFFF20] =	vst v29;
	v29 =	vsel vm2, v20, v31;
	v31 =	vsel vm1, v25, v17  }
0xed: {  	[tilespmem:s18+$0xFFFFFF30] =	vst v30;
	v29 =	vadd.f32 v29, v38;
	v30 =	vsel vm2, v21, v31;
	v31 =	vsel vm2, v22, v34  }
0xee: {  	v30 =	vadd.f32 v30, v36;
	v31 =	vadd.f32 v33, v31;
	v33 =	vsel vm1, v27, v19;
	v34 =	vld [tilespmem:s18+$0x10]  }
0xef: {  	v36 =	vperm.xlane v28, v9;
	[tilespmem:s18+$0xFFFFFF80] =	vst v29;
	v29 =	vsel vm2, v23, v33;
	v33 =	vperm.xlane v28, v8;
	v35 =	vld [tilespmem:s18+$0x0]  }
0xf0: {  	v37 =	vperm.xlane v28, v11;
	[tilespmem:s18+$0xFFFFFF90] =	vst v30;
	v29 =	vadd.f32 v32, v29;
	v30 =	vld [tilespmem:s18+$0x20];
	v32 =	vperm.xlane v28, v10  }
0xf1: {  	vm1 =	veq.s32 v36, $0x2;
	[tilespmem:s18+$0xFFFFFFA0] =	vst v31;
	vm2 =	veq.s32 v33, $0x1;
	vm3 =	veq.s32 v33, $0x2;
	v31 =	vld [tilespmem:s18+$0x30]  }
0xf2: {  	[tilespmem:s18+$0xFFFFFFB0] =	vst v29;
	v29 =	vsel vm3, v24, v16;
	v33 =	vsel vm3, v25, v17;
	v38 =	vsel vm3, v26, v18;
	v39 =	vld [tilespmem:s18+$0x90]  }
0xf3: {  	v29 =	vsel vm2, v20, v29;
	v33 =	vsel vm2, v21, v33;
	v38 =	vsel vm2, v22, v38;
	v40 =	vld [tilespmem:s18+$0x80]  }
0xf4: {  	v29 =	vadd.f32 v29, v35;
	v33 =	vadd.f32 v33, v34;
	v34 =	vsel vm3, v27, v19;
	v35 =	vld [tilespmem:s18+$0xA0]  }
0xf5: {  	v30 =	vadd.f32 v30, v38;
	v34 =	vsel vm2, v23, v34;
	v38 =	vsel vm1, v24, v16  }
0xf6: {  	vm2 =	veq.s32 v36, $0x1;
	[tilespmem:s18+$0x0] =	vst v29;
	v29 =	vadd.f32 v31, v34;
	v31 =	vsel vm1, v25, v17;
	v34 =	vld [tilespmem:s18+$0xB0]  }
0xf7: {  	v36 =	vsel vm1, v26, v18;
	[tilespmem:s18+$0x10] =	vst v33;
	v33 =	vsel vm2, v20, v38;
	v31 =	vsel vm2, v21, v31;
	v38 =	vld [tilespmem:s18+$0x100]  }
0xf8: {  	[tilespmem:s18+$0x20] =	vst v30;
	v30 =	vadd.f32 v33, v40;
	v31 =	vadd.f32 v31, v39;
	v33 =	vsel vm2, v22, v36;
	v36 =	vld [tilespmem:s18+$0x110]  }
0xf9: {  	[tilespmem:s18+$0x30] =	vst v29;
	v29 =	vadd.f32 v35, v33;
	v33 =	vsel vm1, v27, v19;
	vm1 =	veq.s32 v32, $0x2;
	v35 =	vld [tilespmem:s18+$0x120]  }
0xfa: {  	[tilespmem:s18+$0x80] =	vst v30;
	v30 =	vsel vm2, v23, v33;
	vm2 =	veq.s32 v32, $0x1;
	v32 =	vsel vm1, v24, v16;
	v33 =	vld [tilespmem:s18+$0x130]  }
0xfb: {  	[tilespmem:s18+$0x90] =	vst v31;
	v30 =	vadd.f32 v34, v30;
	v31 =	vsel vm2, v20, v32;
	v32 =	vsel vm1, v25, v17;
	v34 =	vld [tilespmem:s18+$0x1A0]  }
0xfc: {  	[tilespmem:s18+$0xA0] =	vst v29;
	v29 =	vadd.f32 v31, v38;
	v31 =	vsel vm2, v21, v32;
	v32 =	vsel vm1, v26, v18;
	v38 =	vld [tilespmem:s18+$0x180]  }
0xfd: {  	[tilespmem:s18+$0xB0] =	vst v30;
	v30 =	vadd.f32 v31, v36;
	v31 =	vsel vm2, v22, v32;
	v32 =	vsel vm1, v27, v19;
	v36 =	vld [tilespmem:s18+$0x190]  }
0xfe: {  	vm1 =	veq.s32 v37, $0x2;
	[tilespmem:s18+$0x100] =	vst v29;
	v29 =	vadd.f32 v35, v31;
	v31 =	vsel vm2, v23, v32  }
0xff: {  	vm2 =	veq.s32 v37, $0x1;
	[tilespmem:s18+$0x110] =	vst v30;
	v30 =	vadd.f32 v33, v31;
	v31 =	vsel vm1, v24, v16;
	v32 =	vld [tilespmem:s18+$0x1B0]  }
0x100: {  	v33 =	vsel vm1, v26, v18;
	[tilespmem:s18+$0x120] =	vst v29;
	v29 =	vsel vm2, v20, v31;
	v31 =	vsel vm1, v25, v17  }
0x101: {  	[tilespmem:s18+$0x130] =	vst v30;
	v29 =	vadd.f32 v29, v38;
	v30 =	vsel vm2, v21, v31;
	v31 =	vsel vm2, v22, v33  }
0x102: {  	v33 =	vsel vm1, v27, v19;
	v30 =	vadd.f32 v30, v36;
	v31 =	vadd.f32 v34, v31;
	v34 =	vld [tilespmem:s18+$0x210]  }
0x103: {  	v36 =	vperm.xlane v28, v13;
	[tilespmem:s18+$0x180] =	vst v29;
	v29 =	vsel vm2, v23, v33;
	v33 =	vperm.xlane v28, v12;
	v35 =	vld [tilespmem:s18+$0x200]  }
0x104: {  	[tilespmem:s18+$0x190] =	vst v30;
	v29 =	vadd.f32 v32, v29;
	v30 =	vld [tilespmem:s18+$0x220];
	v32 =	vperm.xlane v28, v14;
	v28 =	vperm.xlane v28, v15  }
0x105: {  	vm1 =	veq.s32 v36, $0x2;
	[tilespmem:s18+$0x1A0] =	vst v31;
	vm2 =	veq.s32 v33, $0x1;
	vm3 =	veq.s32 v33, $0x2;
	v31 =	vld [tilespmem:s18+$0x230]  }
0x106: {  	[tilespmem:s18+$0x1B0] =	vst v29;
	v29 =	vsel vm3, v24, v16;
	v33 =	vsel vm3, v25, v17;
	v37 =	vsel vm3, v26, v18;
	v38 =	vld [tilespmem:s18+$0x290]  }
0x107: {  	v29 =	vsel vm2, v20, v29;
	v33 =	vsel vm2, v21, v33;
	v37 =	vsel vm2, v22, v37;
	v39 =	vld [tilespmem:s18+$0x280]  }
0x108: {  	v29 =	vadd.f32 v29, v35;
	v33 =	vadd.f32 v33, v34;
	v34 =	vsel vm3, v27, v19;
	v35 =	vld [tilespmem:s18+$0x2A0]  }
0x109: {  	v30 =	vadd.f32 v30, v37;
	v34 =	vsel vm2, v23, v34;
	v37 =	vsel vm1, v24, v16  }
0x10a: {  	vm2 =	veq.s32 v36, $0x1;
	[tilespmem:s18+$0x200] =	vst v29;
	v29 =	vadd.f32 v31, v34;
	v31 =	vsel vm1, v25, v17;
	v34 =	vld [tilespmem:s18+$0x2B0]  }
0x10b: {  	v36 =	vsel vm1, v26, v18;
	[tilespmem:s18+$0x210] =	vst v33;
	v33 =	vsel vm2, v20, v37;
	v31 =	vsel vm2, v21, v31;
	v37 =	vld [tilespmem:s18+$0x300]  }
0x10c: {  	[tilespmem:s18+$0x220] =	vst v30;
	v30 =	vadd.f32 v33, v39;
	v31 =	vadd.f32 v31, v38;
	v33 =	vsel vm2, v22, v36;
	v36 =	vld [tilespmem:s18+$0x310]  }
0x10d: {  	[tilespmem:s18+$0x230] =	vst v29;
	v29 =	vadd.f32 v35, v33;
	v33 =	vsel vm1, v27, v19;
	vm1 =	veq.s32 v32, $0x2;
	v35 =	vld [tilespmem:s18+$0x320]  }
0x10e: {  	[tilespmem:s18+$0x280] =	vst v30;
	v30 =	vsel vm2, v23, v33;
	vm2 =	veq.s32 v32, $0x1;
	v32 =	vsel vm1, v24, v16;
	v33 =	vld [tilespmem:s18+$0x330]  }
0x10f: {  	[tilespmem:s18+$0x290] =	vst v31;
	v30 =	vadd.f32 v34, v30;
	v31 =	vsel vm2, v20, v32;
	v32 =	vsel vm1, v25, v17;
	v34 =	vld [tilespmem:s18+$0x3A0]  }
0x110: {  	[tilespmem:s18+$0x2A0] =	vst v29;
	v29 =	vadd.f32 v31, v37;
	v31 =	vsel vm2, v21, v32;
	v32 =	vsel vm1, v26, v18;
	v37 =	vld [tilespmem:s18+$0x380]  }
0x111: {  	[tilespmem:s18+$0x2B0] =	vst v30;
	v30 =	vadd.f32 v31, v36;
	v31 =	vsel vm2, v22, v32;
	v32 =	vsel vm1, v27, v19;
	v36 =	vld [tilespmem:s18+$0x390]  }
0x112: {  	vm1 =	veq.s32 v28, $0x2;
	[tilespmem:s18+$0x300] =	vst v29;
	v29 =	vadd.f32 v35, v31;
	v31 =	vsel vm2, v23, v32  }
0x113: {  	vm2 =	veq.s32 v28, $0x1;
	v28 =	vsel vm1, v24, v16;
	[tilespmem:s18+$0x310] =	vst v30;
	v30 =	vadd.f32 v33, v31;
	v31 =	vld [tilespmem:s18+$0x3B0]  }
.Ltmp1:
0x114: {  	v32 =	vsel vm1, v26, v18;
	v28 =	vsel vm2, v20, v28;
	[tilespmem:s18+$0x320] =	vst v29;
	v29 =	vsel vm1, v25, v17;
	(pc) =	sbr.rel @p0 .LBB2_5-.Ltmp1, $4  }
0x115: {  	[tilespmem:s18+$0x330] =	vst v30;
	v30 =	vadd.f32 v28, v37;
	v28 =	vsel vm2, v21, v29;
	v29 =	vsel vm2, v22, v32  }
0x116: {  	v32 =	vadd.f32 v28, v36;
	v28 =	vadd.f32 v34, v29;
	v29 =	vsel vm1, v27, v19  }
0x117: {  	[tilespmem:s18+$0x380] =	vst v30;
	v29 =	vsel vm2, v23, v29  }
0x118: {  	s20 =	sadd.s32 $0x10, s20;
	s21 =	sand.u32 $0x80, s19;
	[tilespmem:s18+$0x390] =	vst v32;
	v29 =	vadd.f32 v31, v29  }
0x119: {  	s19 =	sand.u32 $0x70, s19;
	s17 =	sadd.s32 s21, s17;
	[tilespmem:s18+$0x3A0] =	vst v28  }
0x11a: {  	s17 =	sadd.s32 s19, s17;
	[tilespmem:s18+$0x3B0] =	vst v29  }
0x11b: {  	v28 =	vld [tilespmem:s17+$0x0];
	_ =	sdelay $0x4  }
0x11c: {  	s20 =	sadd.s32 $0x800, s18;
	v30 =	vperm.xlane v28, v0;
	v32 =	vperm.xlane v28, v1  }
0x11d: {  	v29 =	vld [tilespmem:s20+$0xFFFFFC10];
	v34 =	vperm.xlane v28, v2  }
0x11e: {  	v31 =	vld [tilespmem:s20+$0xFFFFFC00];
	v35 =	vperm.xlane v28, v3;
	vm1 =	veq.s32 v30, $0x2;
	vm2 =	veq.s32 v32, $0x1  }
0x11f: {  	v33 =	vld [tilespmem:s20+$0xFFFFFC20];
	vm3 =	veq.s32 v30, $0x1;
	vm4 =	veq.s32 v32, $0x2;
	v30 =	vsel vm1, v24, v16  }
0x120: {  	v36 =	vld [tilespmem:s20+$0xFFFFFC80];
	v37 =	vsel vm1, v25, v17;
	v39 =	vsel vm1, v26, v18;
	v59 =	vsel vm1, v27, v19  }
0x121: {  	v38 =	vld [tilespmem:s20+$0xFFFFFC30];
	v40 =	vsel vm4, v24, v16;
	v62 =	vsel vm4, v25, v17;
	v49 =	vsel vm4, v26, v18  }
0x122: {  	v57 =	vld [tilespmem:s20+$0xFFFFFC90];
	v42 =	vsel vm4, v27, v19;
	vm1 =	veq.s32 v34, $0x2;
	v30 =	vsel vm3, v20, v30  }
0x123: {  	v41 =	vld [tilespmem:s20+$0xFFFFFCA0];
	v56 =	vsel vm3, v21, v37;
	v58 =	vsel vm3, v22, v39;
	v60 =	vsel vm3, v23, v59  }
0x124: {  	v63 =	vld [tilespmem:s20+$0xFFFFFD10];
	v61 =	vsel vm2, v20, v40;
	v48 =	vsel vm2, v21, v62;
	v50 =	vsel vm2, v22, v49  }
0x125: {  	v43 =	vld [tilespmem:s20+$0xFFFFFD00];
	v51 =	vsel vm2, v23, v42;
	v53 =	vsel vm1, v24, v16;
	v30 =	vadd.f32 v30, v31  }
0x126: {  	v52 =	vld [tilespmem:s20+$0xFFFFFD20];
	vm2 =	veq.s32 v34, $0x1;
	v29 =	vadd.f32 v56, v29;
	v32 =	vadd.f32 v33, v58  }
0x127: {  	v55 =	vsel vm1, v25, v17;
	v33 =	vadd.f32 v38, v60;
	v36 =	vadd.f32 v61, v36  }
0x128: {  	v44 =	vsel vm1, v26, v18;
	v37 =	vadd.f32 v48, v57;
	v39 =	vadd.f32 v41, v50  }
0x129: {  	v54 =	vld [tilespmem:s20+$0xFFFFFD30];
	v40 =	vsel vm2, v20, v53;
	v34 =	vsel vm2, v21, v55;
	v44 =	vsel vm2, v22, v44  }
0x12a: {  	v56 =	vsel vm1, v27, v19;
	vm1 =	veq.s32 v35, $0x2;
	v40 =	vadd.f32 v40, v43  }
0x12b: {  	v45 =	vld [tilespmem:s20+$0xFFFFFD80];
	v48 =	vperm.xlane v28, v4;
	v34 =	vadd.f32 v34, v63;
	v42 =	vadd.f32 v52, v44  }
0x12c: {  	v46 =	vld [tilespmem:s20+$0xFFFFFDA0];
	v38 =	vsel vm2, v23, v56;
	vm2 =	veq.s32 v35, $0x1;
	v58 =	vsel vm1, v24, v16  }
0x12d: {  	v31 =	vld [tilespmem:s20+$0xFFFFFCB0];
	v60 =	vsel vm1, v25, v17;
	v47 =	vsel vm1, v26, v18;
	v62 =	vsel vm1, v27, v19  }
0x12e: {  	v57 =	vld [tilespmem:s20+$0xFFFFFD90];
	v38 =	vadd.f32 v54, v38;
	v35 =	vsel vm2, v20, v58;
	v41 =	vsel vm2, v21, v60;
	[tilespmem:s20+$0xFFFFFC10] =	vst v29  }
0x12f: {  	v59 =	vld [tilespmem:s20+$0xFFFFFDB0];
	v61 =	vsel vm2, v22, v47;
	v29 =	vperm.xlane v28, v5;
	vm1 =	veq.s32 v48, $0x2;
	[tilespmem:s20+$0xFFFFFC20] =	vst v32  }
0x130: {  	v49 =	vld [tilespmem:s20+$0xFFFFFE00];
	v32 =	vperm.xlane v28, v6;
	[tilespmem:s20+$0xFFFFFC30] =	vst v33;
	v33 =	vperm.xlane v28, v7;
	v35 =	vadd.f32 v35, v45  }
0x131: {  	v53 =	vld [tilespmem:s20+$0xFFFFFE30];
	v54 =	vsel vm1, v24, v16;
	v55 =	vsel vm1, v25, v17;
	v56 =	vsel vm1, v26, v18  }
0x132: {  	v63 =	vld [tilespmem:s20+$0xFFFFFE10];
	v58 =	vsel vm1, v27, v19;
	vm1 =	veq.s32 v29, $0x2;
	v31 =	vadd.f32 v31, v51  }
0x133: {  	v52 =	vld [tilespmem:s20+$0xFFFFFE20];
	[tilespmem:s20+$0xFFFFFC00] =	vst v30;
	v30 =	vadd.f32 v41, v57;
	v41 =	vadd.f32 v46, v61;
	v51 =	vsel vm2, v23, v62  }
0x134: {  	[tilespmem:s20+$0xFFFFFC80] =	vst v36;
	vm2 =	veq.s32 v48, $0x1;
	v61 =	vsel vm1, v25, v17;
	v62 =	vsel vm1, v26, v18  }
0x135: {  	v50 =	vld [tilespmem:s20+$0xFFFFFE90];
	[tilespmem:s20+$0xFFFFFC90] =	vst v37;
	v44 =	vadd.f32 v59, v51;
	v47 =	vsel vm2, v20, v54;
	v48 =	vsel vm2, v21, v55  }
0x136: {  	[tilespmem:s20+$0xFFFFFCA0] =	vst v39;
	v57 =	vld [tilespmem:s20+$0xFFFFFE80];
	v36 =	vsel vm2, v22, v56;
	v60 =	vsel vm2, v23, v58;
	vm2 =	veq.s32 v29, $0x1  }
0x137: {  	[tilespmem:s20+$0xFFFFFD00] =	vst v40;
	v59 =	vld [tilespmem:s20+$0xFFFFFEA0];
	v54 =	vsel vm1, v27, v19;
	v47 =	vadd.f32 v47, v49;
	v37 =	vadd.f32 v48, v63  }
0x138: {  	v29 =	vld [tilespmem:s20+$0xFFFFFEB0];
	v36 =	vadd.f32 v52, v36;
	[tilespmem:s20+$0xFFFFFCB0] =	vst v31;
	v31 =	vsel vm1, v24, v16;
	v39 =	vadd.f32 v53, v60  }
0x139: {  	[tilespmem:s20+$0xFFFFFD10] =	vst v34;
	v55 =	vld [tilespmem:s20+$0xFFFFFF20];
	v51 =	vsel vm2, v21, v61;
	v52 =	vsel vm2, v22, v62;
	vm1 =	veq.s32 v32, $0x2  }
0x13a: {  	[tilespmem:s20+$0xFFFFFD20] =	vst v42;
	v58 =	vld [tilespmem:s20+$0xFFFFFF30];
	v56 =	vsel vm2, v23, v54;
	v31 =	vsel vm2, v20, v31;
	v34 =	vadd.f32 v51, v50  }
0x13b: {  	[tilespmem:s20+$0xFFFFFD30] =	vst v38;
	v63 =	vld [tilespmem:s20+$0xFFFFFF00];
	vm2 =	veq.s32 v32, $0x1;
	v61 =	vsel vm1, v26, v18;
	v48 =	vsel vm1, v27, v19  }
0x13c: {  	[tilespmem:s20+$0xFFFFFD80] =	vst v35;
	v38 =	vsel vm2, v22, v61;
	v43 =	vsel vm2, v23, v48;
	v31 =	vadd.f32 v31, v57  }
0x13d: {  	v53 =	vld [tilespmem:s20+$0xFFFFFF10];
	[tilespmem:s20+$0xFFFFFD90] =	vst v30;
	v57 =	vsel vm1, v24, v16;
	v40 =	vadd.f32 v59, v52;
	v29 =	vadd.f32 v29, v56  }
0x13e: {  	[tilespmem:s20+$0xFFFFFDA0] =	vst v41;
	v59 =	vsel vm1, v25, v17;
	v30 =	vsel vm2, v20, v57;
	v38 =	vadd.f32 v55, v38  }
0x13f: {  	v62 =	vld [tilespmem:s20+$0xFFFFFF80];
	[tilespmem:s20+$0xFFFFFDB0] =	vst v44;
	vm1 =	veq.s32 v33, $0x2;
	v35 =	vadd.f32 v58, v43;
	v55 =	vperm.xlane v28, v8  }
0x140: {  	v49 =	vld [tilespmem:s20+$0xFFFFFF90];
	[tilespmem:s20+$0xFFFFFE10] =	vst v37;
	v58 =	vperm.xlane v28, v9;
	v60 =	vsel vm2, v21, v59;
	v30 =	vadd.f32 v30, v63  }
0x141: {  	v51 =	vld [tilespmem:s20+$0xFFFFFFB0];
	[tilespmem:s20+$0xFFFFFE20] =	vst v36;
	vm2 =	veq.s32 v33, $0x1;
	v50 =	vsel vm1, v24, v16;
	v52 =	vsel vm1, v25, v17  }
0x142: {  	[tilespmem:s20+$0xFFFFFE30] =	vst v39;
	v54 =	vsel vm1, v27, v19;
	v32 =	vadd.f32 v60, v53;
	v33 =	vsel vm2, v20, v50  }
0x143: {  	v48 =	vld [tilespmem:s20+$0x80];
	v53 =	vsel vm1, v26, v18;
	v37 =	vsel vm2, v21, v52;
	v39 =	vsel vm2, v23, v54;
	[tilespmem:s20+$0xFFFFFEA0] =	vst v40  }
0x144: {  	v56 =	vld [tilespmem:s20+$0x0];
	vm1 =	veq.s32 v55, $0x2;
	v40 =	vperm.xlane v28, v10;
	[tilespmem:s20+$0xFFFFFEB0] =	vst v29;
	v29 =	vperm.xlane v28, v11  }
0x145: {  	v57 =	vld [tilespmem:s20+$0x10];
	[tilespmem:s20+$0xFFFFFE80] =	vst v31;
	v33 =	vadd.f32 v33, v62;
	v36 =	vsel vm2, v22, v53;
	v31 =	vadd.f32 v37, v49  }
0x146: {  	[tilespmem:s20+$0xFFFFFE00] =	vst v47;
	v63 =	vld [tilespmem:s20+$0xFFFFFFA0];
	v39 =	vadd.f32 v51, v39;
	vm2 =	veq.s32 v55, $0x1;
	v61 =	vsel vm1, v24, v16  }
0x147: {  	v59 =	vld [tilespmem:s20+$0x20];
	v62 =	vsel vm1, v25, v17;
	[tilespmem:s20+$0xFFFFFF00] =	vst v30;
	v30 =	vsel vm1, v26, v18;
	v50 =	vsel vm1, v27, v19  }
0x148: {  	[tilespmem:s20+$0xFFFFFE90] =	vst v34;
	v60 =	vld [tilespmem:s20+$0x30];
	vm1 =	veq.s32 v58, $0x2;
	v44 =	vsel vm2, v20, v61;
	v45 =	vsel vm2, v21, v62  }
0x149: {  	[tilespmem:s20+$0xFFFFFF20] =	vst v38;
	v51 =	vld [tilespmem:s20+$0xA0];
	v30 =	vsel vm2, v22, v30;
	v37 =	vsel vm2, v23, v50;
	v52 =	vsel vm1, v24, v16  }
0x14a: {  	[tilespmem:s20+$0xFFFFFF30] =	vst v35;
	vm2 =	veq.s32 v58, $0x1;
	v54 =	vsel vm1, v25, v17;
	v55 =	vsel vm1, v26, v18  }
0x14b: {  	v53 =	vld [tilespmem:s20+$0xB0];
	[tilespmem:s20+$0xFFFFFF10] =	vst v32;
	v43 =	vadd.f32 v44, v56;
	v49 =	vadd.f32 v45, v57;
	v35 =	vsel vm2, v20, v52  }
0x14c: {  	[tilespmem:s20+$0xFFFFFF90] =	vst v31;
	v31 =	vsel vm2, v21, v54;
	v36 =	vadd.f32 v63, v36;
	v30 =	vadd.f32 v59, v30  }
0x14d: {  	[tilespmem:s20+$0xFFFFFF80] =	vst v33;
	v58 =	vsel vm2, v22, v55;
	v57 =	vadd.f32 v35, v48;
	v37 =	vadd.f32 v60, v37  }
0x14e: {  	v61 =	vld [tilespmem:s20+$0x120];
	[tilespmem:s20+$0xFFFFFFB0] =	vst v39;
	v60 =	vsel vm1, v27, v19;
	vm1 =	veq.s32 v40, $0x2;
	v35 =	vadd.f32 v51, v58  }
0x14f: {  	v56 =	vld [tilespmem:s20+$0x100];
	[tilespmem:s20+$0xFFFFFFA0] =	vst v36;
	v36 =	vsel vm2, v23, v60;
	vm2 =	veq.s32 v40, $0x1;
	v62 =	vsel vm1, v24, v16  }
0x150: {  	v63 =	vld [tilespmem:s20+$0x90];
	[tilespmem:s20+$0x0] =	vst v43;
	v45 =	vsel vm1, v25, v17;
	v47 =	vsel vm1, v26, v18;
	v34 =	vadd.f32 v53, v36  }
0x151: {  	v59 =	vld [tilespmem:s20+$0x110];
	[tilespmem:s20+$0x10] =	vst v49;
	v46 =	vsel vm2, v20, v62;
	v36 =	vsel vm2, v21, v45;
	v50 =	vsel vm2, v22, v47  }
0x152: {  	v52 =	vld [tilespmem:s20+$0x1A0];
	[tilespmem:s20+$0x20] =	vst v30;
	v53 =	vsel vm1, v27, v19;
	v62 =	vperm.xlane v28, v12;
	v45 =	vperm.xlane v28, v13  }
0x153: {  	v48 =	vld [tilespmem:s20+$0x180];
	[tilespmem:s20+$0x80] =	vst v57;
	vm1 =	veq.s32 v29, $0x2;
	v47 =	vperm.xlane v28, v14;
	v28 =	vperm.xlane v28, v15  }
0x154: {  	v51 =	vld [tilespmem:s20+$0x190];
	[tilespmem:s20+$0x30] =	vst v37;
	v30 =	vadd.f32 v46, v56;
	v54 =	vsel vm2, v23, v53;
	vm2 =	veq.s32 v29, $0x1  }
0x155: {  	v29 =	vsel vm1, v24, v16;
	v56 =	vsel vm1, v25, v17;
	[tilespmem:s20+$0xA0] =	vst v35;
	v31 =	vadd.f32 v31, v63;
	v63 =	vld [tilespmem:s20+$0x130]  }
0x156: {  	v55 =	vld [tilespmem:s20+$0x1B0];
	v57 =	vsel vm1, v26, v18;
	v49 =	vadd.f32 v36, v59;
	v36 =	vadd.f32 v61, v50;
	[tilespmem:s20+$0xB0] =	vst v34  }
0x157: {  	v46 =	vld [tilespmem:s20+$0x220];
	v29 =	vsel vm2, v20, v29;
	v33 =	vsel vm2, v21, v56;
	v58 =	vsel vm2, v22, v57;
	[tilespmem:s20+$0x100] =	vst v30  }
0x158: {  	v59 =	vsel vm1, v27, v19;
	vm1 =	veq.s32 v62, $0x1;
	v29 =	vadd.f32 v29, v48;
	v48 =	vld [tilespmem:s20+$0x230];
	[tilespmem:s20+$0x90] =	vst v31  }
0x159: {  	v60 =	vld [tilespmem:s20+$0x210];
	v30 =	vadd.f32 v52, v58;
	v61 =	vsel vm2, v23, v59;
	vm2 =	veq.s32 v62, $0x2;
	[tilespmem:s20+$0x110] =	vst v49  }
0x15a: {  	v33 =	vadd.f32 v33, v51;
	[tilespmem:s20+$0x120] =	vst v36;
	v50 =	vsel vm2, v26, v18;
	v31 =	vadd.f32 v63, v54;
	v63 =	vld [tilespmem:s20+$0x200]  }
0x15b: {  	v53 =	vld [tilespmem:s20+$0x280];
	v34 =	vadd.f32 v55, v61;
	v52 =	vsel vm1, v22, v50;
	[tilespmem:s20+$0x1A0] =	vst v30;
	v54 =	vsel vm2, v27, v19  }
0x15c: {  	v57 =	vld [tilespmem:s20+$0x2B0];
	v49 =	vsel vm2, v25, v17;
	[tilespmem:s20+$0x190] =	vst v33;
	v30 =	vadd.f32 v46, v52;
	v33 =	vsel vm1, v23, v54  }
0x15d: {  	v55 =	vld [tilespmem:s20+$0x2A0];
	[tilespmem:s20+$0x130] =	vst v31;
	v31 =	vsel vm2, v24, v16;
	vm2 =	veq.s32 v45, $0x2;
	v33 =	vadd.f32 v48, v33  }
0x15e: {  	v51 =	vld [tilespmem:s20+$0x290];
	[tilespmem:s20+$0x180] =	vst v29;
	v29 =	vsel vm1, v20, v31;
	v31 =	vsel vm1, v21, v49;
	v56 =	vsel vm2, v24, v16  }
0x15f: {  	[tilespmem:s20+$0x1B0] =	vst v34;
	vm1 =	veq.s32 v45, $0x1;
	v58 =	vsel vm2, v26, v18;
	v29 =	vadd.f32 v29, v63  }
0x160: {  	v59 =	vld [tilespmem:s20+$0x300];
	[tilespmem:s20+$0x220] =	vst v30;
	v62 =	vsel vm2, v27, v19;
	v31 =	vadd.f32 v31, v60;
	v34 =	vsel vm1, v20, v56  }
0x161: {  	v61 =	vld [tilespmem:s20+$0x310];
	v60 =	vsel vm1, v22, v58;
	v41 =	vsel vm1, v23, v62;
	[tilespmem:s20+$0x200] =	vst v29;
	v29 =	vsel vm2, v25, v17  }
0x162: {  	v30 =	vadd.f32 v55, v60;
	v63 =	vld [tilespmem:s20+$0x320];
	[tilespmem:s20+$0x210] =	vst v31;
	v31 =	vadd.f32 v34, v53;
	v29 =	vsel vm1, v21, v29  }
0x163: {  	[tilespmem:s20+$0x230] =	vst v33;
	v32 =	vadd.f32 v57, v41;
	vm2 =	veq.s32 v47, $0x2;
	v29 =	vadd.f32 v29, v51  }
0x164: {  	v42 =	vld [tilespmem:s20+$0x330];
	vm1 =	veq.s32 v47, $0x1;
	[tilespmem:s20+$0x280] =	vst v31;
	v31 =	vsel vm2, v24, v16;
	v43 =	vsel vm2, v25, v17  }
0x165: {  	v45 =	vld [tilespmem:s20+$0x380];
	v44 =	vsel vm2, v26, v18;
	[tilespmem:s20+$0x290] =	vst v29;
	v29 =	vsel vm1, v20, v31;
	v31 =	vsel vm1, v21, v43  }
0x166: {  	v46 =	vld [tilespmem:s20+$0x390];
	[tilespmem:s20+$0x2A0] =	vst v30;
	v29 =	vadd.f32 v29, v59;
	v30 =	vadd.f32 v31, v61;
	v31 =	vsel vm1, v22, v44  }
0x167: {  	[tilespmem:s20+$0x2B0] =	vst v32;
	v47 =	vld [tilespmem:s20+$0x3A0];
	v48 =	vsel vm2, v27, v19;
	vm2 =	veq.s32 v28, $0x2;
	v31 =	vadd.f32 v63, v31  }
0x168: {  	v49 =	vld [tilespmem:s20+$0x3B0];
	[tilespmem:s20+$0x300] =	vst v29;
	v29 =	vsel vm1, v23, v48;
	vm1 =	veq.s32 v28, $0x1;
	v28 =	vsel vm2, v24, v16  }
0x169: {  	[tilespmem:s20+$0x310] =	vst v30;
	v30 =	vsel vm2, v25, v17;
	v29 =	vadd.f32 v42, v29;
	v28 =	vsel vm1, v20, v28  }
0x16a: {  	[tilespmem:s20+$0x320] =	vst v31;
	v31 =	vsel vm2, v26, v18;
	v30 =	vsel vm1, v21, v30;
	v28 =	vadd.f32 v28, v45  }
0x16b: {  	v30 =	vadd.f32 v30, v46;
	[tilespmem:s20+$0x330] =	vst v29;
	v29 =	vsel vm1, v22, v31;
	v31 =	vsel vm2, v27, v19  }
0x16c: {  	v29 =	vadd.f32 v47, v29;
	[tilespmem:s20+$0x380] =	vst v28;
	v28 =	vsel vm1, v23, v31  }
0x16d: {  	s16 =	sadd.s32 s4, s16;
	[tilespmem:s20+$0x390] =	vst v30;
	v28 =	vadd.f32 v49, v28  }
0x16e: {  	s16 =	sshll.u32 s16, $0x4;
	[tilespmem:s20+$0x3A0] =	vst v29  }
0x16f: {  	p0 =	seq.s32 s15, $0x31;
	s16 =	sadd.s32 s2, s16;
	[tilespmem:s20+$0x3B0] =	vst v28  }
0x170: {  	[hbm4b:s16+s3] =	stream.linear.scatter [tilespmem:s13], [sflag:$0x3], $0x8000, $0x38;
	[tilespmem:$0x1CA00] =	vst v63  }
0x171: {  	s16 =	simm.s32 @!p0 $0x3  }
0x172: {  	_ =	swait.ge @!p0 [sflag:s16], $0x8000  }
0x173: {  	s17 =	sshll.u32 @!p0 s15, $0x9;
	[sflag:s16] =	ssyncset.done @!p0 $0x0  }
0x174: {  	[sflag:s16] =	ssyncadd.s32 @!p0 $0xFFFF8000;
	s16 =	sand.u32 @!p0 $0x3FFFFE00, s17  }
0x175: {  	v28 =	vld @!p0 [tilespmem:s16+$0x200];
	_ =	sdelay $0x6  }
0x176: {  	s18 =	simm.s32 @!p0 $0xC800;
	vm1 =	vmmov @!p0 $0xffff;
	s17 =	simm.s32 @!p0 $0x0  }
0x177: {  	[tilespmem:s18], [sflag:$0x1] =	stream.indirect_vreg.gather @!p0 [hbm4b:s5+s17], $0x80, v28, vm1, $0xb8;
	[tilespmem:$0x1CA00] =	vst v63  }
0x178: {  	v28 =	vld @!p0 [tilespmem:s16+$0x210];
	_ =	sdelay $0x6  }
0x179: {  	s18 =	simm.s32 @!p0 $0xD000  }
0x17a: {  	[tilespmem:s18], [sflag:$0x1] =	stream.indirect_vreg.gather @!p0 [hbm4b:s5+s17], $0x80, v28, vm1, $0xb8;
	[tilespmem:$0x1CA00] =	vst v63  }
0x17b: {  	v28 =	vld @!p0 [tilespmem:s16+$0x220];
	_ =	sdelay $0x6  }
0x17c: {  	s18 =	simm.s32 @!p0 $0xD800  }
0x17d: {  	[tilespmem:s18], [sflag:$0x1] =	stream.indirect_vreg.gather @!p0 [hbm4b:s5+s17], $0x80, v28, vm1, $0xb8;
	[tilespmem:$0x1CA00] =	vst v63  }
0x17e: {  	v28 =	vld @!p0 [tilespmem:s16+$0x230];
	_ =	sdelay $0x6  }
0x17f: {  	s18 =	simm.s32 @!p0 $0xE000  }
0x180: {  	[tilespmem:s18], [sflag:$0x1] =	stream.indirect_vreg.gather @!p0 [hbm4b:s5+s17], $0x80, v28, vm1, $0xb8;
	[tilespmem:$0x1CA00] =	vst v63  }
0x181: {  	v28 =	vld @!p0 [tilespmem:s16+$0x240];
	_ =	sdelay $0x6  }
0x182: {  	s18 =	simm.s32 @!p0 $0xE800  }
0x183: {  	[tilespmem:s18], [sflag:$0x1] =	stream.indirect_vreg.gather @!p0 [hbm4b:s5+s17], $0x80, v28, vm1, $0xb8;
	[tilespmem:$0x1CA00] =	vst v63  }
0x184: {  	v28 =	vld @!p0 [tilespmem:s16+$0x250];
	_ =	sdelay $0x6  }
0x185: {  	s18 =	simm.s32 @!p0 $0xF000  }
0x186: {  	[tilespmem:s18], [sflag:$0x1] =	stream.indirect_vreg.gather @!p0 [hbm4b:s5+s17], $0x80, v28, vm1, $0xb8;
	[tilespmem:$0x1CA00] =	vst v63  }
0x187: {  	v28 =	vld @!p0 [tilespmem:s16+$0x260];
	_ =	sdelay $0x6  }
0x188: {  	s18 =	simm.s32 @!p0 $0xF800  }
0x189: {  	[tilespmem:s18], [sflag:$0x1] =	stream.indirect_vreg.gather @!p0 [hbm4b:s5+s17], $0x80, v28, vm1, $0xb8;
	[tilespmem:$0x1CA00] =	vst v63  }
0x18a: {  	v28 =	vld @!p0 [tilespmem:s16+$0x270];
	_ =	sdelay $0x6  }
0x18b: {  	s18 =	simm.s32 @!p0 $0x10000  }
0x18c: {  	[tilespmem:s18], [sflag:$0x1] =	stream.indirect_vreg.gather @!p0 [hbm4b:s5+s17], $0x80, v28, vm1, $0xb8;
	[tilespmem:$0x1CA00] =	vst v63  }
0x18d: {  	v28 =	vld @!p0 [tilespmem:s16+$0x280];
	_ =	sdelay $0x6  }
0x18e: {  	s18 =	simm.s32 @!p0 $0x10800  }
0x18f: {  	[tilespmem:s18], [sflag:$0x1] =	stream.indirect_vreg.gather @!p0 [hbm4b:s5+s17], $0x80, v28, vm1, $0xb8;
	[tilespmem:$0x1CA00] =	vst v63  }
0x190: {  	v28 =	vld @!p0 [tilespmem:s16+$0x290];
	_ =	sdelay $0x6  }
0x191: {  	s18 =	simm.s32 @!p0 $0x11000  }
0x192: {  	[tilespmem:s18], [sflag:$0x1] =	stream.indirect_vreg.gather @!p0 [hbm4b:s5+s17], $0x80, v28, vm1, $0xb8;
	[tilespmem:$0x1CA00] =	vst v63  }
0x193: {  	v28 =	vld @!p0 [tilespmem:s16+$0x2A0];
	_ =	sdelay $0x6  }
0x194: {  	s18 =	simm.s32 @!p0 $0x11800  }
0x195: {  	[tilespmem:s18], [sflag:$0x1] =	stream.indirect_vreg.gather @!p0 [hbm4b:s5+s17], $0x80, v28, vm1, $0xb8;
	[tilespmem:$0x1CA00] =	vst v63  }
0x196: {  	v28 =	vld @!p0 [tilespmem:s16+$0x2B0];
	_ =	sdelay $0x6  }
0x197: {  	s18 =	simm.s32 @!p0 $0x12000  }
0x198: {  	[tilespmem:s18], [sflag:$0x1] =	stream.indirect_vreg.gather @!p0 [hbm4b:s5+s17], $0x80, v28, vm1, $0xb8;
	[tilespmem:$0x1CA00] =	vst v63  }
0x199: {  	v28 =	vld @!p0 [tilespmem:s16+$0x2C0];
	_ =	sdelay $0x6  }
0x19a: {  	s18 =	simm.s32 @!p0 $0x12800  }
0x19b: {  	[tilespmem:s18], [sflag:$0x1] =	stream.indirect_vreg.gather @!p0 [hbm4b:s5+s17], $0x80, v28, vm1, $0xb8;
	[tilespmem:$0x1CA00] =	vst v63  }
0x19c: {  	v28 =	vld @!p0 [tilespmem:s16+$0x2D0];
	_ =	sdelay $0x6  }
0x19d: {  	s18 =	simm.s32 @!p0 $0x13000  }
0x19e: {  	[tilespmem:s18], [sflag:$0x1] =	stream.indirect_vreg.gather @!p0 [hbm4b:s5+s17], $0x80, v28, vm1, $0xb8;
	[tilespmem:$0x1CA00] =	vst v63  }
0x19f: {  	v28 =	vld @!p0 [tilespmem:s16+$0x2E0];
	_ =	sdelay $0x6  }
0x1a0: {  	s18 =	simm.s32 @!p0 $0x13800  }
0x1a1: {  	[tilespmem:s18], [sflag:$0x1] =	stream.indirect_vreg.gather @!p0 [hbm4b:s5+s17], $0x80, v28, vm1, $0xb8;
	[tilespmem:$0x1CA00] =	vst v63  }
0x1a2: {  	v28 =	vld @!p0 [tilespmem:s16+$0x2F0];
	_ =	sdelay $0x6  }
0x1a3: {  	s21 =	simm.s32 $0x0;
	s16 =	simm.s32 @!p0 $0x14000  }
0x1a4: {  	[tilespmem:s16], [sflag:$0x1] =	stream.indirect_vreg.gather @!p0 [hbm4b:s5+s17], $0x80, v28, vm1, $0xb8;
	[tilespmem:$0x1CA00] =	vst v63  }
0x1a5: {  	s22 =	sand.u32 $0x80, s21;
	s16 =	sadd.s32 $0x6400, s14;
	_ =	swait.ge [sflag:s31], $0x8000  }
0x1a6: {  	s17 =	sand.u32 $0x70, s21;
	s18 =	sadd.s32 s22, s16;
	[sflag:s31] =	ssyncset.done $0x0  }
0x1a7: {  	s17 =	sadd.s32 s17, s18;
	[sflag:s31] =	ssyncadd.s32 $0xFFFF8000  }
0x1a8: {  	v28 =	vld [tilespmem:s17+$0x0];
	_ =	sdelay $0x3  }
0x1a9: {  	s17 =	simm.s32 $0x0  }
0x1aa: {  	v31 =	vld [tilespmem:s17+$0x14800];
	v30 =	vperm.xlane v28, v0  }
0x1ab: {  	v29 =	vld [tilespmem:s17+$0x14810]  }
0x1ac: {  	v50 =	vld [tilespmem:s17+$0x14820];
	vm1 =	veq.s32 v30, $0x2  }
0x1ad: {  	vm2 =	veq.s32 v30, $0x1;
	v30 =	vsel vm1, v24, v16  }
0x1ae: {  	v52 =	vld [tilespmem:s17+$0x14830];
	v57 =	vperm.xlane v28, v1;
	v53 =	vsel vm1, v25, v17;
	v30 =	vsel vm2, v20, v30  }
0x1af: {  	v51 =	vld [tilespmem:s17+$0x14880];
	v55 =	vsel vm1, v26, v18;
	v35 =	vsel vm2, v21, v53;
	v30 =	vadd.f32 v30, v31  }
0x1b0: {  	v37 =	vsel vm2, v22, v55;
	v29 =	vadd.f32 v35, v29  }
0x1b1: {  	v54 =	vld [tilespmem:s17+$0x14890];
	v58 =	vsel vm1, v27, v19;
	vm1 =	veq.s32 v57, $0x2;
	[tilespmem:s17+$0x14800] =	vst v30;
	v30 =	vadd.f32 v50, v37  }
0x1b2: {  	v60 =	vsel vm1, v24, v16;
	[tilespmem:s17+$0x14810] =	vst v29;
	v29 =	vsel vm2, v23, v58;
	vm2 =	veq.s32 v57, $0x1  }
0x1b3: {  	v29 =	vadd.f32 v52, v29;
	[tilespmem:s17+$0x14820] =	vst v30;
	v30 =	vsel vm2, v20, v60  }
0x1b4: {  	v62 =	vsel vm1, v25, v17;
	v31 =	vld [tilespmem:s17+$0x148B0];
	v30 =	vadd.f32 v30, v51  }
0x1b5: {  	[tilespmem:s17+$0x14830] =	vst v29;
	v29 =	vsel vm2, v21, v62  }
0x1b6: {  	v61 =	vld [tilespmem:s17+$0x14900];
	v29 =	vadd.f32 v29, v54;
	[tilespmem:s17+$0x14880] =	vst v30;
	v30 =	vperm.xlane v28, v2  }
0x1b7: {  	v56 =	vld [tilespmem:s17+$0x148A0];
	v40 =	vsel vm1, v26, v18;
	v42 =	vsel vm1, v27, v19  }
0x1b8: {  	v63 =	vld [tilespmem:s17+$0x14920];
	v36 =	vsel vm2, v22, v40;
	[tilespmem:s17+$0x14890] =	vst v29;
	v29 =	vsel vm2, v23, v42;
	vm1 =	veq.s32 v30, $0x2  }
0x1b9: {  	v29 =	vadd.f32 v31, v29;
	vm2 =	veq.s32 v30, $0x1;
	v31 =	vsel vm1, v24, v16  }
0x1ba: {  	v30 =	vsel vm2, v20, v31  }
0x1bb: {  	v45 =	vsel vm1, v26, v18;
	[tilespmem:s17+$0x148B0] =	vst v29;
	v29 =	vadd.f32 v30, v61  }
0x1bc: {  	v46 =	vld [tilespmem:s17+$0x14990];
	v35 =	vadd.f32 v56, v36;
	v34 =	vsel vm2, v22, v45;
	v30 =	vperm.xlane v28, v3  }
0x1bd: {  	v44 =	vsel vm1, v25, v17;
	[tilespmem:s17+$0x14900] =	vst v29;
	v29 =	vadd.f32 v63, v34  }
0x1be: {  	[tilespmem:s17+$0x148A0] =	vst v35;
	v47 =	vsel vm1, v27, v19;
	v31 =	vld [tilespmem:s17+$0x14980];
	v35 =	vsel vm2, v21, v44;
	vm1 =	veq.s32 v30, $0x2  }
0x1bf: {  	v49 =	vld [tilespmem:s17+$0x149B0];
	v48 =	vsel vm2, v23, v47;
	vm2 =	veq.s32 v30, $0x1;
	[tilespmem:s17+$0x14920] =	vst v29;
	v29 =	vsel vm1, v25, v17  }
0x1c0: {  	v29 =	vsel vm2, v21, v29  }
0x1c1: {  	v30 =	vsel vm1, v24, v16;
	v29 =	vadd.f32 v29, v46  }
0x1c2: {  	v43 =	vld [tilespmem:s17+$0x149A0];
	v52 =	vsel vm1, v27, v19;
	v30 =	vsel vm2, v20, v30  }
0x1c3: {  	v53 =	vperm.xlane v28, v4;
	v51 =	vld [tilespmem:s17+$0x14A00];
	v30 =	vadd.f32 v30, v31;
	[tilespmem:s17+$0x14990] =	vst v29;
	v29 =	vsel vm2, v23, v52  }
0x1c4: {  	v29 =	vadd.f32 v49, v29  }
0x1c5: {  	v41 =	vld [tilespmem:s17+$0x14930];
	v50 =	vsel vm1, v26, v18;
	vm1 =	veq.s32 v53, $0x2;
	[tilespmem:s17+$0x14980] =	vst v30  }
0x1c6: {  	v31 =	vld [tilespmem:s17+$0x14A10];
	v30 =	vsel vm2, v22, v50;
	vm2 =	veq.s32 v53, $0x1;
	[tilespmem:s17+$0x149B0] =	vst v29;
	v29 =	vsel vm1, v24, v16  }
0x1c7: {  	v30 =	vadd.f32 v43, v30;
	v29 =	vsel vm2, v20, v29  }
0x1c8: {  	v29 =	vadd.f32 v29, v51  }
0x1c9: {  	v56 =	vsel vm1, v25, v17;
	[tilespmem:s17+$0x149A0] =	vst v30;
	v30 =	vld [tilespmem:s17+$0x14A30]  }
0x1ca: {  	v57 =	vld [tilespmem:s17+$0x14A80];
	v58 =	vsel vm2, v21, v56;
	[tilespmem:s17+$0x14A00] =	vst v29;
	v29 =	vperm.xlane v28, v5  }
0x1cb: {  	v59 =	vld [tilespmem:s17+$0x14910];
	v33 =	vadd.f32 v41, v48;
	v60 =	vsel vm1, v26, v18;
	v31 =	vadd.f32 v58, v31  }
0x1cc: {  	v55 =	vld [tilespmem:s17+$0x14A90];
	v63 =	vsel vm1, v27, v19;
	v61 =	vsel vm2, v22, v60;
	vm1 =	veq.s32 v29, $0x2  }
0x1cd: {  	[tilespmem:s17+$0x14A10] =	vst v31;
	v31 =	vsel vm2, v23, v63;
	vm2 =	veq.s32 v29, $0x1;
	v41 =	vsel vm1, v24, v16  }
0x1ce: {  	v62 =	vld [tilespmem:s17+$0x14AB0];
	v30 =	vadd.f32 v30, v31;
	v29 =	vsel vm2, v20, v41  }
0x1cf: {  	v54 =	vld [tilespmem:s17+$0x14A20];
	v42 =	vsel vm1, v25, v17;
	v29 =	vadd.f32 v29, v57  }
0x1d0: {  	v32 =	vadd.f32 v35, v59;
	v59 =	vld [tilespmem:s17+$0x14AA0];
	[tilespmem:s17+$0x14A30] =	vst v30;
	v30 =	vsel vm2, v21, v42  }
0x1d1: {  	v40 =	vld [tilespmem:s17+$0x14B00];
	v30 =	vadd.f32 v30, v55;
	[tilespmem:s17+$0x14A80] =	vst v29;
	v29 =	vperm.xlane v28, v6  }
0x1d2: {  	v44 =	vsel vm1, v26, v18;
	v47 =	vsel vm1, v27, v19  }
0x1d3: {  	v43 =	vld [tilespmem:s17+$0x14B20];
	v45 =	vsel vm2, v22, v44;
	[tilespmem:s17+$0x14A90] =	vst v30;
	v30 =	vsel vm2, v23, v47;
	vm1 =	veq.s32 v29, $0x2  }
0x1d4: {  	[tilespmem:s17+$0x14910] =	vst v32;
	v30 =	vadd.f32 v62, v30;
	vm2 =	veq.s32 v29, $0x1;
	v29 =	vsel vm1, v24, v16  }
0x1d5: {  	[tilespmem:s17+$0x14930] =	vst v33;
	v32 =	vadd.f32 v54, v61;
	v33 =	vadd.f32 v59, v45;
	v29 =	vsel vm2, v20, v29  }
0x1d6: {  	v31 =	vld [tilespmem:s17+$0x14B10];
	[tilespmem:s17+$0x14AB0] =	vst v30;
	v30 =	vperm.xlane v28, v7;
	v51 =	vsel vm1, v26, v18;
	v29 =	vadd.f32 v29, v40  }
0x1d7: {  	v52 =	vld [tilespmem:s17+$0x14B90];
	[tilespmem:s17+$0x14AA0] =	vst v33;
	v49 =	vsel vm1, v25, v17;
	v53 =	vsel vm1, v27, v19;
	v35 =	vsel vm2, v22, v51  }
0x1d8: {  	v46 =	vld [tilespmem:s17+$0x14B30];
	v33 =	vsel vm2, v21, v49;
	vm1 =	veq.s32 v30, $0x2;
	[tilespmem:s17+$0x14B00] =	vst v29;
	v29 =	vadd.f32 v43, v35  }
0x1d9: {  	v50 =	vld [tilespmem:s17+$0x14B80];
	v54 =	vsel vm2, v23, v53;
	vm2 =	veq.s32 v30, $0x1;
	v30 =	vsel vm1, v24, v16  }
0x1da: {  	v55 =	vld [tilespmem:s17+$0x14BB0];
	[tilespmem:s17+$0x14B20] =	vst v29;
	v29 =	vsel vm2, v20, v30;
	v30 =	vsel vm1, v25, v17  }
0x1db: {  	v31 =	vadd.f32 v33, v31;
	v30 =	vsel vm2, v21, v30  }
0x1dc: {  	v30 =	vadd.f32 v30, v52  }
0x1dd: {  	v48 =	vld [tilespmem:s17+$0x14BA0];
	v58 =	vsel vm1, v27, v19;
	[tilespmem:s17+$0x14B10] =	vst v31;
	v31 =	vadd.f32 v46, v54  }
0x1de: {  	v57 =	vld [tilespmem:s17+$0x14C00];
	v59 =	vperm.xlane v28, v8;
	v29 =	vadd.f32 v29, v50;
	[tilespmem:s17+$0x14B90] =	vst v30;
	v30 =	vsel vm2, v23, v58  }
0x1df: {  	[tilespmem:s17+$0x14B30] =	vst v31;
	v30 =	vadd.f32 v55, v30  }
0x1e0: {  	v56 =	vsel vm1, v26, v18;
	vm1 =	veq.s32 v59, $0x2;
	[tilespmem:s17+$0x14B80] =	vst v29  }
0x1e1: {  	v31 =	vld [tilespmem:s17+$0x14C10];
	v29 =	vsel vm2, v22, v56;
	vm2 =	veq.s32 v59, $0x1;
	[tilespmem:s17+$0x14BB0] =	vst v30;
	v30 =	vsel vm1, v24, v16  }
0x1e2: {  	v29 =	vadd.f32 v48, v29;
	v30 =	vsel vm2, v20, v30  }
0x1e3: {  	v30 =	vadd.f32 v30, v57  }
0x1e4: {  	v62 =	vsel vm1, v25, v17;
	[tilespmem:s17+$0x14BA0] =	vst v29;
	v29 =	vld [tilespmem:s17+$0x14C30]  }
0x1e5: {  	v63 =	vld [tilespmem:s17+$0x14C80];
	v40 =	vsel vm2, v21, v62;
	[tilespmem:s17+$0x14C00] =	vst v30;
	v30 =	vperm.xlane v28, v9  }
0x1e6: {  	v42 =	vsel vm1, v26, v18;
	v31 =	vadd.f32 v40, v31  }
0x1e7: {  	v45 =	vsel vm1, v27, v19;
	v43 =	vsel vm2, v22, v42;
	vm1 =	veq.s32 v30, $0x2  }
0x1e8: {  	v61 =	vld [tilespmem:s17+$0x14C90];
	[tilespmem:s17+$0x14C10] =	vst v31;
	v31 =	vsel vm2, v23, v45;
	vm2 =	veq.s32 v30, $0x1;
	v47 =	vsel vm1, v24, v16  }
0x1e9: {  	v29 =	vadd.f32 v29, v31;
	v30 =	vsel vm2, v20, v47  }
0x1ea: {  	v60 =	vld [tilespmem:s17+$0x14C20];
	v30 =	vadd.f32 v30, v63  }
0x1eb: {  	v44 =	vld [tilespmem:s17+$0x14CB0];
	[tilespmem:s17+$0x14C30] =	vst v29;
	v48 =	vsel vm1, v25, v17  }
0x1ec: {  	v46 =	vld [tilespmem:s17+$0x14D00];
	v29 =	vsel vm2, v21, v48;
	[tilespmem:s17+$0x14C80] =	vst v30;
	v30 =	vperm.xlane v28, v10  }
0x1ed: {  	v41 =	vld [tilespmem:s17+$0x14CA0];
	v50 =	vsel vm1, v26, v18;
	v29 =	vadd.f32 v29, v61  }
0x1ee: {  	v49 =	vld [tilespmem:s17+$0x14D20];
	v53 =	vsel vm1, v27, v19;
	v51 =	vsel vm2, v22, v50;
	vm1 =	veq.s32 v30, $0x2  }
0x1ef: {  	[tilespmem:s17+$0x14C90] =	vst v29;
	v29 =	vsel vm2, v23, v53;
	vm2 =	veq.s32 v30, $0x1;
	v30 =	vsel vm1, v24, v16  }
0x1f0: {  	v29 =	vadd.f32 v44, v29;
	v30 =	vsel vm2, v20, v30  }
0x1f1: {  	[tilespmem:s17+$0x14A20] =	vst v32;
	v31 =	vld [tilespmem:s17+$0x14D10];
	v57 =	vsel vm1, v26, v18;
	v30 =	vadd.f32 v30, v46  }
0x1f2: {  	v58 =	vld [tilespmem:s17+$0x14D90];
	v32 =	vadd.f32 v41, v51;
	[tilespmem:s17+$0x14CB0] =	vst v29;
	v29 =	vperm.xlane v28, v11;
	v35 =	vsel vm2, v22, v57  }
0x1f3: {  	v52 =	vld [tilespmem:s17+$0x14D30];
	v33 =	vadd.f32 v60, v43;
	v55 =	vsel vm1, v25, v17;
	[tilespmem:s17+$0x14D00] =	vst v30;
	v30 =	vadd.f32 v49, v35  }
0x1f4: {  	v56 =	vld [tilespmem:s17+$0x14D80];
	[tilespmem:s17+$0x14CA0] =	vst v32;
	v59 =	vsel vm1, v27, v19;
	v32 =	vsel vm2, v21, v55;
	vm1 =	veq.s32 v29, $0x2  }
0x1f5: {  	v61 =	vld [tilespmem:s17+$0x14DB0];
	v60 =	vsel vm2, v23, v59;
	vm2 =	veq.s32 v29, $0x1;
	[tilespmem:s17+$0x14D20] =	vst v30;
	v30 =	vsel vm1, v25, v17  }
0x1f6: {  	v31 =	vadd.f32 v32, v31;
	v30 =	vsel vm2, v21, v30  }
0x1f7: {  	v29 =	vsel vm1, v24, v16;
	v30 =	vadd.f32 v30, v58  }
0x1f8: {  	v54 =	vld [tilespmem:s17+$0x14DA0];
	v38 =	vsel vm1, v27, v19;
	[tilespmem:s17+$0x14D10] =	vst v31;
	v31 =	vadd.f32 v52, v60;
	v29 =	vsel vm2, v20, v29  }
0x1f9: {  	v39 =	vperm.xlane v28, v12;
	v63 =	vld [tilespmem:s17+$0x14E00];
	v29 =	vadd.f32 v29, v56;
	[tilespmem:s17+$0x14D90] =	vst v30;
	v30 =	vsel vm2, v23, v38  }
0x1fa: {  	[tilespmem:s17+$0x14D30] =	vst v31;
	v30 =	vadd.f32 v61, v30  }
0x1fb: {  	v62 =	vsel vm1, v26, v18;
	vm1 =	veq.s32 v39, $0x2;
	[tilespmem:s17+$0x14D80] =	vst v29  }
0x1fc: {  	v31 =	vld [tilespmem:s17+$0x14E10];
	v29 =	vsel vm2, v22, v62;
	vm2 =	veq.s32 v39, $0x1;
	[tilespmem:s17+$0x14DB0] =	vst v30;
	v30 =	vsel vm1, v24, v16  }
0x1fd: {  	v29 =	vadd.f32 v54, v29;
	v30 =	vsel vm2, v20, v30  }
0x1fe: {  	v30 =	vadd.f32 v30, v63  }
0x1ff: {  	v42 =	vsel vm1, v25, v17;
	[tilespmem:s17+$0x14DA0] =	vst v29;
	v29 =	vld [tilespmem:s17+$0x14E30]  }
0x200: {  	v43 =	vld [tilespmem:s17+$0x14E80];
	v44 =	vsel vm2, v21, v42;
	[tilespmem:s17+$0x14E00] =	vst v30;
	v30 =	vperm.xlane v28, v13  }
0x201: {  	v46 =	vsel vm1, v26, v18;
	v31 =	vadd.f32 v44, v31  }
0x202: {  	v41 =	vld [tilespmem:s17+$0x14E90];
	v49 =	vsel vm1, v27, v19;
	v47 =	vsel vm2, v22, v46;
	vm1 =	veq.s32 v30, $0x2  }
0x203: {  	[tilespmem:s17+$0x14E10] =	vst v31;
	v31 =	vsel vm2, v23, v49;
	vm2 =	veq.s32 v30, $0x1;
	v51 =	vsel vm1, v24, v16  }
0x204: {  	v45 =	vld [tilespmem:s17+$0x14EA0];
	v29 =	vadd.f32 v29, v31;
	v30 =	vsel vm2, v20, v51  }
0x205: {  	v48 =	vld [tilespmem:s17+$0x14EB0];
	v52 =	vsel vm1, v25, v17;
	v30 =	vadd.f32 v30, v43  }
0x206: {  	v40 =	vld [tilespmem:s17+$0x14E20];
	[tilespmem:s17+$0x14E30] =	vst v29;
	v29 =	vsel vm2, v21, v52  }
0x207: {  	v50 =	vld [tilespmem:s17+$0x14F00];
	v54 =	vsel vm1, v26, v18;
	v29 =	vadd.f32 v29, v41;
	[tilespmem:s17+$0x14E80] =	vst v30;
	v30 =	vperm.xlane v28, v14  }
0x208: {  	[tilespmem:s17+$0x14C20] =	vst v33;
	v31 =	vld [tilespmem:s17+$0x14F10];
	v57 =	vsel vm1, v27, v19;
	v55 =	vsel vm2, v22, v54  }
0x209: {  	v53 =	vld [tilespmem:s17+$0x14F20];
	v33 =	vadd.f32 v45, v55;
	[tilespmem:s17+$0x14E90] =	vst v29;
	v29 =	vsel vm2, v23, v57;
	vm1 =	veq.s32 v30, $0x2  }
0x20a: {  	v29 =	vadd.f32 v48, v29;
	vm2 =	veq.s32 v30, $0x1;
	v30 =	vsel vm1, v24, v16  }
0x20b: {  	v56 =	vld [tilespmem:s17+$0x14F30];
	[tilespmem:s17+$0x14EA0] =	vst v33;
	v28 =	vperm.xlane v28, v15;
	v59 =	vsel vm1, v25, v17;
	v30 =	vsel vm2, v20, v30  }
0x20c: {  	v60 =	vld [tilespmem:s17+$0x14F80];
	[tilespmem:s17+$0x14EB0] =	vst v29;
	v29 =	vsel vm1, v26, v18;
	v33 =	vsel vm2, v21, v59;
	v30 =	vadd.f32 v30, v50  }
0x20d: {  	v61 =	vld [tilespmem:s17+$0x14F90];
	v32 =	vadd.f32 v40, v47;
	v29 =	vsel vm2, v22, v29;
	v31 =	vadd.f32 v33, v31  }
0x20e: {  	v58 =	vld [tilespmem:s17+$0x14FA0];
	v29 =	vadd.f32 v53, v29;
	[tilespmem:s17+$0x14F00] =	vst v30;
	v30 =	vsel vm1, v27, v19;
	vm1 =	veq.s32 v28, $0x2  }
0x20f: {  	[tilespmem:s17+$0x14F10] =	vst v31;
	v31 =	vld [tilespmem:s17+$0x14FB0];
	v30 =	vsel vm2, v23, v30;
	vm2 =	veq.s32 v28, $0x1;
	v28 =	vsel vm1, v24, v16  }
0x210: {  	[tilespmem:s17+$0x14E20] =	vst v32;
	v62 =	vsel vm1, v25, v17;
	v30 =	vadd.f32 v56, v30;
	v28 =	vsel vm2, v20, v28  }
0x211: {  	[tilespmem:s17+$0x14F20] =	vst v29;
	v63 =	vsel vm1, v26, v18;
	v29 =	vsel vm2, v21, v62;
	v28 =	vadd.f32 v28, v60  }
0x212: {  	v32 =	vsel vm2, v22, v63;
	v29 =	vadd.f32 v29, v61;
	[tilespmem:s17+$0x14F30] =	vst v30;
	v30 =	vsel vm1, v27, v19  }
0x213: {  	s19 =	simm.s32 $0x10;
	s15 =	sadd.s32 $0x1, s15;
	[tilespmem:s17+$0x14F80] =	vst v28;
	v30 =	vsel vm2, v23, v30;
	v28 =	vadd.f32 v58, v32  }
0x214: {  	s20 =	simm.s32 $0x4000;
	s21 =	sand.u32 $0x80, s19;
	s18 =	simm.s32 $0x2000;
	[tilespmem:s17+$0x14F90] =	vst v29;
	v29 =	vadd.f32 v31, v30  }
.LBB2_7:
0x215: {  	p0 =	sne.s32 s20, $0x1E000;
	s22 =	sand.u32 $0x70, s19;
	s21 =	sadd.s32 s21, s16;
	[tilespmem:s17+$0x14FA0] =	vst v28  }
0x216: {  	s21 =	sadd.s32 s22, s21;
	[tilespmem:s17+$0x14FB0] =	vst v29  }
0x217: {  	v28 =	vld [tilespmem:s21+$0x0];
	_ =	sdelay $0x2  }
0x218: {  	s17 =	sshra.s32 s18, $0x2;
	s18 =	smov.u32 s20  }
0x219: {  	v29 =	vld [tilespmem:s17+$0x14810]  }
0x21a: {  	v30 =	vperm.xlane v28, v0;
	v31 =	vld [tilespmem:s17+$0x14800];
	v32 =	vperm.xlane v28, v1  }
0x21b: {  	v34 =	vperm.xlane v28, v2;
	v35 =	vperm.xlane v28, v3;
	v33 =	vld [tilespmem:s17+$0x14820]  }
0x21c: {  	vm3 =	veq.s32 v30, $0x2;
	vm1 =	veq.s32 v32, $0x1;
	vm2 =	veq.s32 v32, $0x2;
	v32 =	vld [tilespmem:s17+$0x14880]  }
0x21d: {  	vm4 =	veq.s32 v30, $0x1;
	v30 =	vsel vm3, v24, v16;
	v36 =	vsel vm3, v25, v17;
	v37 =	vld [tilespmem:s17+$0x14830]  }
0x21e: {  	v38 =	vsel vm3, v26, v18;
	v30 =	vsel vm4, v20, v30;
	v36 =	vsel vm4, v21, v36;
	v39 =	vld [tilespmem:s17+$0x14890]  }
0x21f: {  	v30 =	vadd.f32 v30, v31;
	v29 =	vadd.f32 v36, v29;
	v31 =	vsel vm4, v22, v38;
	v36 =	vld [tilespmem:s17+$0x148B0]  }
0x220: {  	v38 =	vsel vm2, v24, v16;
	v31 =	vadd.f32 v33, v31;
	v33 =	vsel vm3, v27, v19;
	v40 =	vld [tilespmem:s17+$0x148A0]  }
0x221: {  	[tilespmem:s17+$0x14800] =	vst v30;
	v30 =	vsel vm4, v23, v33;
	v33 =	vsel vm1, v20, v38;
	v38 =	vsel vm2, v25, v17  }
0x222: {  	[tilespmem:s17+$0x14810] =	vst v29;
	v29 =	vadd.f32 v37, v30;
	v30 =	vadd.f32 v33, v32;
	v32 =	vsel vm1, v21, v38;
	v33 =	vld [tilespmem:s17+$0x14910]  }
0x223: {  	v37 =	vsel vm2, v27, v19;
	[tilespmem:s17+$0x14820] =	vst v31;
	v31 =	vadd.f32 v32, v39;
	v32 =	vsel vm2, v26, v18;
	v38 =	vld [tilespmem:s17+$0x14900]  }
0x224: {  	[tilespmem:s17+$0x14830] =	vst v29;
	v29 =	vsel vm1, v22, v32;
	v32 =	vsel vm1, v23, v37;
	vm1 =	veq.s32 v34, $0x2;
	v37 =	vld [tilespmem:s17+$0x14920]  }
0x225: {  	[tilespmem:s17+$0x14880] =	vst v30;
	v29 =	vadd.f32 v40, v29;
	v30 =	vadd.f32 v36, v32;
	v32 =	vsel vm1, v24, v16;
	v36 =	vld [tilespmem:s17+$0x14930]  }
0x226: {  	vm2 =	veq.s32 v34, $0x1;
	v34 =	vsel vm1, v26, v18;
	[tilespmem:s17+$0x14890] =	vst v31;
	v31 =	vsel vm1, v25, v17;
	v39 =	vld [tilespmem:s17+$0x149A0]  }
0x227: {  	[tilespmem:s17+$0x148A0] =	vst v29;
	v29 =	vsel vm2, v20, v32;
	v31 =	vsel vm2, v21, v31;
	v32 =	vsel vm2, v22, v34;
	v34 =	vld [tilespmem:s17+$0x14980]  }
0x228: {  	[tilespmem:s17+$0x148B0] =	vst v30;
	v29 =	vadd.f32 v29, v38;
	v30 =	vadd.f32 v31, v33;
	v31 =	vsel vm1, v27, v19;
	v33 =	vld [tilespmem:s17+$0x14990]  }
0x229: {  	vm1 =	veq.s32 v35, $0x2;
	v32 =	vadd.f32 v37, v32;
	v31 =	vsel vm2, v23, v31  }
0x22a: {  	vm2 =	veq.s32 v35, $0x1;
	[tilespmem:s17+$0x14900] =	vst v29;
	v29 =	vadd.f32 v36, v31;
	v31 =	vsel vm1, v24, v16;
	v35 =	vld [tilespmem:s17+$0x149B0]  }
0x22b: {  	v36 =	vsel vm1, v26, v18;
	[tilespmem:s17+$0x14910] =	vst v30;
	v30 =	vsel vm2, v20, v31;
	v31 =	vsel vm1, v25, v17  }
0x22c: {  	[tilespmem:s17+$0x14920] =	vst v32;
	v30 =	vadd.f32 v30, v34;
	v31 =	vsel vm2, v21, v31;
	v32 =	vsel vm2, v22, v36  }
0x22d: {  	[tilespmem:s17+$0x14930] =	vst v29;
	v29 =	vadd.f32 v31, v33;
	v31 =	vadd.f32 v39, v32;
	v32 =	vsel vm1, v27, v19;
	v33 =	vld [tilespmem:s17+$0x14A10]  }
0x22e: {  	v36 =	vperm.xlane v28, v5;
	[tilespmem:s17+$0x14980] =	vst v30;
	v30 =	vsel vm2, v23, v32;
	v32 =	vperm.xlane v28, v4;
	v34 =	vld [tilespmem:s17+$0x14A00]  }
0x22f: {  	v37 =	vperm.xlane v28, v7;
	[tilespmem:s17+$0x14990] =	vst v29;
	v29 =	vadd.f32 v35, v30;
	v30 =	vld [tilespmem:s17+$0x14A20];
	v35 =	vperm.xlane v28, v6  }
0x230: {  	vm1 =	veq.s32 v36, $0x2;
	[tilespmem:s17+$0x149A0] =	vst v31;
	vm2 =	veq.s32 v32, $0x1;
	vm3 =	veq.s32 v32, $0x2;
	v31 =	vld [tilespmem:s17+$0x14A30]  }
0x231: {  	[tilespmem:s17+$0x149B0] =	vst v29;
	v29 =	vsel vm3, v24, v16;
	v32 =	vsel vm3, v25, v17;
	v38 =	vsel vm3, v26, v18;
	v39 =	vld [tilespmem:s17+$0x14A90]  }
0x232: {  	v29 =	vsel vm2, v20, v29;
	v32 =	vsel vm2, v21, v32;
	v38 =	vsel vm2, v22, v38;
	v40 =	vld [tilespmem:s17+$0x14A80]  }
0x233: {  	v29 =	vadd.f32 v29, v34;
	v32 =	vadd.f32 v32, v33;
	v33 =	vsel vm3, v27, v19;
	v34 =	vld [tilespmem:s17+$0x14AA0]  }
0x234: {  	v30 =	vadd.f32 v30, v38;
	v33 =	vsel vm2, v23, v33;
	v38 =	vsel vm1, v24, v16  }
0x235: {  	vm2 =	veq.s32 v36, $0x1;
	[tilespmem:s17+$0x14A00] =	vst v29;
	v29 =	vadd.f32 v31, v33;
	v31 =	vsel vm1, v25, v17;
	v33 =	vld [tilespmem:s17+$0x14AB0]  }
0x236: {  	v36 =	vsel vm1, v26, v18;
	[tilespmem:s17+$0x14A10] =	vst v32;
	v32 =	vsel vm2, v20, v38;
	v31 =	vsel vm2, v21, v31;
	v38 =	vld [tilespmem:s17+$0x14B00]  }
0x237: {  	[tilespmem:s17+$0x14A20] =	vst v30;
	v30 =	vadd.f32 v32, v40;
	v31 =	vadd.f32 v31, v39;
	v32 =	vsel vm2, v22, v36;
	v36 =	vld [tilespmem:s17+$0x14B10]  }
0x238: {  	[tilespmem:s17+$0x14A30] =	vst v29;
	v29 =	vadd.f32 v34, v32;
	v32 =	vsel vm1, v27, v19;
	vm1 =	veq.s32 v35, $0x2;
	v34 =	vld [tilespmem:s17+$0x14B20]  }
0x239: {  	[tilespmem:s17+$0x14A80] =	vst v30;
	v30 =	vsel vm2, v23, v32;
	vm2 =	veq.s32 v35, $0x1;
	v32 =	vsel vm1, v24, v16;
	v35 =	vld [tilespmem:s17+$0x14B30]  }
0x23a: {  	[tilespmem:s17+$0x14A90] =	vst v31;
	v30 =	vadd.f32 v33, v30;
	v31 =	vsel vm2, v20, v32;
	v32 =	vsel vm1, v25, v17;
	v33 =	vld [tilespmem:s17+$0x14BA0]  }
0x23b: {  	[tilespmem:s17+$0x14AA0] =	vst v29;
	v29 =	vadd.f32 v31, v38;
	v31 =	vsel vm2, v21, v32;
	v32 =	vsel vm1, v26, v18;
	v38 =	vld [tilespmem:s17+$0x14B80]  }
0x23c: {  	[tilespmem:s17+$0x14AB0] =	vst v30;
	v30 =	vadd.f32 v31, v36;
	v31 =	vsel vm2, v22, v32;
	v32 =	vsel vm1, v27, v19;
	v36 =	vld [tilespmem:s17+$0x14B90]  }
0x23d: {  	vm1 =	veq.s32 v37, $0x2;
	[tilespmem:s17+$0x14B00] =	vst v29;
	v29 =	vadd.f32 v34, v31;
	v31 =	vsel vm2, v23, v32  }
0x23e: {  	vm2 =	veq.s32 v37, $0x1;
	[tilespmem:s17+$0x14B10] =	vst v30;
	v30 =	vadd.f32 v35, v31;
	v31 =	vsel vm1, v24, v16;
	v32 =	vld [tilespmem:s17+$0x14BB0]  }
0x23f: {  	v34 =	vsel vm1, v26, v18;
	[tilespmem:s17+$0x14B20] =	vst v29;
	v29 =	vsel vm2, v20, v31;
	v31 =	vsel vm1, v25, v17  }
0x240: {  	[tilespmem:s17+$0x14B30] =	vst v30;
	v29 =	vadd.f32 v29, v38;
	v30 =	vsel vm2, v21, v31;
	v31 =	vsel vm2, v22, v34  }
0x241: {  	v30 =	vadd.f32 v30, v36;
	v31 =	vadd.f32 v33, v31;
	v33 =	vsel vm1, v27, v19;
	v34 =	vld [tilespmem:s17+$0x14C10]  }
0x242: {  	v36 =	vperm.xlane v28, v9;
	[tilespmem:s17+$0x14B80] =	vst v29;
	v29 =	vsel vm2, v23, v33;
	v33 =	vperm.xlane v28, v8;
	v35 =	vld [tilespmem:s17+$0x14C00]  }
0x243: {  	v37 =	vperm.xlane v28, v11;
	[tilespmem:s17+$0x14B90] =	vst v30;
	v29 =	vadd.f32 v32, v29;
	v30 =	vld [tilespmem:s17+$0x14C20];
	v32 =	vperm.xlane v28, v10  }
0x244: {  	vm1 =	veq.s32 v36, $0x2;
	[tilespmem:s17+$0x14BA0] =	vst v31;
	vm2 =	veq.s32 v33, $0x1;
	vm3 =	veq.s32 v33, $0x2;
	v31 =	vld [tilespmem:s17+$0x14C30]  }
0x245: {  	[tilespmem:s17+$0x14BB0] =	vst v29;
	v29 =	vsel vm3, v24, v16;
	v33 =	vsel vm3, v25, v17;
	v38 =	vsel vm3, v26, v18;
	v39 =	vld [tilespmem:s17+$0x14C90]  }
0x246: {  	v29 =	vsel vm2, v20, v29;
	v33 =	vsel vm2, v21, v33;
	v38 =	vsel vm2, v22, v38;
	v40 =	vld [tilespmem:s17+$0x14C80]  }
0x247: {  	v29 =	vadd.f32 v29, v35;
	v33 =	vadd.f32 v33, v34;
	v34 =	vsel vm3, v27, v19;
	v35 =	vld [tilespmem:s17+$0x14CA0]  }
0x248: {  	v30 =	vadd.f32 v30, v38;
	v34 =	vsel vm2, v23, v34;
	v38 =	vsel vm1, v24, v16  }
0x249: {  	vm2 =	veq.s32 v36, $0x1;
	[tilespmem:s17+$0x14C00] =	vst v29;
	v29 =	vadd.f32 v31, v34;
	v31 =	vsel vm1, v25, v17;
	v34 =	vld [tilespmem:s17+$0x14CB0]  }
0x24a: {  	v36 =	vsel vm1, v26, v18;
	[tilespmem:s17+$0x14C10] =	vst v33;
	v33 =	vsel vm2, v20, v38;
	v31 =	vsel vm2, v21, v31;
	v38 =	vld [tilespmem:s17+$0x14D00]  }
0x24b: {  	[tilespmem:s17+$0x14C20] =	vst v30;
	v30 =	vadd.f32 v33, v40;
	v31 =	vadd.f32 v31, v39;
	v33 =	vsel vm2, v22, v36;
	v36 =	vld [tilespmem:s17+$0x14D10]  }
0x24c: {  	[tilespmem:s17+$0x14C30] =	vst v29;
	v29 =	vadd.f32 v35, v33;
	v33 =	vsel vm1, v27, v19;
	vm1 =	veq.s32 v32, $0x2;
	v35 =	vld [tilespmem:s17+$0x14D20]  }
0x24d: {  	[tilespmem:s17+$0x14C80] =	vst v30;
	v30 =	vsel vm2, v23, v33;
	vm2 =	veq.s32 v32, $0x1;
	v32 =	vsel vm1, v24, v16;
	v33 =	vld [tilespmem:s17+$0x14D30]  }
0x24e: {  	[tilespmem:s17+$0x14C90] =	vst v31;
	v30 =	vadd.f32 v34, v30;
	v31 =	vsel vm2, v20, v32;
	v32 =	vsel vm1, v25, v17;
	v34 =	vld [tilespmem:s17+$0x14DA0]  }
0x24f: {  	[tilespmem:s17+$0x14CA0] =	vst v29;
	v29 =	vadd.f32 v31, v38;
	v31 =	vsel vm2, v21, v32;
	v32 =	vsel vm1, v26, v18;
	v38 =	vld [tilespmem:s17+$0x14D80]  }
0x250: {  	[tilespmem:s17+$0x14CB0] =	vst v30;
	v30 =	vadd.f32 v31, v36;
	v31 =	vsel vm2, v22, v32;
	v32 =	vsel vm1, v27, v19;
	v36 =	vld [tilespmem:s17+$0x14D90]  }
0x251: {  	vm1 =	veq.s32 v37, $0x2;
	[tilespmem:s17+$0x14D00] =	vst v29;
	v29 =	vadd.f32 v35, v31;
	v31 =	vsel vm2, v23, v32  }
0x252: {  	vm2 =	veq.s32 v37, $0x1;
	[tilespmem:s17+$0x14D10] =	vst v30;
	v30 =	vadd.f32 v33, v31;
	v31 =	vsel vm1, v24, v16;
	v32 =	vld [tilespmem:s17+$0x14DB0]  }
0x253: {  	v33 =	vsel vm1, v26, v18;
	[tilespmem:s17+$0x14D20] =	vst v29;
	v29 =	vsel vm2, v20, v31;
	v31 =	vsel vm1, v25, v17  }
0x254: {  	[tilespmem:s17+$0x14D30] =	vst v30;
	v29 =	vadd.f32 v29, v38;
	v30 =	vsel vm2, v21, v31;
	v31 =	vsel vm2, v22, v33  }
0x255: {  	v33 =	vsel vm1, v27, v19;
	v30 =	vadd.f32 v30, v36;
	v31 =	vadd.f32 v34, v31;
	v34 =	vld [tilespmem:s17+$0x14E10]  }
0x256: {  	v36 =	vperm.xlane v28, v13;
	[tilespmem:s17+$0x14D80] =	vst v29;
	v29 =	vsel vm2, v23, v33;
	v33 =	vperm.xlane v28, v12;
	v35 =	vld [tilespmem:s17+$0x14E00]  }
0x257: {  	[tilespmem:s17+$0x14D90] =	vst v30;
	v29 =	vadd.f32 v32, v29;
	v30 =	vld [tilespmem:s17+$0x14E20];
	v32 =	vperm.xlane v28, v14;
	v28 =	vperm.xlane v28, v15  }
0x258: {  	vm1 =	veq.s32 v36, $0x2;
	[tilespmem:s17+$0x14DA0] =	vst v31;
	vm2 =	veq.s32 v33, $0x1;
	vm3 =	veq.s32 v33, $0x2;
	v31 =	vld [tilespmem:s17+$0x14E30]  }
0x259: {  	[tilespmem:s17+$0x14DB0] =	vst v29;
	v29 =	vsel vm3, v24, v16;
	v33 =	vsel vm3, v25, v17;
	v37 =	vsel vm3, v26, v18;
	v38 =	vld [tilespmem:s17+$0x14E90]  }
0x25a: {  	v29 =	vsel vm2, v20, v29;
	v33 =	vsel vm2, v21, v33;
	v37 =	vsel vm2, v22, v37;
	v39 =	vld [tilespmem:s17+$0x14E80]  }
0x25b: {  	v29 =	vadd.f32 v29, v35;
	v33 =	vadd.f32 v33, v34;
	v34 =	vsel vm3, v27, v19;
	v35 =	vld [tilespmem:s17+$0x14EA0]  }
0x25c: {  	v30 =	vadd.f32 v30, v37;
	v34 =	vsel vm2, v23, v34;
	v37 =	vsel vm1, v24, v16  }
0x25d: {  	vm2 =	veq.s32 v36, $0x1;
	[tilespmem:s17+$0x14E00] =	vst v29;
	v29 =	vadd.f32 v31, v34;
	v31 =	vsel vm1, v25, v17;
	v34 =	vld [tilespmem:s17+$0x14EB0]  }
0x25e: {  	v36 =	vsel vm1, v26, v18;
	[tilespmem:s17+$0x14E10] =	vst v33;
	v33 =	vsel vm2, v20, v37;
	v31 =	vsel vm2, v21, v31;
	v37 =	vld [tilespmem:s17+$0x14F00]  }
0x25f: {  	[tilespmem:s17+$0x14E20] =	vst v30;
	v30 =	vadd.f32 v33, v39;
	v31 =	vadd.f32 v31, v38;
	v33 =	vsel vm2, v22, v36;
	v36 =	vld [tilespmem:s17+$0x14F10]  }
0x260: {  	[tilespmem:s17+$0x14E30] =	vst v29;
	v29 =	vadd.f32 v35, v33;
	v33 =	vsel vm1, v27, v19;
	vm1 =	veq.s32 v32, $0x2;
	v35 =	vld [tilespmem:s17+$0x14F20]  }
0x261: {  	[tilespmem:s17+$0x14E80] =	vst v30;
	v30 =	vsel vm2, v23, v33;
	vm2 =	veq.s32 v32, $0x1;
	v32 =	vsel vm1, v24, v16;
	v33 =	vld [tilespmem:s17+$0x14F30]  }
0x262: {  	[tilespmem:s17+$0x14E90] =	vst v31;
	v30 =	vadd.f32 v34, v30;
	v31 =	vsel vm2, v20, v32;
	v32 =	vsel vm1, v25, v17;
	v34 =	vld [tilespmem:s17+$0x14FA0]  }
0x263: {  	[tilespmem:s17+$0x14EA0] =	vst v29;
	v29 =	vadd.f32 v31, v37;
	v31 =	vsel vm2, v21, v32;
	v32 =	vsel vm1, v26, v18;
	v37 =	vld [tilespmem:s17+$0x14F80]  }
0x264: {  	[tilespmem:s17+$0x14EB0] =	vst v30;
	v30 =	vadd.f32 v31, v36;
	v31 =	vsel vm2, v22, v32;
	v32 =	vsel vm1, v27, v19;
	v36 =	vld [tilespmem:s17+$0x14F90]  }
0x265: {  	vm1 =	veq.s32 v28, $0x2;
	[tilespmem:s17+$0x14F00] =	vst v29;
	v29 =	vadd.f32 v35, v31;
	v31 =	vsel vm2, v23, v32  }
0x266: {  	vm2 =	veq.s32 v28, $0x1;
	v28 =	vsel vm1, v24, v16;
	[tilespmem:s17+$0x14F10] =	vst v30;
	v30 =	vadd.f32 v33, v31;
	v31 =	vld [tilespmem:s17+$0x14FB0]  }
.Ltmp2:
0x267: {  	v32 =	vsel vm1, v26, v18;
	v28 =	vsel vm2, v20, v28;
	[tilespmem:s17+$0x14F20] =	vst v29;
	v29 =	vsel vm1, v25, v17;
	(pc) =	sbr.rel @p0 .LBB2_7-.Ltmp2, $4  }
0x268: {  	[tilespmem:s17+$0x14F30] =	vst v30;
	v30 =	vadd.f32 v28, v37;
	v28 =	vsel vm2, v21, v29;
	v29 =	vsel vm2, v22, v32  }
0x269: {  	v32 =	vadd.f32 v28, v36;
	v28 =	vadd.f32 v34, v29;
	v29 =	vsel vm1, v27, v19  }
0x26a: {  	s19 =	sadd.s32 $0x10, s19;
	[tilespmem:s17+$0x14F80] =	vst v30;
	v29 =	vsel vm2, v23, v29  }
0x26b: {  	s20 =	sadd.s32 $0x2000, s20;
	s21 =	sand.u32 $0x80, s19;
	[tilespmem:s17+$0x14F90] =	vst v32;
	v29 =	vadd.f32 v31, v29  }
0x26c: {  	s19 =	sand.u32 $0x70, s19;
	s16 =	sadd.s32 s21, s16;
	[tilespmem:s17+$0x14FA0] =	vst v28  }
0x26d: {  	s16 =	sadd.s32 s19, s16;
	[tilespmem:s17+$0x14FB0] =	vst v29  }
0x26e: {  	v28 =	vld [tilespmem:s16+$0x0];
	_ =	sdelay $0x4  }
0x26f: {  	s22 =	sshra.s32 s18, $0x2;
	v30 =	vperm.xlane v28, v0;
	v32 =	vperm.xlane v28, v1  }
0x270: {  	v29 =	vld [tilespmem:s22+$0x14810];
	v34 =	vperm.xlane v28, v2  }
0x271: {  	v31 =	vld [tilespmem:s22+$0x14800];
	v35 =	vperm.xlane v28, v3;
	vm1 =	veq.s32 v30, $0x2;
	vm2 =	veq.s32 v32, $0x1  }
0x272: {  	v33 =	vld [tilespmem:s22+$0x14820];
	vm3 =	veq.s32 v30, $0x1;
	vm4 =	veq.s32 v32, $0x2;
	v54 =	vsel vm1, v24, v16  }
0x273: {  	v36 =	vld [tilespmem:s22+$0x14880];
	v37 =	vsel vm1, v25, v17;
	v39 =	vsel vm1, v26, v18;
	v59 =	vsel vm1, v27, v19  }
0x274: {  	v38 =	vld [tilespmem:s22+$0x14830];
	v40 =	vsel vm4, v24, v16;
	v62 =	vsel vm4, v25, v17;
	v46 =	vsel vm4, v26, v18  }
0x275: {  	v56 =	vld [tilespmem:s22+$0x14890];
	v42 =	vsel vm4, v27, v19;
	vm1 =	veq.s32 v34, $0x2;
	v30 =	vsel vm3, v20, v54  }
0x276: {  	v57 =	vld [tilespmem:s22+$0x148B0];
	v55 =	vsel vm3, v21, v37;
	v58 =	vsel vm3, v22, v39;
	v60 =	vsel vm3, v23, v59  }
0x277: {  	v41 =	vld [tilespmem:s22+$0x148A0];
	v61 =	vsel vm2, v20, v40;
	v45 =	vsel vm2, v21, v62;
	v47 =	vsel vm2, v22, v46  }
0x278: {  	v48 =	vsel vm2, v23, v42;
	v50 =	vsel vm1, v24, v16;
	vm2 =	veq.s32 v34, $0x1  }
0x279: {  	v63 =	vld [tilespmem:s22+$0x14910];
	v52 =	vsel vm1, v25, v17;
	v30 =	vadd.f32 v30, v31;
	v29 =	vadd.f32 v55, v29  }
0x27a: {  	v43 =	vld [tilespmem:s22+$0x14900];
	v44 =	vsel vm1, v26, v18;
	v32 =	vadd.f32 v33, v58;
	v33 =	vadd.f32 v38, v60  }
0x27b: {  	v49 =	vld [tilespmem:s22+$0x14920];
	v53 =	vsel vm1, v27, v19;
	v36 =	vadd.f32 v61, v36;
	v37 =	vadd.f32 v45, v56  }
0x27c: {  	v51 =	vld [tilespmem:s22+$0x14930];
	vm1 =	veq.s32 v35, $0x2;
	v39 =	vadd.f32 v41, v47;
	v31 =	vadd.f32 v57, v48  }
0x27d: {  	v40 =	vsel vm2, v20, v50;
	v34 =	vsel vm2, v21, v52;
	v44 =	vsel vm2, v22, v44  }
0x27e: {  	v46 =	vld [tilespmem:s22+$0x149A0];
	v38 =	vsel vm2, v23, v53;
	vm2 =	veq.s32 v35, $0x1;
	v55 =	vsel vm1, v24, v16  }
0x27f: {  	v54 =	vld [tilespmem:s22+$0x14990];
	v57 =	vsel vm1, v25, v17;
	v47 =	vsel vm1, v26, v18;
	v59 =	vsel vm1, v27, v19  }
0x280: {  	v62 =	vld [tilespmem:s22+$0x14A20];
	v48 =	vperm.xlane v28, v4;
	v40 =	vadd.f32 v40, v43;
	v34 =	vadd.f32 v34, v63  }
0x281: {  	v45 =	vld [tilespmem:s22+$0x14980];
	v42 =	vadd.f32 v49, v44;
	v38 =	vadd.f32 v51, v38;
	v35 =	vsel vm2, v20, v55  }
0x282: {  	v56 =	vld [tilespmem:s22+$0x149B0];
	v41 =	vsel vm2, v21, v57;
	v58 =	vsel vm2, v22, v47;
	v61 =	vsel vm2, v23, v59;
	[tilespmem:s22+$0x14810] =	vst v29  }
0x283: {  	v60 =	vld [tilespmem:s22+$0x14A10];
	v29 =	vperm.xlane v28, v5;
	vm1 =	veq.s32 v48, $0x2;
	[tilespmem:s22+$0x14820] =	vst v32;
	v32 =	vperm.xlane v28, v6  }
0x284: {  	v49 =	vld [tilespmem:s22+$0x14A00];
	vm2 =	veq.s32 v48, $0x1;
	[tilespmem:s22+$0x14830] =	vst v33;
	v33 =	vperm.xlane v28, v7;
	v52 =	vsel vm1, v24, v16  }
0x285: {  	[tilespmem:s22+$0x14800] =	vst v30;
	v53 =	vsel vm1, v25, v17;
	v30 =	vadd.f32 v41, v54;
	v41 =	vadd.f32 v46, v58  }
0x286: {  	v50 =	vld [tilespmem:s22+$0x14A90];
	v47 =	vsel vm2, v20, v52;
	v54 =	vsel vm1, v26, v18;
	v48 =	vsel vm2, v21, v53  }
0x287: {  	v63 =	vld [tilespmem:s22+$0x14A30];
	[tilespmem:s22+$0x14880] =	vst v36;
	v35 =	vadd.f32 v35, v45;
	v44 =	vadd.f32 v56, v61;
	v36 =	vsel vm2, v22, v54  }
0x288: {  	v55 =	vld [tilespmem:s22+$0x14A80];
	[tilespmem:s22+$0x14890] =	vst v37;
	v37 =	vadd.f32 v48, v60;
	v56 =	vsel vm1, v27, v19;
	vm1 =	veq.s32 v29, $0x2  }
0x289: {  	v57 =	vld [tilespmem:s22+$0x14AA0];
	[tilespmem:s22+$0x148A0] =	vst v39;
	v47 =	vadd.f32 v47, v49;
	v36 =	vadd.f32 v62, v36;
	v58 =	vsel vm2, v23, v56  }
0x28a: {  	[tilespmem:s22+$0x148B0] =	vst v31;
	v52 =	vld [tilespmem:s22+$0x14B20];
	v59 =	vsel vm1, v24, v16;
	vm2 =	veq.s32 v29, $0x1;
	v60 =	vsel vm1, v25, v17  }
0x28b: {  	[tilespmem:s22+$0x14900] =	vst v40;
	v29 =	vld [tilespmem:s22+$0x14AB0];
	v61 =	vsel vm1, v26, v18;
	v51 =	vsel vm1, v27, v19;
	vm1 =	veq.s32 v32, $0x2  }
0x28c: {  	[tilespmem:s22+$0x14910] =	vst v34;
	v62 =	vld [tilespmem:s22+$0x14B00];
	v39 =	vadd.f32 v63, v58;
	v31 =	vsel vm2, v20, v59;
	v63 =	vsel vm2, v21, v60  }
0x28d: {  	[tilespmem:s22+$0x14920] =	vst v42;
	v49 =	vld [tilespmem:s22+$0x14B10];
	v46 =	vsel vm2, v22, v61;
	v53 =	vsel vm2, v23, v51;
	vm2 =	veq.s32 v32, $0x1  }
0x28e: {  	[tilespmem:s22+$0x14930] =	vst v38;
	v54 =	vsel vm1, v24, v16;
	v56 =	vsel vm1, v25, v17;
	v31 =	vadd.f32 v31, v55  }
0x28f: {  	[tilespmem:s22+$0x14990] =	vst v30;
	v59 =	vsel vm1, v26, v18;
	v34 =	vadd.f32 v63, v50;
	v40 =	vadd.f32 v57, v46  }
0x290: {  	[tilespmem:s22+$0x149A0] =	vst v41;
	v57 =	vsel vm2, v20, v54;
	v58 =	vsel vm2, v21, v56;
	v38 =	vsel vm2, v22, v59  }
0x291: {  	[tilespmem:s22+$0x14980] =	vst v35;
	v55 =	vld [tilespmem:s22+$0x14B30];
	v56 =	vperm.xlane v28, v9;
	v38 =	vadd.f32 v52, v38;
	v29 =	vadd.f32 v29, v53  }
0x292: {  	v60 =	vld [tilespmem:s22+$0x14B80];
	[tilespmem:s22+$0x14AA0] =	vst v40;
	v40 =	vperm.xlane v28, v10;
	v30 =	vadd.f32 v57, v62;
	v32 =	vadd.f32 v58, v49  }
0x293: {  	v61 =	vld [tilespmem:s22+$0x14BA0];
	[tilespmem:s22+$0x149B0] =	vst v44;
	v62 =	vsel vm1, v27, v19;
	vm1 =	veq.s32 v33, $0x2;
	v53 =	vperm.xlane v28, v8  }
0x294: {  	[tilespmem:s22+$0x14A10] =	vst v37;
	v63 =	vld [tilespmem:s22+$0x14B90];
	v43 =	vsel vm2, v23, v62;
	vm2 =	veq.s32 v33, $0x1;
	v48 =	vsel vm1, v24, v16  }
0x295: {  	[tilespmem:s22+$0x14A00] =	vst v47;
	v50 =	vsel vm1, v25, v17;
	v51 =	vsel vm1, v26, v18;
	v52 =	vsel vm1, v27, v19  }
0x296: {  	[tilespmem:s22+$0x14A20] =	vst v36;
	v49 =	vld [tilespmem:s22+$0x14BB0];
	v35 =	vadd.f32 v55, v43;
	v33 =	vsel vm2, v20, v48;
	v37 =	vsel vm2, v21, v50  }
0x297: {  	v54 =	vld [tilespmem:s22+$0x14C00];
	[tilespmem:s22+$0x14A30] =	vst v39;
	v36 =	vsel vm2, v22, v51;
	v39 =	vsel vm2, v23, v52;
	vm1 =	veq.s32 v53, $0x2  }
0x298: {  	v57 =	vld [tilespmem:s22+$0x14C20];
	vm2 =	veq.s32 v53, $0x1;
	[tilespmem:s22+$0x14AB0] =	vst v29;
	v29 =	vperm.xlane v28, v11;
	v33 =	vadd.f32 v33, v60  }
0x299: {  	[tilespmem:s22+$0x14A80] =	vst v31;
	v31 =	vadd.f32 v37, v63;
	v36 =	vadd.f32 v61, v36;
	v59 =	vsel vm1, v24, v16  }
0x29a: {  	[tilespmem:s22+$0x14A90] =	vst v34;
	v55 =	vld [tilespmem:s22+$0x14C10];
	v60 =	vsel vm1, v25, v17;
	v62 =	vsel vm1, v26, v18;
	v44 =	vsel vm2, v20, v59  }
0x29b: {  	v58 =	vld [tilespmem:s22+$0x14C30];
	[tilespmem:s22+$0x14B00] =	vst v30;
	v45 =	vsel vm2, v21, v60;
	v30 =	vsel vm2, v22, v62;
	v39 =	vadd.f32 v49, v39  }
0x29c: {  	[tilespmem:s22+$0x14B20] =	vst v38;
	v43 =	vadd.f32 v44, v54;
	v49 =	vsel vm1, v27, v19;
	vm1 =	veq.s32 v56, $0x2  }
0x29d: {  	[tilespmem:s22+$0x14B10] =	vst v32;
	v50 =	vld [tilespmem:s22+$0x14CA0];
	v30 =	vadd.f32 v57, v30;
	v37 =	vsel vm2, v23, v49;
	v51 =	vsel vm1, v24, v16  }
0x29e: {  	v63 =	vld [tilespmem:s22+$0x14C80];
	[tilespmem:s22+$0x14B30] =	vst v35;
	vm2 =	veq.s32 v56, $0x1;
	v53 =	vsel vm1, v25, v17;
	v54 =	vsel vm1, v26, v18  }
0x29f: {  	v61 =	vld [tilespmem:s22+$0x14C90];
	[tilespmem:s22+$0x14B80] =	vst v33;
	v60 =	vsel vm1, v27, v19;
	vm1 =	veq.s32 v40, $0x2;
	v48 =	vadd.f32 v45, v55  }
0x2a0: {  	v52 =	vld [tilespmem:s22+$0x14CB0];
	[tilespmem:s22+$0x14B90] =	vst v31;
	v37 =	vadd.f32 v58, v37;
	v35 =	vsel vm2, v20, v51;
	v56 =	vsel vm2, v21, v53  }
0x2a1: {  	v59 =	vld [tilespmem:s22+$0x14D10];
	[tilespmem:s22+$0x14BA0] =	vst v36;
	v58 =	vsel vm2, v22, v54;
	v36 =	vsel vm2, v23, v60;
	vm2 =	veq.s32 v40, $0x1  }
0x2a2: {  	v55 =	vld [tilespmem:s22+$0x14D00];
	[tilespmem:s22+$0x14BB0] =	vst v39;
	v62 =	vsel vm1, v24, v16;
	v45 =	vsel vm1, v25, v17;
	v47 =	vsel vm1, v26, v18  }
0x2a3: {  	[tilespmem:s22+$0x14C00] =	vst v43;
	v53 =	vld [tilespmem:s22+$0x14DA0];
	v54 =	vsel vm1, v27, v19;
	vm1 =	veq.s32 v29, $0x2;
	v57 =	vadd.f32 v35, v63  }
0x2a4: {  	[tilespmem:s22+$0x14C20] =	vst v30;
	v40 =	vperm.xlane v28, v14;
	v31 =	vadd.f32 v56, v61;
	v35 =	vadd.f32 v50, v58;
	v61 =	vld [tilespmem:s22+$0x14D20]  }
0x2a5: {  	v63 =	vld [tilespmem:s22+$0x14D30];
	v34 =	vadd.f32 v52, v36;
	v46 =	vsel vm2, v20, v62;
	v36 =	vsel vm2, v21, v45;
	[tilespmem:s22+$0x14C10] =	vst v48  }
0x2a6: {  	v51 =	vsel vm2, v22, v47;
	v52 =	vld [tilespmem:s22+$0x14D90];
	v58 =	vsel vm1, v25, v17;
	v45 =	vperm.xlane v28, v12;
	[tilespmem:s22+$0x14C30] =	vst v37  }
0x2a7: {  	v47 =	vperm.xlane v28, v13;
	v28 =	vperm.xlane v28, v15;
	v48 =	vld [tilespmem:s22+$0x14D80];
	v50 =	vadd.f32 v36, v59;
	[tilespmem:s22+$0x14C80] =	vst v57  }
0x2a8: {  	v56 =	vld [tilespmem:s22+$0x14DB0];
	v59 =	vsel vm1, v26, v18;
	[tilespmem:s22+$0x14C90] =	vst v31;
	v49 =	vadd.f32 v46, v55;
	v55 =	vsel vm2, v23, v54  }
0x2a9: {  	[tilespmem:s22+$0x14CA0] =	vst v35;
	vm2 =	veq.s32 v29, $0x1;
	v29 =	vsel vm1, v24, v16;
	v36 =	vadd.f32 v61, v51  }
0x2aa: {  	[tilespmem:s22+$0x14CB0] =	vst v34;
	v57 =	vadd.f32 v63, v55;
	v29 =	vsel vm2, v20, v29;
	v33 =	vsel vm2, v21, v58  }
0x2ab: {  	v62 =	vld [tilespmem:s22+$0x14E10];
	[tilespmem:s22+$0x14D10] =	vst v50;
	v60 =	vsel vm2, v22, v59;
	v61 =	vsel vm1, v27, v19;
	vm1 =	veq.s32 v45, $0x1  }
0x2ac: {  	v46 =	vld [tilespmem:s22+$0x14E00];
	v29 =	vadd.f32 v29, v48;
	v33 =	vadd.f32 v33, v52;
	[tilespmem:s22+$0x14D00] =	vst v49;
	v44 =	vsel vm2, v23, v61  }
0x2ad: {  	v58 =	vld [tilespmem:s22+$0x14EA0];
	v63 =	vadd.f32 v53, v60;
	vm2 =	veq.s32 v45, $0x2;
	v34 =	vadd.f32 v56, v44;
	[tilespmem:s22+$0x14D20] =	vst v36  }
0x2ae: {  	v48 =	vld [tilespmem:s22+$0x14E20];
	[tilespmem:s22+$0x14D30] =	vst v57;
	v50 =	vsel vm2, v24, v16;
	v51 =	vsel vm2, v25, v17;
	v52 =	vsel vm2, v26, v18  }
0x2af: {  	v49 =	vld [tilespmem:s22+$0x14E30];
	v57 =	vsel vm2, v27, v19;
	vm2 =	veq.s32 v47, $0x2;
	[tilespmem:s22+$0x14D80] =	vst v29;
	v29 =	vsel vm1, v20, v50  }
0x2b0: {  	v53 =	vld [tilespmem:s22+$0x14E90];
	v54 =	vsel vm1, v21, v51;
	v55 =	vsel vm1, v22, v52;
	[tilespmem:s22+$0x14D90] =	vst v33;
	v33 =	vsel vm1, v23, v57  }
0x2b1: {  	v56 =	vld [tilespmem:s22+$0x14E80];
	[tilespmem:s22+$0x14DA0] =	vst v63;
	v60 =	vsel vm2, v24, v16;
	vm1 =	veq.s32 v47, $0x1;
	v29 =	vadd.f32 v29, v46  }
0x2b2: {  	v61 =	vld [tilespmem:s22+$0x14EB0];
	v31 =	vadd.f32 v54, v62;
	[tilespmem:s22+$0x14DB0] =	vst v34;
	v34 =	vsel vm1, v20, v60;
	v62 =	vsel vm2, v26, v18  }
0x2b3: {  	v44 =	vld [tilespmem:s22+$0x14F10];
	v46 =	vsel vm2, v27, v19;
	v43 =	vsel vm1, v22, v62;
	v59 =	vadd.f32 v48, v55;
	[tilespmem:s22+$0x14E00] =	vst v29  }
0x2b4: {  	v63 =	vld [tilespmem:s22+$0x14F00];
	v33 =	vadd.f32 v49, v33;
	v29 =	vsel vm2, v25, v17;
	[tilespmem:s22+$0x14E10] =	vst v31;
	v45 =	vadd.f32 v58, v43  }
0x2b5: {  	v47 =	vld [tilespmem:s22+$0x14F20];
	vm2 =	veq.s32 v40, $0x2;
	v48 =	vsel vm1, v23, v46;
	v29 =	vsel vm1, v21, v29;
	[tilespmem:s22+$0x14E20] =	vst v59  }
0x2b6: {  	v41 =	vadd.f32 v34, v56;
	vm1 =	veq.s32 v40, $0x1;
	v29 =	vadd.f32 v29, v53;
	[tilespmem:s22+$0x14E30] =	vst v33  }
0x2b7: {  	v50 =	vld [tilespmem:s22+$0x14F30];
	v49 =	vsel vm2, v24, v16;
	v32 =	vadd.f32 v61, v48;
	v51 =	vsel vm2, v25, v17;
	[tilespmem:s22+$0x14EA0] =	vst v45  }
0x2b8: {  	v54 =	vld [tilespmem:s22+$0x14F80];
	v52 =	vsel vm1, v21, v51;
	v53 =	vsel vm2, v26, v18;
	[tilespmem:s22+$0x14E90] =	vst v29;
	v29 =	vsel vm1, v20, v49  }
0x2b9: {  	v57 =	vld [tilespmem:s22+$0x14F90];
	v59 =	vsel vm2, v27, v19;
	[tilespmem:s22+$0x14E80] =	vst v41;
	v56 =	vsel vm1, v22, v53;
	v29 =	vadd.f32 v29, v63  }
0x2ba: {  	v58 =	vld [tilespmem:s22+$0x14FA0];
	vm2 =	veq.s32 v28, $0x2;
	v55 =	vadd.f32 v52, v44;
	[tilespmem:s22+$0x14EB0] =	vst v32;
	v31 =	vadd.f32 v47, v56  }
0x2bb: {  	v60 =	vld [tilespmem:s22+$0x14FB0];
	[tilespmem:s22+$0x14F00] =	vst v29;
	v29 =	vsel vm1, v23, v59;
	vm1 =	veq.s32 v28, $0x1;
	v28 =	vsel vm2, v24, v16  }
0x2bc: {  	v61 =	vsel vm2, v25, v17;
	[tilespmem:s22+$0x14F10] =	vst v55;
	v29 =	vadd.f32 v50, v29;
	v28 =	vsel vm1, v20, v28  }
0x2bd: {  	v62 =	vsel vm2, v26, v18;
	[tilespmem:s22+$0x14F20] =	vst v31;
	v30 =	vsel vm1, v21, v61;
	v28 =	vadd.f32 v28, v54  }
0x2be: {  	p0 =	sne.s32 s15, $0x32;
	v63 =	vsel vm2, v27, v19;
	v30 =	vadd.f32 v30, v57;
	[tilespmem:s22+$0x14F30] =	vst v29;
	v29 =	vsel vm1, v22, v62  }
.Ltmp3:
0x2bf: {  	v29 =	vadd.f32 v58, v29;
	[tilespmem:s22+$0x14F80] =	vst v28;
	v28 =	vsel vm1, v23, v63;
	(pc) =	sbr.rel @p0 .LBB2_2-.Ltmp3, $4  }
0x2c0: {  	s14 =	sadd.s32 s4, s14;
	[tilespmem:s22+$0x14F90] =	vst v30;
	v28 =	vadd.f32 v60, v28  }
0x2c1: {  	s14 =	sshll.u32 s14, $0x4;
	[tilespmem:s22+$0x14FA0] =	vst v29  }
0x2c2: {  	s14 =	sadd.s32 s2, s14;
	[tilespmem:s22+$0x14FB0] =	vst v28  }
0x2c3: {  	[hbm4b:s14+s3] =	stream.linear.scatter [tilespmem:s1], [sflag:$0x4], $0x8000, $0x38;
	[tilespmem:$0x1CA00] =	vst v63  }
0x2c4: {  	s12 =	sadd.s32 $0x1, s12  }
0x2c5: {  	_ =	swait.ge [sflag:s0], $0x8000;
	p0 =	sne.s32 s12, s9  }
.Ltmp4:
0x2c6: {  	[sflag:s0] =	ssyncset.done $0x0;
	(pc) =	sbr.rel @p0 .LBB2_1-.Ltmp4, $4  }
0x2c7: {  	[sflag:s0] =	ssyncadd.s32 $0xFFFF8000  }
0x2c8: {  	_ =	swait.ge [sflag:s11], $0x8000  }
0x2c9: {  	[sflag:s11] =	ssyncset.done $0x0  }
0x2ca: {  	[sflag:s11] =	ssyncadd.s32 $0xFFFF8000  }
0x2cb: {  	_ =	sfence.sel $0x180000  }
0x2cc: {  	[bflag:$0x0] =	sbarrier.arrive $0xFFFF  }
0x2cd: {  	_ =	strace $0x90000047  }
0x2ce: {  	s0 =	stileid.u32;
	[bflag:$0x2] =	sbarrier.arrive $0xFFFF  }
0x2cf: {  	p0 =	sne.s32 s0, $0x0;
	s0 =	rddreg [dreg:$0x4]  }
0x2d0: {  	s0 =	sadd.s32 @!p0 $0x100000, s0  }
0x2d1: {  	[sflag:s0] =	ssyncadd.tile.s32 @!p0 $0x1;
	_ =	shalt  }
.Lfunc_end2:
_tile_overlayer_lowered:
.L_overlay_start_2:
0x2d2: {  	(tag) =	ssettag $0x2  }
0x2d3: {  	s0 =	rddreg [dreg:$0x0];
	s2 =	stileid.u32  }
0x2d4: {  	s1 =	rddreg [dreg:$0x1];
	p0 =	sne.s32 s2, $0x0  }
0x2d5: {  	s3 =	rddreg [dreg:$0x2];
	[bflag:$0x3] =	sbarrier.arrive $0xFFFF;
	s2 =	simm.s32 @!p0 $0x1C05  }
0x2d6: {  	[timem:s3], [sflag:s2] =	dma.local @!p0 [hbm:s0], s1  }
0x2d7: {  	s0 =	simm.s32 @!p0 $0x5  }
0x2d8: {  	_ =	swait.ge @!p0 [sflag:s0], s1  }
0x2d9: {  	s1 =	ssub.s32 @!p0 $0x0, s1;
	[sflag:s0] =	ssyncset.done @!p0 $0x0  }
0x2da: {  	[sflag:s0] =	ssyncadd.s32 @!p0 s1  }
0x2db: {  	[bflag:$0x3] =	sbarrier.arrive $0xFFFF  }
0x2dc: {  	_ =	shalt  }

</sc_bundles>
